<compile_context>
chip_gen: v7x
topology: tpu7x:2x2x1
jax: 0.10.2.dev20260603
libtpu: 0.0.44.dev20260713+nightly
codegen_flags: <defaults>
</compile_context>

<pallas_src>
import functools
import math

import jax
import jax.numpy as jnp
from jax import lax
from jax.experimental import pallas as pl
from jax.experimental.pallas import tpu as pltpu
from jax.experimental.pallas import tpu_sc as plsc

EMBED_DIM = 64
SCALE = math.sqrt(EMBED_DIM)
LANES = 16
CHUNK = 128
K = 2
PAD_DIM = 128


@functools.partial(jax.jit, static_argnames=("n_chunks_per_w", "num_cores"))
def _emb_lookup(tokens2d, table_p, *, n_chunks_per_w, num_cores):
    b_total = tokens2d.shape[0] * CHUNK
    ng = n_chunks_per_w // K
    assert ng % 2 == 0 and ng >= 6
    mesh = plsc.VectorSubcoreMesh(core_axis_name="c", subcore_axis_name="s")

    @functools.partial(
        pl.kernel,
        out_type=jax.ShapeDtypeStruct((b_total, PAD_DIM), jnp.float32),
        mesh=mesh,
        compiler_params=pltpu.CompilerParams(use_tc_tiling_on_sc=True),
        scratch_types=[
            pltpu.VMEM((n_chunks_per_w, CHUNK), jnp.int32),
            pltpu.VMEM((2, K, CHUNK, PAD_DIM), jnp.float32),
            pltpu.SemaphoreType.DMA,
            pltpu.SemaphoreType.DMA,
            pltpu.SemaphoreType.DMA,
            pltpu.SemaphoreType.DMA,
        ],
    )
    def k(tok_hbm, table_hbm, out_hbm, idx_v, rows_v, g0, g1, o0, o1):
        gsem = (g0, g1)
        osem = (o0, o1)
        wid = lax.axis_index("s") * num_cores + lax.axis_index("c")
        row0 = wid * n_chunks_per_w
        pltpu.sync_copy(tok_hbm.at[pl.ds(row0, n_chunks_per_w)], idx_v)

        def gather_desc(g, c, p):
            return pltpu.make_async_copy(
                table_hbm.at[idx_v.at[g * K + c]], rows_v.at[p, c], gsem[p]
            )

        def out_desc(g, c, p):
            j = g * K + c
            return pltpu.make_async_copy(
                rows_v.at[p, c],
                out_hbm.at[pl.ds((row0 + j) * CHUNK, CHUNK)],
                osem[p],
            )

        def scale_buf(p):
            def body(r, carry):
                for c in range(K):
                    for col in range(EMBED_DIM // LANES):
                        sl = pl.ds(col * LANES, LANES)
                        rows_v[p, c, r, sl] = rows_v[p, c, r, sl] * SCALE
                return carry

            lax.fori_loop(0, CHUNK, body, 0, unroll=4)

        def phase(g, p, fire_next, wait_prev_out):
            q = 1 - p
            if wait_prev_out:
                for c in range(K):
                    out_desc(g - 1, c, q).wait()
            if fire_next:
                for c in range(K):
                    gather_desc(g + 1, c, q).start()
            for c in range(K):
                gather_desc(g, c, p).wait()
            scale_buf(p)
            for c in range(K):
                out_desc(g, c, p).start()

        for c in range(K):
            gather_desc(0, c, 0).start()
        phase(0, 0, True, False)
        phase(1, 1, True, True)

        def group_body(g2, carry):
            phase(2 * g2, 0, True, True)
            phase(2 * g2 + 1, 1, True, True)
            return carry

        lax.fori_loop(1, ng // 2 - 1, group_body, 0)

        phase(ng - 2, 0, True, True)
        phase(ng - 1, 1, False, False)
        for c in range(K):
            out_desc(ng - 2, c, 0).wait()
            out_desc(ng - 1, c, 1).wait()

    return k(tokens2d, table_p)


def kernel(tokens, table):
    info = plsc.get_sparse_core_info()
    num_workers = info.num_cores * info.num_subcores
    batch, seq = tokens.shape
    b_total = batch * seq
    assert b_total % (num_workers * CHUNK * K) == 0
    n_chunks_per_w = b_total // (num_workers * CHUNK)
    tokens2d = tokens.reshape(b_total // CHUNK, CHUNK).astype(jnp.int32)
    table_p = jnp.pad(table, ((0, 0), (0, PAD_DIM - EMBED_DIM)))
    out = _emb_lookup(
        tokens2d, table_p, n_chunks_per_w=n_chunks_per_w, num_cores=info.num_cores
    )
    return out[:, :EMBED_DIM].reshape(batch, seq, EMBED_DIM)

# --- scband reference (transcript-rebuilt; emitter-appended) ---
"""Pipeline reference for scband-token-embedding-936302870884 (READ-ONLY COPY).

The authoritative reference and input builder live on the scoring server;
editing this copy changes nothing except your own understanding.
"""

import jax, jax.numpy as jnp
import numpy as np
import math

VOCAB = 1000000
EMBED_DIM = 64

def setup_inputs(seed: int = 0) -> dict:
    key = jax.random.key(seed)
    k1, k2 = jax.random.split(key)
    tokens = jax.random.randint(k1, (4096, 200), 0, VOCAB, dtype=jnp.int64 if jax.config.jax_enable_x64 else jnp.int32)
    table = jax.random.normal(k2, (VOCAB, EMBED_DIM), dtype=jnp.float32)
    return {"tokens": tokens, "table": table}

def reference(tokens, table):
    emb = jnp.take(table, tokens, axis=0)
    return emb * math.sqrt(EMBED_DIM)

if __name__ == "__main__":
    import jax
    _d = setup_inputs()
    print(jax.jit(kernel)(*tuple(_d.values())))

</pallas_src>

<mosaic_0001>
#map = affine_map<(d0, d1) -> (0, 0)>
module attributes {stable_mosaic.version = 14 : i64} {
  func.func @k(%arg0: i32, %arg1: i32, %arg2: memref<6400x128xi32, #tpu.memory_space<hbm>>, %arg3: memref<1000000x128xf32, #tpu.memory_space<hbm>>, %arg4: memref<819200x128xf32, #tpu.memory_space<hbm>>, %arg5: memref<200x128xi32, #tpu.memory_space<vmem>>, %arg6: memref<2x2x128x128xf32, #tpu.memory_space<vmem>>, %arg7: memref<!tpu.dma_semaphore, #tpu.memory_space<semaphore_mem>>, %arg8: memref<!tpu.dma_semaphore, #tpu.memory_space<semaphore_mem>>, %arg9: memref<!tpu.dma_semaphore, #tpu.memory_space<semaphore_mem>>, %arg10: memref<!tpu.dma_semaphore, #tpu.memory_space<semaphore_mem>>) attributes {dimension_semantics = [#tpu.dimension_semantics<core_parallel>, #tpu.dimension_semantics<subcore_parallel>], iteration_bounds = array<i64: 2, 16>, scalar_prefetch = 0 : i64, scratch_operands = 6 : i64, tpu.core_type = #tpu.core_type<sc_vector_subcore>, window_params = [{transform_indices = #map}, {transform_indices = #map}, {transform_indices = #map}]} {
    %mul3A = arith.constant 2 : i32
    %mul3A_0 = arith.muli %arg1, %mul3A : i32
    %add3A = arith.addi %mul3A_0, %arg0 : i32
    %mul3A_1 = arith.constant 200 : i32
    %mul3A_2 = arith.muli %add3A, %mul3A_1 : i32
    "tpu.region"() ({
      %run_scoped3A = tpu.sem_alloc : memref<!tpu.dma_semaphore, #tpu.memory_space<semaphore_mem>>
      %dma_start3A_526 = arith.constant 0 : i32
      %dma_start3A_527 = tpu.memref_slice %arg2[%mul3A_2, %dma_start3A_526] : memref<6400x128xi32, #tpu.memory_space<hbm>> -> memref<200x128xi32, #tpu.memory_space<hbm>>
      %dma_start3A_528 = arith.constant 0 : i32
      %dma_start3A_529 = tpu.memref_slice %arg2[%mul3A_2, %dma_start3A_528] : memref<6400x128xi32, #tpu.memory_space<hbm>> -> memref<200x128xi32, #tpu.memory_space<hbm>>
      tpu.enqueue_dma source(%dma_start3A_529 : memref<200x128xi32, #tpu.memory_space<hbm>>) target(%arg5 : memref<200x128xi32, #tpu.memory_space<vmem>>) target_semaphore(%run_scoped3A : memref<!tpu.dma_semaphore, #tpu.memory_space<semaphore_mem>>)
      %dma_wait3A_530 = arith.constant 0 : i32
      %dma_wait3A_531 = tpu.memref_slice %arg2[%mul3A_2, %dma_wait3A_530] : memref<6400x128xi32, #tpu.memory_space<hbm>> -> memref<200x128xi32, #tpu.memory_space<hbm>>
      %dma_wait3A_532 = arith.constant 0 : i32
      %dma_wait3A_533 = tpu.memref_slice %arg2[%mul3A_2, %dma_wait3A_532] : memref<6400x128xi32, #tpu.memory_space<hbm>> -> memref<200x128xi32, #tpu.memory_space<hbm>>
      tpu.wait_dma2 semaphore(%run_scoped3A : memref<!tpu.dma_semaphore, #tpu.memory_space<semaphore_mem>>) src(%dma_wait3A_533 : memref<200x128xi32, #tpu.memory_space<hbm>>) dst(%arg5 : memref<200x128xi32, #tpu.memory_space<vmem>>)
      tpu.yield
    }) : () -> ()
    %dma_start3A = arith.constant 0 : i32
    %dma_start3A_3 = arith.constant 0 : i32
    %dma_start3A_4 = arith.constant 0 : i32
    %dma_start3A_5 = arith.constant 0 : i32
    %dma_start3A_6 = arith.constant 0 : i32
    %dma_start3A_7 = tpu.memref_slice %arg6[%dma_start3A_3, %dma_start3A_4, %dma_start3A_5, %dma_start3A_6] : memref<2x2x128x128xf32, #tpu.memory_space<vmem>> -> memref<1x1x128x128xf32, #tpu.memory_space<vmem>>
    %dma_start3A_8 = tpu.memref_squeeze %dma_start3A_7 : memref<1x1x128x128xf32, #tpu.memory_space<vmem>> -> memref<128x128xf32, #tpu.memory_space<vmem>>
    %dma_start3A_9 = arith.constant 0 : i32
    %dma_start3A_10 = tpu.memref_slice %arg5[%dma_start3A, %dma_start3A_9] : memref<200x128xi32, #tpu.memory_space<vmem>> -> memref<1x128xi32, #tpu.memory_space<vmem>>
    %dma_start3A_11 = tpu.memref_squeeze %dma_start3A_10 : memref<1x128xi32, #tpu.memory_space<vmem>> -> memref<128xi32, #tpu.memory_space<vmem>>
    %dma_start3A_12 = arith.constant 0 : i32
    %dma_start3A_13 = arith.constant 0 : i32
    %dma_start3A_14 = tpu.memref_slice %arg3[%dma_start3A_12, %dma_start3A_13] : memref<1000000x128xf32, #tpu.memory_space<hbm>> -> memref<1000000x128xf32, #tpu.memory_space<hbm>>
    tpu.enqueue_indirect_dma source(%dma_start3A_14 : memref<1000000x128xf32, #tpu.memory_space<hbm>>) target(%dma_start3A_8 : memref<128x128xf32, #tpu.memory_space<vmem>>) offsets(%dma_start3A_11 : memref<128xi32, #tpu.memory_space<vmem>>) semaphore(%arg7 : memref<!tpu.dma_semaphore, #tpu.memory_space<semaphore_mem>>)
    %dma_start3A_15 = arith.constant 1 : i32
    %dma_start3A_16 = arith.constant 0 : i32
    %dma_start3A_17 = arith.constant 1 : i32
    %dma_start3A_18 = arith.constant 0 : i32
    %dma_start3A_19 = arith.constant 0 : i32
    %dma_start3A_20 = tpu.memref_slice %arg6[%dma_start3A_16, %dma_start3A_17, %dma_start3A_18, %dma_start3A_19] : memref<2x2x128x128xf32, #tpu.memory_space<vmem>> -> memref<1x1x128x128xf32, #tpu.memory_space<vmem>>
    %dma_start3A_21 = tpu.memref_squeeze %dma_start3A_20 : memref<1x1x128x128xf32, #tpu.memory_space<vmem>> -> memref<128x128xf32, #tpu.memory_space<vmem>>
    %dma_start3A_22 = arith.constant 0 : i32
    %dma_start3A_23 = tpu.memref_slice %arg5[%dma_start3A_15, %dma_start3A_22] : memref<200x128xi32, #tpu.memory_space<vmem>> -> memref<1x128xi32, #tpu.memory_space<vmem>>
    %dma_start3A_24 = tpu.memref_squeeze %dma_start3A_23 : memref<1x128xi32, #tpu.memory_space<vmem>> -> memref<128xi32, #tpu.memory_space<vmem>>
    %dma_start3A_25 = arith.constant 0 : i32
    %dma_start3A_26 = arith.constant 0 : i32
    %dma_start3A_27 = tpu.memref_slice %arg3[%dma_start3A_25, %dma_start3A_26] : memref<1000000x128xf32, #tpu.memory_space<hbm>> -> memref<1000000x128xf32, #tpu.memory_space<hbm>>
    tpu.enqueue_indirect_dma source(%dma_start3A_27 : memref<1000000x128xf32, #tpu.memory_space<hbm>>) target(%dma_start3A_21 : memref<128x128xf32, #tpu.memory_space<vmem>>) offsets(%dma_start3A_24 : memref<128xi32, #tpu.memory_space<vmem>>) semaphore(%arg7 : memref<!tpu.dma_semaphore, #tpu.memory_space<semaphore_mem>>)
    %dma_start3A_28 = arith.constant 2 : i32
    %dma_start3A_29 = arith.constant 1 : i32
    %dma_start3A_30 = arith.constant 0 : i32
    %dma_start3A_31 = arith.constant 0 : i32
    %dma_start3A_32 = arith.constant 0 : i32
    %dma_start3A_33 = tpu.memref_slice %arg6[%dma_start3A_29, %dma_start3A_30, %dma_start3A_31, %dma_start3A_32] : memref<2x2x128x128xf32, #tpu.memory_space<vmem>> -> memref<1x1x128x128xf32, #tpu.memory_space<vmem>>
    %dma_start3A_34 = tpu.memref_squeeze %dma_start3A_33 : memref<1x1x128x128xf32, #tpu.memory_space<vmem>> -> memref<128x128xf32, #tpu.memory_space<vmem>>
    %dma_start3A_35 = arith.constant 0 : i32
    %dma_start3A_36 = tpu.memref_slice %arg5[%dma_start3A_28, %dma_start3A_35] : memref<200x128xi32, #tpu.memory_space<vmem>> -> memref<1x128xi32, #tpu.memory_space<vmem>>
    %dma_start3A_37 = tpu.memref_squeeze %dma_start3A_36 : memref<1x128xi32, #tpu.memory_space<vmem>> -> memref<128xi32, #tpu.memory_space<vmem>>
    %dma_start3A_38 = arith.constant 0 : i32
    %dma_start3A_39 = arith.constant 0 : i32
    %dma_start3A_40 = tpu.memref_slice %arg3[%dma_start3A_38, %dma_start3A_39] : memref<1000000x128xf32, #tpu.memory_space<hbm>> -> memref<1000000x128xf32, #tpu.memory_space<hbm>>
    tpu.enqueue_indirect_dma source(%dma_start3A_40 : memref<1000000x128xf32, #tpu.memory_space<hbm>>) target(%dma_start3A_34 : memref<128x128xf32, #tpu.memory_space<vmem>>) offsets(%dma_start3A_37 : memref<128xi32, #tpu.memory_space<vmem>>) semaphore(%arg8 : memref<!tpu.dma_semaphore, #tpu.memory_space<semaphore_mem>>)
    %dma_start3A_41 = arith.constant 3 : i32
    %dma_start3A_42 = arith.constant 1 : i32
    %dma_start3A_43 = arith.constant 1 : i32
    %dma_start3A_44 = arith.constant 0 : i32
    %dma_start3A_45 = arith.constant 0 : i32
    %dma_start3A_46 = tpu.memref_slice %arg6[%dma_start3A_42, %dma_start3A_43, %dma_start3A_44, %dma_start3A_45] : memref<2x2x128x128xf32, #tpu.memory_space<vmem>> -> memref<1x1x128x128xf32, #tpu.memory_space<vmem>>
    %dma_start3A_47 = tpu.memref_squeeze %dma_start3A_46 : memref<1x1x128x128xf32, #tpu.memory_space<vmem>> -> memref<128x128xf32, #tpu.memory_space<vmem>>
    %dma_start3A_48 = arith.constant 0 : i32
    %dma_start3A_49 = tpu.memref_slice %arg5[%dma_start3A_41, %dma_start3A_48] : memref<200x128xi32, #tpu.memory_space<vmem>> -> memref<1x128xi32, #tpu.memory_space<vmem>>
    %dma_start3A_50 = tpu.memref_squeeze %dma_start3A_49 : memref<1x128xi32, #tpu.memory_space<vmem>> -> memref<128xi32, #tpu.memory_space<vmem>>
    %dma_start3A_51 = arith.constant 0 : i32
    %dma_start3A_52 = arith.constant 0 : i32
    %dma_start3A_53 = tpu.memref_slice %arg3[%dma_start3A_51, %dma_start3A_52] : memref<1000000x128xf32, #tpu.memory_space<hbm>> -> memref<1000000x128xf32, #tpu.memory_space<hbm>>
    tpu.enqueue_indirect_dma source(%dma_start3A_53 : memref<1000000x128xf32, #tpu.memory_space<hbm>>) target(%dma_start3A_47 : memref<128x128xf32, #tpu.memory_space<vmem>>) offsets(%dma_start3A_50 : memref<128xi32, #tpu.memory_space<vmem>>) semaphore(%arg8 : memref<!tpu.dma_semaphore, #tpu.memory_space<semaphore_mem>>)
    %dma_wait3A = arith.constant 0 : i32
    %dma_wait3A_54 = arith.constant 0 : i32
    %dma_wait3A_55 = arith.constant 0 : i32
    %dma_wait3A_56 = arith.constant 0 : i32
    %dma_wait3A_57 = arith.constant 0 : i32
    %dma_wait3A_58 = tpu.memref_slice %arg6[%dma_wait3A_54, %dma_wait3A_55, %dma_wait3A_56, %dma_wait3A_57] : memref<2x2x128x128xf32, #tpu.memory_space<vmem>> -> memref<1x1x128x128xf32, #tpu.memory_space<vmem>>
    %dma_wait3A_59 = tpu.memref_squeeze %dma_wait3A_58 : memref<1x1x128x128xf32, #tpu.memory_space<vmem>> -> memref<128x128xf32, #tpu.memory_space<vmem>>
    %dma_wait3A_60 = arith.constant 0 : i32
    %dma_wait3A_61 = tpu.memref_slice %arg5[%dma_wait3A, %dma_wait3A_60] : memref<200x128xi32, #tpu.memory_space<vmem>> -> memref<1x128xi32, #tpu.memory_space<vmem>>
    %dma_wait3A_62 = tpu.memref_squeeze %dma_wait3A_61 : memref<1x128xi32, #tpu.memory_space<vmem>> -> memref<128xi32, #tpu.memory_space<vmem>>
    %dma_wait3A_63 = arith.constant 0 : i32
    %dma_wait3A_64 = arith.constant 0 : i32
    %dma_wait3A_65 = tpu.memref_slice %arg3[%dma_wait3A_63, %dma_wait3A_64] : memref<1000000x128xf32, #tpu.memory_space<hbm>> -> memref<1000000x128xf32, #tpu.memory_space<hbm>>
    tpu.wait_indirect_dma semaphore(%arg7 : memref<!tpu.dma_semaphore, #tpu.memory_space<semaphore_mem>>) src(%dma_wait3A_65 : memref<1000000x128xf32, #tpu.memory_space<hbm>>) dst(%dma_wait3A_59 : memref<128x128xf32, #tpu.memory_space<vmem>>)
    %dma_wait3A_66 = arith.constant 1 : i32
    %dma_wait3A_67 = arith.constant 0 : i32
    %dma_wait3A_68 = arith.constant 1 : i32
    %dma_wait3A_69 = arith.constant 0 : i32
    %dma_wait3A_70 = arith.constant 0 : i32
    %dma_wait3A_71 = tpu.memref_slice %arg6[%dma_wait3A_67, %dma_wait3A_68, %dma_wait3A_69, %dma_wait3A_70] : memref<2x2x128x128xf32, #tpu.memory_space<vmem>> -> memref<1x1x128x128xf32, #tpu.memory_space<vmem>>
    %dma_wait3A_72 = tpu.memref_squeeze %dma_wait3A_71 : memref<1x1x128x128xf32, #tpu.memory_space<vmem>> -> memref<128x128xf32, #tpu.memory_space<vmem>>
    %dma_wait3A_73 = arith.constant 0 : i32
    %dma_wait3A_74 = tpu.memref_slice %arg5[%dma_wait3A_66, %dma_wait3A_73] : memref<200x128xi32, #tpu.memory_space<vmem>> -> memref<1x128xi32, #tpu.memory_space<vmem>>
    %dma_wait3A_75 = tpu.memref_squeeze %dma_wait3A_74 : memref<1x128xi32, #tpu.memory_space<vmem>> -> memref<128xi32, #tpu.memory_space<vmem>>
    %dma_wait3A_76 = arith.constant 0 : i32
    %dma_wait3A_77 = arith.constant 0 : i32
    %dma_wait3A_78 = tpu.memref_slice %arg3[%dma_wait3A_76, %dma_wait3A_77] : memref<1000000x128xf32, #tpu.memory_space<hbm>> -> memref<1000000x128xf32, #tpu.memory_space<hbm>>
    tpu.wait_indirect_dma semaphore(%arg7 : memref<!tpu.dma_semaphore, #tpu.memory_space<semaphore_mem>>) src(%dma_wait3A_78 : memref<1000000x128xf32, #tpu.memory_space<hbm>>) dst(%dma_wait3A_72 : memref<128x128xf32, #tpu.memory_space<vmem>>)
    %scan3A = arith.constant 0 : i32
    %scan3A_79 = arith.constant 0 : i32
    %scan3A_80 = arith.constant 128 : i32
    %scan3A_81 = arith.addi %scan3A_79, %scan3A_80 : i32
    %scan3A_82 = arith.constant 4 : i32
    scf.for %scan3A_526 = %scan3A_79 to %scan3A_81 step %scan3A_82  : i32 {
      %get3A = arith.constant 0 : i32
      %get3A_527 = arith.constant 0 : i32
      %get3A_528 = arith.index_cast %get3A : i32 to index
      %get3A_529 = arith.index_cast %get3A_527 : i32 to index
      %get3A_530 = arith.index_cast %scan3A_526 : i32 to index
      %get3A_531 = arith.constant 0 : index
      %get3A_532 = tpu.vector_load %arg6[%get3A_528, %get3A_529, %get3A_530, %get3A_531] {strides = array<i32>} : memref<2x2x128x128xf32, #tpu.memory_space<vmem>>, vector<1x1x1x16xf32>,
      %get3A_533 = vector.shape_cast %get3A_532 : vector<1x1x1x16xf32> to vector<16xf32>
      %mul3A_534 = arith.constant 8.000000e+00 : f32
      %mul3A_535 = vector.broadcast %mul3A_534 : f32 to vector<16xf32>
      %mul3A_536 = arith.mulf %get3A_533, %mul3A_535 : vector<16xf32>
      %swap3A = arith.constant 0 : i32
      %swap3A_537 = arith.constant 0 : i32
      %swap3A_538 = arith.index_cast %swap3A : i32 to index
      %swap3A_539 = arith.index_cast %swap3A_537 : i32 to index
      %swap3A_540 = arith.index_cast %scan3A_526 : i32 to index
      %swap3A_541 = arith.constant 0 : index
      %swap3A_542 = tpu.vector_load %arg6[%swap3A_538, %swap3A_539, %swap3A_540, %swap3A_541] {strides = array<i32>} : memref<2x2x128x128xf32, #tpu.memory_space<vmem>>, vector<1x1x1x16xf32>,
      %swap3A_543 = vector.shape_cast %swap3A_542 : vector<1x1x1x16xf32> to vector<16xf32>
      %swap3A_544 = vector.shape_cast %mul3A_536 : vector<16xf32> to vector<1x1x1x16xf32>
      tpu.vector_store %arg6[%swap3A_538, %swap3A_539, %swap3A_540, %swap3A_541], %swap3A_544 {strides = array<i32>} : memref<2x2x128x128xf32, #tpu.memory_space<vmem>>, vector<1x1x1x16xf32>,
      %get3A_545 = arith.constant 0 : i32
      %get3A_546 = arith.constant 0 : i32
      %get3A_547 = arith.index_cast %get3A_545 : i32 to index
      %get3A_548 = arith.index_cast %get3A_546 : i32 to index
      %get3A_549 = arith.index_cast %scan3A_526 : i32 to index
      %get3A_550 = arith.constant 16 : index
      %get3A_551 = tpu.vector_load %arg6[%get3A_547, %get3A_548, %get3A_549, %get3A_550] {strides = array<i32>} : memref<2x2x128x128xf32, #tpu.memory_space<vmem>>, vector<1x1x1x16xf32>,
      %get3A_552 = vector.shape_cast %get3A_551 : vector<1x1x1x16xf32> to vector<16xf32>
      %mul3A_553 = arith.constant 8.000000e+00 : f32
      %mul3A_554 = vector.broadcast %mul3A_553 : f32 to vector<16xf32>
      %mul3A_555 = arith.mulf %get3A_552, %mul3A_554 : vector<16xf32>
      %swap3A_556 = arith.constant 0 : i32
      %swap3A_557 = arith.constant 0 : i32
      %swap3A_558 = arith.index_cast %swap3A_556 : i32 to index
      %swap3A_559 = arith.index_cast %swap3A_557 : i32 to index
      %swap3A_560 = arith.index_cast %scan3A_526 : i32 to index
      %swap3A_561 = arith.constant 16 : index
      %swap3A_562 = tpu.vector_load %arg6[%swap3A_558, %swap3A_559, %swap3A_560, %swap3A_561] {strides = array<i32>} : memref<2x2x128x128xf32, #tpu.memory_space<vmem>>, vector<1x1x1x16xf32>,
      %swap3A_563 = vector.shape_cast %swap3A_562 : vector<1x1x1x16xf32> to vector<16xf32>
      %swap3A_564 = vector.shape_cast %mul3A_555 : vector<16xf32> to vector<1x1x1x16xf32>
      tpu.vector_store %arg6[%swap3A_558, %swap3A_559, %swap3A_560, %swap3A_561], %swap3A_564 {strides = array<i32>} : memref<2x2x128x128xf32, #tpu.memory_space<vmem>>, vector<1x1x1x16xf32>,
      %get3A_565 = arith.constant 0 : i32
      %get3A_566 = arith.constant 0 : i32
      %get3A_567 = arith.index_cast %get3A_565 : i32 to index
      %get3A_568 = arith.index_cast %get3A_566 : i32 to index
      %get3A_569 = arith.index_cast %scan3A_526 : i32 to index
      %get3A_570 = arith.constant 32 : index
      %get3A_571 = tpu.vector_load %arg6[%get3A_567, %get3A_568, %get3A_569, %get3A_570] {strides = array<i32>} : memref<2x2x128x128xf32, #tpu.memory_space<vmem>>, vector<1x1x1x16xf32>,
      %get3A_572 = vector.shape_cast %get3A_571 : vector<1x1x1x16xf32> to vector<16xf32>
      %mul3A_573 = arith.constant 8.000000e+00 : f32
      %mul3A_574 = vector.broadcast %mul3A_573 : f32 to vector<16xf32>
      %mul3A_575 = arith.mulf %get3A_572, %mul3A_574 : vector<16xf32>
      %swap3A_576 = arith.constant 0 : i32
      %swap3A_577 = arith.constant 0 : i32
      %swap3A_578 = arith.index_cast %swap3A_576 : i32 to index
      %swap3A_579 = arith.index_cast %swap3A_577 : i32 to index
      %swap3A_580 = arith.index_cast %scan3A_526 : i32 to index
      %swap3A_581 = arith.constant 32 : index
      %swap3A_582 = tpu.vector_load %arg6[%swap3A_578, %swap3A_579, %swap3A_580, %swap3A_581] {strides = array<i32>} : memref<2x2x128x128xf32, #tpu.memory_space<vmem>>, vector<1x1x1x16xf32>,
      %swap3A_583 = vector.shape_cast %swap3A_582 : vector<1x1x1x16xf32> to vector<16xf32>
      %swap3A_584 = vector.shape_cast %mul3A_575 : vector<16xf32> to vector<1x1x1x16xf32>
      tpu.vector_store %arg6[%swap3A_578, %swap3A_579, %swap3A_580, %swap3A_581], %swap3A_584 {strides = array<i32>} : memref<2x2x128x128xf32, #tpu.memory_space<vmem>>, vector<1x1x1x16xf32>,
      %get3A_585 = arith.constant 0 : i32
      %get3A_586 = arith.constant 0 : i32
      %get3A_587 = arith.index_cast %get3A_585 : i32 to index
      %get3A_588 = arith.index_cast %get3A_586 : i32 to index
      %get3A_589 = arith.index_cast %scan3A_526 : i32 to index
      %get3A_590 = arith.constant 48 : index
      %get3A_591 = tpu.vector_load %arg6[%get3A_587, %get3A_588, %get3A_589, %get3A_590] {strides = array<i32>} : memref<2x2x128x128xf32, #tpu.memory_space<vmem>>, vector<1x1x1x16xf32>,
      %get3A_592 = vector.shape_cast %get3A_591 : vector<1x1x1x16xf32> to vector<16xf32>
      %mul3A_593 = arith.constant 8.000000e+00 : f32
      %mul3A_594 = vector.broadcast %mul3A_593 : f32 to vector<16xf32>
      %mul3A_595 = arith.mulf %get3A_592, %mul3A_594 : vector<16xf32>
      %swap3A_596 = arith.constant 0 : i32
      %swap3A_597 = arith.constant 0 : i32
      %swap3A_598 = arith.index_cast %swap3A_596 : i32 to index
      %swap3A_599 = arith.index_cast %swap3A_597 : i32 to index
      %swap3A_600 = arith.index_cast %scan3A_526 : i32 to index
      %swap3A_601 = arith.constant 48 : index
      %swap3A_602 = tpu.vector_load %arg6[%swap3A_598, %swap3A_599, %swap3A_600, %swap3A_601] {strides = array<i32>} : memref<2x2x128x128xf32, #tpu.memory_space<vmem>>, vector<1x1x1x16xf32>,
      %swap3A_603 = vector.shape_cast %swap3A_602 : vector<1x1x1x16xf32> to vector<16xf32>
      %swap3A_604 = vector.shape_cast %mul3A_595 : vector<16xf32> to vector<1x1x1x16xf32>
      tpu.vector_store %arg6[%swap3A_598, %swap3A_599, %swap3A_600, %swap3A_601], %swap3A_604 {strides = array<i32>} : memref<2x2x128x128xf32, #tpu.memory_space<vmem>>, vector<1x1x1x16xf32>,
      %get3A_605 = arith.constant 0 : i32
      %get3A_606 = arith.constant 1 : i32
      %get3A_607 = arith.index_cast %get3A_605 : i32 to index
      %get3A_608 = arith.index_cast %get3A_606 : i32 to index
      %get3A_609 = arith.index_cast %scan3A_526 : i32 to index
      %get3A_610 = arith.constant 0 : index
      %get3A_611 = tpu.vector_load %arg6[%get3A_607, %get3A_608, %get3A_609, %get3A_610] {strides = array<i32>} : memref<2x2x128x128xf32, #tpu.memory_space<vmem>>, vector<1x1x1x16xf32>,
      %get3A_612 = vector.shape_cast %get3A_611 : vector<1x1x1x16xf32> to vector<16xf32>
      %mul3A_613 = arith.constant 8.000000e+00 : f32
      %mul3A_614 = vector.broadcast %mul3A_613 : f32 to vector<16xf32>
      %mul3A_615 = arith.mulf %get3A_612, %mul3A_614 : vector<16xf32>
      %swap3A_616 = arith.constant 0 : i32
      %swap3A_617 = arith.constant 1 : i32
      %swap3A_618 = arith.index_cast %swap3A_616 : i32 to index
      %swap3A_619 = arith.index_cast %swap3A_617 : i32 to index
      %swap3A_620 = arith.index_cast %scan3A_526 : i32 to index
      %swap3A_621 = arith.constant 0 : index
      %swap3A_622 = tpu.vector_load %arg6[%swap3A_618, %swap3A_619, %swap3A_620, %swap3A_621] {strides = array<i32>} : memref<2x2x128x128xf32, #tpu.memory_space<vmem>>, vector<1x1x1x16xf32>,
      %swap3A_623 = vector.shape_cast %swap3A_622 : vector<1x1x1x16xf32> to vector<16xf32>
      %swap3A_624 = vector.shape_cast %mul3A_615 : vector<16xf32> to vector<1x1x1x16xf32>
      tpu.vector_store %arg6[%swap3A_618, %swap3A_619, %swap3A_620, %swap3A_621], %swap3A_624 {strides = array<i32>} : memref<2x2x128x128xf32, #tpu.memory_space<vmem>>, vector<1x1x1x16xf32>,
      %get3A_625 = arith.constant 0 : i32
      %get3A_626 = arith.constant 1 : i32
      %get3A_627 = arith.index_cast %get3A_625 : i32 to index
      %get3A_628 = arith.index_cast %get3A_626 : i32 to index
      %get3A_629 = arith.index_cast %scan3A_526 : i32 to index
      %get3A_630 = arith.constant 16 : index
      %get3A_631 = tpu.vector_load %arg6[%get3A_627, %get3A_628, %get3A_629, %get3A_630] {strides = array<i32>} : memref<2x2x128x128xf32, #tpu.memory_space<vmem>>, vector<1x1x1x16xf32>,
      %get3A_632 = vector.shape_cast %get3A_631 : vector<1x1x1x16xf32> to vector<16xf32>
      %mul3A_633 = arith.constant 8.000000e+00 : f32
      %mul3A_634 = vector.broadcast %mul3A_633 : f32 to vector<16xf32>
      %mul3A_635 = arith.mulf %get3A_632, %mul3A_634 : vector<16xf32>
      %swap3A_636 = arith.constant 0 : i32
      %swap3A_637 = arith.constant 1 : i32
      %swap3A_638 = arith.index_cast %swap3A_636 : i32 to index
      %swap3A_639 = arith.index_cast %swap3A_637 : i32 to index
      %swap3A_640 = arith.index_cast %scan3A_526 : i32 to index
      %swap3A_641 = arith.constant 16 : index
      %swap3A_642 = tpu.vector_load %arg6[%swap3A_638, %swap3A_639, %swap3A_640, %swap3A_641] {strides = array<i32>} : memref<2x2x128x128xf32, #tpu.memory_space<vmem>>, vector<1x1x1x16xf32>,
      %swap3A_643 = vector.shape_cast %swap3A_642 : vector<1x1x1x16xf32> to vector<16xf32>
      %swap3A_644 = vector.shape_cast %mul3A_635 : vector<16xf32> to vector<1x1x1x16xf32>
      tpu.vector_store %arg6[%swap3A_638, %swap3A_639, %swap3A_640, %swap3A_641], %swap3A_644 {strides = array<i32>} : memref<2x2x128x128xf32, #tpu.memory_space<vmem>>, vector<1x1x1x16xf32>,
      %get3A_645 = arith.constant 0 : i32
      %get3A_646 = arith.constant 1 : i32
      %get3A_647 = arith.index_cast %get3A_645 : i32 to index
      %get3A_648 = arith.index_cast %get3A_646 : i32 to index
      %get3A_649 = arith.index_cast %scan3A_526 : i32 to index
      %get3A_650 = arith.constant 32 : index
      %get3A_651 = tpu.vector_load %arg6[%get3A_647, %get3A_648, %get3A_649, %get3A_650] {strides = array<i32>} : memref<2x2x128x128xf32, #tpu.memory_space<vmem>>, vector<1x1x1x16xf32>,
      %get3A_652 = vector.shape_cast %get3A_651 : vector<1x1x1x16xf32> to vector<16xf32>
      %mul3A_653 = arith.constant 8.000000e+00 : f32
      %mul3A_654 = vector.broadcast %mul3A_653 : f32 to vector<16xf32>
      %mul3A_655 = arith.mulf %get3A_652, %mul3A_654 : vector<16xf32>
      %swap3A_656 = arith.constant 0 : i32
      %swap3A_657 = arith.constant 1 : i32
      %swap3A_658 = arith.index_cast %swap3A_656 : i32 to index
      %swap3A_659 = arith.index_cast %swap3A_657 : i32 to index
      %swap3A_660 = arith.index_cast %scan3A_526 : i32 to index
      %swap3A_661 = arith.constant 32 : index
      %swap3A_662 = tpu.vector_load %arg6[%swap3A_658, %swap3A_659, %swap3A_660, %swap3A_661] {strides = array<i32>} : memref<2x2x128x128xf32, #tpu.memory_space<vmem>>, vector<1x1x1x16xf32>,
      %swap3A_663 = vector.shape_cast %swap3A_662 : vector<1x1x1x16xf32> to vector<16xf32>
      %swap3A_664 = vector.shape_cast %mul3A_655 : vector<16xf32> to vector<1x1x1x16xf32>
      tpu.vector_store %arg6[%swap3A_658, %swap3A_659, %swap3A_660, %swap3A_661], %swap3A_664 {strides = array<i32>} : memref<2x2x128x128xf32, #tpu.memory_space<vmem>>, vector<1x1x1x16xf32>,
      %get3A_665 = arith.constant 0 : i32
      %get3A_666 = arith.constant 1 : i32
      %get3A_667 = arith.index_cast %get3A_665 : i32 to index
      %get3A_668 = arith.index_cast %get3A_666 : i32 to index
      %get3A_669 = arith.index_cast %scan3A_526 : i32 to index
      %get3A_670 = arith.constant 48 : index
      %get3A_671 = tpu.vector_load %arg6[%get3A_667, %get3A_668, %get3A_669, %get3A_670] {strides = array<i32>} : memref<2x2x128x128xf32, #tpu.memory_space<vmem>>, vector<1x1x1x16xf32>,
      %get3A_672 = vector.shape_cast %get3A_671 : vector<1x1x1x16xf32> to vector<16xf32>
      %mul3A_673 = arith.constant 8.000000e+00 : f32
      %mul3A_674 = vector.broadcast %mul3A_673 : f32 to vector<16xf32>
      %mul3A_675 = arith.mulf %get3A_672, %mul3A_674 : vector<16xf32>
      %swap3A_676 = arith.constant 0 : i32
      %swap3A_677 = arith.constant 1 : i32
      %swap3A_678 = arith.index_cast %swap3A_676 : i32 to index
      %swap3A_679 = arith.index_cast %swap3A_677 : i32 to index
      %swap3A_680 = arith.index_cast %scan3A_526 : i32 to index
      %swap3A_681 = arith.constant 48 : index
      %swap3A_682 = tpu.vector_load %arg6[%swap3A_678, %swap3A_679, %swap3A_680, %swap3A_681] {strides = array<i32>} : memref<2x2x128x128xf32, #tpu.memory_space<vmem>>, vector<1x1x1x16xf32>,
      %swap3A_683 = vector.shape_cast %swap3A_682 : vector<1x1x1x16xf32> to vector<16xf32>
      %swap3A_684 = vector.shape_cast %mul3A_675 : vector<16xf32> to vector<1x1x1x16xf32>
      tpu.vector_store %arg6[%swap3A_678, %swap3A_679, %swap3A_680, %swap3A_681], %swap3A_684 {strides = array<i32>} : memref<2x2x128x128xf32, #tpu.memory_space<vmem>>, vector<1x1x1x16xf32>,
      %scan3A_685 = arith.constant 1 : i32
      %scan3A_686 = arith.addi %scan3A_526, %scan3A_685 : i32
      %get3A_687 = arith.constant 0 : i32
      %get3A_688 = arith.constant 0 : i32
      %get3A_689 = arith.index_cast %get3A_687 : i32 to index
      %get3A_690 = arith.index_cast %get3A_688 : i32 to index
      %get3A_691 = arith.index_cast %scan3A_686 : i32 to index
      %get3A_692 = arith.constant 0 : index
      %get3A_693 = tpu.vector_load %arg6[%get3A_689, %get3A_690, %get3A_691, %get3A_692] {strides = array<i32>} : memref<2x2x128x128xf32, #tpu.memory_space<vmem>>, vector<1x1x1x16xf32>,
      %get3A_694 = vector.shape_cast %get3A_693 : vector<1x1x1x16xf32> to vector<16xf32>
      %mul3A_695 = arith.constant 8.000000e+00 : f32
      %mul3A_696 = vector.broadcast %mul3A_695 : f32 to vector<16xf32>
      %mul3A_697 = arith.mulf %get3A_694, %mul3A_696 : vector<16xf32>
      %swap3A_698 = arith.constant 0 : i32
      %swap3A_699 = arith.constant 0 : i32
      %swap3A_700 = arith.index_cast %swap3A_698 : i32 to index
      %swap3A_701 = arith.index_cast %swap3A_699 : i32 to index
      %swap3A_702 = arith.index_cast %scan3A_686 : i32 to index
      %swap3A_703 = arith.constant 0 : index
      %swap3A_704 = tpu.vector_load %arg6[%swap3A_700, %swap3A_701, %swap3A_702, %swap3A_703] {strides = array<i32>} : memref<2x2x128x128xf32, #tpu.memory_space<vmem>>, vector<1x1x1x16xf32>,
      %swap3A_705 = vector.shape_cast %swap3A_704 : vector<1x1x1x16xf32> to vector<16xf32>
      %swap3A_706 = vector.shape_cast %mul3A_697 : vector<16xf32> to vector<1x1x1x16xf32>
      tpu.vector_store %arg6[%swap3A_700, %swap3A_701, %swap3A_702, %swap3A_703], %swap3A_706 {strides = array<i32>} : memref<2x2x128x128xf32, #tpu.memory_space<vmem>>, vector<1x1x1x16xf32>,
      %get3A_707 = arith.constant 0 : i32
      %get3A_708 = arith.constant 0 : i32
      %get3A_709 = arith.index_cast %get3A_707 : i32 to index
      %get3A_710 = arith.index_cast %get3A_708 : i32 to index
      %get3A_711 = arith.index_cast %scan3A_686 : i32 to index
      %get3A_712 = arith.constant 16 : index
      %get3A_713 = tpu.vector_load %arg6[%get3A_709, %get3A_710, %get3A_711, %get3A_712] {strides = array<i32>} : memref<2x2x128x128xf32, #tpu.memory_space<vmem>>, vector<1x1x1x16xf32>,
      %get3A_714 = vector.shape_cast %get3A_713 : vector<1x1x1x16xf32> to vector<16xf32>
      %mul3A_715 = arith.constant 8.000000e+00 : f32
      %mul3A_716 = vector.broadcast %mul3A_715 : f32 to vector<16xf32>
      %mul3A_717 = arith.mulf %get3A_714, %mul3A_716 : vector<16xf32>
      %swap3A_718 = arith.constant 0 : i32
      %swap3A_719 = arith.constant 0 : i32
      %swap3A_720 = arith.index_cast %swap3A_718 : i32 to index
      %swap3A_721 = arith.index_cast %swap3A_719 : i32 to index
      %swap3A_722 = arith.index_cast %scan3A_686 : i32 to index
      %swap3A_723 = arith.constant 16 : index
      %swap3A_724 = tpu.vector_load %arg6[%swap3A_720, %swap3A_721, %swap3A_722, %swap3A_723] {strides = array<i32>} : memref<2x2x128x128xf32, #tpu.memory_space<vmem>>, vector<1x1x1x16xf32>,
      %swap3A_725 = vector.shape_cast %swap3A_724 : vector<1x1x1x16xf32> to vector<16xf32>
      %swap3A_726 = vector.shape_cast %mul3A_717 : vector<16xf32> to vector<1x1x1x16xf32>
      tpu.vector_store %arg6[%swap3A_720, %swap3A_721, %swap3A_722, %swap3A_723], %swap3A_726 {strides = array<i32>} : memref<2x2x128x128xf32, #tpu.memory_space<vmem>>, vector<1x1x1x16xf32>,
      %get3A_727 = arith.constant 0 : i32
      %get3A_728 = arith.constant 0 : i32
      %get3A_729 = arith.index_cast %get3A_727 : i32 to index
      %get3A_730 = arith.index_cast %get3A_728 : i32 to index
      %get3A_731 = arith.index_cast %scan3A_686 : i32 to index
      %get3A_732 = arith.constant 32 : index
      %get3A_733 = tpu.vector_load %arg6[%get3A_729, %get3A_730, %get3A_731, %get3A_732] {strides = array<i32>} : memref<2x2x128x128xf32, #tpu.memory_space<vmem>>, vector<1x1x1x16xf32>,
      %get3A_734 = vector.shape_cast %get3A_733 : vector<1x1x1x16xf32> to vector<16xf32>
      %mul3A_735 = arith.constant 8.000000e+00 : f32
      %mul3A_736 = vector.broadcast %mul3A_735 : f32 to vector<16xf32>
      %mul3A_737 = arith.mulf %get3A_734, %mul3A_736 : vector<16xf32>
      %swap3A_738 = arith.constant 0 : i32
      %swap3A_739 = arith.constant 0 : i32
      %swap3A_740 = arith.index_cast %swap3A_738 : i32 to index
      %swap3A_741 = arith.index_cast %swap3A_739 : i32 to index
      %swap3A_742 = arith.index_cast %scan3A_686 : i32 to index
      %swap3A_743 = arith.constant 32 : index
      %swap3A_744 = tpu.vector_load %arg6[%swap3A_740, %swap3A_741, %swap3A_742, %swap3A_743] {strides = array<i32>} : memref<2x2x128x128xf32, #tpu.memory_space<vmem>>, vector<1x1x1x16xf32>,
      %swap3A_745 = vector.shape_cast %swap3A_744 : vector<1x1x1x16xf32> to vector<16xf32>
      %swap3A_746 = vector.shape_cast %mul3A_737 : vector<16xf32> to vector<1x1x1x16xf32>
      tpu.vector_store %arg6[%swap3A_740, %swap3A_741, %swap3A_742, %swap3A_743], %swap3A_746 {strides = array<i32>} : memref<2x2x128x128xf32, #tpu.memory_space<vmem>>, vector<1x1x1x16xf32>,
      %get3A_747 = arith.constant 0 : i32
      %get3A_748 = arith.constant 0 : i32
      %get3A_749 = arith.index_cast %get3A_747 : i32 to index
      %get3A_750 = arith.index_cast %get3A_748 : i32 to index
      %get3A_751 = arith.index_cast %scan3A_686 : i32 to index
      %get3A_752 = arith.constant 48 : index
      %get3A_753 = tpu.vector_load %arg6[%get3A_749, %get3A_750, %get3A_751, %get3A_752] {strides = array<i32>} : memref<2x2x128x128xf32, #tpu.memory_space<vmem>>, vector<1x1x1x16xf32>,
      %get3A_754 = vector.shape_cast %get3A_753 : vector<1x1x1x16xf32> to vector<16xf32>
      %mul3A_755 = arith.constant 8.000000e+00 : f32
      %mul3A_756 = vector.broadcast %mul3A_755 : f32 to vector<16xf32>
      %mul3A_757 = arith.mulf %get3A_754, %mul3A_756 : vector<16xf32>
      %swap3A_758 = arith.constant 0 : i32
      %swap3A_759 = arith.constant 0 : i32
      %swap3A_760 = arith.index_cast %swap3A_758 : i32 to index
      %swap3A_761 = arith.index_cast %swap3A_759 : i32 to index
      %swap3A_762 = arith.index_cast %scan3A_686 : i32 to index
      %swap3A_763 = arith.constant 48 : index
      %swap3A_764 = tpu.vector_load %arg6[%swap3A_760, %swap3A_761, %swap3A_762, %swap3A_763] {strides = array<i32>} : memref<2x2x128x128xf32, #tpu.memory_space<vmem>>, vector<1x1x1x16xf32>,
      %swap3A_765 = vector.shape_cast %swap3A_764 : vector<1x1x1x16xf32> to vector<16xf32>
      %swap3A_766 = vector.shape_cast %mul3A_757 : vector<16xf32> to vector<1x1x1x16xf32>
      tpu.vector_store %arg6[%swap3A_760, %swap3A_761, %swap3A_762, %swap3A_763], %swap3A_766 {strides = array<i32>} : memref<2x2x128x128xf32, #tpu.memory_space<vmem>>, vector<1x1x1x16xf32>,
      %get3A_767 = arith.constant 0 : i32
      %get3A_768 = arith.constant 1 : i32
      %get3A_769 = arith.index_cast %get3A_767 : i32 to index
      %get3A_770 = arith.index_cast %get3A_768 : i32 to index
      %get3A_771 = arith.index_cast %scan3A_686 : i32 to index
      %get3A_772 = arith.constant 0 : index
      %get3A_773 = tpu.vector_load %arg6[%get3A_769, %get3A_770, %get3A_771, %get3A_772] {strides = array<i32>} : memref<2x2x128x128xf32, #tpu.memory_space<vmem>>, vector<1x1x1x16xf32>,
      %get3A_774 = vector.shape_cast %get3A_773 : vector<1x1x1x16xf32> to vector<16xf32>
      %mul3A_775 = arith.constant 8.000000e+00 : f32
      %mul3A_776 = vector.broadcast %mul3A_775 : f32 to vector<16xf32>
      %mul3A_777 = arith.mulf %get3A_774, %mul3A_776 : vector<16xf32>
      %swap3A_778 = arith.constant 0 : i32
      %swap3A_779 = arith.constant 1 : i32
      %swap3A_780 = arith.index_cast %swap3A_778 : i32 to index
      %swap3A_781 = arith.index_cast %swap3A_779 : i32 to index
      %swap3A_782 = arith.index_cast %scan3A_686 : i32 to index
      %swap3A_783 = arith.constant 0 : index
      %swap3A_784 = tpu.vector_load %arg6[%swap3A_780, %swap3A_781, %swap3A_782, %swap3A_783] {strides = array<i32>} : memref<2x2x128x128xf32, #tpu.memory_space<vmem>>, vector<1x1x1x16xf32>,
      %swap3A_785 = vector.shape_cast %swap3A_784 : vector<1x1x1x16xf32> to vector<16xf32>
      %swap3A_786 = vector.shape_cast %mul3A_777 : vector<16xf32> to vector<1x1x1x16xf32>
      tpu.vector_store %arg6[%swap3A_780, %swap3A_781, %swap3A_782, %swap3A_783], %swap3A_786 {strides = array<i32>} : memref<2x2x128x128xf32, #tpu.memory_space<vmem>>, vector<1x1x1x16xf32>,
      %get3A_787 = arith.constant 0 : i32
      %get3A_788 = arith.constant 1 : i32
      %get3A_789 = arith.index_cast %get3A_787 : i32 to index
      %get3A_790 = arith.index_cast %get3A_788 : i32 to index
      %get3A_791 = arith.index_cast %scan3A_686 : i32 to index
      %get3A_792 = arith.constant 16 : index
      %get3A_793 = tpu.vector_load %arg6[%get3A_789, %get3A_790, %get3A_791, %get3A_792] {strides = array<i32>} : memref<2x2x128x128xf32, #tpu.memory_space<vmem>>, vector<1x1x1x16xf32>,
      %get3A_794 = vector.shape_cast %get3A_793 : vector<1x1x1x16xf32> to vector<16xf32>
      %mul3A_795 = arith.constant 8.000000e+00 : f32
      %mul3A_796 = vector.broadcast %mul3A_795 : f32 to vector<16xf32>
      %mul3A_797 = arith.mulf %get3A_794, %mul3A_796 : vector<16xf32>
      %swap3A_798 = arith.constant 0 : i32
      %swap3A_799 = arith.constant 1 : i32
      %swap3A_800 = arith.index_cast %swap3A_798 : i32 to index
      %swap3A_801 = arith.index_cast %swap3A_799 : i32 to index
      %swap3A_802 = arith.index_cast %scan3A_686 : i32 to index
      %swap3A_803 = arith.constant 16 : index
      %swap3A_804 = tpu.vector_load %arg6[%swap3A_800, %swap3A_801, %swap3A_802, %swap3A_803] {strides = array<i32>} : memref<2x2x128x128xf32, #tpu.memory_space<vmem>>, vector<1x1x1x16xf32>,
      %swap3A_805 = vector.shape_cast %swap3A_804 : vector<1x1x1x16xf32> to vector<16xf32>
      %swap3A_806 = vector.shape_cast %mul3A_797 : vector<16xf32> to vector<1x1x1x16xf32>
      tpu.vector_store %arg6[%swap3A_800, %swap3A_801, %swap3A_802, %swap3A_803], %swap3A_806 {strides = array<i32>} : memref<2x2x128x128xf32, #tpu.memory_space<vmem>>, vector<1x1x1x16xf32>,
      %get3A_807 = arith.constant 0 : i32
      %get3A_808 = arith.constant 1 : i32
      %get3A_809 = arith.index_cast %get3A_807 : i32 to index
      %get3A_810 = arith.index_cast %get3A_808 : i32 to index
      %get3A_811 = arith.index_cast %scan3A_686 : i32 to index
      %get3A_812 = arith.constant 32 : index
      %get3A_813 = tpu.vector_load %arg6[%get3A_809, %get3A_810, %get3A_811, %get3A_812] {strides = array<i32>} : memref<2x2x128x128xf32, #tpu.memory_space<vmem>>, vector<1x1x1x16xf32>,
      %get3A_814 = vector.shape_cast %get3A_813 : vector<1x1x1x16xf32> to vector<16xf32>
      %mul3A_815 = arith.constant 8.000000e+00 : f32
      %mul3A_816 = vector.broadcast %mul3A_815 : f32 to vector<16xf32>
      %mul3A_817 = arith.mulf %get3A_814, %mul3A_816 : vector<16xf32>
      %swap3A_818 = arith.constant 0 : i32
      %swap3A_819 = arith.constant 1 : i32
      %swap3A_820 = arith.index_cast %swap3A_818 : i32 to index
      %swap3A_821 = arith.index_cast %swap3A_819 : i32 to index
      %swap3A_822 = arith.index_cast %scan3A_686 : i32 to index
      %swap3A_823 = arith.constant 32 : index
      %swap3A_824 = tpu.vector_load %arg6[%swap3A_820, %swap3A_821, %swap3A_822, %swap3A_823] {strides = array<i32>} : memref<2x2x128x128xf32, #tpu.memory_space<vmem>>, vector<1x1x1x16xf32>,
      %swap3A_825 = vector.shape_cast %swap3A_824 : vector<1x1x1x16xf32> to vector<16xf32>
      %swap3A_826 = vector.shape_cast %mul3A_817 : vector<16xf32> to vector<1x1x1x16xf32>
      tpu.vector_store %arg6[%swap3A_820, %swap3A_821, %swap3A_822, %swap3A_823], %swap3A_826 {strides = array<i32>} : memref<2x2x128x128xf32, #tpu.memory_space<vmem>>, vector<1x1x1x16xf32>,
      %get3A_827 = arith.constant 0 : i32
      %get3A_828 = arith.constant 1 : i32
      %get3A_829 = arith.index_cast %get3A_827 : i32 to index
      %get3A_830 = arith.index_cast %get3A_828 : i32 to index
      %get3A_831 = arith.index_cast %scan3A_686 : i32 to index
      %get3A_832 = arith.constant 48 : index
      %get3A_833 = tpu.vector_load %arg6[%get3A_829, %get3A_830, %get3A_831, %get3A_832] {strides = array<i32>} : memref<2x2x128x128xf32, #tpu.memory_space<vmem>>, vector<1x1x1x16xf32>,
      %get3A_834 = vector.shape_cast %get3A_833 : vector<1x1x1x16xf32> to vector<16xf32>
      %mul3A_835 = arith.constant 8.000000e+00 : f32
      %mul3A_836 = vector.broadcast %mul3A_835 : f32 to vector<16xf32>
      %mul3A_837 = arith.mulf %get3A_834, %mul3A_836 : vector<16xf32>
      %swap3A_838 = arith.constant 0 : i32
      %swap3A_839 = arith.constant 1 : i32
      %swap3A_840 = arith.index_cast %swap3A_838 : i32 to index
      %swap3A_841 = arith.index_cast %swap3A_839 : i32 to index
      %swap3A_842 = arith.index_cast %scan3A_686 : i32 to index
      %swap3A_843 = arith.constant 48 : index
      %swap3A_844 = tpu.vector_load %arg6[%swap3A_840, %swap3A_841, %swap3A_842, %swap3A_843] {strides = array<i32>} : memref<2x2x128x128xf32, #tpu.memory_space<vmem>>, vector<1x1x1x16xf32>,
      %swap3A_845 = vector.shape_cast %swap3A_844 : vector<1x1x1x16xf32> to vector<16xf32>
      %swap3A_846 = vector.shape_cast %mul3A_837 : vector<16xf32> to vector<1x1x1x16xf32>
      tpu.vector_store %arg6[%swap3A_840, %swap3A_841, %swap3A_842, %swap3A_843], %swap3A_846 {strides = array<i32>} : memref<2x2x128x128xf32, #tpu.memory_space<vmem>>, vector<1x1x1x16xf32>,
      %scan3A_847 = arith.constant 2 : i32
      %scan3A_848 = arith.addi %scan3A_526, %scan3A_847 : i32
      %get3A_849 = arith.constant 0 : i32
      %get3A_850 = arith.constant 0 : i32
      %get3A_851 = arith.index_cast %get3A_849 : i32 to index
      %get3A_852 = arith.index_cast %get3A_850 : i32 to index
      %get3A_853 = arith.index_cast %scan3A_848 : i32 to index
      %get3A_854 = arith.constant 0 : index
      %get3A_855 = tpu.vector_load %arg6[%get3A_851, %get3A_852, %get3A_853, %get3A_854] {strides = array<i32>} : memref<2x2x128x128xf32, #tpu.memory_space<vmem>>, vector<1x1x1x16xf32>,
      %get3A_856 = vector.shape_cast %get3A_855 : vector<1x1x1x16xf32> to vector<16xf32>
      %mul3A_857 = arith.constant 8.000000e+00 : f32
      %mul3A_858 = vector.broadcast %mul3A_857 : f32 to vector<16xf32>
      %mul3A_859 = arith.mulf %get3A_856, %mul3A_858 : vector<16xf32>
      %swap3A_860 = arith.constant 0 : i32
      %swap3A_861 = arith.constant 0 : i32
      %swap3A_862 = arith.index_cast %swap3A_860 : i32 to index
      %swap3A_863 = arith.index_cast %swap3A_861 : i32 to index
      %swap3A_864 = arith.index_cast %scan3A_848 : i32 to index
      %swap3A_865 = arith.constant 0 : index
      %swap3A_866 = tpu.vector_load %arg6[%swap3A_862, %swap3A_863, %swap3A_864, %swap3A_865] {strides = array<i32>} : memref<2x2x128x128xf32, #tpu.memory_space<vmem>>, vector<1x1x1x16xf32>,
      %swap3A_867 = vector.shape_cast %swap3A_866 : vector<1x1x1x16xf32> to vector<16xf32>
      %swap3A_868 = vector.shape_cast %mul3A_859 : vector<16xf32> to vector<1x1x1x16xf32>
      tpu.vector_store %arg6[%swap3A_862, %swap3A_863, %swap3A_864, %swap3A_865], %swap3A_868 {strides = array<i32>} : memref<2x2x128x128xf32, #tpu.memory_space<vmem>>, vector<1x1x1x16xf32>,
      %get3A_869 = arith.constant 0 : i32
      %get3A_870 = arith.constant 0 : i32
      %get3A_871 = arith.index_cast %get3A_869 : i32 to index
      %get3A_872 = arith.index_cast %get3A_870 : i32 to index
      %get3A_873 = arith.index_cast %scan3A_848 : i32 to index
      %get3A_874 = arith.constant 16 : index
      %get3A_875 = tpu.vector_load %arg6[%get3A_871, %get3A_872, %get3A_873, %get3A_874] {strides = array<i32>} : memref<2x2x128x128xf32, #tpu.memory_space<vmem>>, vector<1x1x1x16xf32>,
      %get3A_876 = vector.shape_cast %get3A_875 : vector<1x1x1x16xf32> to vector<16xf32>
      %mul3A_877 = arith.constant 8.000000e+00 : f32
      %mul3A_878 = vector.broadcast %mul3A_877 : f32 to vector<16xf32>
      %mul3A_879 = arith.mulf %get3A_876, %mul3A_878 : vector<16xf32>
      %swap3A_880 = arith.constant 0 : i32
      %swap3A_881 = arith.constant 0 : i32
      %swap3A_882 = arith.index_cast %swap3A_880 : i32 to index
      %swap3A_883 = arith.index_cast %swap3A_881 : i32 to index
      %swap3A_884 = arith.index_cast %scan3A_848 : i32 to index
      %swap3A_885 = arith.constant 16 : index
      %swap3A_886 = tpu.vector_load %arg6[%swap3A_882, %swap3A_883, %swap3A_884, %swap3A_885] {strides = array<i32>} : memref<2x2x128x128xf32, #tpu.memory_space<vmem>>, vector<1x1x1x16xf32>,
      %swap3A_887 = vector.shape_cast %swap3A_886 : vector<1x1x1x16xf32> to vector<16xf32>
      %swap3A_888 = vector.shape_cast %mul3A_879 : vector<16xf32> to vector<1x1x1x16xf32>
      tpu.vector_store %arg6[%swap3A_882, %swap3A_883, %swap3A_884, %swap3A_885], %swap3A_888 {strides = array<i32>} : memref<2x2x128x128xf32, #tpu.memory_space<vmem>>, vector<1x1x1x16xf32>,
      %get3A_889 = arith.constant 0 : i32
      %get3A_890 = arith.constant 0 : i32
      %get3A_891 = arith.index_cast %get3A_889 : i32 to index
      %get3A_892 = arith.index_cast %get3A_890 : i32 to index
      %get3A_893 = arith.index_cast %scan3A_848 : i32 to index
      %get3A_894 = arith.constant 32 : index
      %get3A_895 = tpu.vector_load %arg6[%get3A_891, %get3A_892, %get3A_893, %get3A_894] {strides = array<i32>} : memref<2x2x128x128xf32, #tpu.memory_space<vmem>>, vector<1x1x1x16xf32>,
      %get3A_896 = vector.shape_cast %get3A_895 : vector<1x1x1x16xf32> to vector<16xf32>
      %mul3A_897 = arith.constant 8.000000e+00 : f32
      %mul3A_898 = vector.broadcast %mul3A_897 : f32 to vector<16xf32>
      %mul3A_899 = arith.mulf %get3A_896, %mul3A_898 : vector<16xf32>
      %swap3A_900 = arith.constant 0 : i32
      %swap3A_901 = arith.constant 0 : i32
      %swap3A_902 = arith.index_cast %swap3A_900 : i32 to index
      %swap3A_903 = arith.index_cast %swap3A_901 : i32 to index
      %swap3A_904 = arith.index_cast %scan3A_848 : i32 to index
      %swap3A_905 = arith.constant 32 : index
      %swap3A_906 = tpu.vector_load %arg6[%swap3A_902, %swap3A_903, %swap3A_904, %swap3A_905] {strides = array<i32>} : memref<2x2x128x128xf32, #tpu.memory_space<vmem>>, vector<1x1x1x16xf32>,
      %swap3A_907 = vector.shape_cast %swap3A_906 : vector<1x1x1x16xf32> to vector<16xf32>
      %swap3A_908 = vector.shape_cast %mul3A_899 : vector<16xf32> to vector<1x1x1x16xf32>
      tpu.vector_store %arg6[%swap3A_902, %swap3A_903, %swap3A_904, %swap3A_905], %swap3A_908 {strides = array<i32>} : memref<2x2x128x128xf32, #tpu.memory_space<vmem>>, vector<1x1x1x16xf32>,
      %get3A_909 = arith.constant 0 : i32
      %get3A_910 = arith.constant 0 : i32
      %get3A_911 = arith.index_cast %get3A_909 : i32 to index
      %get3A_912 = arith.index_cast %get3A_910 : i32 to index
      %get3A_913 = arith.index_cast %scan3A_848 : i32 to index
      %get3A_914 = arith.constant 48 : index
      %get3A_915 = tpu.vector_load %arg6[%get3A_911, %get3A_912, %get3A_913, %get3A_914] {strides = array<i32>} : memref<2x2x128x128xf32, #tpu.memory_space<vmem>>, vector<1x1x1x16xf32>,
      %get3A_916 = vector.shape_cast %get3A_915 : vector<1x1x1x16xf32> to vector<16xf32>
      %mul3A_917 = arith.constant 8.000000e+00 : f32
      %mul3A_918 = vector.broadcast %mul3A_917 : f32 to vector<16xf32>
      %mul3A_919 = arith.mulf %get3A_916, %mul3A_918 : vector<16xf32>
      %swap3A_920 = arith.constant 0 : i32
      %swap3A_921 = arith.constant 0 : i32
      %swap3A_922 = arith.index_cast %swap3A_920 : i32 to index
      %swap3A_923 = arith.index_cast %swap3A_921 : i32 to index
      %swap3A_924 = arith.index_cast %scan3A_848 : i32 to index
      %swap3A_925 = arith.constant 48 : index
      %swap3A_926 = tpu.vector_load %arg6[%swap3A_922, %swap3A_923, %swap3A_924, %swap3A_925] {strides = array<i32>} : memref<2x2x128x128xf32, #tpu.memory_space<vmem>>, vector<1x1x1x16xf32>,
      %swap3A_927 = vector.shape_cast %swap3A_926 : vector<1x1x1x16xf32> to vector<16xf32>
      %swap3A_928 = vector.shape_cast %mul3A_919 : vector<16xf32> to vector<1x1x1x16xf32>
      tpu.vector_store %arg6[%swap3A_922, %swap3A_923, %swap3A_924, %swap3A_925], %swap3A_928 {strides = array<i32>} : memref<2x2x128x128xf32, #tpu.memory_space<vmem>>, vector<1x1x1x16xf32>,
      %get3A_929 = arith.constant 0 : i32
      %get3A_930 = arith.constant 1 : i32
      %get3A_931 = arith.index_cast %get3A_929 : i32 to index
      %get3A_932 = arith.index_cast %get3A_930 : i32 to index
      %get3A_933 = arith.index_cast %scan3A_848 : i32 to index
      %get3A_934 = arith.constant 0 : index
      %get3A_935 = tpu.vector_load %arg6[%get3A_931, %get3A_932, %get3A_933, %get3A_934] {strides = array<i32>} : memref<2x2x128x128xf32, #tpu.memory_space<vmem>>, vector<1x1x1x16xf32>,
      %get3A_936 = vector.shape_cast %get3A_935 : vector<1x1x1x16xf32> to vector<16xf32>
      %mul3A_937 = arith.constant 8.000000e+00 : f32
      %mul3A_938 = vector.broadcast %mul3A_937 : f32 to vector<16xf32>
      %mul3A_939 = arith.mulf %get3A_936, %mul3A_938 : vector<16xf32>
      %swap3A_940 = arith.constant 0 : i32
      %swap3A_941 = arith.constant 1 : i32
      %swap3A_942 = arith.index_cast %swap3A_940 : i32 to index
      %swap3A_943 = arith.index_cast %swap3A_941 : i32 to index
      %swap3A_944 = arith.index_cast %scan3A_848 : i32 to index
      %swap3A_945 = arith.constant 0 : index
      %swap3A_946 = tpu.vector_load %arg6[%swap3A_942, %swap3A_943, %swap3A_944, %swap3A_945] {strides = array<i32>} : memref<2x2x128x128xf32, #tpu.memory_space<vmem>>, vector<1x1x1x16xf32>,
      %swap3A_947 = vector.shape_cast %swap3A_946 : vector<1x1x1x16xf32> to vector<16xf32>
      %swap3A_948 = vector.shape_cast %mul3A_939 : vector<16xf32> to vector<1x1x1x16xf32>
      tpu.vector_store %arg6[%swap3A_942, %swap3A_943, %swap3A_944, %swap3A_945], %swap3A_948 {strides = array<i32>} : memref<2x2x128x128xf32, #tpu.memory_space<vmem>>, vector<1x1x1x16xf32>,
      %get3A_949 = arith.constant 0 : i32
      %get3A_950 = arith.constant 1 : i32
      %get3A_951 = arith.index_cast %get3A_949 : i32 to index
      %get3A_952 = arith.index_cast %get3A_950 : i32 to index
      %get3A_953 = arith.index_cast %scan3A_848 : i32 to index
      %get3A_954 = arith.constant 16 : index
      %get3A_955 = tpu.vector_load %arg6[%get3A_951, %get3A_952, %get3A_953, %get3A_954] {strides = array<i32>} : memref<2x2x128x128xf32, #tpu.memory_space<vmem>>, vector<1x1x1x16xf32>,
      %get3A_956 = vector.shape_cast %get3A_955 : vector<1x1x1x16xf32> to vector<16xf32>
      %mul3A_957 = arith.constant 8.000000e+00 : f32
      %mul3A_958 = vector.broadcast %mul3A_957 : f32 to vector<16xf32>
      %mul3A_959 = arith.mulf %get3A_956, %mul3A_958 : vector<16xf32>
      %swap3A_960 = arith.constant 0 : i32
      %swap3A_961 = arith.constant 1 : i32
      %swap3A_962 = arith.index_cast %swap3A_960 : i32 to index
      %swap3A_963 = arith.index_cast %swap3A_961 : i32 to index
      %swap3A_964 = arith.index_cast %scan3A_848 : i32 to index
      %swap3A_965 = arith.constant 16 : index
      %swap3A_966 = tpu.vector_load %arg6[%swap3A_962, %swap3A_963, %swap3A_964, %swap3A_965] {strides = array<i32>} : memref<2x2x128x128xf32, #tpu.memory_space<vmem>>, vector<1x1x1x16xf32>,
      %swap3A_967 = vector.shape_cast %swap3A_966 : vector<1x1x1x16xf32> to vector<16xf32>
      %swap3A_968 = vector.shape_cast %mul3A_959 : vector<16xf32> to vector<1x1x1x16xf32>
      tpu.vector_store %arg6[%swap3A_962, %swap3A_963, %swap3A_964, %swap3A_965], %swap3A_968 {strides = array<i32>} : memref<2x2x128x128xf32, #tpu.memory_space<vmem>>, vector<1x1x1x16xf32>,
      %get3A_969 = arith.constant 0 : i32
      %get3A_970 = arith.constant 1 : i32
      %get3A_971 = arith.index_cast %get3A_969 : i32 to index
      %get3A_972 = arith.index_cast %get3A_970 : i32 to index
      %get3A_973 = arith.index_cast %scan3A_848 : i32 to index
      %get3A_974 = arith.constant 32 : index
      %get3A_975 = tpu.vector_load %arg6[%get3A_971, %get3A_972, %get3A_973, %get3A_974] {strides = array<i32>} : memref<2x2x128x128xf32, #tpu.memory_space<vmem>>, vector<1x1x1x16xf32>,
      %get3A_976 = vector.shape_cast %get3A_975 : vector<1x1x1x16xf32> to vector<16xf32>
      %mul3A_977 = arith.constant 8.000000e+00 : f32
      %mul3A_978 = vector.broadcast %mul3A_977 : f32 to vector<16xf32>
      %mul3A_979 = arith.mulf %get3A_976, %mul3A_978 : vector<16xf32>
      %swap3A_980 = arith.constant 0 : i32
      %swap3A_981 = arith.constant 1 : i32
      %swap3A_982 = arith.index_cast %swap3A_980 : i32 to index
      %swap3A_983 = arith.index_cast %swap3A_981 : i32 to index
      %swap3A_984 = arith.index_cast %scan3A_848 : i32 to index
      %swap3A_985 = arith.constant 32 : index
      %swap3A_986 = tpu.vector_load %arg6[%swap3A_982, %swap3A_983, %swap3A_984, %swap3A_985] {strides = array<i32>} : memref<2x2x128x128xf32, #tpu.memory_space<vmem>>, vector<1x1x1x16xf32>,
      %swap3A_987 = vector.shape_cast %swap3A_986 : vector<1x1x1x16xf32> to vector<16xf32>
      %swap3A_988 = vector.shape_cast %mul3A_979 : vector<16xf32> to vector<1x1x1x16xf32>
      tpu.vector_store %arg6[%swap3A_982, %swap3A_983, %swap3A_984, %swap3A_985], %swap3A_988 {strides = array<i32>} : memref<2x2x128x128xf32, #tpu.memory_space<vmem>>, vector<1x1x1x16xf32>,
      %get3A_989 = arith.constant 0 : i32
      %get3A_990 = arith.constant 1 : i32
      %get3A_991 = arith.index_cast %get3A_989 : i32 to index
      %get3A_992 = arith.index_cast %get3A_990 : i32 to index
      %get3A_993 = arith.index_cast %scan3A_848 : i32 to index
      %get3A_994 = arith.constant 48 : index
      %get3A_995 = tpu.vector_load %arg6[%get3A_991, %get3A_992, %get3A_993, %get3A_994] {strides = array<i32>} : memref<2x2x128x128xf32, #tpu.memory_space<vmem>>, vector<1x1x1x16xf32>,
      %get3A_996 = vector.shape_cast %get3A_995 : vector<1x1x1x16xf32> to vector<16xf32>
      %mul3A_997 = arith.constant 8.000000e+00 : f32
      %mul3A_998 = vector.broadcast %mul3A_997 : f32 to vector<16xf32>
      %mul3A_999 = arith.mulf %get3A_996, %mul3A_998 : vector<16xf32>
      %swap3A_1000 = arith.constant 0 : i32
      %swap3A_1001 = arith.constant 1 : i32
      %swap3A_1002 = arith.index_cast %swap3A_1000 : i32 to index
      %swap3A_1003 = arith.index_cast %swap3A_1001 : i32 to index
      %swap3A_1004 = arith.index_cast %scan3A_848 : i32 to index
      %swap3A_1005 = arith.constant 48 : index
      %swap3A_1006 = tpu.vector_load %arg6[%swap3A_1002, %swap3A_1003, %swap3A_1004, %swap3A_1005] {strides = array<i32>} : memref<2x2x128x128xf32, #tpu.memory_space<vmem>>, vector<1x1x1x16xf32>,
      %swap3A_1007 = vector.shape_cast %swap3A_1006 : vector<1x1x1x16xf32> to vector<16xf32>
      %swap3A_1008 = vector.shape_cast %mul3A_999 : vector<16xf32> to vector<1x1x1x16xf32>
      tpu.vector_store %arg6[%swap3A_1002, %swap3A_1003, %swap3A_1004, %swap3A_1005], %swap3A_1008 {strides = array<i32>} : memref<2x2x128x128xf32, #tpu.memory_space<vmem>>, vector<1x1x1x16xf32>,
      %scan3A_1009 = arith.constant 3 : i32
      %scan3A_1010 = arith.addi %scan3A_526, %scan3A_1009 : i32
      %get3A_1011 = arith.constant 0 : i32
      %get3A_1012 = arith.constant 0 : i32
      %get3A_1013 = arith.index_cast %get3A_1011 : i32 to index
      %get3A_1014 = arith.index_cast %get3A_1012 : i32 to index
      %get3A_1015 = arith.index_cast %scan3A_1010 : i32 to index
      %get3A_1016 = arith.constant 0 : index
      %get3A_1017 = tpu.vector_load %arg6[%get3A_1013, %get3A_1014, %get3A_1015, %get3A_1016] {strides = array<i32>} : memref<2x2x128x128xf32, #tpu.memory_space<vmem>>, vector<1x1x1x16xf32>,
      %get3A_1018 = vector.shape_cast %get3A_1017 : vector<1x1x1x16xf32> to vector<16xf32>
      %mul3A_1019 = arith.constant 8.000000e+00 : f32
      %mul3A_1020 = vector.broadcast %mul3A_1019 : f32 to vector<16xf32>
      %mul3A_1021 = arith.mulf %get3A_1018, %mul3A_1020 : vector<16xf32>
      %swap3A_1022 = arith.constant 0 : i32
      %swap3A_1023 = arith.constant 0 : i32
      %swap3A_1024 = arith.index_cast %swap3A_1022 : i32 to index
      %swap3A_1025 = arith.index_cast %swap3A_1023 : i32 to index
      %swap3A_1026 = arith.index_cast %scan3A_1010 : i32 to index
      %swap3A_1027 = arith.constant 0 : index
      %swap3A_1028 = tpu.vector_load %arg6[%swap3A_1024, %swap3A_1025, %swap3A_1026, %swap3A_1027] {strides = array<i32>} : memref<2x2x128x128xf32, #tpu.memory_space<vmem>>, vector<1x1x1x16xf32>,
      %swap3A_1029 = vector.shape_cast %swap3A_1028 : vector<1x1x1x16xf32> to vector<16xf32>
      %swap3A_1030 = vector.shape_cast %mul3A_1021 : vector<16xf32> to vector<1x1x1x16xf32>
      tpu.vector_store %arg6[%swap3A_1024, %swap3A_1025, %swap3A_1026, %swap3A_1027], %swap3A_1030 {strides = array<i32>} : memref<2x2x128x128xf32, #tpu.memory_space<vmem>>, vector<1x1x1x16xf32>,
      %get3A_1031 = arith.constant 0 : i32
      %get3A_1032 = arith.constant 0 : i32
      %get3A_1033 = arith.index_cast %get3A_1031 : i32 to index
      %get3A_1034 = arith.index_cast %get3A_1032 : i32 to index
      %get3A_1035 = arith.index_cast %scan3A_1010 : i32 to index
      %get3A_1036 = arith.constant 16 : index
      %get3A_1037 = tpu.vector_load %arg6[%get3A_1033, %get3A_1034, %get3A_1035, %get3A_1036] {strides = array<i32>} : memref<2x2x128x128xf32, #tpu.memory_space<vmem>>, vector<1x1x1x16xf32>,
      %get3A_1038 = vector.shape_cast %get3A_1037 : vector<1x1x1x16xf32> to vector<16xf32>
      %mul3A_1039 = arith.constant 8.000000e+00 : f32
      %mul3A_1040 = vector.broadcast %mul3A_1039 : f32 to vector<16xf32>
      %mul3A_1041 = arith.mulf %get3A_1038, %mul3A_1040 : vector<16xf32>
      %swap3A_1042 = arith.constant 0 : i32
      %swap3A_1043 = arith.constant 0 : i32
      %swap3A_1044 = arith.index_cast %swap3A_1042 : i32 to index
      %swap3A_1045 = arith.index_cast %swap3A_1043 : i32 to index
      %swap3A_1046 = arith.index_cast %scan3A_1010 : i32 to index
      %swap3A_1047 = arith.constant 16 : index
      %swap3A_1048 = tpu.vector_load %arg6[%swap3A_1044, %swap3A_1045, %swap3A_1046, %swap3A_1047] {strides = array<i32>} : memref<2x2x128x128xf32, #tpu.memory_space<vmem>>, vector<1x1x1x16xf32>,
      %swap3A_1049 = vector.shape_cast %swap3A_1048 : vector<1x1x1x16xf32> to vector<16xf32>
      %swap3A_1050 = vector.shape_cast %mul3A_1041 : vector<16xf32> to vector<1x1x1x16xf32>
      tpu.vector_store %arg6[%swap3A_1044, %swap3A_1045, %swap3A_1046, %swap3A_1047], %swap3A_1050 {strides = array<i32>} : memref<2x2x128x128xf32, #tpu.memory_space<vmem>>, vector<1x1x1x16xf32>,
      %get3A_1051 = arith.constant 0 : i32
      %get3A_1052 = arith.constant 0 : i32
      %get3A_1053 = arith.index_cast %get3A_1051 : i32 to index
      %get3A_1054 = arith.index_cast %get3A_1052 : i32 to index
      %get3A_1055 = arith.index_cast %scan3A_1010 : i32 to index
      %get3A_1056 = arith.constant 32 : index
      %get3A_1057 = tpu.vector_load %arg6[%get3A_1053, %get3A_1054, %get3A_1055, %get3A_1056] {strides = array<i32>} : memref<2x2x128x128xf32, #tpu.memory_space<vmem>>, vector<1x1x1x16xf32>,
      %get3A_1058 = vector.shape_cast %get3A_1057 : vector<1x1x1x16xf32> to vector<16xf32>
      %mul3A_1059 = arith.constant 8.000000e+00 : f32
      %mul3A_1060 = vector.broadcast %mul3A_1059 : f32 to vector<16xf32>
      %mul3A_1061 = arith.mulf %get3A_1058, %mul3A_1060 : vector<16xf32>
      %swap3A_1062 = arith.constant 0 : i32
      %swap3A_1063 = arith.constant 0 : i32
      %swap3A_1064 = arith.index_cast %swap3A_1062 : i32 to index
      %swap3A_1065 = arith.index_cast %swap3A_1063 : i32 to index
      %swap3A_1066 = arith.index_cast %scan3A_1010 : i32 to index
      %swap3A_1067 = arith.constant 32 : index
      %swap3A_1068 = tpu.vector_load %arg6[%swap3A_1064, %swap3A_1065, %swap3A_1066, %swap3A_1067] {strides = array<i32>} : memref<2x2x128x128xf32, #tpu.memory_space<vmem>>, vector<1x1x1x16xf32>,
      %swap3A_1069 = vector.shape_cast %swap3A_1068 : vector<1x1x1x16xf32> to vector<16xf32>
      %swap3A_1070 = vector.shape_cast %mul3A_1061 : vector<16xf32> to vector<1x1x1x16xf32>
      tpu.vector_store %arg6[%swap3A_1064, %swap3A_1065, %swap3A_1066, %swap3A_1067], %swap3A_1070 {strides = array<i32>} : memref<2x2x128x128xf32, #tpu.memory_space<vmem>>, vector<1x1x1x16xf32>,
      %get3A_1071 = arith.constant 0 : i32
      %get3A_1072 = arith.constant 0 : i32
      %get3A_1073 = arith.index_cast %get3A_1071 : i32 to index
      %get3A_1074 = arith.index_cast %get3A_1072 : i32 to index
      %get3A_1075 = arith.index_cast %scan3A_1010 : i32 to index
      %get3A_1076 = arith.constant 48 : index
      %get3A_1077 = tpu.vector_load %arg6[%get3A_1073, %get3A_1074, %get3A_1075, %get3A_1076] {strides = array<i32>} : memref<2x2x128x128xf32, #tpu.memory_space<vmem>>, vector<1x1x1x16xf32>,
      %get3A_1078 = vector.shape_cast %get3A_1077 : vector<1x1x1x16xf32> to vector<16xf32>
      %mul3A_1079 = arith.constant 8.000000e+00 : f32
      %mul3A_1080 = vector.broadcast %mul3A_1079 : f32 to vector<16xf32>
      %mul3A_1081 = arith.mulf %get3A_1078, %mul3A_1080 : vector<16xf32>
      %swap3A_1082 = arith.constant 0 : i32
      %swap3A_1083 = arith.constant 0 : i32
      %swap3A_1084 = arith.index_cast %swap3A_1082 : i32 to index
      %swap3A_1085 = arith.index_cast %swap3A_1083 : i32 to index
      %swap3A_1086 = arith.index_cast %scan3A_1010 : i32 to index
      %swap3A_1087 = arith.constant 48 : index
      %swap3A_1088 = tpu.vector_load %arg6[%swap3A_1084, %swap3A_1085, %swap3A_1086, %swap3A_1087] {strides = array<i32>} : memref<2x2x128x128xf32, #tpu.memory_space<vmem>>, vector<1x1x1x16xf32>,
      %swap3A_1089 = vector.shape_cast %swap3A_1088 : vector<1x1x1x16xf32> to vector<16xf32>
      %swap3A_1090 = vector.shape_cast %mul3A_1081 : vector<16xf32> to vector<1x1x1x16xf32>
      tpu.vector_store %arg6[%swap3A_1084, %swap3A_1085, %swap3A_1086, %swap3A_1087], %swap3A_1090 {strides = array<i32>} : memref<2x2x128x128xf32, #tpu.memory_space<vmem>>, vector<1x1x1x16xf32>,
      %get3A_1091 = arith.constant 0 : i32
      %get3A_1092 = arith.constant 1 : i32
      %get3A_1093 = arith.index_cast %get3A_1091 : i32 to index
      %get3A_1094 = arith.index_cast %get3A_1092 : i32 to index
      %get3A_1095 = arith.index_cast %scan3A_1010 : i32 to index
      %get3A_1096 = arith.constant 0 : index
      %get3A_1097 = tpu.vector_load %arg6[%get3A_1093, %get3A_1094, %get3A_1095, %get3A_1096] {strides = array<i32>} : memref<2x2x128x128xf32, #tpu.memory_space<vmem>>, vector<1x1x1x16xf32>,
      %get3A_1098 = vector.shape_cast %get3A_1097 : vector<1x1x1x16xf32> to vector<16xf32>
      %mul3A_1099 = arith.constant 8.000000e+00 : f32
      %mul3A_1100 = vector.broadcast %mul3A_1099 : f32 to vector<16xf32>
      %mul3A_1101 = arith.mulf %get3A_1098, %mul3A_1100 : vector<16xf32>
      %swap3A_1102 = arith.constant 0 : i32
      %swap3A_1103 = arith.constant 1 : i32
      %swap3A_1104 = arith.index_cast %swap3A_1102 : i32 to index
      %swap3A_1105 = arith.index_cast %swap3A_1103 : i32 to index
      %swap3A_1106 = arith.index_cast %scan3A_1010 : i32 to index
      %swap3A_1107 = arith.constant 0 : index
      %swap3A_1108 = tpu.vector_load %arg6[%swap3A_1104, %swap3A_1105, %swap3A_1106, %swap3A_1107] {strides = array<i32>} : memref<2x2x128x128xf32, #tpu.memory_space<vmem>>, vector<1x1x1x16xf32>,
      %swap3A_1109 = vector.shape_cast %swap3A_1108 : vector<1x1x1x16xf32> to vector<16xf32>
      %swap3A_1110 = vector.shape_cast %mul3A_1101 : vector<16xf32> to vector<1x1x1x16xf32>
      tpu.vector_store %arg6[%swap3A_1104, %swap3A_1105, %swap3A_1106, %swap3A_1107], %swap3A_1110 {strides = array<i32>} : memref<2x2x128x128xf32, #tpu.memory_space<vmem>>, vector<1x1x1x16xf32>,
      %get3A_1111 = arith.constant 0 : i32
      %get3A_1112 = arith.constant 1 : i32
      %get3A_1113 = arith.index_cast %get3A_1111 : i32 to index
      %get3A_1114 = arith.index_cast %get3A_1112 : i32 to index
      %get3A_1115 = arith.index_cast %scan3A_1010 : i32 to index
      %get3A_1116 = arith.constant 16 : index
      %get3A_1117 = tpu.vector_load %arg6[%get3A_1113, %get3A_1114, %get3A_1115, %get3A_1116] {strides = array<i32>} : memref<2x2x128x128xf32, #tpu.memory_space<vmem>>, vector<1x1x1x16xf32>,
      %get3A_1118 = vector.shape_cast %get3A_1117 : vector<1x1x1x16xf32> to vector<16xf32>
      %mul3A_1119 = arith.constant 8.000000e+00 : f32
      %mul3A_1120 = vector.broadcast %mul3A_1119 : f32 to vector<16xf32>
      %mul3A_1121 = arith.mulf %get3A_1118, %mul3A_1120 : vector<16xf32>
      %swap3A_1122 = arith.constant 0 : i32
      %swap3A_1123 = arith.constant 1 : i32
      %swap3A_1124 = arith.index_cast %swap3A_1122 : i32 to index
      %swap3A_1125 = arith.index_cast %swap3A_1123 : i32 to index
      %swap3A_1126 = arith.index_cast %scan3A_1010 : i32 to index
      %swap3A_1127 = arith.constant 16 : index
      %swap3A_1128 = tpu.vector_load %arg6[%swap3A_1124, %swap3A_1125, %swap3A_1126, %swap3A_1127] {strides = array<i32>} : memref<2x2x128x128xf32, #tpu.memory_space<vmem>>, vector<1x1x1x16xf32>,
      %swap3A_1129 = vector.shape_cast %swap3A_1128 : vector<1x1x1x16xf32> to vector<16xf32>
      %swap3A_1130 = vector.shape_cast %mul3A_1121 : vector<16xf32> to vector<1x1x1x16xf32>
      tpu.vector_store %arg6[%swap3A_1124, %swap3A_1125, %swap3A_1126, %swap3A_1127], %swap3A_1130 {strides = array<i32>} : memref<2x2x128x128xf32, #tpu.memory_space<vmem>>, vector<1x1x1x16xf32>,
      %get3A_1131 = arith.constant 0 : i32
      %get3A_1132 = arith.constant 1 : i32
      %get3A_1133 = arith.index_cast %get3A_1131 : i32 to index
      %get3A_1134 = arith.index_cast %get3A_1132 : i32 to index
      %get3A_1135 = arith.index_cast %scan3A_1010 : i32 to index
      %get3A_1136 = arith.constant 32 : index
      %get3A_1137 = tpu.vector_load %arg6[%get3A_1133, %get3A_1134, %get3A_1135, %get3A_1136] {strides = array<i32>} : memref<2x2x128x128xf32, #tpu.memory_space<vmem>>, vector<1x1x1x16xf32>,
      %get3A_1138 = vector.shape_cast %get3A_1137 : vector<1x1x1x16xf32> to vector<16xf32>
      %mul3A_1139 = arith.constant 8.000000e+00 : f32
      %mul3A_1140 = vector.broadcast %mul3A_1139 : f32 to vector<16xf32>
      %mul3A_1141 = arith.mulf %get3A_1138, %mul3A_1140 : vector<16xf32>
      %swap3A_1142 = arith.constant 0 : i32
      %swap3A_1143 = arith.constant 1 : i32
      %swap3A_1144 = arith.index_cast %swap3A_1142 : i32 to index
      %swap3A_1145 = arith.index_cast %swap3A_1143 : i32 to index
      %swap3A_1146 = arith.index_cast %scan3A_1010 : i32 to index
      %swap3A_1147 = arith.constant 32 : index
      %swap3A_1148 = tpu.vector_load %arg6[%swap3A_1144, %swap3A_1145, %swap3A_1146, %swap3A_1147] {strides = array<i32>} : memref<2x2x128x128xf32, #tpu.memory_space<vmem>>, vector<1x1x1x16xf32>,
      %swap3A_1149 = vector.shape_cast %swap3A_1148 : vector<1x1x1x16xf32> to vector<16xf32>
      %swap3A_1150 = vector.shape_cast %mul3A_1141 : vector<16xf32> to vector<1x1x1x16xf32>
      tpu.vector_store %arg6[%swap3A_1144, %swap3A_1145, %swap3A_1146, %swap3A_1147], %swap3A_1150 {strides = array<i32>} : memref<2x2x128x128xf32, #tpu.memory_space<vmem>>, vector<1x1x1x16xf32>,
      %get3A_1151 = arith.constant 0 : i32
      %get3A_1152 = arith.constant 1 : i32
      %get3A_1153 = arith.index_cast %get3A_1151 : i32 to index
      %get3A_1154 = arith.index_cast %get3A_1152 : i32 to index
      %get3A_1155 = arith.index_cast %scan3A_1010 : i32 to index
      %get3A_1156 = arith.constant 48 : index
      %get3A_1157 = tpu.vector_load %arg6[%get3A_1153, %get3A_1154, %get3A_1155, %get3A_1156] {strides = array<i32>} : memref<2x2x128x128xf32, #tpu.memory_space<vmem>>, vector<1x1x1x16xf32>,
      %get3A_1158 = vector.shape_cast %get3A_1157 : vector<1x1x1x16xf32> to vector<16xf32>
      %mul3A_1159 = arith.constant 8.000000e+00 : f32
      %mul3A_1160 = vector.broadcast %mul3A_1159 : f32 to vector<16xf32>
      %mul3A_1161 = arith.mulf %get3A_1158, %mul3A_1160 : vector<16xf32>
      %swap3A_1162 = arith.constant 0 : i32
      %swap3A_1163 = arith.constant 1 : i32
      %swap3A_1164 = arith.index_cast %swap3A_1162 : i32 to index
      %swap3A_1165 = arith.index_cast %swap3A_1163 : i32 to index
      %swap3A_1166 = arith.index_cast %scan3A_1010 : i32 to index
      %swap3A_1167 = arith.constant 48 : index
      %swap3A_1168 = tpu.vector_load %arg6[%swap3A_1164, %swap3A_1165, %swap3A_1166, %swap3A_1167] {strides = array<i32>} : memref<2x2x128x128xf32, #tpu.memory_space<vmem>>, vector<1x1x1x16xf32>,
      %swap3A_1169 = vector.shape_cast %swap3A_1168 : vector<1x1x1x16xf32> to vector<16xf32>
      %swap3A_1170 = vector.shape_cast %mul3A_1161 : vector<16xf32> to vector<1x1x1x16xf32>
      tpu.vector_store %arg6[%swap3A_1164, %swap3A_1165, %swap3A_1166, %swap3A_1167], %swap3A_1170 {strides = array<i32>} : memref<2x2x128x128xf32, #tpu.memory_space<vmem>>, vector<1x1x1x16xf32>,
    }
    %scan3A_83 = arith.constant 128 : i32
    %add3A_84 = arith.constant 0 : i32
    %add3A_85 = arith.addi %mul3A_2, %add3A_84 : i32
    %mul3A_86 = arith.constant 128 : i32
    %mul3A_87 = arith.muli %add3A_85, %mul3A_86 : i32
    %dma_start3A_88 = arith.constant 0 : i32
    %dma_start3A_89 = arith.constant 0 : i32
    %dma_start3A_90 = arith.constant 0 : i32
    %dma_start3A_91 = arith.constant 0 : i32
    %dma_start3A_92 = tpu.memref_slice %arg6[%dma_start3A_88, %dma_start3A_89, %dma_start3A_90, %dma_start3A_91] : memref<2x2x128x128xf32, #tpu.memory_space<vmem>> -> memref<1x1x128x128xf32, #tpu.memory_space<vmem>>
    %dma_start3A_93 = tpu.memref_squeeze %dma_start3A_92 : memref<1x1x128x128xf32, #tpu.memory_space<vmem>> -> memref<128x128xf32, #tpu.memory_space<vmem>>
    %dma_start3A_94 = arith.constant 0 : i32
    %dma_start3A_95 = tpu.memref_slice %arg4[%mul3A_87, %dma_start3A_94] : memref<819200x128xf32, #tpu.memory_space<hbm>> -> memref<128x128xf32, #tpu.memory_space<hbm>>
    %dma_start3A_96 = arith.constant 0 : i32
    %dma_start3A_97 = tpu.memref_slice %arg4[%mul3A_87, %dma_start3A_96] : memref<819200x128xf32, #tpu.memory_space<hbm>> -> memref<128x128xf32, #tpu.memory_space<hbm>>
    %dma_start3A_98 = arith.constant 0 : i32
    %dma_start3A_99 = arith.constant 0 : i32
    %dma_start3A_100 = tpu.memref_slice %arg6[%dma_start3A_88, %dma_start3A_89, %dma_start3A_98, %dma_start3A_99] : memref<2x2x128x128xf32, #tpu.memory_space<vmem>> -> memref<1x1x128x128xf32, #tpu.memory_space<vmem>>
    %dma_start3A_101 = tpu.memref_squeeze %dma_start3A_100 : memref<1x1x128x128xf32, #tpu.memory_space<vmem>> -> memref<128x128xf32, #tpu.memory_space<vmem>>
    tpu.enqueue_dma source(%dma_start3A_101 : memref<128x128xf32, #tpu.memory_space<vmem>>) target(%dma_start3A_97 : memref<128x128xf32, #tpu.memory_space<hbm>>) target_semaphore(%arg9 : memref<!tpu.dma_semaphore, #tpu.memory_space<semaphore_mem>>)
    %add3A_102 = arith.constant 1 : i32
    %add3A_103 = arith.addi %mul3A_2, %add3A_102 : i32
    %mul3A_104 = arith.constant 128 : i32
    %mul3A_105 = arith.muli %add3A_103, %mul3A_104 : i32
    %dma_start3A_106 = arith.constant 0 : i32
    %dma_start3A_107 = arith.constant 1 : i32
    %dma_start3A_108 = arith.constant 0 : i32
    %dma_start3A_109 = arith.constant 0 : i32
    %dma_start3A_110 = tpu.memref_slice %arg6[%dma_start3A_106, %dma_start3A_107, %dma_start3A_108, %dma_start3A_109] : memref<2x2x128x128xf32, #tpu.memory_space<vmem>> -> memref<1x1x128x128xf32, #tpu.memory_space<vmem>>
    %dma_start3A_111 = tpu.memref_squeeze %dma_start3A_110 : memref<1x1x128x128xf32, #tpu.memory_space<vmem>> -> memref<128x128xf32, #tpu.memory_space<vmem>>
    %dma_start3A_112 = arith.constant 0 : i32
    %dma_start3A_113 = tpu.memref_slice %arg4[%mul3A_105, %dma_start3A_112] : memref<819200x128xf32, #tpu.memory_space<hbm>> -> memref<128x128xf32, #tpu.memory_space<hbm>>
    %dma_start3A_114 = arith.constant 0 : i32
    %dma_start3A_115 = tpu.memref_slice %arg4[%mul3A_105, %dma_start3A_114] : memref<819200x128xf32, #tpu.memory_space<hbm>> -> memref<128x128xf32, #tpu.memory_space<hbm>>
    %dma_start3A_116 = arith.constant 0 : i32
    %dma_start3A_117 = arith.constant 0 : i32
    %dma_start3A_118 = tpu.memref_slice %arg6[%dma_start3A_106, %dma_start3A_107, %dma_start3A_116, %dma_start3A_117] : memref<2x2x128x128xf32, #tpu.memory_space<vmem>> -> memref<1x1x128x128xf32, #tpu.memory_space<vmem>>
    %dma_start3A_119 = tpu.memref_squeeze %dma_start3A_118 : memref<1x1x128x128xf32, #tpu.memory_space<vmem>> -> memref<128x128xf32, #tpu.memory_space<vmem>>
    tpu.enqueue_dma source(%dma_start3A_119 : memref<128x128xf32, #tpu.memory_space<vmem>>) target(%dma_start3A_115 : memref<128x128xf32, #tpu.memory_space<hbm>>) target_semaphore(%arg9 : memref<!tpu.dma_semaphore, #tpu.memory_space<semaphore_mem>>)
    %add3A_120 = arith.constant 0 : i32
    %add3A_121 = arith.addi %mul3A_2, %add3A_120 : i32
    %mul3A_122 = arith.constant 128 : i32
    %mul3A_123 = arith.muli %add3A_121, %mul3A_122 : i32
    %dma_wait3A_124 = arith.constant 0 : i32
    %dma_wait3A_125 = arith.constant 0 : i32
    %dma_wait3A_126 = arith.constant 0 : i32
    %dma_wait3A_127 = arith.constant 0 : i32
    %dma_wait3A_128 = tpu.memref_slice %arg6[%dma_wait3A_124, %dma_wait3A_125, %dma_wait3A_126, %dma_wait3A_127] : memref<2x2x128x128xf32, #tpu.memory_space<vmem>> -> memref<1x1x128x128xf32, #tpu.memory_space<vmem>>
    %dma_wait3A_129 = tpu.memref_squeeze %dma_wait3A_128 : memref<1x1x128x128xf32, #tpu.memory_space<vmem>> -> memref<128x128xf32, #tpu.memory_space<vmem>>
    %dma_wait3A_130 = arith.constant 0 : i32
    %dma_wait3A_131 = tpu.memref_slice %arg4[%mul3A_123, %dma_wait3A_130] : memref<819200x128xf32, #tpu.memory_space<hbm>> -> memref<128x128xf32, #tpu.memory_space<hbm>>
    %dma_wait3A_132 = arith.constant 0 : i32
    %dma_wait3A_133 = tpu.memref_slice %arg4[%mul3A_123, %dma_wait3A_132] : memref<819200x128xf32, #tpu.memory_space<hbm>> -> memref<128x128xf32, #tpu.memory_space<hbm>>
    %dma_wait3A_134 = arith.constant 0 : i32
    %dma_wait3A_135 = arith.constant 0 : i32
    %dma_wait3A_136 = tpu.memref_slice %arg6[%dma_wait3A_124, %dma_wait3A_125, %dma_wait3A_134, %dma_wait3A_135] : memref<2x2x128x128xf32, #tpu.memory_space<vmem>> -> memref<1x1x128x128xf32, #tpu.memory_space<vmem>>
    %dma_wait3A_137 = tpu.memref_squeeze %dma_wait3A_136 : memref<1x1x128x128xf32, #tpu.memory_space<vmem>> -> memref<128x128xf32, #tpu.memory_space<vmem>>
    tpu.wait_dma2 semaphore(%arg9 : memref<!tpu.dma_semaphore, #tpu.memory_space<semaphore_mem>>) src(%dma_wait3A_137 : memref<128x128xf32, #tpu.memory_space<vmem>>) dst(%dma_wait3A_133 : memref<128x128xf32, #tpu.memory_space<hbm>>)
    %add3A_138 = arith.constant 1 : i32
    %add3A_139 = arith.addi %mul3A_2, %add3A_138 : i32
    %mul3A_140 = arith.constant 128 : i32
    %mul3A_141 = arith.muli %add3A_139, %mul3A_140 : i32
    %dma_wait3A_142 = arith.constant 0 : i32
    %dma_wait3A_143 = arith.constant 1 : i32
    %dma_wait3A_144 = arith.constant 0 : i32
    %dma_wait3A_145 = arith.constant 0 : i32
    %dma_wait3A_146 = tpu.memref_slice %arg6[%dma_wait3A_142, %dma_wait3A_143, %dma_wait3A_144, %dma_wait3A_145] : memref<2x2x128x128xf32, #tpu.memory_space<vmem>> -> memref<1x1x128x128xf32, #tpu.memory_space<vmem>>
    %dma_wait3A_147 = tpu.memref_squeeze %dma_wait3A_146 : memref<1x1x128x128xf32, #tpu.memory_space<vmem>> -> memref<128x128xf32, #tpu.memory_space<vmem>>
    %dma_wait3A_148 = arith.constant 0 : i32
    %dma_wait3A_149 = tpu.memref_slice %arg4[%mul3A_141, %dma_wait3A_148] : memref<819200x128xf32, #tpu.memory_space<hbm>> -> memref<128x128xf32, #tpu.memory_space<hbm>>
    %dma_wait3A_150 = arith.constant 0 : i32
    %dma_wait3A_151 = tpu.memref_slice %arg4[%mul3A_141, %dma_wait3A_150] : memref<819200x128xf32, #tpu.memory_space<hbm>> -> memref<128x128xf32, #tpu.memory_space<hbm>>
    %dma_wait3A_152 = arith.constant 0 : i32
    %dma_wait3A_153 = arith.constant 0 : i32
    %dma_wait3A_154 = tpu.memref_slice %arg6[%dma_wait3A_142, %dma_wait3A_143, %dma_wait3A_152, %dma_wait3A_153] : memref<2x2x128x128xf32, #tpu.memory_space<vmem>> -> memref<1x1x128x128xf32, #tpu.memory_space<vmem>>
    %dma_wait3A_155 = tpu.memref_squeeze %dma_wait3A_154 : memref<1x1x128x128xf32, #tpu.memory_space<vmem>> -> memref<128x128xf32, #tpu.memory_space<vmem>>
    tpu.wait_dma2 semaphore(%arg9 : memref<!tpu.dma_semaphore, #tpu.memory_space<semaphore_mem>>) src(%dma_wait3A_155 : memref<128x128xf32, #tpu.memory_space<vmem>>) dst(%dma_wait3A_151 : memref<128x128xf32, #tpu.memory_space<hbm>>)
    %dma_start3A_156 = arith.constant 4 : i32
    %dma_start3A_157 = arith.constant 0 : i32
    %dma_start3A_158 = arith.constant 0 : i32
    %dma_start3A_159 = arith.constant 0 : i32
    %dma_start3A_160 = arith.constant 0 : i32
    %dma_start3A_161 = tpu.memref_slice %arg6[%dma_start3A_157, %dma_start3A_158, %dma_start3A_159, %dma_start3A_160] : memref<2x2x128x128xf32, #tpu.memory_space<vmem>> -> memref<1x1x128x128xf32, #tpu.memory_space<vmem>>
    %dma_start3A_162 = tpu.memref_squeeze %dma_start3A_161 : memref<1x1x128x128xf32, #tpu.memory_space<vmem>> -> memref<128x128xf32, #tpu.memory_space<vmem>>
    %dma_start3A_163 = arith.constant 0 : i32
    %dma_start3A_164 = tpu.memref_slice %arg5[%dma_start3A_156, %dma_start3A_163] : memref<200x128xi32, #tpu.memory_space<vmem>> -> memref<1x128xi32, #tpu.memory_space<vmem>>
    %dma_start3A_165 = tpu.memref_squeeze %dma_start3A_164 : memref<1x128xi32, #tpu.memory_space<vmem>> -> memref<128xi32, #tpu.memory_space<vmem>>
    %dma_start3A_166 = arith.constant 0 : i32
    %dma_start3A_167 = arith.constant 0 : i32
    %dma_start3A_168 = tpu.memref_slice %arg3[%dma_start3A_166, %dma_start3A_167] : memref<1000000x128xf32, #tpu.memory_space<hbm>> -> memref<1000000x128xf32, #tpu.memory_space<hbm>>
    tpu.enqueue_indirect_dma source(%dma_start3A_168 : memref<1000000x128xf32, #tpu.memory_space<hbm>>) target(%dma_start3A_162 : memref<128x128xf32, #tpu.memory_space<vmem>>) offsets(%dma_start3A_165 : memref<128xi32, #tpu.memory_space<vmem>>) semaphore(%arg7 : memref<!tpu.dma_semaphore, #tpu.memory_space<semaphore_mem>>)
    %dma_start3A_169 = arith.constant 5 : i32
    %dma_start3A_170 = arith.constant 0 : i32
    %dma_start3A_171 = arith.constant 1 : i32
    %dma_start3A_172 = arith.constant 0 : i32
    %dma_start3A_173 = arith.constant 0 : i32
    %dma_start3A_174 = tpu.memref_slice %arg6[%dma_start3A_170, %dma_start3A_171, %dma_start3A_172, %dma_start3A_173] : memref<2x2x128x128xf32, #tpu.memory_space<vmem>> -> memref<1x1x128x128xf32, #tpu.memory_space<vmem>>
    %dma_start3A_175 = tpu.memref_squeeze %dma_start3A_174 : memref<1x1x128x128xf32, #tpu.memory_space<vmem>> -> memref<128x128xf32, #tpu.memory_space<vmem>>
    %dma_start3A_176 = arith.constant 0 : i32
    %dma_start3A_177 = tpu.memref_slice %arg5[%dma_start3A_169, %dma_start3A_176] : memref<200x128xi32, #tpu.memory_space<vmem>> -> memref<1x128xi32, #tpu.memory_space<vmem>>
    %dma_start3A_178 = tpu.memref_squeeze %dma_start3A_177 : memref<1x128xi32, #tpu.memory_space<vmem>> -> memref<128xi32, #tpu.memory_space<vmem>>
    %dma_start3A_179 = arith.constant 0 : i32
    %dma_start3A_180 = arith.constant 0 : i32
    %dma_start3A_181 = tpu.memref_slice %arg3[%dma_start3A_179, %dma_start3A_180] : memref<1000000x128xf32, #tpu.memory_space<hbm>> -> memref<1000000x128xf32, #tpu.memory_space<hbm>>
    tpu.enqueue_indirect_dma source(%dma_start3A_181 : memref<1000000x128xf32, #tpu.memory_space<hbm>>) target(%dma_start3A_175 : memref<128x128xf32, #tpu.memory_space<vmem>>) offsets(%dma_start3A_178 : memref<128xi32, #tpu.memory_space<vmem>>) semaphore(%arg7 : memref<!tpu.dma_semaphore, #tpu.memory_space<semaphore_mem>>)
    %dma_wait3A_182 = arith.constant 2 : i32
    %dma_wait3A_183 = arith.constant 1 : i32
    %dma_wait3A_184 = arith.constant 0 : i32
    %dma_wait3A_185 = arith.constant 0 : i32
    %dma_wait3A_186 = arith.constant 0 : i32
    %dma_wait3A_187 = tpu.memref_slice %arg6[%dma_wait3A_183, %dma_wait3A_184, %dma_wait3A_185, %dma_wait3A_186] : memref<2x2x128x128xf32, #tpu.memory_space<vmem>> -> memref<1x1x128x128xf32, #tpu.memory_space<vmem>>
    %dma_wait3A_188 = tpu.memref_squeeze %dma_wait3A_187 : memref<1x1x128x128xf32, #tpu.memory_space<vmem>> -> memref<128x128xf32, #tpu.memory_space<vmem>>
    %dma_wait3A_189 = arith.constant 0 : i32
    %dma_wait3A_190 = tpu.memref_slice %arg5[%dma_wait3A_182, %dma_wait3A_189] : memref<200x128xi32, #tpu.memory_space<vmem>> -> memref<1x128xi32, #tpu.memory_space<vmem>>
    %dma_wait3A_191 = tpu.memref_squeeze %dma_wait3A_190 : memref<1x128xi32, #tpu.memory_space<vmem>> -> memref<128xi32, #tpu.memory_space<vmem>>
    %dma_wait3A_192 = arith.constant 0 : i32
    %dma_wait3A_193 = arith.constant 0 : i32
    %dma_wait3A_194 = tpu.memref_slice %arg3[%dma_wait3A_192, %dma_wait3A_193] : memref<1000000x128xf32, #tpu.memory_space<hbm>> -> memref<1000000x128xf32, #tpu.memory_space<hbm>>
    tpu.wait_indirect_dma semaphore(%arg8 : memref<!tpu.dma_semaphore, #tpu.memory_space<semaphore_mem>>) src(%dma_wait3A_194 : memref<1000000x128xf32, #tpu.memory_space<hbm>>) dst(%dma_wait3A_188 : memref<128x128xf32, #tpu.memory_space<vmem>>)
    %dma_wait3A_195 = arith.constant 3 : i32
    %dma_wait3A_196 = arith.constant 1 : i32
    %dma_wait3A_197 = arith.constant 1 : i32
    %dma_wait3A_198 = arith.constant 0 : i32
    %dma_wait3A_199 = arith.constant 0 : i32
    %dma_wait3A_200 = tpu.memref_slice %arg6[%dma_wait3A_196, %dma_wait3A_197, %dma_wait3A_198, %dma_wait3A_199] : memref<2x2x128x128xf32, #tpu.memory_space<vmem>> -> memref<1x1x128x128xf32, #tpu.memory_space<vmem>>
    %dma_wait3A_201 = tpu.memref_squeeze %dma_wait3A_200 : memref<1x1x128x128xf32, #tpu.memory_space<vmem>> -> memref<128x128xf32, #tpu.memory_space<vmem>>
    %dma_wait3A_202 = arith.constant 0 : i32
    %dma_wait3A_203 = tpu.memref_slice %arg5[%dma_wait3A_195, %dma_wait3A_202] : memref<200x128xi32, #tpu.memory_space<vmem>> -> memref<1x128xi32, #tpu.memory_space<vmem>>
    %dma_wait3A_204 = tpu.memref_squeeze %dma_wait3A_203 : memref<1x128xi32, #tpu.memory_space<vmem>> -> memref<128xi32, #tpu.memory_space<vmem>>
    %dma_wait3A_205 = arith.constant 0 : i32
    %dma_wait3A_206 = arith.constant 0 : i32
    %dma_wait3A_207 = tpu.memref_slice %arg3[%dma_wait3A_205, %dma_wait3A_206] : memref<1000000x128xf32, #tpu.memory_space<hbm>> -> memref<1000000x128xf32, #tpu.memory_space<hbm>>
    tpu.wait_indirect_dma semaphore(%arg8 : memref<!tpu.dma_semaphore, #tpu.memory_space<semaphore_mem>>) src(%dma_wait3A_207 : memref<1000000x128xf32, #tpu.memory_space<hbm>>) dst(%dma_wait3A_201 : memref<128x128xf32, #tpu.memory_space<vmem>>)
    %scan3A_208 = arith.constant 0 : i32
    %scan3A_209 = arith.constant 0 : i32
    %scan3A_210 = arith.constant 128 : i32
    %scan3A_211 = arith.addi %scan3A_209, %scan3A_210 : i32
    %scan3A_212 = arith.constant 4 : i32
    scf.for %scan3A_526 = %scan3A_209 to %scan3A_211 step %scan3A_212  : i32 {
      %get3A = arith.constant 1 : i32
      %get3A_527 = arith.constant 0 : i32
      %get3A_528 = arith.index_cast %get3A : i32 to index
      %get3A_529 = arith.index_cast %get3A_527 : i32 to index
      %get3A_530 = arith.index_cast %scan3A_526 : i32 to index
      %get3A_531 = arith.constant 0 : index
      %get3A_532 = tpu.vector_load %arg6[%get3A_528, %get3A_529, %get3A_530, %get3A_531] {strides = array<i32>} : memref<2x2x128x128xf32, #tpu.memory_space<vmem>>, vector<1x1x1x16xf32>,
      %get3A_533 = vector.shape_cast %get3A_532 : vector<1x1x1x16xf32> to vector<16xf32>
      %mul3A_534 = arith.constant 8.000000e+00 : f32
      %mul3A_535 = vector.broadcast %mul3A_534 : f32 to vector<16xf32>
      %mul3A_536 = arith.mulf %get3A_533, %mul3A_535 : vector<16xf32>
      %swap3A = arith.constant 1 : i32
      %swap3A_537 = arith.constant 0 : i32
      %swap3A_538 = arith.index_cast %swap3A : i32 to index
      %swap3A_539 = arith.index_cast %swap3A_537 : i32 to index
      %swap3A_540 = arith.index_cast %scan3A_526 : i32 to index
      %swap3A_541 = arith.constant 0 : index
      %swap3A_542 = tpu.vector_load %arg6[%swap3A_538, %swap3A_539, %swap3A_540, %swap3A_541] {strides = array<i32>} : memref<2x2x128x128xf32, #tpu.memory_space<vmem>>, vector<1x1x1x16xf32>,
      %swap3A_543 = vector.shape_cast %swap3A_542 : vector<1x1x1x16xf32> to vector<16xf32>
      %swap3A_544 = vector.shape_cast %mul3A_536 : vector<16xf32> to vector<1x1x1x16xf32>
      tpu.vector_store %arg6[%swap3A_538, %swap3A_539, %swap3A_540, %swap3A_541], %swap3A_544 {strides = array<i32>} : memref<2x2x128x128xf32, #tpu.memory_space<vmem>>, vector<1x1x1x16xf32>,
      %get3A_545 = arith.constant 1 : i32
      %get3A_546 = arith.constant 0 : i32
      %get3A_547 = arith.index_cast %get3A_545 : i32 to index
      %get3A_548 = arith.index_cast %get3A_546 : i32 to index
      %get3A_549 = arith.index_cast %scan3A_526 : i32 to index
      %get3A_550 = arith.constant 16 : index
      %get3A_551 = tpu.vector_load %arg6[%get3A_547, %get3A_548, %get3A_549, %get3A_550] {strides = array<i32>} : memref<2x2x128x128xf32, #tpu.memory_space<vmem>>, vector<1x1x1x16xf32>,
      %get3A_552 = vector.shape_cast %get3A_551 : vector<1x1x1x16xf32> to vector<16xf32>
      %mul3A_553 = arith.constant 8.000000e+00 : f32
      %mul3A_554 = vector.broadcast %mul3A_553 : f32 to vector<16xf32>
      %mul3A_555 = arith.mulf %get3A_552, %mul3A_554 : vector<16xf32>
      %swap3A_556 = arith.constant 1 : i32
      %swap3A_557 = arith.constant 0 : i32
      %swap3A_558 = arith.index_cast %swap3A_556 : i32 to index
      %swap3A_559 = arith.index_cast %swap3A_557 : i32 to index
      %swap3A_560 = arith.index_cast %scan3A_526 : i32 to index
      %swap3A_561 = arith.constant 16 : index
      %swap3A_562 = tpu.vector_load %arg6[%swap3A_558, %swap3A_559, %swap3A_560, %swap3A_561] {strides = array<i32>} : memref<2x2x128x128xf32, #tpu.memory_space<vmem>>, vector<1x1x1x16xf32>,
      %swap3A_563 = vector.shape_cast %swap3A_562 : vector<1x1x1x16xf32> to vector<16xf32>
      %swap3A_564 = vector.shape_cast %mul3A_555 : vector<16xf32> to vector<1x1x1x16xf32>
      tpu.vector_store %arg6[%swap3A_558, %swap3A_559, %swap3A_560, %swap3A_561], %swap3A_564 {strides = array<i32>} : memref<2x2x128x128xf32, #tpu.memory_space<vmem>>, vector<1x1x1x16xf32>,
      %get3A_565 = arith.constant 1 : i32
      %get3A_566 = arith.constant 0 : i32
      %get3A_567 = arith.index_cast %get3A_565 : i32 to index
      %get3A_568 = arith.index_cast %get3A_566 : i32 to index
      %get3A_569 = arith.index_cast %scan3A_526 : i32 to index
      %get3A_570 = arith.constant 32 : index
      %get3A_571 = tpu.vector_load %arg6[%get3A_567, %get3A_568, %get3A_569, %get3A_570] {strides = array<i32>} : memref<2x2x128x128xf32, #tpu.memory_space<vmem>>, vector<1x1x1x16xf32>,
      %get3A_572 = vector.shape_cast %get3A_571 : vector<1x1x1x16xf32> to vector<16xf32>
      %mul3A_573 = arith.constant 8.000000e+00 : f32
      %mul3A_574 = vector.broadcast %mul3A_573 : f32 to vector<16xf32>
      %mul3A_575 = arith.mulf %get3A_572, %mul3A_574 : vector<16xf32>
      %swap3A_576 = arith.constant 1 : i32
      %swap3A_577 = arith.constant 0 : i32
      %swap3A_578 = arith.index_cast %swap3A_576 : i32 to index
      %swap3A_579 = arith.index_cast %swap3A_577 : i32 to index
      %swap3A_580 = arith.index_cast %scan3A_526 : i32 to index
      %swap3A_581 = arith.constant 32 : index
      %swap3A_582 = tpu.vector_load %arg6[%swap3A_578, %swap3A_579, %swap3A_580, %swap3A_581] {strides = array<i32>} : memref<2x2x128x128xf32, #tpu.memory_space<vmem>>, vector<1x1x1x16xf32>,
      %swap3A_583 = vector.shape_cast %swap3A_582 : vector<1x1x1x16xf32> to vector<16xf32>
      %swap3A_584 = vector.shape_cast %mul3A_575 : vector<16xf32> to vector<1x1x1x16xf32>
      tpu.vector_store %arg6[%swap3A_578, %swap3A_579, %swap3A_580, %swap3A_581], %swap3A_584 {strides = array<i32>} : memref<2x2x128x128xf32, #tpu.memory_space<vmem>>, vector<1x1x1x16xf32>,
      %get3A_585 = arith.constant 1 : i32
      %get3A_586 = arith.constant 0 : i32
      %get3A_587 = arith.index_cast %get3A_585 : i32 to index
      %get3A_588 = arith.index_cast %get3A_586 : i32 to index
      %get3A_589 = arith.index_cast %scan3A_526 : i32 to index
      %get3A_590 = arith.constant 48 : index
      %get3A_591 = tpu.vector_load %arg6[%get3A_587, %get3A_588, %get3A_589, %get3A_590] {strides = array<i32>} : memref<2x2x128x128xf32, #tpu.memory_space<vmem>>, vector<1x1x1x16xf32>,
      %get3A_592 = vector.shape_cast %get3A_591 : vector<1x1x1x16xf32> to vector<16xf32>
      %mul3A_593 = arith.constant 8.000000e+00 : f32
      %mul3A_594 = vector.broadcast %mul3A_593 : f32 to vector<16xf32>
      %mul3A_595 = arith.mulf %get3A_592, %mul3A_594 : vector<16xf32>
      %swap3A_596 = arith.constant 1 : i32
      %swap3A_597 = arith.constant 0 : i32
      %swap3A_598 = arith.index_cast %swap3A_596 : i32 to index
      %swap3A_599 = arith.index_cast %swap3A_597 : i32 to index
      %swap3A_600 = arith.index_cast %scan3A_526 : i32 to index
      %swap3A_601 = arith.constant 48 : index
      %swap3A_602 = tpu.vector_load %arg6[%swap3A_598, %swap3A_599, %swap3A_600, %swap3A_601] {strides = array<i32>} : memref<2x2x128x128xf32, #tpu.memory_space<vmem>>, vector<1x1x1x16xf32>,
      %swap3A_603 = vector.shape_cast %swap3A_602 : vector<1x1x1x16xf32> to vector<16xf32>
      %swap3A_604 = vector.shape_cast %mul3A_595 : vector<16xf32> to vector<1x1x1x16xf32>
      tpu.vector_store %arg6[%swap3A_598, %swap3A_599, %swap3A_600, %swap3A_601], %swap3A_604 {strides = array<i32>} : memref<2x2x128x128xf32, #tpu.memory_space<vmem>>, vector<1x1x1x16xf32>,
      %get3A_605 = arith.constant 1 : i32
      %get3A_606 = arith.constant 1 : i32
      %get3A_607 = arith.index_cast %get3A_605 : i32 to index
      %get3A_608 = arith.index_cast %get3A_606 : i32 to index
      %get3A_609 = arith.index_cast %scan3A_526 : i32 to index
      %get3A_610 = arith.constant 0 : index
      %get3A_611 = tpu.vector_load %arg6[%get3A_607, %get3A_608, %get3A_609, %get3A_610] {strides = array<i32>} : memref<2x2x128x128xf32, #tpu.memory_space<vmem>>, vector<1x1x1x16xf32>,
      %get3A_612 = vector.shape_cast %get3A_611 : vector<1x1x1x16xf32> to vector<16xf32>
      %mul3A_613 = arith.constant 8.000000e+00 : f32
      %mul3A_614 = vector.broadcast %mul3A_613 : f32 to vector<16xf32>
      %mul3A_615 = arith.mulf %get3A_612, %mul3A_614 : vector<16xf32>
      %swap3A_616 = arith.constant 1 : i32
      %swap3A_617 = arith.constant 1 : i32
      %swap3A_618 = arith.index_cast %swap3A_616 : i32 to index
      %swap3A_619 = arith.index_cast %swap3A_617 : i32 to index
      %swap3A_620 = arith.index_cast %scan3A_526 : i32 to index
      %swap3A_621 = arith.constant 0 : index
      %swap3A_622 = tpu.vector_load %arg6[%swap3A_618, %swap3A_619, %swap3A_620, %swap3A_621] {strides = array<i32>} : memref<2x2x128x128xf32, #tpu.memory_space<vmem>>, vector<1x1x1x16xf32>,
      %swap3A_623 = vector.shape_cast %swap3A_622 : vector<1x1x1x16xf32> to vector<16xf32>
      %swap3A_624 = vector.shape_cast %mul3A_615 : vector<16xf32> to vector<1x1x1x16xf32>
      tpu.vector_store %arg6[%swap3A_618, %swap3A_619, %swap3A_620, %swap3A_621], %swap3A_624 {strides = array<i32>} : memref<2x2x128x128xf32, #tpu.memory_space<vmem>>, vector<1x1x1x16xf32>,
      %get3A_625 = arith.constant 1 : i32
      %get3A_626 = arith.constant 1 : i32
      %get3A_627 = arith.index_cast %get3A_625 : i32 to index
      %get3A_628 = arith.index_cast %get3A_626 : i32 to index
      %get3A_629 = arith.index_cast %scan3A_526 : i32 to index
      %get3A_630 = arith.constant 16 : index
      %get3A_631 = tpu.vector_load %arg6[%get3A_627, %get3A_628, %get3A_629, %get3A_630] {strides = array<i32>} : memref<2x2x128x128xf32, #tpu.memory_space<vmem>>, vector<1x1x1x16xf32>,
      %get3A_632 = vector.shape_cast %get3A_631 : vector<1x1x1x16xf32> to vector<16xf32>
      %mul3A_633 = arith.constant 8.000000e+00 : f32
      %mul3A_634 = vector.broadcast %mul3A_633 : f32 to vector<16xf32>
      %mul3A_635 = arith.mulf %get3A_632, %mul3A_634 : vector<16xf32>
      %swap3A_636 = arith.constant 1 : i32
      %swap3A_637 = arith.constant 1 : i32
      %swap3A_638 = arith.index_cast %swap3A_636 : i32 to index
      %swap3A_639 = arith.index_cast %swap3A_637 : i32 to index
      %swap3A_640 = arith.index_cast %scan3A_526 : i32 to index
      %swap3A_641 = arith.constant 16 : index
      %swap3A_642 = tpu.vector_load %arg6[%swap3A_638, %swap3A_639, %swap3A_640, %swap3A_641] {strides = array<i32>} : memref<2x2x128x128xf32, #tpu.memory_space<vmem>>, vector<1x1x1x16xf32>,
      %swap3A_643 = vector.shape_cast %swap3A_642 : vector<1x1x1x16xf32> to vector<16xf32>
      %swap3A_644 = vector.shape_cast %mul3A_635 : vector<16xf32> to vector<1x1x1x16xf32>
      tpu.vector_store %arg6[%swap3A_638, %swap3A_639, %swap3A_640, %swap3A_641], %swap3A_644 {strides = array<i32>} : memref<2x2x128x128xf32, #tpu.memory_space<vmem>>, vector<1x1x1x16xf32>,
      %get3A_645 = arith.constant 1 : i32
      %get3A_646 = arith.constant 1 : i32
      %get3A_647 = arith.index_cast %get3A_645 : i32 to index
      %get3A_648 = arith.index_cast %get3A_646 : i32 to index
      %get3A_649 = arith.index_cast %scan3A_526 : i32 to index
      %get3A_650 = arith.constant 32 : index
      %get3A_651 = tpu.vector_load %arg6[%get3A_647, %get3A_648, %get3A_649, %get3A_650] {strides = array<i32>} : memref<2x2x128x128xf32, #tpu.memory_space<vmem>>, vector<1x1x1x16xf32>,
      %get3A_652 = vector.shape_cast %get3A_651 : vector<1x1x1x16xf32> to vector<16xf32>
      %mul3A_653 = arith.constant 8.000000e+00 : f32
      %mul3A_654 = vector.broadcast %mul3A_653 : f32 to vector<16xf32>
      %mul3A_655 = arith.mulf %get3A_652, %mul3A_654 : vector<16xf32>
      %swap3A_656 = arith.constant 1 : i32
      %swap3A_657 = arith.constant 1 : i32
      %swap3A_658 = arith.index_cast %swap3A_656 : i32 to index
      %swap3A_659 = arith.index_cast %swap3A_657 : i32 to index
      %swap3A_660 = arith.index_cast %scan3A_526 : i32 to index
      %swap3A_661 = arith.constant 32 : index
      %swap3A_662 = tpu.vector_load %arg6[%swap3A_658, %swap3A_659, %swap3A_660, %swap3A_661] {strides = array<i32>} : memref<2x2x128x128xf32, #tpu.memory_space<vmem>>, vector<1x1x1x16xf32>,
      %swap3A_663 = vector.shape_cast %swap3A_662 : vector<1x1x1x16xf32> to vector<16xf32>
      %swap3A_664 = vector.shape_cast %mul3A_655 : vector<16xf32> to vector<1x1x1x16xf32>
      tpu.vector_store %arg6[%swap3A_658, %swap3A_659, %swap3A_660, %swap3A_661], %swap3A_664 {strides = array<i32>} : memref<2x2x128x128xf32, #tpu.memory_space<vmem>>, vector<1x1x1x16xf32>,
      %get3A_665 = arith.constant 1 : i32
      %get3A_666 = arith.constant 1 : i32
      %get3A_667 = arith.index_cast %get3A_665 : i32 to index
      %get3A_668 = arith.index_cast %get3A_666 : i32 to index
      %get3A_669 = arith.index_cast %scan3A_526 : i32 to index
      %get3A_670 = arith.constant 48 : index
      %get3A_671 = tpu.vector_load %arg6[%get3A_667, %get3A_668, %get3A_669, %get3A_670] {strides = array<i32>} : memref<2x2x128x128xf32, #tpu.memory_space<vmem>>, vector<1x1x1x16xf32>,
      %get3A_672 = vector.shape_cast %get3A_671 : vector<1x1x1x16xf32> to vector<16xf32>
      %mul3A_673 = arith.constant 8.000000e+00 : f32
      %mul3A_674 = vector.broadcast %mul3A_673 : f32 to vector<16xf32>
      %mul3A_675 = arith.mulf %get3A_672, %mul3A_674 : vector<16xf32>
      %swap3A_676 = arith.constant 1 : i32
      %swap3A_677 = arith.constant 1 : i32
      %swap3A_678 = arith.index_cast %swap3A_676 : i32 to index
      %swap3A_679 = arith.index_cast %swap3A_677 : i32 to index
      %swap3A_680 = arith.index_cast %scan3A_526 : i32 to index
      %swap3A_681 = arith.constant 48 : index
      %swap3A_682 = tpu.vector_load %arg6[%swap3A_678, %swap3A_679, %swap3A_680, %swap3A_681] {strides = array<i32>} : memref<2x2x128x128xf32, #tpu.memory_space<vmem>>, vector<1x1x1x16xf32>,
      %swap3A_683 = vector.shape_cast %swap3A_682 : vector<1x1x1x16xf32> to vector<16xf32>
      %swap3A_684 = vector.shape_cast %mul3A_675 : vector<16xf32> to vector<1x1x1x16xf32>
      tpu.vector_store %arg6[%swap3A_678, %swap3A_679, %swap3A_680, %swap3A_681], %swap3A_684 {strides = array<i32>} : memref<2x2x128x128xf32, #tpu.memory_space<vmem>>, vector<1x1x1x16xf32>,
      %scan3A_685 = arith.constant 1 : i32
      %scan3A_686 = arith.addi %scan3A_526, %scan3A_685 : i32
      %get3A_687 = arith.constant 1 : i32
      %get3A_688 = arith.constant 0 : i32
      %get3A_689 = arith.index_cast %get3A_687 : i32 to index
      %get3A_690 = arith.index_cast %get3A_688 : i32 to index
      %get3A_691 = arith.index_cast %scan3A_686 : i32 to index
      %get3A_692 = arith.constant 0 : index
      %get3A_693 = tpu.vector_load %arg6[%get3A_689, %get3A_690, %get3A_691, %get3A_692] {strides = array<i32>} : memref<2x2x128x128xf32, #tpu.memory_space<vmem>>, vector<1x1x1x16xf32>,
      %get3A_694 = vector.shape_cast %get3A_693 : vector<1x1x1x16xf32> to vector<16xf32>
      %mul3A_695 = arith.constant 8.000000e+00 : f32
      %mul3A_696 = vector.broadcast %mul3A_695 : f32 to vector<16xf32>
      %mul3A_697 = arith.mulf %get3A_694, %mul3A_696 : vector<16xf32>
      %swap3A_698 = arith.constant 1 : i32
      %swap3A_699 = arith.constant 0 : i32
      %swap3A_700 = arith.index_cast %swap3A_698 : i32 to index
      %swap3A_701 = arith.index_cast %swap3A_699 : i32 to index
      %swap3A_702 = arith.index_cast %scan3A_686 : i32 to index
      %swap3A_703 = arith.constant 0 : index
      %swap3A_704 = tpu.vector_load %arg6[%swap3A_700, %swap3A_701, %swap3A_702, %swap3A_703] {strides = array<i32>} : memref<2x2x128x128xf32, #tpu.memory_space<vmem>>, vector<1x1x1x16xf32>,
      %swap3A_705 = vector.shape_cast %swap3A_704 : vector<1x1x1x16xf32> to vector<16xf32>
      %swap3A_706 = vector.shape_cast %mul3A_697 : vector<16xf32> to vector<1x1x1x16xf32>
      tpu.vector_store %arg6[%swap3A_700, %swap3A_701, %swap3A_702, %swap3A_703], %swap3A_706 {strides = array<i32>} : memref<2x2x128x128xf32, #tpu.memory_space<vmem>>, vector<1x1x1x16xf32>,
      %get3A_707 = arith.constant 1 : i32
      %get3A_708 = arith.constant 0 : i32
      %get3A_709 = arith.index_cast %get3A_707 : i32 to index
      %get3A_710 = arith.index_cast %get3A_708 : i32 to index
      %get3A_711 = arith.index_cast %scan3A_686 : i32 to index
      %get3A_712 = arith.constant 16 : index
      %get3A_713 = tpu.vector_load %arg6[%get3A_709, %get3A_710, %get3A_711, %get3A_712] {strides = array<i32>} : memref<2x2x128x128xf32, #tpu.memory_space<vmem>>, vector<1x1x1x16xf32>,
      %get3A_714 = vector.shape_cast %get3A_713 : vector<1x1x1x16xf32> to vector<16xf32>
      %mul3A_715 = arith.constant 8.000000e+00 : f32
      %mul3A_716 = vector.broadcast %mul3A_715 : f32 to vector<16xf32>
      %mul3A_717 = arith.mulf %get3A_714, %mul3A_716 : vector<16xf32>
      %swap3A_718 = arith.constant 1 : i32
      %swap3A_719 = arith.constant 0 : i32
      %swap3A_720 = arith.index_cast %swap3A_718 : i32 to index
      %swap3A_721 = arith.index_cast %swap3A_719 : i32 to index
      %swap3A_722 = arith.index_cast %scan3A_686 : i32 to index
      %swap3A_723 = arith.constant 16 : index
      %swap3A_724 = tpu.vector_load %arg6[%swap3A_720, %swap3A_721, %swap3A_722, %swap3A_723] {strides = array<i32>} : memref<2x2x128x128xf32, #tpu.memory_space<vmem>>, vector<1x1x1x16xf32>,
      %swap3A_725 = vector.shape_cast %swap3A_724 : vector<1x1x1x16xf32> to vector<16xf32>
      %swap3A_726 = vector.shape_cast %mul3A_717 : vector<16xf32> to vector<1x1x1x16xf32>
      tpu.vector_store %arg6[%swap3A_720, %swap3A_721, %swap3A_722, %swap3A_723], %swap3A_726 {strides = array<i32>} : memref<2x2x128x128xf32, #tpu.memory_space<vmem>>, vector<1x1x1x16xf32>,
      %get3A_727 = arith.constant 1 : i32
      %get3A_728 = arith.constant 0 : i32
      %get3A_729 = arith.index_cast %get3A_727 : i32 to index
      %get3A_730 = arith.index_cast %get3A_728 : i32 to index
      %get3A_731 = arith.index_cast %scan3A_686 : i32 to index
      %get3A_732 = arith.constant 32 : index
      %get3A_733 = tpu.vector_load %arg6[%get3A_729, %get3A_730, %get3A_731, %get3A_732] {strides = array<i32>} : memref<2x2x128x128xf32, #tpu.memory_space<vmem>>, vector<1x1x1x16xf32>,
      %get3A_734 = vector.shape_cast %get3A_733 : vector<1x1x1x16xf32> to vector<16xf32>
      %mul3A_735 = arith.constant 8.000000e+00 : f32
      %mul3A_736 = vector.broadcast %mul3A_735 : f32 to vector<16xf32>
      %mul3A_737 = arith.mulf %get3A_734, %mul3A_736 : vector<16xf32>
      %swap3A_738 = arith.constant 1 : i32
      %swap3A_739 = arith.constant 0 : i32
      %swap3A_740 = arith.index_cast %swap3A_738 : i32 to index
      %swap3A_741 = arith.index_cast %swap3A_739 : i32 to index
      %swap3A_742 = arith.index_cast %scan3A_686 : i32 to index
      %swap3A_743 = arith.constant 32 : index
      %swap3A_744 = tpu.vector_load %arg6[%swap3A_740, %swap3A_741, %swap3A_742, %swap3A_743] {strides = array<i32>} : memref<2x2x128x128xf32, #tpu.memory_space<vmem>>, vector<1x1x1x16xf32>,
      %swap3A_745 = vector.shape_cast %swap3A_744 : vector<1x1x1x16xf32> to vector<16xf32>
      %swap3A_746 = vector.shape_cast %mul3A_737 : vector<16xf32> to vector<1x1x1x16xf32>
      tpu.vector_store %arg6[%swap3A_740, %swap3A_741, %swap3A_742, %swap3A_743], %swap3A_746 {strides = array<i32>} : memref<2x2x128x128xf32, #tpu.memory_space<vmem>>, vector<1x1x1x16xf32>,
      %get3A_747 = arith.constant 1 : i32
      %get3A_748 = arith.constant 0 : i32
      %get3A_749 = arith.index_cast %get3A_747 : i32 to index
      %get3A_750 = arith.index_cast %get3A_748 : i32 to index
      %get3A_751 = arith.index_cast %scan3A_686 : i32 to index
      %get3A_752 = arith.constant 48 : index
      %get3A_753 = tpu.vector_load %arg6[%get3A_749, %get3A_750, %get3A_751, %get3A_752] {strides = array<i32>} : memref<2x2x128x128xf32, #tpu.memory_space<vmem>>, vector<1x1x1x16xf32>,
      %get3A_754 = vector.shape_cast %get3A_753 : vector<1x1x1x16xf32> to vector<16xf32>
      %mul3A_755 = arith.constant 8.000000e+00 : f32
      %mul3A_756 = vector.broadcast %mul3A_755 : f32 to vector<16xf32>
      %mul3A_757 = arith.mulf %get3A_754, %mul3A_756 : vector<16xf32>
      %swap3A_758 = arith.constant 1 : i32
      %swap3A_759 = arith.constant 0 : i32
      %swap3A_760 = arith.index_cast %swap3A_758 : i32 to index
      %swap3A_761 = arith.index_cast %swap3A_759 : i32 to index
      %swap3A_762 = arith.index_cast %scan3A_686 : i32 to index
      %swap3A_763 = arith.constant 48 : index
      %swap3A_764 = tpu.vector_load %arg6[%swap3A_760, %swap3A_761, %swap3A_762, %swap3A_763] {strides = array<i32>} : memref<2x2x128x128xf32, #tpu.memory_space<vmem>>, vector<1x1x1x16xf32>,
      %swap3A_765 = vector.shape_cast %swap3A_764 : vector<1x1x1x16xf32> to vector<16xf32>
      %swap3A_766 = vector.shape_cast %mul3A_757 : vector<16xf32> to vector<1x1x1x16xf32>
      tpu.vector_store %arg6[%swap3A_760, %swap3A_761, %swap3A_762, %swap3A_763], %swap3A_766 {strides = array<i32>} : memref<2x2x128x128xf32, #tpu.memory_space<vmem>>, vector<1x1x1x16xf32>,
      %get3A_767 = arith.constant 1 : i32
      %get3A_768 = arith.constant 1 : i32
      %get3A_769 = arith.index_cast %get3A_767 : i32 to index
      %get3A_770 = arith.index_cast %get3A_768 : i32 to index
      %get3A_771 = arith.index_cast %scan3A_686 : i32 to index
      %get3A_772 = arith.constant 0 : index
      %get3A_773 = tpu.vector_load %arg6[%get3A_769, %get3A_770, %get3A_771, %get3A_772] {strides = array<i32>} : memref<2x2x128x128xf32, #tpu.memory_space<vmem>>, vector<1x1x1x16xf32>,
      %get3A_774 = vector.shape_cast %get3A_773 : vector<1x1x1x16xf32> to vector<16xf32>
      %mul3A_775 = arith.constant 8.000000e+00 : f32
      %mul3A_776 = vector.broadcast %mul3A_775 : f32 to vector<16xf32>
      %mul3A_777 = arith.mulf %get3A_774, %mul3A_776 : vector<16xf32>
      %swap3A_778 = arith.constant 1 : i32
      %swap3A_779 = arith.constant 1 : i32
      %swap3A_780 = arith.index_cast %swap3A_778 : i32 to index
      %swap3A_781 = arith.index_cast %swap3A_779 : i32 to index
      %swap3A_782 = arith.index_cast %scan3A_686 : i32 to index
      %swap3A_783 = arith.constant 0 : index
      %swap3A_784 = tpu.vector_load %arg6[%swap3A_780, %swap3A_781, %swap3A_782, %swap3A_783] {strides = array<i32>} : memref<2x2x128x128xf32, #tpu.memory_space<vmem>>, vector<1x1x1x16xf32>,
      %swap3A_785 = vector.shape_cast %swap3A_784 : vector<1x1x1x16xf32> to vector<16xf32>
      %swap3A_786 = vector.shape_cast %mul3A_777 : vector<16xf32> to vector<1x1x1x16xf32>
      tpu.vector_store %arg6[%swap3A_780, %swap3A_781, %swap3A_782, %swap3A_783], %swap3A_786 {strides = array<i32>} : memref<2x2x128x128xf32, #tpu.memory_space<vmem>>, vector<1x1x1x16xf32>,
      %get3A_787 = arith.constant 1 : i32
      %get3A_788 = arith.constant 1 : i32
      %get3A_789 = arith.index_cast %get3A_787 : i32 to index
      %get3A_790 = arith.index_cast %get3A_788 : i32 to index
      %get3A_791 = arith.index_cast %scan3A_686 : i32 to index
      %get3A_792 = arith.constant 16 : index
      %get3A_793 = tpu.vector_load %arg6[%get3A_789, %get3A_790, %get3A_791, %get3A_792] {strides = array<i32>} : memref<2x2x128x128xf32, #tpu.memory_space<vmem>>, vector<1x1x1x16xf32>,
      %get3A_794 = vector.shape_cast %get3A_793 : vector<1x1x1x16xf32> to vector<16xf32>
      %mul3A_795 = arith.constant 8.000000e+00 : f32
      %mul3A_796 = vector.broadcast %mul3A_795 : f32 to vector<16xf32>
      %mul3A_797 = arith.mulf %get3A_794, %mul3A_796 : vector<16xf32>
      %swap3A_798 = arith.constant 1 : i32
      %swap3A_799 = arith.constant 1 : i32
      %swap3A_800 = arith.index_cast %swap3A_798 : i32 to index
      %swap3A_801 = arith.index_cast %swap3A_799 : i32 to index
      %swap3A_802 = arith.index_cast %scan3A_686 : i32 to index
      %swap3A_803 = arith.constant 16 : index
      %swap3A_804 = tpu.vector_load %arg6[%swap3A_800, %swap3A_801, %swap3A_802, %swap3A_803] {strides = array<i32>} : memref<2x2x128x128xf32, #tpu.memory_space<vmem>>, vector<1x1x1x16xf32>,
      %swap3A_805 = vector.shape_cast %swap3A_804 : vector<1x1x1x16xf32> to vector<16xf32>
      %swap3A_806 = vector.shape_cast %mul3A_797 : vector<16xf32> to vector<1x1x1x16xf32>
      tpu.vector_store %arg6[%swap3A_800, %swap3A_801, %swap3A_802, %swap3A_803], %swap3A_806 {strides = array<i32>} : memref<2x2x128x128xf32, #tpu.memory_space<vmem>>, vector<1x1x1x16xf32>,
      %get3A_807 = arith.constant 1 : i32
      %get3A_808 = arith.constant 1 : i32
      %get3A_809 = arith.index_cast %get3A_807 : i32 to index
      %get3A_810 = arith.index_cast %get3A_808 : i32 to index
      %get3A_811 = arith.index_cast %scan3A_686 : i32 to index
      %get3A_812 = arith.constant 32 : index
      %get3A_813 = tpu.vector_load %arg6[%get3A_809, %get3A_810, %get3A_811, %get3A_812] {strides = array<i32>} : memref<2x2x128x128xf32, #tpu.memory_space<vmem>>, vector<1x1x1x16xf32>,
      %get3A_814 = vector.shape_cast %get3A_813 : vector<1x1x1x16xf32> to vector<16xf32>
      %mul3A_815 = arith.constant 8.000000e+00 : f32
      %mul3A_816 = vector.broadcast %mul3A_815 : f32 to vector<16xf32>
      %mul3A_817 = arith.mulf %get3A_814, %mul3A_816 : vector<16xf32>
      %swap3A_818 = arith.constant 1 : i32
      %swap3A_819 = arith.constant 1 : i32
      %swap3A_820 = arith.index_cast %swap3A_818 : i32 to index
      %swap3A_821 = arith.index_cast %swap3A_819 : i32 to index
      %swap3A_822 = arith.index_cast %scan3A_686 : i32 to index
      %swap3A_823 = arith.constant 32 : index
      %swap3A_824 = tpu.vector_load %arg6[%swap3A_820, %swap3A_821, %swap3A_822, %swap3A_823] {strides = array<i32>} : memref<2x2x128x128xf32, #tpu.memory_space<vmem>>, vector<1x1x1x16xf32>,
      %swap3A_825 = vector.shape_cast %swap3A_824 : vector<1x1x1x16xf32> to vector<16xf32>
      %swap3A_826 = vector.shape_cast %mul3A_817 : vector<16xf32> to vector<1x1x1x16xf32>
      tpu.vector_store %arg6[%swap3A_820, %swap3A_821, %swap3A_822, %swap3A_823], %swap3A_826 {strides = array<i32>} : memref<2x2x128x128xf32, #tpu.memory_space<vmem>>, vector<1x1x1x16xf32>,
      %get3A_827 = arith.constant 1 : i32
      %get3A_828 = arith.constant 1 : i32
      %get3A_829 = arith.index_cast %get3A_827 : i32 to index
      %get3A_830 = arith.index_cast %get3A_828 : i32 to index
      %get3A_831 = arith.index_cast %scan3A_686 : i32 to index
      %get3A_832 = arith.constant 48 : index
      %get3A_833 = tpu.vector_load %arg6[%get3A_829, %get3A_830, %get3A_831, %get3A_832] {strides = array<i32>} : memref<2x2x128x128xf32, #tpu.memory_space<vmem>>, vector<1x1x1x16xf32>,
      %get3A_834 = vector.shape_cast %get3A_833 : vector<1x1x1x16xf32> to vector<16xf32>
      %mul3A_835 = arith.constant 8.000000e+00 : f32
      %mul3A_836 = vector.broadcast %mul3A_835 : f32 to vector<16xf32>
      %mul3A_837 = arith.mulf %get3A_834, %mul3A_836 : vector<16xf32>
      %swap3A_838 = arith.constant 1 : i32
      %swap3A_839 = arith.constant 1 : i32
      %swap3A_840 = arith.index_cast %swap3A_838 : i32 to index
      %swap3A_841 = arith.index_cast %swap3A_839 : i32 to index
      %swap3A_842 = arith.index_cast %scan3A_686 : i32 to index
      %swap3A_843 = arith.constant 48 : index
      %swap3A_844 = tpu.vector_load %arg6[%swap3A_840, %swap3A_841, %swap3A_842, %swap3A_843] {strides = array<i32>} : memref<2x2x128x128xf32, #tpu.memory_space<vmem>>, vector<1x1x1x16xf32>,
      %swap3A_845 = vector.shape_cast %swap3A_844 : vector<1x1x1x16xf32> to vector<16xf32>
      %swap3A_846 = vector.shape_cast %mul3A_837 : vector<16xf32> to vector<1x1x1x16xf32>
      tpu.vector_store %arg6[%swap3A_840, %swap3A_841, %swap3A_842, %swap3A_843], %swap3A_846 {strides = array<i32>} : memref<2x2x128x128xf32, #tpu.memory_space<vmem>>, vector<1x1x1x16xf32>,
      %scan3A_847 = arith.constant 2 : i32
      %scan3A_848 = arith.addi %scan3A_526, %scan3A_847 : i32
      %get3A_849 = arith.constant 1 : i32
      %get3A_850 = arith.constant 0 : i32
      %get3A_851 = arith.index_cast %get3A_849 : i32 to index
      %get3A_852 = arith.index_cast %get3A_850 : i32 to index
      %get3A_853 = arith.index_cast %scan3A_848 : i32 to index
      %get3A_854 = arith.constant 0 : index
      %get3A_855 = tpu.vector_load %arg6[%get3A_851, %get3A_852, %get3A_853, %get3A_854] {strides = array<i32>} : memref<2x2x128x128xf32, #tpu.memory_space<vmem>>, vector<1x1x1x16xf32>,
      %get3A_856 = vector.shape_cast %get3A_855 : vector<1x1x1x16xf32> to vector<16xf32>
      %mul3A_857 = arith.constant 8.000000e+00 : f32
      %mul3A_858 = vector.broadcast %mul3A_857 : f32 to vector<16xf32>
      %mul3A_859 = arith.mulf %get3A_856, %mul3A_858 : vector<16xf32>
      %swap3A_860 = arith.constant 1 : i32
      %swap3A_861 = arith.constant 0 : i32
      %swap3A_862 = arith.index_cast %swap3A_860 : i32 to index
      %swap3A_863 = arith.index_cast %swap3A_861 : i32 to index
      %swap3A_864 = arith.index_cast %scan3A_848 : i32 to index
      %swap3A_865 = arith.constant 0 : index
      %swap3A_866 = tpu.vector_load %arg6[%swap3A_862, %swap3A_863, %swap3A_864, %swap3A_865] {strides = array<i32>} : memref<2x2x128x128xf32, #tpu.memory_space<vmem>>, vector<1x1x1x16xf32>,
      %swap3A_867 = vector.shape_cast %swap3A_866 : vector<1x1x1x16xf32> to vector<16xf32>
      %swap3A_868 = vector.shape_cast %mul3A_859 : vector<16xf32> to vector<1x1x1x16xf32>
      tpu.vector_store %arg6[%swap3A_862, %swap3A_863, %swap3A_864, %swap3A_865], %swap3A_868 {strides = array<i32>} : memref<2x2x128x128xf32, #tpu.memory_space<vmem>>, vector<1x1x1x16xf32>,
      %get3A_869 = arith.constant 1 : i32
      %get3A_870 = arith.constant 0 : i32
      %get3A_871 = arith.index_cast %get3A_869 : i32 to index
      %get3A_872 = arith.index_cast %get3A_870 : i32 to index
      %get3A_873 = arith.index_cast %scan3A_848 : i32 to index
      %get3A_874 = arith.constant 16 : index
      %get3A_875 = tpu.vector_load %arg6[%get3A_871, %get3A_872, %get3A_873, %get3A_874] {strides = array<i32>} : memref<2x2x128x128xf32, #tpu.memory_space<vmem>>, vector<1x1x1x16xf32>,
      %get3A_876 = vector.shape_cast %get3A_875 : vector<1x1x1x16xf32> to vector<16xf32>
      %mul3A_877 = arith.constant 8.000000e+00 : f32
      %mul3A_878 = vector.broadcast %mul3A_877 : f32 to vector<16xf32>
      %mul3A_879 = arith.mulf %get3A_876, %mul3A_878 : vector<16xf32>
      %swap3A_880 = arith.constant 1 : i32
      %swap3A_881 = arith.constant 0 : i32
      %swap3A_882 = arith.index_cast %swap3A_880 : i32 to index
      %swap3A_883 = arith.index_cast %swap3A_881 : i32 to index
      %swap3A_884 = arith.index_cast %scan3A_848 : i32 to index
      %swap3A_885 = arith.constant 16 : index
      %swap3A_886 = tpu.vector_load %arg6[%swap3A_882, %swap3A_883, %swap3A_884, %swap3A_885] {strides = array<i32>} : memref<2x2x128x128xf32, #tpu.memory_space<vmem>>, vector<1x1x1x16xf32>,
      %swap3A_887 = vector.shape_cast %swap3A_886 : vector<1x1x1x16xf32> to vector<16xf32>
      %swap3A_888 = vector.shape_cast %mul3A_879 : vector<16xf32> to vector<1x1x1x16xf32>
      tpu.vector_store %arg6[%swap3A_882, %swap3A_883, %swap3A_884, %swap3A_885], %swap3A_888 {strides = array<i32>} : memref<2x2x128x128xf32, #tpu.memory_space<vmem>>, vector<1x1x1x16xf32>,
      %get3A_889 = arith.constant 1 : i32
      %get3A_890 = arith.constant 0 : i32
      %get3A_891 = arith.index_cast %get3A_889 : i32 to index
      %get3A_892 = arith.index_cast %get3A_890 : i32 to index
      %get3A_893 = arith.index_cast %scan3A_848 : i32 to index
      %get3A_894 = arith.constant 32 : index
      %get3A_895 = tpu.vector_load %arg6[%get3A_891, %get3A_892, %get3A_893, %get3A_894] {strides = array<i32>} : memref<2x2x128x128xf32, #tpu.memory_space<vmem>>, vector<1x1x1x16xf32>,
      %get3A_896 = vector.shape_cast %get3A_895 : vector<1x1x1x16xf32> to vector<16xf32>
      %mul3A_897 = arith.constant 8.000000e+00 : f32
      %mul3A_898 = vector.broadcast %mul3A_897 : f32 to vector<16xf32>
      %mul3A_899 = arith.mulf %get3A_896, %mul3A_898 : vector<16xf32>
      %swap3A_900 = arith.constant 1 : i32
      %swap3A_901 = arith.constant 0 : i32
      %swap3A_902 = arith.index_cast %swap3A_900 : i32 to index
      %swap3A_903 = arith.index_cast %swap3A_901 : i32 to index
      %swap3A_904 = arith.index_cast %scan3A_848 : i32 to index
      %swap3A_905 = arith.constant 32 : index
      %swap3A_906 = tpu.vector_load %arg6[%swap3A_902, %swap3A_903, %swap3A_904, %swap3A_905] {strides = array<i32>} : memref<2x2x128x128xf32, #tpu.memory_space<vmem>>, vector<1x1x1x16xf32>,
      %swap3A_907 = vector.shape_cast %swap3A_906 : vector<1x1x1x16xf32> to vector<16xf32>
      %swap3A_908 = vector.shape_cast %mul3A_899 : vector<16xf32> to vector<1x1x1x16xf32>
      tpu.vector_store %arg6[%swap3A_902, %swap3A_903, %swap3A_904, %swap3A_905], %swap3A_908 {strides = array<i32>} : memref<2x2x128x128xf32, #tpu.memory_space<vmem>>, vector<1x1x1x16xf32>,
      %get3A_909 = arith.constant 1 : i32
      %get3A_910 = arith.constant 0 : i32
      %get3A_911 = arith.index_cast %get3A_909 : i32 to index
      %get3A_912 = arith.index_cast %get3A_910 : i32 to index
      %get3A_913 = arith.index_cast %scan3A_848 : i32 to index
      %get3A_914 = arith.constant 48 : index
      %get3A_915 = tpu.vector_load %arg6[%get3A_911, %get3A_912, %get3A_913, %get3A_914] {strides = array<i32>} : memref<2x2x128x128xf32, #tpu.memory_space<vmem>>, vector<1x1x1x16xf32>,
      %get3A_916 = vector.shape_cast %get3A_915 : vector<1x1x1x16xf32> to vector<16xf32>
      %mul3A_917 = arith.constant 8.000000e+00 : f32
      %mul3A_918 = vector.broadcast %mul3A_917 : f32 to vector<16xf32>
      %mul3A_919 = arith.mulf %get3A_916, %mul3A_918 : vector<16xf32>
      %swap3A_920 = arith.constant 1 : i32
      %swap3A_921 = arith.constant 0 : i32
      %swap3A_922 = arith.index_cast %swap3A_920 : i32 to index
      %swap3A_923 = arith.index_cast %swap3A_921 : i32 to index
      %swap3A_924 = arith.index_cast %scan3A_848 : i32 to index
      %swap3A_925 = arith.constant 48 : index
      %swap3A_926 = tpu.vector_load %arg6[%swap3A_922, %swap3A_923, %swap3A_924, %swap3A_925] {strides = array<i32>} : memref<2x2x128x128xf32, #tpu.memory_space<vmem>>, vector<1x1x1x16xf32>,
      %swap3A_927 = vector.shape_cast %swap3A_926 : vector<1x1x1x16xf32> to vector<16xf32>
      %swap3A_928 = vector.shape_cast %mul3A_919 : vector<16xf32> to vector<1x1x1x16xf32>
      tpu.vector_store %arg6[%swap3A_922, %swap3A_923, %swap3A_924, %swap3A_925], %swap3A_928 {strides = array<i32>} : memref<2x2x128x128xf32, #tpu.memory_space<vmem>>, vector<1x1x1x16xf32>,
      %get3A_929 = arith.constant 1 : i32
      %get3A_930 = arith.constant 1 : i32
      %get3A_931 = arith.index_cast %get3A_929 : i32 to index
      %get3A_932 = arith.index_cast %get3A_930 : i32 to index
      %get3A_933 = arith.index_cast %scan3A_848 : i32 to index
      %get3A_934 = arith.constant 0 : index
      %get3A_935 = tpu.vector_load %arg6[%get3A_931, %get3A_932, %get3A_933, %get3A_934] {strides = array<i32>} : memref<2x2x128x128xf32, #tpu.memory_space<vmem>>, vector<1x1x1x16xf32>,
      %get3A_936 = vector.shape_cast %get3A_935 : vector<1x1x1x16xf32> to vector<16xf32>
      %mul3A_937 = arith.constant 8.000000e+00 : f32
      %mul3A_938 = vector.broadcast %mul3A_937 : f32 to vector<16xf32>
      %mul3A_939 = arith.mulf %get3A_936, %mul3A_938 : vector<16xf32>
      %swap3A_940 = arith.constant 1 : i32
      %swap3A_941 = arith.constant 1 : i32
      %swap3A_942 = arith.index_cast %swap3A_940 : i32 to index
      %swap3A_943 = arith.index_cast %swap3A_941 : i32 to index
      %swap3A_944 = arith.index_cast %scan3A_848 : i32 to index
      %swap3A_945 = arith.constant 0 : index
      %swap3A_946 = tpu.vector_load %arg6[%swap3A_942, %swap3A_943, %swap3A_944, %swap3A_945] {strides = array<i32>} : memref<2x2x128x128xf32, #tpu.memory_space<vmem>>, vector<1x1x1x16xf32>,
      %swap3A_947 = vector.shape_cast %swap3A_946 : vector<1x1x1x16xf32> to vector<16xf32>
      %swap3A_948 = vector.shape_cast %mul3A_939 : vector<16xf32> to vector<1x1x1x16xf32>
      tpu.vector_store %arg6[%swap3A_942, %swap3A_943, %swap3A_944, %swap3A_945], %swap3A_948 {strides = array<i32>} : memref<2x2x128x128xf32, #tpu.memory_space<vmem>>, vector<1x1x1x16xf32>,
      %get3A_949 = arith.constant 1 : i32
      %get3A_950 = arith.constant 1 : i32
      %get3A_951 = arith.index_cast %get3A_949 : i32 to index
      %get3A_952 = arith.index_cast %get3A_950 : i32 to index
      %get3A_953 = arith.index_cast %scan3A_848 : i32 to index
      %get3A_954 = arith.constant 16 : index
      %get3A_955 = tpu.vector_load %arg6[%get3A_951, %get3A_952, %get3A_953, %get3A_954] {strides = array<i32>} : memref<2x2x128x128xf32, #tpu.memory_space<vmem>>, vector<1x1x1x16xf32>,
      %get3A_956 = vector.shape_cast %get3A_955 : vector<1x1x1x16xf32> to vector<16xf32>
      %mul3A_957 = arith.constant 8.000000e+00 : f32
      %mul3A_958 = vector.broadcast %mul3A_957 : f32 to vector<16xf32>
      %mul3A_959 = arith.mulf %get3A_956, %mul3A_958 : vector<16xf32>
      %swap3A_960 = arith.constant 1 : i32
      %swap3A_961 = arith.constant 1 : i32
      %swap3A_962 = arith.index_cast %swap3A_960 : i32 to index
      %swap3A_963 = arith.index_cast %swap3A_961 : i32 to index
      %swap3A_964 = arith.index_cast %scan3A_848 : i32 to index
      %swap3A_965 = arith.constant 16 : index
      %swap3A_966 = tpu.vector_load %arg6[%swap3A_962, %swap3A_963, %swap3A_964, %swap3A_965] {strides = array<i32>} : memref<2x2x128x128xf32, #tpu.memory_space<vmem>>, vector<1x1x1x16xf32>,
      %swap3A_967 = vector.shape_cast %swap3A_966 : vector<1x1x1x16xf32> to vector<16xf32>
      %swap3A_968 = vector.shape_cast %mul3A_959 : vector<16xf32> to vector<1x1x1x16xf32>
      tpu.vector_store %arg6[%swap3A_962, %swap3A_963, %swap3A_964, %swap3A_965], %swap3A_968 {strides = array<i32>} : memref<2x2x128x128xf32, #tpu.memory_space<vmem>>, vector<1x1x1x16xf32>,
      %get3A_969 = arith.constant 1 : i32
      %get3A_970 = arith.constant 1 : i32
      %get3A_971 = arith.index_cast %get3A_969 : i32 to index
      %get3A_972 = arith.index_cast %get3A_970 : i32 to index
      %get3A_973 = arith.index_cast %scan3A_848 : i32 to index
      %get3A_974 = arith.constant 32 : index
      %get3A_975 = tpu.vector_load %arg6[%get3A_971, %get3A_972, %get3A_973, %get3A_974] {strides = array<i32>} : memref<2x2x128x128xf32, #tpu.memory_space<vmem>>, vector<1x1x1x16xf32>,
      %get3A_976 = vector.shape_cast %get3A_975 : vector<1x1x1x16xf32> to vector<16xf32>
      %mul3A_977 = arith.constant 8.000000e+00 : f32
      %mul3A_978 = vector.broadcast %mul3A_977 : f32 to vector<16xf32>
      %mul3A_979 = arith.mulf %get3A_976, %mul3A_978 : vector<16xf32>
      %swap3A_980 = arith.constant 1 : i32
      %swap3A_981 = arith.constant 1 : i32
      %swap3A_982 = arith.index_cast %swap3A_980 : i32 to index
      %swap3A_983 = arith.index_cast %swap3A_981 : i32 to index
      %swap3A_984 = arith.index_cast %scan3A_848 : i32 to index
      %swap3A_985 = arith.constant 32 : index
      %swap3A_986 = tpu.vector_load %arg6[%swap3A_982, %swap3A_983, %swap3A_984, %swap3A_985] {strides = array<i32>} : memref<2x2x128x128xf32, #tpu.memory_space<vmem>>, vector<1x1x1x16xf32>,
      %swap3A_987 = vector.shape_cast %swap3A_986 : vector<1x1x1x16xf32> to vector<16xf32>
      %swap3A_988 = vector.shape_cast %mul3A_979 : vector<16xf32> to vector<1x1x1x16xf32>
      tpu.vector_store %arg6[%swap3A_982, %swap3A_983, %swap3A_984, %swap3A_985], %swap3A_988 {strides = array<i32>} : memref<2x2x128x128xf32, #tpu.memory_space<vmem>>, vector<1x1x1x16xf32>,
      %get3A_989 = arith.constant 1 : i32
      %get3A_990 = arith.constant 1 : i32
      %get3A_991 = arith.index_cast %get3A_989 : i32 to index
      %get3A_992 = arith.index_cast %get3A_990 : i32 to index
      %get3A_993 = arith.index_cast %scan3A_848 : i32 to index
      %get3A_994 = arith.constant 48 : index
      %get3A_995 = tpu.vector_load %arg6[%get3A_991, %get3A_992, %get3A_993, %get3A_994] {strides = array<i32>} : memref<2x2x128x128xf32, #tpu.memory_space<vmem>>, vector<1x1x1x16xf32>,
      %get3A_996 = vector.shape_cast %get3A_995 : vector<1x1x1x16xf32> to vector<16xf32>
      %mul3A_997 = arith.constant 8.000000e+00 : f32
      %mul3A_998 = vector.broadcast %mul3A_997 : f32 to vector<16xf32>
      %mul3A_999 = arith.mulf %get3A_996, %mul3A_998 : vector<16xf32>
      %swap3A_1000 = arith.constant 1 : i32
      %swap3A_1001 = arith.constant 1 : i32
      %swap3A_1002 = arith.index_cast %swap3A_1000 : i32 to index
      %swap3A_1003 = arith.index_cast %swap3A_1001 : i32 to index
      %swap3A_1004 = arith.index_cast %scan3A_848 : i32 to index
      %swap3A_1005 = arith.constant 48 : index
      %swap3A_1006 = tpu.vector_load %arg6[%swap3A_1002, %swap3A_1003, %swap3A_1004, %swap3A_1005] {strides = array<i32>} : memref<2x2x128x128xf32, #tpu.memory_space<vmem>>, vector<1x1x1x16xf32>,
      %swap3A_1007 = vector.shape_cast %swap3A_1006 : vector<1x1x1x16xf32> to vector<16xf32>
      %swap3A_1008 = vector.shape_cast %mul3A_999 : vector<16xf32> to vector<1x1x1x16xf32>
      tpu.vector_store %arg6[%swap3A_1002, %swap3A_1003, %swap3A_1004, %swap3A_1005], %swap3A_1008 {strides = array<i32>} : memref<2x2x128x128xf32, #tpu.memory_space<vmem>>, vector<1x1x1x16xf32>,
      %scan3A_1009 = arith.constant 3 : i32
      %scan3A_1010 = arith.addi %scan3A_526, %scan3A_1009 : i32
      %get3A_1011 = arith.constant 1 : i32
      %get3A_1012 = arith.constant 0 : i32
      %get3A_1013 = arith.index_cast %get3A_1011 : i32 to index
      %get3A_1014 = arith.index_cast %get3A_1012 : i32 to index
      %get3A_1015 = arith.index_cast %scan3A_1010 : i32 to index
      %get3A_1016 = arith.constant 0 : index
      %get3A_1017 = tpu.vector_load %arg6[%get3A_1013, %get3A_1014, %get3A_1015, %get3A_1016] {strides = array<i32>} : memref<2x2x128x128xf32, #tpu.memory_space<vmem>>, vector<1x1x1x16xf32>,
      %get3A_1018 = vector.shape_cast %get3A_1017 : vector<1x1x1x16xf32> to vector<16xf32>
      %mul3A_1019 = arith.constant 8.000000e+00 : f32
      %mul3A_1020 = vector.broadcast %mul3A_1019 : f32 to vector<16xf32>
      %mul3A_1021 = arith.mulf %get3A_1018, %mul3A_1020 : vector<16xf32>
      %swap3A_1022 = arith.constant 1 : i32
      %swap3A_1023 = arith.constant 0 : i32
      %swap3A_1024 = arith.index_cast %swap3A_1022 : i32 to index
      %swap3A_1025 = arith.index_cast %swap3A_1023 : i32 to index
      %swap3A_1026 = arith.index_cast %scan3A_1010 : i32 to index
      %swap3A_1027 = arith.constant 0 : index
      %swap3A_1028 = tpu.vector_load %arg6[%swap3A_1024, %swap3A_1025, %swap3A_1026, %swap3A_1027] {strides = array<i32>} : memref<2x2x128x128xf32, #tpu.memory_space<vmem>>, vector<1x1x1x16xf32>,
      %swap3A_1029 = vector.shape_cast %swap3A_1028 : vector<1x1x1x16xf32> to vector<16xf32>
      %swap3A_1030 = vector.shape_cast %mul3A_1021 : vector<16xf32> to vector<1x1x1x16xf32>
      tpu.vector_store %arg6[%swap3A_1024, %swap3A_1025, %swap3A_1026, %swap3A_1027], %swap3A_1030 {strides = array<i32>} : memref<2x2x128x128xf32, #tpu.memory_space<vmem>>, vector<1x1x1x16xf32>,
      %get3A_1031 = arith.constant 1 : i32
      %get3A_1032 = arith.constant 0 : i32
      %get3A_1033 = arith.index_cast %get3A_1031 : i32 to index
      %get3A_1034 = arith.index_cast %get3A_1032 : i32 to index
      %get3A_1035 = arith.index_cast %scan3A_1010 : i32 to index
      %get3A_1036 = arith.constant 16 : index
      %get3A_1037 = tpu.vector_load %arg6[%get3A_1033, %get3A_1034, %get3A_1035, %get3A_1036] {strides = array<i32>} : memref<2x2x128x128xf32, #tpu.memory_space<vmem>>, vector<1x1x1x16xf32>,
      %get3A_1038 = vector.shape_cast %get3A_1037 : vector<1x1x1x16xf32> to vector<16xf32>
      %mul3A_1039 = arith.constant 8.000000e+00 : f32
      %mul3A_1040 = vector.broadcast %mul3A_1039 : f32 to vector<16xf32>
      %mul3A_1041 = arith.mulf %get3A_1038, %mul3A_1040 : vector<16xf32>
      %swap3A_1042 = arith.constant 1 : i32
      %swap3A_1043 = arith.constant 0 : i32
      %swap3A_1044 = arith.index_cast %swap3A_1042 : i32 to index
      %swap3A_1045 = arith.index_cast %swap3A_1043 : i32 to index
      %swap3A_1046 = arith.index_cast %scan3A_1010 : i32 to index
      %swap3A_1047 = arith.constant 16 : index
      %swap3A_1048 = tpu.vector_load %arg6[%swap3A_1044, %swap3A_1045, %swap3A_1046, %swap3A_1047] {strides = array<i32>} : memref<2x2x128x128xf32, #tpu.memory_space<vmem>>, vector<1x1x1x16xf32>,
      %swap3A_1049 = vector.shape_cast %swap3A_1048 : vector<1x1x1x16xf32> to vector<16xf32>
      %swap3A_1050 = vector.shape_cast %mul3A_1041 : vector<16xf32> to vector<1x1x1x16xf32>
      tpu.vector_store %arg6[%swap3A_1044, %swap3A_1045, %swap3A_1046, %swap3A_1047], %swap3A_1050 {strides = array<i32>} : memref<2x2x128x128xf32, #tpu.memory_space<vmem>>, vector<1x1x1x16xf32>,
      %get3A_1051 = arith.constant 1 : i32
      %get3A_1052 = arith.constant 0 : i32
      %get3A_1053 = arith.index_cast %get3A_1051 : i32 to index
      %get3A_1054 = arith.index_cast %get3A_1052 : i32 to index
      %get3A_1055 = arith.index_cast %scan3A_1010 : i32 to index
      %get3A_1056 = arith.constant 32 : index
      %get3A_1057 = tpu.vector_load %arg6[%get3A_1053, %get3A_1054, %get3A_1055, %get3A_1056] {strides = array<i32>} : memref<2x2x128x128xf32, #tpu.memory_space<vmem>>, vector<1x1x1x16xf32>,
      %get3A_1058 = vector.shape_cast %get3A_1057 : vector<1x1x1x16xf32> to vector<16xf32>
      %mul3A_1059 = arith.constant 8.000000e+00 : f32
      %mul3A_1060 = vector.broadcast %mul3A_1059 : f32 to vector<16xf32>
      %mul3A_1061 = arith.mulf %get3A_1058, %mul3A_1060 : vector<16xf32>
      %swap3A_1062 = arith.constant 1 : i32
      %swap3A_1063 = arith.constant 0 : i32
      %swap3A_1064 = arith.index_cast %swap3A_1062 : i32 to index
      %swap3A_1065 = arith.index_cast %swap3A_1063 : i32 to index
      %swap3A_1066 = arith.index_cast %scan3A_1010 : i32 to index
      %swap3A_1067 = arith.constant 32 : index
      %swap3A_1068 = tpu.vector_load %arg6[%swap3A_1064, %swap3A_1065, %swap3A_1066, %swap3A_1067] {strides = array<i32>} : memref<2x2x128x128xf32, #tpu.memory_space<vmem>>, vector<1x1x1x16xf32>,
      %swap3A_1069 = vector.shape_cast %swap3A_1068 : vector<1x1x1x16xf32> to vector<16xf32>
      %swap3A_1070 = vector.shape_cast %mul3A_1061 : vector<16xf32> to vector<1x1x1x16xf32>
      tpu.vector_store %arg6[%swap3A_1064, %swap3A_1065, %swap3A_1066, %swap3A_1067], %swap3A_1070 {strides = array<i32>} : memref<2x2x128x128xf32, #tpu.memory_space<vmem>>, vector<1x1x1x16xf32>,
      %get3A_1071 = arith.constant 1 : i32
      %get3A_1072 = arith.constant 0 : i32
      %get3A_1073 = arith.index_cast %get3A_1071 : i32 to index
      %get3A_1074 = arith.index_cast %get3A_1072 : i32 to index
      %get3A_1075 = arith.index_cast %scan3A_1010 : i32 to index
      %get3A_1076 = arith.constant 48 : index
      %get3A_1077 = tpu.vector_load %arg6[%get3A_1073, %get3A_1074, %get3A_1075, %get3A_1076] {strides = array<i32>} : memref<2x2x128x128xf32, #tpu.memory_space<vmem>>, vector<1x1x1x16xf32>,
      %get3A_1078 = vector.shape_cast %get3A_1077 : vector<1x1x1x16xf32> to vector<16xf32>
      %mul3A_1079 = arith.constant 8.000000e+00 : f32
      %mul3A_1080 = vector.broadcast %mul3A_1079 : f32 to vector<16xf32>
      %mul3A_1081 = arith.mulf %get3A_1078, %mul3A_1080 : vector<16xf32>
      %swap3A_1082 = arith.constant 1 : i32
      %swap3A_1083 = arith.constant 0 : i32
      %swap3A_1084 = arith.index_cast %swap3A_1082 : i32 to index
      %swap3A_1085 = arith.index_cast %swap3A_1083 : i32 to index
      %swap3A_1086 = arith.index_cast %scan3A_1010 : i32 to index
      %swap3A_1087 = arith.constant 48 : index
      %swap3A_1088 = tpu.vector_load %arg6[%swap3A_1084, %swap3A_1085, %swap3A_1086, %swap3A_1087] {strides = array<i32>} : memref<2x2x128x128xf32, #tpu.memory_space<vmem>>, vector<1x1x1x16xf32>,
      %swap3A_1089 = vector.shape_cast %swap3A_1088 : vector<1x1x1x16xf32> to vector<16xf32>
      %swap3A_1090 = vector.shape_cast %mul3A_1081 : vector<16xf32> to vector<1x1x1x16xf32>
      tpu.vector_store %arg6[%swap3A_1084, %swap3A_1085, %swap3A_1086, %swap3A_1087], %swap3A_1090 {strides = array<i32>} : memref<2x2x128x128xf32, #tpu.memory_space<vmem>>, vector<1x1x1x16xf32>,
      %get3A_1091 = arith.constant 1 : i32
      %get3A_1092 = arith.constant 1 : i32
      %get3A_1093 = arith.index_cast %get3A_1091 : i32 to index
      %get3A_1094 = arith.index_cast %get3A_1092 : i32 to index
      %get3A_1095 = arith.index_cast %scan3A_1010 : i32 to index
      %get3A_1096 = arith.constant 0 : index
      %get3A_1097 = tpu.vector_load %arg6[%get3A_1093, %get3A_1094, %get3A_1095, %get3A_1096] {strides = array<i32>} : memref<2x2x128x128xf32, #tpu.memory_space<vmem>>, vector<1x1x1x16xf32>,
      %get3A_1098 = vector.shape_cast %get3A_1097 : vector<1x1x1x16xf32> to vector<16xf32>
      %mul3A_1099 = arith.constant 8.000000e+00 : f32
      %mul3A_1100 = vector.broadcast %mul3A_1099 : f32 to vector<16xf32>
      %mul3A_1101 = arith.mulf %get3A_1098, %mul3A_1100 : vector<16xf32>
      %swap3A_1102 = arith.constant 1 : i32
      %swap3A_1103 = arith.constant 1 : i32
      %swap3A_1104 = arith.index_cast %swap3A_1102 : i32 to index
      %swap3A_1105 = arith.index_cast %swap3A_1103 : i32 to index
      %swap3A_1106 = arith.index_cast %scan3A_1010 : i32 to index
      %swap3A_1107 = arith.constant 0 : index
      %swap3A_1108 = tpu.vector_load %arg6[%swap3A_1104, %swap3A_1105, %swap3A_1106, %swap3A_1107] {strides = array<i32>} : memref<2x2x128x128xf32, #tpu.memory_space<vmem>>, vector<1x1x1x16xf32>,
      %swap3A_1109 = vector.shape_cast %swap3A_1108 : vector<1x1x1x16xf32> to vector<16xf32>
      %swap3A_1110 = vector.shape_cast %mul3A_1101 : vector<16xf32> to vector<1x1x1x16xf32>
      tpu.vector_store %arg6[%swap3A_1104, %swap3A_1105, %swap3A_1106, %swap3A_1107], %swap3A_1110 {strides = array<i32>} : memref<2x2x128x128xf32, #tpu.memory_space<vmem>>, vector<1x1x1x16xf32>,
      %get3A_1111 = arith.constant 1 : i32
      %get3A_1112 = arith.constant 1 : i32
      %get3A_1113 = arith.index_cast %get3A_1111 : i32 to index
      %get3A_1114 = arith.index_cast %get3A_1112 : i32 to index
      %get3A_1115 = arith.index_cast %scan3A_1010 : i32 to index
      %get3A_1116 = arith.constant 16 : index
      %get3A_1117 = tpu.vector_load %arg6[%get3A_1113, %get3A_1114, %get3A_1115, %get3A_1116] {strides = array<i32>} : memref<2x2x128x128xf32, #tpu.memory_space<vmem>>, vector<1x1x1x16xf32>,
      %get3A_1118 = vector.shape_cast %get3A_1117 : vector<1x1x1x16xf32> to vector<16xf32>
      %mul3A_1119 = arith.constant 8.000000e+00 : f32
      %mul3A_1120 = vector.broadcast %mul3A_1119 : f32 to vector<16xf32>
      %mul3A_1121 = arith.mulf %get3A_1118, %mul3A_1120 : vector<16xf32>
      %swap3A_1122 = arith.constant 1 : i32
      %swap3A_1123 = arith.constant 1 : i32
      %swap3A_1124 = arith.index_cast %swap3A_1122 : i32 to index
      %swap3A_1125 = arith.index_cast %swap3A_1123 : i32 to index
      %swap3A_1126 = arith.index_cast %scan3A_1010 : i32 to index
      %swap3A_1127 = arith.constant 16 : index
      %swap3A_1128 = tpu.vector_load %arg6[%swap3A_1124, %swap3A_1125, %swap3A_1126, %swap3A_1127] {strides = array<i32>} : memref<2x2x128x128xf32, #tpu.memory_space<vmem>>, vector<1x1x1x16xf32>,
      %swap3A_1129 = vector.shape_cast %swap3A_1128 : vector<1x1x1x16xf32> to vector<16xf32>
      %swap3A_1130 = vector.shape_cast %mul3A_1121 : vector<16xf32> to vector<1x1x1x16xf32>
      tpu.vector_store %arg6[%swap3A_1124, %swap3A_1125, %swap3A_1126, %swap3A_1127], %swap3A_1130 {strides = array<i32>} : memref<2x2x128x128xf32, #tpu.memory_space<vmem>>, vector<1x1x1x16xf32>,
      %get3A_1131 = arith.constant 1 : i32
      %get3A_1132 = arith.constant 1 : i32
      %get3A_1133 = arith.index_cast %get3A_1131 : i32 to index
      %get3A_1134 = arith.index_cast %get3A_1132 : i32 to index
      %get3A_1135 = arith.index_cast %scan3A_1010 : i32 to index
      %get3A_1136 = arith.constant 32 : index
      %get3A_1137 = tpu.vector_load %arg6[%get3A_1133, %get3A_1134, %get3A_1135, %get3A_1136] {strides = array<i32>} : memref<2x2x128x128xf32, #tpu.memory_space<vmem>>, vector<1x1x1x16xf32>,
      %get3A_1138 = vector.shape_cast %get3A_1137 : vector<1x1x1x16xf32> to vector<16xf32>
      %mul3A_1139 = arith.constant 8.000000e+00 : f32
      %mul3A_1140 = vector.broadcast %mul3A_1139 : f32 to vector<16xf32>
      %mul3A_1141 = arith.mulf %get3A_1138, %mul3A_1140 : vector<16xf32>
      %swap3A_1142 = arith.constant 1 : i32
      %swap3A_1143 = arith.constant 1 : i32
      %swap3A_1144 = arith.index_cast %swap3A_1142 : i32 to index
      %swap3A_1145 = arith.index_cast %swap3A_1143 : i32 to index
      %swap3A_1146 = arith.index_cast %scan3A_1010 : i32 to index
      %swap3A_1147 = arith.constant 32 : index
      %swap3A_1148 = tpu.vector_load %arg6[%swap3A_1144, %swap3A_1145, %swap3A_1146, %swap3A_1147] {strides = array<i32>} : memref<2x2x128x128xf32, #tpu.memory_space<vmem>>, vector<1x1x1x16xf32>,
      %swap3A_1149 = vector.shape_cast %swap3A_1148 : vector<1x1x1x16xf32> to vector<16xf32>
      %swap3A_1150 = vector.shape_cast %mul3A_1141 : vector<16xf32> to vector<1x1x1x16xf32>
      tpu.vector_store %arg6[%swap3A_1144, %swap3A_1145, %swap3A_1146, %swap3A_1147], %swap3A_1150 {strides = array<i32>} : memref<2x2x128x128xf32, #tpu.memory_space<vmem>>, vector<1x1x1x16xf32>,
      %get3A_1151 = arith.constant 1 : i32
      %get3A_1152 = arith.constant 1 : i32
      %get3A_1153 = arith.index_cast %get3A_1151 : i32 to index
      %get3A_1154 = arith.index_cast %get3A_1152 : i32 to index
      %get3A_1155 = arith.index_cast %scan3A_1010 : i32 to index
      %get3A_1156 = arith.constant 48 : index
      %get3A_1157 = tpu.vector_load %arg6[%get3A_1153, %get3A_1154, %get3A_1155, %get3A_1156] {strides = array<i32>} : memref<2x2x128x128xf32, #tpu.memory_space<vmem>>, vector<1x1x1x16xf32>,
      %get3A_1158 = vector.shape_cast %get3A_1157 : vector<1x1x1x16xf32> to vector<16xf32>
      %mul3A_1159 = arith.constant 8.000000e+00 : f32
      %mul3A_1160 = vector.broadcast %mul3A_1159 : f32 to vector<16xf32>
      %mul3A_1161 = arith.mulf %get3A_1158, %mul3A_1160 : vector<16xf32>
      %swap3A_1162 = arith.constant 1 : i32
      %swap3A_1163 = arith.constant 1 : i32
      %swap3A_1164 = arith.index_cast %swap3A_1162 : i32 to index
      %swap3A_1165 = arith.index_cast %swap3A_1163 : i32 to index
      %swap3A_1166 = arith.index_cast %scan3A_1010 : i32 to index
      %swap3A_1167 = arith.constant 48 : index
      %swap3A_1168 = tpu.vector_load %arg6[%swap3A_1164, %swap3A_1165, %swap3A_1166, %swap3A_1167] {strides = array<i32>} : memref<2x2x128x128xf32, #tpu.memory_space<vmem>>, vector<1x1x1x16xf32>,
      %swap3A_1169 = vector.shape_cast %swap3A_1168 : vector<1x1x1x16xf32> to vector<16xf32>
      %swap3A_1170 = vector.shape_cast %mul3A_1161 : vector<16xf32> to vector<1x1x1x16xf32>
      tpu.vector_store %arg6[%swap3A_1164, %swap3A_1165, %swap3A_1166, %swap3A_1167], %swap3A_1170 {strides = array<i32>} : memref<2x2x128x128xf32, #tpu.memory_space<vmem>>, vector<1x1x1x16xf32>,
    }
    %scan3A_213 = arith.constant 128 : i32
    %add3A_214 = arith.constant 2 : i32
    %add3A_215 = arith.addi %mul3A_2, %add3A_214 : i32
    %mul3A_216 = arith.constant 128 : i32
    %mul3A_217 = arith.muli %add3A_215, %mul3A_216 : i32
    %dma_start3A_218 = arith.constant 1 : i32
    %dma_start3A_219 = arith.constant 0 : i32
    %dma_start3A_220 = arith.constant 0 : i32
    %dma_start3A_221 = arith.constant 0 : i32
    %dma_start3A_222 = tpu.memref_slice %arg6[%dma_start3A_218, %dma_start3A_219, %dma_start3A_220, %dma_start3A_221] : memref<2x2x128x128xf32, #tpu.memory_space<vmem>> -> memref<1x1x128x128xf32, #tpu.memory_space<vmem>>
    %dma_start3A_223 = tpu.memref_squeeze %dma_start3A_222 : memref<1x1x128x128xf32, #tpu.memory_space<vmem>> -> memref<128x128xf32, #tpu.memory_space<vmem>>
    %dma_start3A_224 = arith.constant 0 : i32
    %dma_start3A_225 = tpu.memref_slice %arg4[%mul3A_217, %dma_start3A_224] : memref<819200x128xf32, #tpu.memory_space<hbm>> -> memref<128x128xf32, #tpu.memory_space<hbm>>
    %dma_start3A_226 = arith.constant 0 : i32
    %dma_start3A_227 = tpu.memref_slice %arg4[%mul3A_217, %dma_start3A_226] : memref<819200x128xf32, #tpu.memory_space<hbm>> -> memref<128x128xf32, #tpu.memory_space<hbm>>
    %dma_start3A_228 = arith.constant 0 : i32
    %dma_start3A_229 = arith.constant 0 : i32
    %dma_start3A_230 = tpu.memref_slice %arg6[%dma_start3A_218, %dma_start3A_219, %dma_start3A_228, %dma_start3A_229] : memref<2x2x128x128xf32, #tpu.memory_space<vmem>> -> memref<1x1x128x128xf32, #tpu.memory_space<vmem>>
    %dma_start3A_231 = tpu.memref_squeeze %dma_start3A_230 : memref<1x1x128x128xf32, #tpu.memory_space<vmem>> -> memref<128x128xf32, #tpu.memory_space<vmem>>
    tpu.enqueue_dma source(%dma_start3A_231 : memref<128x128xf32, #tpu.memory_space<vmem>>) target(%dma_start3A_227 : memref<128x128xf32, #tpu.memory_space<hbm>>) target_semaphore(%arg10 : memref<!tpu.dma_semaphore, #tpu.memory_space<semaphore_mem>>)
    %add3A_232 = arith.constant 3 : i32
    %add3A_233 = arith.addi %mul3A_2, %add3A_232 : i32
    %mul3A_234 = arith.constant 128 : i32
    %mul3A_235 = arith.muli %add3A_233, %mul3A_234 : i32
    %dma_start3A_236 = arith.constant 1 : i32
    %dma_start3A_237 = arith.constant 1 : i32
    %dma_start3A_238 = arith.constant 0 : i32
    %dma_start3A_239 = arith.constant 0 : i32
    %dma_start3A_240 = tpu.memref_slice %arg6[%dma_start3A_236, %dma_start3A_237, %dma_start3A_238, %dma_start3A_239] : memref<2x2x128x128xf32, #tpu.memory_space<vmem>> -> memref<1x1x128x128xf32, #tpu.memory_space<vmem>>
    %dma_start3A_241 = tpu.memref_squeeze %dma_start3A_240 : memref<1x1x128x128xf32, #tpu.memory_space<vmem>> -> memref<128x128xf32, #tpu.memory_space<vmem>>
    %dma_start3A_242 = arith.constant 0 : i32
    %dma_start3A_243 = tpu.memref_slice %arg4[%mul3A_235, %dma_start3A_242] : memref<819200x128xf32, #tpu.memory_space<hbm>> -> memref<128x128xf32, #tpu.memory_space<hbm>>
    %dma_start3A_244 = arith.constant 0 : i32
    %dma_start3A_245 = tpu.memref_slice %arg4[%mul3A_235, %dma_start3A_244] : memref<819200x128xf32, #tpu.memory_space<hbm>> -> memref<128x128xf32, #tpu.memory_space<hbm>>
    %dma_start3A_246 = arith.constant 0 : i32
    %dma_start3A_247 = arith.constant 0 : i32
    %dma_start3A_248 = tpu.memref_slice %arg6[%dma_start3A_236, %dma_start3A_237, %dma_start3A_246, %dma_start3A_247] : memref<2x2x128x128xf32, #tpu.memory_space<vmem>> -> memref<1x1x128x128xf32, #tpu.memory_space<vmem>>
    %dma_start3A_249 = tpu.memref_squeeze %dma_start3A_248 : memref<1x1x128x128xf32, #tpu.memory_space<vmem>> -> memref<128x128xf32, #tpu.memory_space<vmem>>
    tpu.enqueue_dma source(%dma_start3A_249 : memref<128x128xf32, #tpu.memory_space<vmem>>) target(%dma_start3A_245 : memref<128x128xf32, #tpu.memory_space<hbm>>) target_semaphore(%arg10 : memref<!tpu.dma_semaphore, #tpu.memory_space<semaphore_mem>>)
    %scan3A_250 = arith.constant 0 : i32
    %scan3A_251 = arith.constant 1 : i32
    %scan3A_252 = arith.constant 48 : i32
    %scan3A_253 = arith.addi %scan3A_251, %scan3A_252 : i32
    %scan3A_254 = arith.constant 1 : i32
    scf.for %scan3A_526 = %scan3A_251 to %scan3A_253 step %scan3A_254  : i32 {
      %mul3A_527 = arith.constant 2 : i32
      %mul3A_528 = arith.muli %mul3A_527, %scan3A_526 : i32
      %sub3A = arith.constant 1 : i32
      %sub3A_529 = arith.subi %mul3A_528, %sub3A : i32
      %mul3A_530 = arith.constant 2 : i32
      %mul3A_531 = arith.muli %sub3A_529, %mul3A_530 : i32
      %add3A_532 = arith.constant 0 : i32
      %add3A_533 = arith.addi %mul3A_531, %add3A_532 : i32
      %add3A_534 = arith.addi %mul3A_2, %add3A_533 : i32
      %mul3A_535 = arith.constant 128 : i32
      %mul3A_536 = arith.muli %add3A_534, %mul3A_535 : i32
      %dma_wait3A_537 = arith.constant 1 : i32
      %dma_wait3A_538 = arith.constant 0 : i32
      %dma_wait3A_539 = arith.constant 0 : i32
      %dma_wait3A_540 = arith.constant 0 : i32
      %dma_wait3A_541 = tpu.memref_slice %arg6[%dma_wait3A_537, %dma_wait3A_538, %dma_wait3A_539, %dma_wait3A_540] : memref<2x2x128x128xf32, #tpu.memory_space<vmem>> -> memref<1x1x128x128xf32, #tpu.memory_space<vmem>>
      %dma_wait3A_542 = tpu.memref_squeeze %dma_wait3A_541 : memref<1x1x128x128xf32, #tpu.memory_space<vmem>> -> memref<128x128xf32, #tpu.memory_space<vmem>>
      %dma_wait3A_543 = arith.constant 0 : i32
      %dma_wait3A_544 = tpu.memref_slice %arg4[%mul3A_536, %dma_wait3A_543] : memref<819200x128xf32, #tpu.memory_space<hbm>> -> memref<128x128xf32, #tpu.memory_space<hbm>>
      %dma_wait3A_545 = arith.constant 0 : i32
      %dma_wait3A_546 = tpu.memref_slice %arg4[%mul3A_536, %dma_wait3A_545] : memref<819200x128xf32, #tpu.memory_space<hbm>> -> memref<128x128xf32, #tpu.memory_space<hbm>>
      %dma_wait3A_547 = arith.constant 0 : i32
      %dma_wait3A_548 = arith.constant 0 : i32
      %dma_wait3A_549 = tpu.memref_slice %arg6[%dma_wait3A_537, %dma_wait3A_538, %dma_wait3A_547, %dma_wait3A_548] : memref<2x2x128x128xf32, #tpu.memory_space<vmem>> -> memref<1x1x128x128xf32, #tpu.memory_space<vmem>>
      %dma_wait3A_550 = tpu.memref_squeeze %dma_wait3A_549 : memref<1x1x128x128xf32, #tpu.memory_space<vmem>> -> memref<128x128xf32, #tpu.memory_space<vmem>>
      tpu.wait_dma2 semaphore(%arg10 : memref<!tpu.dma_semaphore, #tpu.memory_space<semaphore_mem>>) src(%dma_wait3A_550 : memref<128x128xf32, #tpu.memory_space<vmem>>) dst(%dma_wait3A_546 : memref<128x128xf32, #tpu.memory_space<hbm>>)
      %sub3A_551 = arith.constant 1 : i32
      %sub3A_552 = arith.subi %mul3A_528, %sub3A_551 : i32
      %mul3A_553 = arith.constant 2 : i32
      %mul3A_554 = arith.muli %sub3A_552, %mul3A_553 : i32
      %add3A_555 = arith.constant 1 : i32
      %add3A_556 = arith.addi %mul3A_554, %add3A_555 : i32
      %add3A_557 = arith.addi %mul3A_2, %add3A_556 : i32
      %mul3A_558 = arith.constant 128 : i32
      %mul3A_559 = arith.muli %add3A_557, %mul3A_558 : i32
      %dma_wait3A_560 = arith.constant 1 : i32
      %dma_wait3A_561 = arith.constant 1 : i32
      %dma_wait3A_562 = arith.constant 0 : i32
      %dma_wait3A_563 = arith.constant 0 : i32
      %dma_wait3A_564 = tpu.memref_slice %arg6[%dma_wait3A_560, %dma_wait3A_561, %dma_wait3A_562, %dma_wait3A_563] : memref<2x2x128x128xf32, #tpu.memory_space<vmem>> -> memref<1x1x128x128xf32, #tpu.memory_space<vmem>>
      %dma_wait3A_565 = tpu.memref_squeeze %dma_wait3A_564 : memref<1x1x128x128xf32, #tpu.memory_space<vmem>> -> memref<128x128xf32, #tpu.memory_space<vmem>>
      %dma_wait3A_566 = arith.constant 0 : i32
      %dma_wait3A_567 = tpu.memref_slice %arg4[%mul3A_559, %dma_wait3A_566] : memref<819200x128xf32, #tpu.memory_space<hbm>> -> memref<128x128xf32, #tpu.memory_space<hbm>>
      %dma_wait3A_568 = arith.constant 0 : i32
      %dma_wait3A_569 = tpu.memref_slice %arg4[%mul3A_559, %dma_wait3A_568] : memref<819200x128xf32, #tpu.memory_space<hbm>> -> memref<128x128xf32, #tpu.memory_space<hbm>>
      %dma_wait3A_570 = arith.constant 0 : i32
      %dma_wait3A_571 = arith.constant 0 : i32
      %dma_wait3A_572 = tpu.memref_slice %arg6[%dma_wait3A_560, %dma_wait3A_561, %dma_wait3A_570, %dma_wait3A_571] : memref<2x2x128x128xf32, #tpu.memory_space<vmem>> -> memref<1x1x128x128xf32, #tpu.memory_space<vmem>>
      %dma_wait3A_573 = tpu.memref_squeeze %dma_wait3A_572 : memref<1x1x128x128xf32, #tpu.memory_space<vmem>> -> memref<128x128xf32, #tpu.memory_space<vmem>>
      tpu.wait_dma2 semaphore(%arg10 : memref<!tpu.dma_semaphore, #tpu.memory_space<semaphore_mem>>) src(%dma_wait3A_573 : memref<128x128xf32, #tpu.memory_space<vmem>>) dst(%dma_wait3A_569 : memref<128x128xf32, #tpu.memory_space<hbm>>)
      %add3A_574 = arith.constant 1 : i32
      %add3A_575 = arith.addi %mul3A_528, %add3A_574 : i32
      %mul3A_576 = arith.constant 2 : i32
      %mul3A_577 = arith.muli %add3A_575, %mul3A_576 : i32
      %add3A_578 = arith.constant 0 : i32
      %add3A_579 = arith.addi %mul3A_577, %add3A_578 : i32
      %dma_start3A_580 = arith.constant 1 : i32
      %dma_start3A_581 = arith.constant 0 : i32
      %dma_start3A_582 = arith.constant 0 : i32
      %dma_start3A_583 = arith.constant 0 : i32
      %dma_start3A_584 = tpu.memref_slice %arg6[%dma_start3A_580, %dma_start3A_581, %dma_start3A_582, %dma_start3A_583] : memref<2x2x128x128xf32, #tpu.memory_space<vmem>> -> memref<1x1x128x128xf32, #tpu.memory_space<vmem>>
      %dma_start3A_585 = tpu.memref_squeeze %dma_start3A_584 : memref<1x1x128x128xf32, #tpu.memory_space<vmem>> -> memref<128x128xf32, #tpu.memory_space<vmem>>
      %dma_start3A_586 = arith.constant 0 : i32
      %dma_start3A_587 = tpu.memref_slice %arg5[%add3A_579, %dma_start3A_586] : memref<200x128xi32, #tpu.memory_space<vmem>> -> memref<1x128xi32, #tpu.memory_space<vmem>>
      %dma_start3A_588 = tpu.memref_squeeze %dma_start3A_587 : memref<1x128xi32, #tpu.memory_space<vmem>> -> memref<128xi32, #tpu.memory_space<vmem>>
      %dma_start3A_589 = arith.constant 0 : i32
      %dma_start3A_590 = arith.constant 0 : i32
      %dma_start3A_591 = tpu.memref_slice %arg3[%dma_start3A_589, %dma_start3A_590] : memref<1000000x128xf32, #tpu.memory_space<hbm>> -> memref<1000000x128xf32, #tpu.memory_space<hbm>>
      tpu.enqueue_indirect_dma source(%dma_start3A_591 : memref<1000000x128xf32, #tpu.memory_space<hbm>>) target(%dma_start3A_585 : memref<128x128xf32, #tpu.memory_space<vmem>>) offsets(%dma_start3A_588 : memref<128xi32, #tpu.memory_space<vmem>>) semaphore(%arg8 : memref<!tpu.dma_semaphore, #tpu.memory_space<semaphore_mem>>)
      %add3A_592 = arith.constant 1 : i32
      %add3A_593 = arith.addi %mul3A_528, %add3A_592 : i32
      %mul3A_594 = arith.constant 2 : i32
      %mul3A_595 = arith.muli %add3A_593, %mul3A_594 : i32
      %add3A_596 = arith.constant 1 : i32
      %add3A_597 = arith.addi %mul3A_595, %add3A_596 : i32
      %dma_start3A_598 = arith.constant 1 : i32
      %dma_start3A_599 = arith.constant 1 : i32
      %dma_start3A_600 = arith.constant 0 : i32
      %dma_start3A_601 = arith.constant 0 : i32
      %dma_start3A_602 = tpu.memref_slice %arg6[%dma_start3A_598, %dma_start3A_599, %dma_start3A_600, %dma_start3A_601] : memref<2x2x128x128xf32, #tpu.memory_space<vmem>> -> memref<1x1x128x128xf32, #tpu.memory_space<vmem>>
      %dma_start3A_603 = tpu.memref_squeeze %dma_start3A_602 : memref<1x1x128x128xf32, #tpu.memory_space<vmem>> -> memref<128x128xf32, #tpu.memory_space<vmem>>
      %dma_start3A_604 = arith.constant 0 : i32
      %dma_start3A_605 = tpu.memref_slice %arg5[%add3A_597, %dma_start3A_604] : memref<200x128xi32, #tpu.memory_space<vmem>> -> memref<1x128xi32, #tpu.memory_space<vmem>>
      %dma_start3A_606 = tpu.memref_squeeze %dma_start3A_605 : memref<1x128xi32, #tpu.memory_space<vmem>> -> memref<128xi32, #tpu.memory_space<vmem>>
      %dma_start3A_607 = arith.constant 0 : i32
      %dma_start3A_608 = arith.constant 0 : i32
      %dma_start3A_609 = tpu.memref_slice %arg3[%dma_start3A_607, %dma_start3A_608] : memref<1000000x128xf32, #tpu.memory_space<hbm>> -> memref<1000000x128xf32, #tpu.memory_space<hbm>>
      tpu.enqueue_indirect_dma source(%dma_start3A_609 : memref<1000000x128xf32, #tpu.memory_space<hbm>>) target(%dma_start3A_603 : memref<128x128xf32, #tpu.memory_space<vmem>>) offsets(%dma_start3A_606 : memref<128xi32, #tpu.memory_space<vmem>>) semaphore(%arg8 : memref<!tpu.dma_semaphore, #tpu.memory_space<semaphore_mem>>)
      %mul3A_610 = arith.constant 2 : i32
      %mul3A_611 = arith.muli %mul3A_528, %mul3A_610 : i32
      %add3A_612 = arith.constant 0 : i32
      %add3A_613 = arith.addi %mul3A_611, %add3A_612 : i32
      %dma_wait3A_614 = arith.constant 0 : i32
      %dma_wait3A_615 = arith.constant 0 : i32
      %dma_wait3A_616 = arith.constant 0 : i32
      %dma_wait3A_617 = arith.constant 0 : i32
      %dma_wait3A_618 = tpu.memref_slice %arg6[%dma_wait3A_614, %dma_wait3A_615, %dma_wait3A_616, %dma_wait3A_617] : memref<2x2x128x128xf32, #tpu.memory_space<vmem>> -> memref<1x1x128x128xf32, #tpu.memory_space<vmem>>
      %dma_wait3A_619 = tpu.memref_squeeze %dma_wait3A_618 : memref<1x1x128x128xf32, #tpu.memory_space<vmem>> -> memref<128x128xf32, #tpu.memory_space<vmem>>
      %dma_wait3A_620 = arith.constant 0 : i32
      %dma_wait3A_621 = tpu.memref_slice %arg5[%add3A_613, %dma_wait3A_620] : memref<200x128xi32, #tpu.memory_space<vmem>> -> memref<1x128xi32, #tpu.memory_space<vmem>>
      %dma_wait3A_622 = tpu.memref_squeeze %dma_wait3A_621 : memref<1x128xi32, #tpu.memory_space<vmem>> -> memref<128xi32, #tpu.memory_space<vmem>>
      %dma_wait3A_623 = arith.constant 0 : i32
      %dma_wait3A_624 = arith.constant 0 : i32
      %dma_wait3A_625 = tpu.memref_slice %arg3[%dma_wait3A_623, %dma_wait3A_624] : memref<1000000x128xf32, #tpu.memory_space<hbm>> -> memref<1000000x128xf32, #tpu.memory_space<hbm>>
      tpu.wait_indirect_dma semaphore(%arg7 : memref<!tpu.dma_semaphore, #tpu.memory_space<semaphore_mem>>) src(%dma_wait3A_625 : memref<1000000x128xf32, #tpu.memory_space<hbm>>) dst(%dma_wait3A_619 : memref<128x128xf32, #tpu.memory_space<vmem>>)
      %mul3A_626 = arith.constant 2 : i32
      %mul3A_627 = arith.muli %mul3A_528, %mul3A_626 : i32
      %add3A_628 = arith.constant 1 : i32
      %add3A_629 = arith.addi %mul3A_627, %add3A_628 : i32
      %dma_wait3A_630 = arith.constant 0 : i32
      %dma_wait3A_631 = arith.constant 1 : i32
      %dma_wait3A_632 = arith.constant 0 : i32
      %dma_wait3A_633 = arith.constant 0 : i32
      %dma_wait3A_634 = tpu.memref_slice %arg6[%dma_wait3A_630, %dma_wait3A_631, %dma_wait3A_632, %dma_wait3A_633] : memref<2x2x128x128xf32, #tpu.memory_space<vmem>> -> memref<1x1x128x128xf32, #tpu.memory_space<vmem>>
      %dma_wait3A_635 = tpu.memref_squeeze %dma_wait3A_634 : memref<1x1x128x128xf32, #tpu.memory_space<vmem>> -> memref<128x128xf32, #tpu.memory_space<vmem>>
      %dma_wait3A_636 = arith.constant 0 : i32
      %dma_wait3A_637 = tpu.memref_slice %arg5[%add3A_629, %dma_wait3A_636] : memref<200x128xi32, #tpu.memory_space<vmem>> -> memref<1x128xi32, #tpu.memory_space<vmem>>
      %dma_wait3A_638 = tpu.memref_squeeze %dma_wait3A_637 : memref<1x128xi32, #tpu.memory_space<vmem>> -> memref<128xi32, #tpu.memory_space<vmem>>
      %dma_wait3A_639 = arith.constant 0 : i32
      %dma_wait3A_640 = arith.constant 0 : i32
      %dma_wait3A_641 = tpu.memref_slice %arg3[%dma_wait3A_639, %dma_wait3A_640] : memref<1000000x128xf32, #tpu.memory_space<hbm>> -> memref<1000000x128xf32, #tpu.memory_space<hbm>>
      tpu.wait_indirect_dma semaphore(%arg7 : memref<!tpu.dma_semaphore, #tpu.memory_space<semaphore_mem>>) src(%dma_wait3A_641 : memref<1000000x128xf32, #tpu.memory_space<hbm>>) dst(%dma_wait3A_635 : memref<128x128xf32, #tpu.memory_space<vmem>>)
      %scan3A_642 = arith.constant 0 : i32
      %scan3A_643 = arith.constant 0 : i32
      %scan3A_644 = arith.constant 128 : i32
      %scan3A_645 = arith.addi %scan3A_643, %scan3A_644 : i32
      %scan3A_646 = arith.constant 4 : i32
      scf.for %scan3A_856 = %scan3A_643 to %scan3A_645 step %scan3A_646  : i32 {
        %get3A = arith.constant 0 : i32
        %get3A_857 = arith.constant 0 : i32
        %get3A_858 = arith.index_cast %get3A : i32 to index
        %get3A_859 = arith.index_cast %get3A_857 : i32 to index
        %get3A_860 = arith.index_cast %scan3A_856 : i32 to index
        %get3A_861 = arith.constant 0 : index
        %get3A_862 = tpu.vector_load %arg6[%get3A_858, %get3A_859, %get3A_860, %get3A_861] {strides = array<i32>} : memref<2x2x128x128xf32, #tpu.memory_space<vmem>>, vector<1x1x1x16xf32>,
        %get3A_863 = vector.shape_cast %get3A_862 : vector<1x1x1x16xf32> to vector<16xf32>
        %mul3A_864 = arith.constant 8.000000e+00 : f32
        %mul3A_865 = vector.broadcast %mul3A_864 : f32 to vector<16xf32>
        %mul3A_866 = arith.mulf %get3A_863, %mul3A_865 : vector<16xf32>
        %swap3A = arith.constant 0 : i32
        %swap3A_867 = arith.constant 0 : i32
        %swap3A_868 = arith.index_cast %swap3A : i32 to index
        %swap3A_869 = arith.index_cast %swap3A_867 : i32 to index
        %swap3A_870 = arith.index_cast %scan3A_856 : i32 to index
        %swap3A_871 = arith.constant 0 : index
        %swap3A_872 = tpu.vector_load %arg6[%swap3A_868, %swap3A_869, %swap3A_870, %swap3A_871] {strides = array<i32>} : memref<2x2x128x128xf32, #tpu.memory_space<vmem>>, vector<1x1x1x16xf32>,
        %swap3A_873 = vector.shape_cast %swap3A_872 : vector<1x1x1x16xf32> to vector<16xf32>
        %swap3A_874 = vector.shape_cast %mul3A_866 : vector<16xf32> to vector<1x1x1x16xf32>
        tpu.vector_store %arg6[%swap3A_868, %swap3A_869, %swap3A_870, %swap3A_871], %swap3A_874 {strides = array<i32>} : memref<2x2x128x128xf32, #tpu.memory_space<vmem>>, vector<1x1x1x16xf32>,
        %get3A_875 = arith.constant 0 : i32
        %get3A_876 = arith.constant 0 : i32
        %get3A_877 = arith.index_cast %get3A_875 : i32 to index
        %get3A_878 = arith.index_cast %get3A_876 : i32 to index
        %get3A_879 = arith.index_cast %scan3A_856 : i32 to index
        %get3A_880 = arith.constant 16 : index
        %get3A_881 = tpu.vector_load %arg6[%get3A_877, %get3A_878, %get3A_879, %get3A_880] {strides = array<i32>} : memref<2x2x128x128xf32, #tpu.memory_space<vmem>>, vector<1x1x1x16xf32>,
        %get3A_882 = vector.shape_cast %get3A_881 : vector<1x1x1x16xf32> to vector<16xf32>
        %mul3A_883 = arith.constant 8.000000e+00 : f32
        %mul3A_884 = vector.broadcast %mul3A_883 : f32 to vector<16xf32>
        %mul3A_885 = arith.mulf %get3A_882, %mul3A_884 : vector<16xf32>
        %swap3A_886 = arith.constant 0 : i32
        %swap3A_887 = arith.constant 0 : i32
        %swap3A_888 = arith.index_cast %swap3A_886 : i32 to index
        %swap3A_889 = arith.index_cast %swap3A_887 : i32 to index
        %swap3A_890 = arith.index_cast %scan3A_856 : i32 to index
        %swap3A_891 = arith.constant 16 : index
        %swap3A_892 = tpu.vector_load %arg6[%swap3A_888, %swap3A_889, %swap3A_890, %swap3A_891] {strides = array<i32>} : memref<2x2x128x128xf32, #tpu.memory_space<vmem>>, vector<1x1x1x16xf32>,
        %swap3A_893 = vector.shape_cast %swap3A_892 : vector<1x1x1x16xf32> to vector<16xf32>
        %swap3A_894 = vector.shape_cast %mul3A_885 : vector<16xf32> to vector<1x1x1x16xf32>
        tpu.vector_store %arg6[%swap3A_888, %swap3A_889, %swap3A_890, %swap3A_891], %swap3A_894 {strides = array<i32>} : memref<2x2x128x128xf32, #tpu.memory_space<vmem>>, vector<1x1x1x16xf32>,
        %get3A_895 = arith.constant 0 : i32
        %get3A_896 = arith.constant 0 : i32
        %get3A_897 = arith.index_cast %get3A_895 : i32 to index
        %get3A_898 = arith.index_cast %get3A_896 : i32 to index
        %get3A_899 = arith.index_cast %scan3A_856 : i32 to index
        %get3A_900 = arith.constant 32 : index
        %get3A_901 = tpu.vector_load %arg6[%get3A_897, %get3A_898, %get3A_899, %get3A_900] {strides = array<i32>} : memref<2x2x128x128xf32, #tpu.memory_space<vmem>>, vector<1x1x1x16xf32>,
        %get3A_902 = vector.shape_cast %get3A_901 : vector<1x1x1x16xf32> to vector<16xf32>
        %mul3A_903 = arith.constant 8.000000e+00 : f32
        %mul3A_904 = vector.broadcast %mul3A_903 : f32 to vector<16xf32>
        %mul3A_905 = arith.mulf %get3A_902, %mul3A_904 : vector<16xf32>
        %swap3A_906 = arith.constant 0 : i32
        %swap3A_907 = arith.constant 0 : i32
        %swap3A_908 = arith.index_cast %swap3A_906 : i32 to index
        %swap3A_909 = arith.index_cast %swap3A_907 : i32 to index
        %swap3A_910 = arith.index_cast %scan3A_856 : i32 to index
        %swap3A_911 = arith.constant 32 : index
        %swap3A_912 = tpu.vector_load %arg6[%swap3A_908, %swap3A_909, %swap3A_910, %swap3A_911] {strides = array<i32>} : memref<2x2x128x128xf32, #tpu.memory_space<vmem>>, vector<1x1x1x16xf32>,
        %swap3A_913 = vector.shape_cast %swap3A_912 : vector<1x1x1x16xf32> to vector<16xf32>
        %swap3A_914 = vector.shape_cast %mul3A_905 : vector<16xf32> to vector<1x1x1x16xf32>
        tpu.vector_store %arg6[%swap3A_908, %swap3A_909, %swap3A_910, %swap3A_911], %swap3A_914 {strides = array<i32>} : memref<2x2x128x128xf32, #tpu.memory_space<vmem>>, vector<1x1x1x16xf32>,
        %get3A_915 = arith.constant 0 : i32
        %get3A_916 = arith.constant 0 : i32
        %get3A_917 = arith.index_cast %get3A_915 : i32 to index
        %get3A_918 = arith.index_cast %get3A_916 : i32 to index
        %get3A_919 = arith.index_cast %scan3A_856 : i32 to index
        %get3A_920 = arith.constant 48 : index
        %get3A_921 = tpu.vector_load %arg6[%get3A_917, %get3A_918, %get3A_919, %get3A_920] {strides = array<i32>} : memref<2x2x128x128xf32, #tpu.memory_space<vmem>>, vector<1x1x1x16xf32>,
        %get3A_922 = vector.shape_cast %get3A_921 : vector<1x1x1x16xf32> to vector<16xf32>
        %mul3A_923 = arith.constant 8.000000e+00 : f32
        %mul3A_924 = vector.broadcast %mul3A_923 : f32 to vector<16xf32>
        %mul3A_925 = arith.mulf %get3A_922, %mul3A_924 : vector<16xf32>
        %swap3A_926 = arith.constant 0 : i32
        %swap3A_927 = arith.constant 0 : i32
        %swap3A_928 = arith.index_cast %swap3A_926 : i32 to index
        %swap3A_929 = arith.index_cast %swap3A_927 : i32 to index
        %swap3A_930 = arith.index_cast %scan3A_856 : i32 to index
        %swap3A_931 = arith.constant 48 : index
        %swap3A_932 = tpu.vector_load %arg6[%swap3A_928, %swap3A_929, %swap3A_930, %swap3A_931] {strides = array<i32>} : memref<2x2x128x128xf32, #tpu.memory_space<vmem>>, vector<1x1x1x16xf32>,
        %swap3A_933 = vector.shape_cast %swap3A_932 : vector<1x1x1x16xf32> to vector<16xf32>
        %swap3A_934 = vector.shape_cast %mul3A_925 : vector<16xf32> to vector<1x1x1x16xf32>
        tpu.vector_store %arg6[%swap3A_928, %swap3A_929, %swap3A_930, %swap3A_931], %swap3A_934 {strides = array<i32>} : memref<2x2x128x128xf32, #tpu.memory_space<vmem>>, vector<1x1x1x16xf32>,
        %get3A_935 = arith.constant 0 : i32
        %get3A_936 = arith.constant 1 : i32
        %get3A_937 = arith.index_cast %get3A_935 : i32 to index
        %get3A_938 = arith.index_cast %get3A_936 : i32 to index
        %get3A_939 = arith.index_cast %scan3A_856 : i32 to index
        %get3A_940 = arith.constant 0 : index
        %get3A_941 = tpu.vector_load %arg6[%get3A_937, %get3A_938, %get3A_939, %get3A_940] {strides = array<i32>} : memref<2x2x128x128xf32, #tpu.memory_space<vmem>>, vector<1x1x1x16xf32>,
        %get3A_942 = vector.shape_cast %get3A_941 : vector<1x1x1x16xf32> to vector<16xf32>
        %mul3A_943 = arith.constant 8.000000e+00 : f32
        %mul3A_944 = vector.broadcast %mul3A_943 : f32 to vector<16xf32>
        %mul3A_945 = arith.mulf %get3A_942, %mul3A_944 : vector<16xf32>
        %swap3A_946 = arith.constant 0 : i32
        %swap3A_947 = arith.constant 1 : i32
        %swap3A_948 = arith.index_cast %swap3A_946 : i32 to index
        %swap3A_949 = arith.index_cast %swap3A_947 : i32 to index
        %swap3A_950 = arith.index_cast %scan3A_856 : i32 to index
        %swap3A_951 = arith.constant 0 : index
        %swap3A_952 = tpu.vector_load %arg6[%swap3A_948, %swap3A_949, %swap3A_950, %swap3A_951] {strides = array<i32>} : memref<2x2x128x128xf32, #tpu.memory_space<vmem>>, vector<1x1x1x16xf32>,
        %swap3A_953 = vector.shape_cast %swap3A_952 : vector<1x1x1x16xf32> to vector<16xf32>
        %swap3A_954 = vector.shape_cast %mul3A_945 : vector<16xf32> to vector<1x1x1x16xf32>
        tpu.vector_store %arg6[%swap3A_948, %swap3A_949, %swap3A_950, %swap3A_951], %swap3A_954 {strides = array<i32>} : memref<2x2x128x128xf32, #tpu.memory_space<vmem>>, vector<1x1x1x16xf32>,
        %get3A_955 = arith.constant 0 : i32
        %get3A_956 = arith.constant 1 : i32
        %get3A_957 = arith.index_cast %get3A_955 : i32 to index
        %get3A_958 = arith.index_cast %get3A_956 : i32 to index
        %get3A_959 = arith.index_cast %scan3A_856 : i32 to index
        %get3A_960 = arith.constant 16 : index
        %get3A_961 = tpu.vector_load %arg6[%get3A_957, %get3A_958, %get3A_959, %get3A_960] {strides = array<i32>} : memref<2x2x128x128xf32, #tpu.memory_space<vmem>>, vector<1x1x1x16xf32>,
        %get3A_962 = vector.shape_cast %get3A_961 : vector<1x1x1x16xf32> to vector<16xf32>
        %mul3A_963 = arith.constant 8.000000e+00 : f32
        %mul3A_964 = vector.broadcast %mul3A_963 : f32 to vector<16xf32>
        %mul3A_965 = arith.mulf %get3A_962, %mul3A_964 : vector<16xf32>
        %swap3A_966 = arith.constant 0 : i32
        %swap3A_967 = arith.constant 1 : i32
        %swap3A_968 = arith.index_cast %swap3A_966 : i32 to index
        %swap3A_969 = arith.index_cast %swap3A_967 : i32 to index
        %swap3A_970 = arith.index_cast %scan3A_856 : i32 to index
        %swap3A_971 = arith.constant 16 : index
        %swap3A_972 = tpu.vector_load %arg6[%swap3A_968, %swap3A_969, %swap3A_970, %swap3A_971] {strides = array<i32>} : memref<2x2x128x128xf32, #tpu.memory_space<vmem>>, vector<1x1x1x16xf32>,
        %swap3A_973 = vector.shape_cast %swap3A_972 : vector<1x1x1x16xf32> to vector<16xf32>
        %swap3A_974 = vector.shape_cast %mul3A_965 : vector<16xf32> to vector<1x1x1x16xf32>
        tpu.vector_store %arg6[%swap3A_968, %swap3A_969, %swap3A_970, %swap3A_971], %swap3A_974 {strides = array<i32>} : memref<2x2x128x128xf32, #tpu.memory_space<vmem>>, vector<1x1x1x16xf32>,
        %get3A_975 = arith.constant 0 : i32
        %get3A_976 = arith.constant 1 : i32
        %get3A_977 = arith.index_cast %get3A_975 : i32 to index
        %get3A_978 = arith.index_cast %get3A_976 : i32 to index
        %get3A_979 = arith.index_cast %scan3A_856 : i32 to index
        %get3A_980 = arith.constant 32 : index
        %get3A_981 = tpu.vector_load %arg6[%get3A_977, %get3A_978, %get3A_979, %get3A_980] {strides = array<i32>} : memref<2x2x128x128xf32, #tpu.memory_space<vmem>>, vector<1x1x1x16xf32>,
        %get3A_982 = vector.shape_cast %get3A_981 : vector<1x1x1x16xf32> to vector<16xf32>
        %mul3A_983 = arith.constant 8.000000e+00 : f32
        %mul3A_984 = vector.broadcast %mul3A_983 : f32 to vector<16xf32>
        %mul3A_985 = arith.mulf %get3A_982, %mul3A_984 : vector<16xf32>
        %swap3A_986 = arith.constant 0 : i32
        %swap3A_987 = arith.constant 1 : i32
        %swap3A_988 = arith.index_cast %swap3A_986 : i32 to index
        %swap3A_989 = arith.index_cast %swap3A_987 : i32 to index
        %swap3A_990 = arith.index_cast %scan3A_856 : i32 to index
        %swap3A_991 = arith.constant 32 : index
        %swap3A_992 = tpu.vector_load %arg6[%swap3A_988, %swap3A_989, %swap3A_990, %swap3A_991] {strides = array<i32>} : memref<2x2x128x128xf32, #tpu.memory_space<vmem>>, vector<1x1x1x16xf32>,
        %swap3A_993 = vector.shape_cast %swap3A_992 : vector<1x1x1x16xf32> to vector<16xf32>
        %swap3A_994 = vector.shape_cast %mul3A_985 : vector<16xf32> to vector<1x1x1x16xf32>
        tpu.vector_store %arg6[%swap3A_988, %swap3A_989, %swap3A_990, %swap3A_991], %swap3A_994 {strides = array<i32>} : memref<2x2x128x128xf32, #tpu.memory_space<vmem>>, vector<1x1x1x16xf32>,
        %get3A_995 = arith.constant 0 : i32
        %get3A_996 = arith.constant 1 : i32
        %get3A_997 = arith.index_cast %get3A_995 : i32 to index
        %get3A_998 = arith.index_cast %get3A_996 : i32 to index
        %get3A_999 = arith.index_cast %scan3A_856 : i32 to index
        %get3A_1000 = arith.constant 48 : index
        %get3A_1001 = tpu.vector_load %arg6[%get3A_997, %get3A_998, %get3A_999, %get3A_1000] {strides = array<i32>} : memref<2x2x128x128xf32, #tpu.memory_space<vmem>>, vector<1x1x1x16xf32>,
        %get3A_1002 = vector.shape_cast %get3A_1001 : vector<1x1x1x16xf32> to vector<16xf32>
        %mul3A_1003 = arith.constant 8.000000e+00 : f32
        %mul3A_1004 = vector.broadcast %mul3A_1003 : f32 to vector<16xf32>
        %mul3A_1005 = arith.mulf %get3A_1002, %mul3A_1004 : vector<16xf32>
        %swap3A_1006 = arith.constant 0 : i32
        %swap3A_1007 = arith.constant 1 : i32
        %swap3A_1008 = arith.index_cast %swap3A_1006 : i32 to index
        %swap3A_1009 = arith.index_cast %swap3A_1007 : i32 to index
        %swap3A_1010 = arith.index_cast %scan3A_856 : i32 to index
        %swap3A_1011 = arith.constant 48 : index
        %swap3A_1012 = tpu.vector_load %arg6[%swap3A_1008, %swap3A_1009, %swap3A_1010, %swap3A_1011] {strides = array<i32>} : memref<2x2x128x128xf32, #tpu.memory_space<vmem>>, vector<1x1x1x16xf32>,
        %swap3A_1013 = vector.shape_cast %swap3A_1012 : vector<1x1x1x16xf32> to vector<16xf32>
        %swap3A_1014 = vector.shape_cast %mul3A_1005 : vector<16xf32> to vector<1x1x1x16xf32>
        tpu.vector_store %arg6[%swap3A_1008, %swap3A_1009, %swap3A_1010, %swap3A_1011], %swap3A_1014 {strides = array<i32>} : memref<2x2x128x128xf32, #tpu.memory_space<vmem>>, vector<1x1x1x16xf32>,
        %scan3A_1015 = arith.constant 1 : i32
        %scan3A_1016 = arith.addi %scan3A_856, %scan3A_1015 : i32
        %get3A_1017 = arith.constant 0 : i32
        %get3A_1018 = arith.constant 0 : i32
        %get3A_1019 = arith.index_cast %get3A_1017 : i32 to index
        %get3A_1020 = arith.index_cast %get3A_1018 : i32 to index
        %get3A_1021 = arith.index_cast %scan3A_1016 : i32 to index
        %get3A_1022 = arith.constant 0 : index
        %get3A_1023 = tpu.vector_load %arg6[%get3A_1019, %get3A_1020, %get3A_1021, %get3A_1022] {strides = array<i32>} : memref<2x2x128x128xf32, #tpu.memory_space<vmem>>, vector<1x1x1x16xf32>,
        %get3A_1024 = vector.shape_cast %get3A_1023 : vector<1x1x1x16xf32> to vector<16xf32>
        %mul3A_1025 = arith.constant 8.000000e+00 : f32
        %mul3A_1026 = vector.broadcast %mul3A_1025 : f32 to vector<16xf32>
        %mul3A_1027 = arith.mulf %get3A_1024, %mul3A_1026 : vector<16xf32>
        %swap3A_1028 = arith.constant 0 : i32
        %swap3A_1029 = arith.constant 0 : i32
        %swap3A_1030 = arith.index_cast %swap3A_1028 : i32 to index
        %swap3A_1031 = arith.index_cast %swap3A_1029 : i32 to index
        %swap3A_1032 = arith.index_cast %scan3A_1016 : i32 to index
        %swap3A_1033 = arith.constant 0 : index
        %swap3A_1034 = tpu.vector_load %arg6[%swap3A_1030, %swap3A_1031, %swap3A_1032, %swap3A_1033] {strides = array<i32>} : memref<2x2x128x128xf32, #tpu.memory_space<vmem>>, vector<1x1x1x16xf32>,
        %swap3A_1035 = vector.shape_cast %swap3A_1034 : vector<1x1x1x16xf32> to vector<16xf32>
        %swap3A_1036 = vector.shape_cast %mul3A_1027 : vector<16xf32> to vector<1x1x1x16xf32>
        tpu.vector_store %arg6[%swap3A_1030, %swap3A_1031, %swap3A_1032, %swap3A_1033], %swap3A_1036 {strides = array<i32>} : memref<2x2x128x128xf32, #tpu.memory_space<vmem>>, vector<1x1x1x16xf32>,
        %get3A_1037 = arith.constant 0 : i32
        %get3A_1038 = arith.constant 0 : i32
        %get3A_1039 = arith.index_cast %get3A_1037 : i32 to index
        %get3A_1040 = arith.index_cast %get3A_1038 : i32 to index
        %get3A_1041 = arith.index_cast %scan3A_1016 : i32 to index
        %get3A_1042 = arith.constant 16 : index
        %get3A_1043 = tpu.vector_load %arg6[%get3A_1039, %get3A_1040, %get3A_1041, %get3A_1042] {strides = array<i32>} : memref<2x2x128x128xf32, #tpu.memory_space<vmem>>, vector<1x1x1x16xf32>,
        %get3A_1044 = vector.shape_cast %get3A_1043 : vector<1x1x1x16xf32> to vector<16xf32>
        %mul3A_1045 = arith.constant 8.000000e+00 : f32
        %mul3A_1046 = vector.broadcast %mul3A_1045 : f32 to vector<16xf32>
        %mul3A_1047 = arith.mulf %get3A_1044, %mul3A_1046 : vector<16xf32>
        %swap3A_1048 = arith.constant 0 : i32
        %swap3A_1049 = arith.constant 0 : i32
        %swap3A_1050 = arith.index_cast %swap3A_1048 : i32 to index
        %swap3A_1051 = arith.index_cast %swap3A_1049 : i32 to index
        %swap3A_1052 = arith.index_cast %scan3A_1016 : i32 to index
        %swap3A_1053 = arith.constant 16 : index
        %swap3A_1054 = tpu.vector_load %arg6[%swap3A_1050, %swap3A_1051, %swap3A_1052, %swap3A_1053] {strides = array<i32>} : memref<2x2x128x128xf32, #tpu.memory_space<vmem>>, vector<1x1x1x16xf32>,
        %swap3A_1055 = vector.shape_cast %swap3A_1054 : vector<1x1x1x16xf32> to vector<16xf32>
        %swap3A_1056 = vector.shape_cast %mul3A_1047 : vector<16xf32> to vector<1x1x1x16xf32>
        tpu.vector_store %arg6[%swap3A_1050, %swap3A_1051, %swap3A_1052, %swap3A_1053], %swap3A_1056 {strides = array<i32>} : memref<2x2x128x128xf32, #tpu.memory_space<vmem>>, vector<1x1x1x16xf32>,
        %get3A_1057 = arith.constant 0 : i32
        %get3A_1058 = arith.constant 0 : i32
        %get3A_1059 = arith.index_cast %get3A_1057 : i32 to index
        %get3A_1060 = arith.index_cast %get3A_1058 : i32 to index
        %get3A_1061 = arith.index_cast %scan3A_1016 : i32 to index
        %get3A_1062 = arith.constant 32 : index
        %get3A_1063 = tpu.vector_load %arg6[%get3A_1059, %get3A_1060, %get3A_1061, %get3A_1062] {strides = array<i32>} : memref<2x2x128x128xf32, #tpu.memory_space<vmem>>, vector<1x1x1x16xf32>,
        %get3A_1064 = vector.shape_cast %get3A_1063 : vector<1x1x1x16xf32> to vector<16xf32>
        %mul3A_1065 = arith.constant 8.000000e+00 : f32
        %mul3A_1066 = vector.broadcast %mul3A_1065 : f32 to vector<16xf32>
        %mul3A_1067 = arith.mulf %get3A_1064, %mul3A_1066 : vector<16xf32>
        %swap3A_1068 = arith.constant 0 : i32
        %swap3A_1069 = arith.constant 0 : i32
        %swap3A_1070 = arith.index_cast %swap3A_1068 : i32 to index
        %swap3A_1071 = arith.index_cast %swap3A_1069 : i32 to index
        %swap3A_1072 = arith.index_cast %scan3A_1016 : i32 to index
        %swap3A_1073 = arith.constant 32 : index
        %swap3A_1074 = tpu.vector_load %arg6[%swap3A_1070, %swap3A_1071, %swap3A_1072, %swap3A_1073] {strides = array<i32>} : memref<2x2x128x128xf32, #tpu.memory_space<vmem>>, vector<1x1x1x16xf32>,
        %swap3A_1075 = vector.shape_cast %swap3A_1074 : vector<1x1x1x16xf32> to vector<16xf32>
        %swap3A_1076 = vector.shape_cast %mul3A_1067 : vector<16xf32> to vector<1x1x1x16xf32>
        tpu.vector_store %arg6[%swap3A_1070, %swap3A_1071, %swap3A_1072, %swap3A_1073], %swap3A_1076 {strides = array<i32>} : memref<2x2x128x128xf32, #tpu.memory_space<vmem>>, vector<1x1x1x16xf32>,
        %get3A_1077 = arith.constant 0 : i32
        %get3A_1078 = arith.constant 0 : i32
        %get3A_1079 = arith.index_cast %get3A_1077 : i32 to index
        %get3A_1080 = arith.index_cast %get3A_1078 : i32 to index
        %get3A_1081 = arith.index_cast %scan3A_1016 : i32 to index
        %get3A_1082 = arith.constant 48 : index
        %get3A_1083 = tpu.vector_load %arg6[%get3A_1079, %get3A_1080, %get3A_1081, %get3A_1082] {strides = array<i32>} : memref<2x2x128x128xf32, #tpu.memory_space<vmem>>, vector<1x1x1x16xf32>,
        %get3A_1084 = vector.shape_cast %get3A_1083 : vector<1x1x1x16xf32> to vector<16xf32>
        %mul3A_1085 = arith.constant 8.000000e+00 : f32
        %mul3A_1086 = vector.broadcast %mul3A_1085 : f32 to vector<16xf32>
        %mul3A_1087 = arith.mulf %get3A_1084, %mul3A_1086 : vector<16xf32>
        %swap3A_1088 = arith.constant 0 : i32
        %swap3A_1089 = arith.constant 0 : i32
        %swap3A_1090 = arith.index_cast %swap3A_1088 : i32 to index
        %swap3A_1091 = arith.index_cast %swap3A_1089 : i32 to index
        %swap3A_1092 = arith.index_cast %scan3A_1016 : i32 to index
        %swap3A_1093 = arith.constant 48 : index
        %swap3A_1094 = tpu.vector_load %arg6[%swap3A_1090, %swap3A_1091, %swap3A_1092, %swap3A_1093] {strides = array<i32>} : memref<2x2x128x128xf32, #tpu.memory_space<vmem>>, vector<1x1x1x16xf32>,
        %swap3A_1095 = vector.shape_cast %swap3A_1094 : vector<1x1x1x16xf32> to vector<16xf32>
        %swap3A_1096 = vector.shape_cast %mul3A_1087 : vector<16xf32> to vector<1x1x1x16xf32>
        tpu.vector_store %arg6[%swap3A_1090, %swap3A_1091, %swap3A_1092, %swap3A_1093], %swap3A_1096 {strides = array<i32>} : memref<2x2x128x128xf32, #tpu.memory_space<vmem>>, vector<1x1x1x16xf32>,
        %get3A_1097 = arith.constant 0 : i32
        %get3A_1098 = arith.constant 1 : i32
        %get3A_1099 = arith.index_cast %get3A_1097 : i32 to index
        %get3A_1100 = arith.index_cast %get3A_1098 : i32 to index
        %get3A_1101 = arith.index_cast %scan3A_1016 : i32 to index
        %get3A_1102 = arith.constant 0 : index
        %get3A_1103 = tpu.vector_load %arg6[%get3A_1099, %get3A_1100, %get3A_1101, %get3A_1102] {strides = array<i32>} : memref<2x2x128x128xf32, #tpu.memory_space<vmem>>, vector<1x1x1x16xf32>,
        %get3A_1104 = vector.shape_cast %get3A_1103 : vector<1x1x1x16xf32> to vector<16xf32>
        %mul3A_1105 = arith.constant 8.000000e+00 : f32
        %mul3A_1106 = vector.broadcast %mul3A_1105 : f32 to vector<16xf32>
        %mul3A_1107 = arith.mulf %get3A_1104, %mul3A_1106 : vector<16xf32>
        %swap3A_1108 = arith.constant 0 : i32
        %swap3A_1109 = arith.constant 1 : i32
        %swap3A_1110 = arith.index_cast %swap3A_1108 : i32 to index
        %swap3A_1111 = arith.index_cast %swap3A_1109 : i32 to index
        %swap3A_1112 = arith.index_cast %scan3A_1016 : i32 to index
        %swap3A_1113 = arith.constant 0 : index
        %swap3A_1114 = tpu.vector_load %arg6[%swap3A_1110, %swap3A_1111, %swap3A_1112, %swap3A_1113] {strides = array<i32>} : memref<2x2x128x128xf32, #tpu.memory_space<vmem>>, vector<1x1x1x16xf32>,
        %swap3A_1115 = vector.shape_cast %swap3A_1114 : vector<1x1x1x16xf32> to vector<16xf32>
        %swap3A_1116 = vector.shape_cast %mul3A_1107 : vector<16xf32> to vector<1x1x1x16xf32>
        tpu.vector_store %arg6[%swap3A_1110, %swap3A_1111, %swap3A_1112, %swap3A_1113], %swap3A_1116 {strides = array<i32>} : memref<2x2x128x128xf32, #tpu.memory_space<vmem>>, vector<1x1x1x16xf32>,
        %get3A_1117 = arith.constant 0 : i32
        %get3A_1118 = arith.constant 1 : i32
        %get3A_1119 = arith.index_cast %get3A_1117 : i32 to index
        %get3A_1120 = arith.index_cast %get3A_1118 : i32 to index
        %get3A_1121 = arith.index_cast %scan3A_1016 : i32 to index
        %get3A_1122 = arith.constant 16 : index
        %get3A_1123 = tpu.vector_load %arg6[%get3A_1119, %get3A_1120, %get3A_1121, %get3A_1122] {strides = array<i32>} : memref<2x2x128x128xf32, #tpu.memory_space<vmem>>, vector<1x1x1x16xf32>,
        %get3A_1124 = vector.shape_cast %get3A_1123 : vector<1x1x1x16xf32> to vector<16xf32>
        %mul3A_1125 = arith.constant 8.000000e+00 : f32
        %mul3A_1126 = vector.broadcast %mul3A_1125 : f32 to vector<16xf32>
        %mul3A_1127 = arith.mulf %get3A_1124, %mul3A_1126 : vector<16xf32>
        %swap3A_1128 = arith.constant 0 : i32
        %swap3A_1129 = arith.constant 1 : i32
        %swap3A_1130 = arith.index_cast %swap3A_1128 : i32 to index
        %swap3A_1131 = arith.index_cast %swap3A_1129 : i32 to index
        %swap3A_1132 = arith.index_cast %scan3A_1016 : i32 to index
        %swap3A_1133 = arith.constant 16 : index
        %swap3A_1134 = tpu.vector_load %arg6[%swap3A_1130, %swap3A_1131, %swap3A_1132, %swap3A_1133] {strides = array<i32>} : memref<2x2x128x128xf32, #tpu.memory_space<vmem>>, vector<1x1x1x16xf32>,
        %swap3A_1135 = vector.shape_cast %swap3A_1134 : vector<1x1x1x16xf32> to vector<16xf32>
        %swap3A_1136 = vector.shape_cast %mul3A_1127 : vector<16xf32> to vector<1x1x1x16xf32>
        tpu.vector_store %arg6[%swap3A_1130, %swap3A_1131, %swap3A_1132, %swap3A_1133], %swap3A_1136 {strides = array<i32>} : memref<2x2x128x128xf32, #tpu.memory_space<vmem>>, vector<1x1x1x16xf32>,
        %get3A_1137 = arith.constant 0 : i32
        %get3A_1138 = arith.constant 1 : i32
        %get3A_1139 = arith.index_cast %get3A_1137 : i32 to index
        %get3A_1140 = arith.index_cast %get3A_1138 : i32 to index
        %get3A_1141 = arith.index_cast %scan3A_1016 : i32 to index
        %get3A_1142 = arith.constant 32 : index
        %get3A_1143 = tpu.vector_load %arg6[%get3A_1139, %get3A_1140, %get3A_1141, %get3A_1142] {strides = array<i32>} : memref<2x2x128x128xf32, #tpu.memory_space<vmem>>, vector<1x1x1x16xf32>,
        %get3A_1144 = vector.shape_cast %get3A_1143 : vector<1x1x1x16xf32> to vector<16xf32>
        %mul3A_1145 = arith.constant 8.000000e+00 : f32
        %mul3A_1146 = vector.broadcast %mul3A_1145 : f32 to vector<16xf32>
        %mul3A_1147 = arith.mulf %get3A_1144, %mul3A_1146 : vector<16xf32>
        %swap3A_1148 = arith.constant 0 : i32
        %swap3A_1149 = arith.constant 1 : i32
        %swap3A_1150 = arith.index_cast %swap3A_1148 : i32 to index
        %swap3A_1151 = arith.index_cast %swap3A_1149 : i32 to index
        %swap3A_1152 = arith.index_cast %scan3A_1016 : i32 to index
        %swap3A_1153 = arith.constant 32 : index
        %swap3A_1154 = tpu.vector_load %arg6[%swap3A_1150, %swap3A_1151, %swap3A_1152, %swap3A_1153] {strides = array<i32>} : memref<2x2x128x128xf32, #tpu.memory_space<vmem>>, vector<1x1x1x16xf32>,
        %swap3A_1155 = vector.shape_cast %swap3A_1154 : vector<1x1x1x16xf32> to vector<16xf32>
        %swap3A_1156 = vector.shape_cast %mul3A_1147 : vector<16xf32> to vector<1x1x1x16xf32>
        tpu.vector_store %arg6[%swap3A_1150, %swap3A_1151, %swap3A_1152, %swap3A_1153], %swap3A_1156 {strides = array<i32>} : memref<2x2x128x128xf32, #tpu.memory_space<vmem>>, vector<1x1x1x16xf32>,
        %get3A_1157 = arith.constant 0 : i32
        %get3A_1158 = arith.constant 1 : i32
        %get3A_1159 = arith.index_cast %get3A_1157 : i32 to index
        %get3A_1160 = arith.index_cast %get3A_1158 : i32 to index
        %get3A_1161 = arith.index_cast %scan3A_1016 : i32 to index
        %get3A_1162 = arith.constant 48 : index
        %get3A_1163 = tpu.vector_load %arg6[%get3A_1159, %get3A_1160, %get3A_1161, %get3A_1162] {strides = array<i32>} : memref<2x2x128x128xf32, #tpu.memory_space<vmem>>, vector<1x1x1x16xf32>,
        %get3A_1164 = vector.shape_cast %get3A_1163 : vector<1x1x1x16xf32> to vector<16xf32>
        %mul3A_1165 = arith.constant 8.000000e+00 : f32
        %mul3A_1166 = vector.broadcast %mul3A_1165 : f32 to vector<16xf32>
        %mul3A_1167 = arith.mulf %get3A_1164, %mul3A_1166 : vector<16xf32>
        %swap3A_1168 = arith.constant 0 : i32
        %swap3A_1169 = arith.constant 1 : i32
        %swap3A_1170 = arith.index_cast %swap3A_1168 : i32 to index
        %swap3A_1171 = arith.index_cast %swap3A_1169 : i32 to index
        %swap3A_1172 = arith.index_cast %scan3A_1016 : i32 to index
        %swap3A_1173 = arith.constant 48 : index
        %swap3A_1174 = tpu.vector_load %arg6[%swap3A_1170, %swap3A_1171, %swap3A_1172, %swap3A_1173] {strides = array<i32>} : memref<2x2x128x128xf32, #tpu.memory_space<vmem>>, vector<1x1x1x16xf32>,
        %swap3A_1175 = vector.shape_cast %swap3A_1174 : vector<1x1x1x16xf32> to vector<16xf32>
        %swap3A_1176 = vector.shape_cast %mul3A_1167 : vector<16xf32> to vector<1x1x1x16xf32>
        tpu.vector_store %arg6[%swap3A_1170, %swap3A_1171, %swap3A_1172, %swap3A_1173], %swap3A_1176 {strides = array<i32>} : memref<2x2x128x128xf32, #tpu.memory_space<vmem>>, vector<1x1x1x16xf32>,
        %scan3A_1177 = arith.constant 2 : i32
        %scan3A_1178 = arith.addi %scan3A_856, %scan3A_1177 : i32
        %get3A_1179 = arith.constant 0 : i32
        %get3A_1180 = arith.constant 0 : i32
        %get3A_1181 = arith.index_cast %get3A_1179 : i32 to index
        %get3A_1182 = arith.index_cast %get3A_1180 : i32 to index
        %get3A_1183 = arith.index_cast %scan3A_1178 : i32 to index
        %get3A_1184 = arith.constant 0 : index
        %get3A_1185 = tpu.vector_load %arg6[%get3A_1181, %get3A_1182, %get3A_1183, %get3A_1184] {strides = array<i32>} : memref<2x2x128x128xf32, #tpu.memory_space<vmem>>, vector<1x1x1x16xf32>,
        %get3A_1186 = vector.shape_cast %get3A_1185 : vector<1x1x1x16xf32> to vector<16xf32>
        %mul3A_1187 = arith.constant 8.000000e+00 : f32
        %mul3A_1188 = vector.broadcast %mul3A_1187 : f32 to vector<16xf32>
        %mul3A_1189 = arith.mulf %get3A_1186, %mul3A_1188 : vector<16xf32>
        %swap3A_1190 = arith.constant 0 : i32
        %swap3A_1191 = arith.constant 0 : i32
        %swap3A_1192 = arith.index_cast %swap3A_1190 : i32 to index
        %swap3A_1193 = arith.index_cast %swap3A_1191 : i32 to index
        %swap3A_1194 = arith.index_cast %scan3A_1178 : i32 to index
        %swap3A_1195 = arith.constant 0 : index
        %swap3A_1196 = tpu.vector_load %arg6[%swap3A_1192, %swap3A_1193, %swap3A_1194, %swap3A_1195] {strides = array<i32>} : memref<2x2x128x128xf32, #tpu.memory_space<vmem>>, vector<1x1x1x16xf32>,
        %swap3A_1197 = vector.shape_cast %swap3A_1196 : vector<1x1x1x16xf32> to vector<16xf32>
        %swap3A_1198 = vector.shape_cast %mul3A_1189 : vector<16xf32> to vector<1x1x1x16xf32>
        tpu.vector_store %arg6[%swap3A_1192, %swap3A_1193, %swap3A_1194, %swap3A_1195], %swap3A_1198 {strides = array<i32>} : memref<2x2x128x128xf32, #tpu.memory_space<vmem>>, vector<1x1x1x16xf32>,
        %get3A_1199 = arith.constant 0 : i32
        %get3A_1200 = arith.constant 0 : i32
        %get3A_1201 = arith.index_cast %get3A_1199 : i32 to index
        %get3A_1202 = arith.index_cast %get3A_1200 : i32 to index
        %get3A_1203 = arith.index_cast %scan3A_1178 : i32 to index
        %get3A_1204 = arith.constant 16 : index
        %get3A_1205 = tpu.vector_load %arg6[%get3A_1201, %get3A_1202, %get3A_1203, %get3A_1204] {strides = array<i32>} : memref<2x2x128x128xf32, #tpu.memory_space<vmem>>, vector<1x1x1x16xf32>,
        %get3A_1206 = vector.shape_cast %get3A_1205 : vector<1x1x1x16xf32> to vector<16xf32>
        %mul3A_1207 = arith.constant 8.000000e+00 : f32
        %mul3A_1208 = vector.broadcast %mul3A_1207 : f32 to vector<16xf32>
        %mul3A_1209 = arith.mulf %get3A_1206, %mul3A_1208 : vector<16xf32>
        %swap3A_1210 = arith.constant 0 : i32
        %swap3A_1211 = arith.constant 0 : i32
        %swap3A_1212 = arith.index_cast %swap3A_1210 : i32 to index
        %swap3A_1213 = arith.index_cast %swap3A_1211 : i32 to index
        %swap3A_1214 = arith.index_cast %scan3A_1178 : i32 to index
        %swap3A_1215 = arith.constant 16 : index
        %swap3A_1216 = tpu.vector_load %arg6[%swap3A_1212, %swap3A_1213, %swap3A_1214, %swap3A_1215] {strides = array<i32>} : memref<2x2x128x128xf32, #tpu.memory_space<vmem>>, vector<1x1x1x16xf32>,
        %swap3A_1217 = vector.shape_cast %swap3A_1216 : vector<1x1x1x16xf32> to vector<16xf32>
        %swap3A_1218 = vector.shape_cast %mul3A_1209 : vector<16xf32> to vector<1x1x1x16xf32>
        tpu.vector_store %arg6[%swap3A_1212, %swap3A_1213, %swap3A_1214, %swap3A_1215], %swap3A_1218 {strides = array<i32>} : memref<2x2x128x128xf32, #tpu.memory_space<vmem>>, vector<1x1x1x16xf32>,
        %get3A_1219 = arith.constant 0 : i32
        %get3A_1220 = arith.constant 0 : i32
        %get3A_1221 = arith.index_cast %get3A_1219 : i32 to index
        %get3A_1222 = arith.index_cast %get3A_1220 : i32 to index
        %get3A_1223 = arith.index_cast %scan3A_1178 : i32 to index
        %get3A_1224 = arith.constant 32 : index
        %get3A_1225 = tpu.vector_load %arg6[%get3A_1221, %get3A_1222, %get3A_1223, %get3A_1224] {strides = array<i32>} : memref<2x2x128x128xf32, #tpu.memory_space<vmem>>, vector<1x1x1x16xf32>,
        %get3A_1226 = vector.shape_cast %get3A_1225 : vector<1x1x1x16xf32> to vector<16xf32>
        %mul3A_1227 = arith.constant 8.000000e+00 : f32
        %mul3A_1228 = vector.broadcast %mul3A_1227 : f32 to vector<16xf32>
        %mul3A_1229 = arith.mulf %get3A_1226, %mul3A_1228 : vector<16xf32>
        %swap3A_1230 = arith.constant 0 : i32
        %swap3A_1231 = arith.constant 0 : i32
        %swap3A_1232 = arith.index_cast %swap3A_1230 : i32 to index
        %swap3A_1233 = arith.index_cast %swap3A_1231 : i32 to index
        %swap3A_1234 = arith.index_cast %scan3A_1178 : i32 to index
        %swap3A_1235 = arith.constant 32 : index
        %swap3A_1236 = tpu.vector_load %arg6[%swap3A_1232, %swap3A_1233, %swap3A_1234, %swap3A_1235] {strides = array<i32>} : memref<2x2x128x128xf32, #tpu.memory_space<vmem>>, vector<1x1x1x16xf32>,
        %swap3A_1237 = vector.shape_cast %swap3A_1236 : vector<1x1x1x16xf32> to vector<16xf32>
        %swap3A_1238 = vector.shape_cast %mul3A_1229 : vector<16xf32> to vector<1x1x1x16xf32>
        tpu.vector_store %arg6[%swap3A_1232, %swap3A_1233, %swap3A_1234, %swap3A_1235], %swap3A_1238 {strides = array<i32>} : memref<2x2x128x128xf32, #tpu.memory_space<vmem>>, vector<1x1x1x16xf32>,
        %get3A_1239 = arith.constant 0 : i32
        %get3A_1240 = arith.constant 0 : i32
        %get3A_1241 = arith.index_cast %get3A_1239 : i32 to index
        %get3A_1242 = arith.index_cast %get3A_1240 : i32 to index
        %get3A_1243 = arith.index_cast %scan3A_1178 : i32 to index
        %get3A_1244 = arith.constant 48 : index
        %get3A_1245 = tpu.vector_load %arg6[%get3A_1241, %get3A_1242, %get3A_1243, %get3A_1244] {strides = array<i32>} : memref<2x2x128x128xf32, #tpu.memory_space<vmem>>, vector<1x1x1x16xf32>,
        %get3A_1246 = vector.shape_cast %get3A_1245 : vector<1x1x1x16xf32> to vector<16xf32>
        %mul3A_1247 = arith.constant 8.000000e+00 : f32
        %mul3A_1248 = vector.broadcast %mul3A_1247 : f32 to vector<16xf32>
        %mul3A_1249 = arith.mulf %get3A_1246, %mul3A_1248 : vector<16xf32>
        %swap3A_1250 = arith.constant 0 : i32
        %swap3A_1251 = arith.constant 0 : i32
        %swap3A_1252 = arith.index_cast %swap3A_1250 : i32 to index
        %swap3A_1253 = arith.index_cast %swap3A_1251 : i32 to index
        %swap3A_1254 = arith.index_cast %scan3A_1178 : i32 to index
        %swap3A_1255 = arith.constant 48 : index
        %swap3A_1256 = tpu.vector_load %arg6[%swap3A_1252, %swap3A_1253, %swap3A_1254, %swap3A_1255] {strides = array<i32>} : memref<2x2x128x128xf32, #tpu.memory_space<vmem>>, vector<1x1x1x16xf32>,
        %swap3A_1257 = vector.shape_cast %swap3A_1256 : vector<1x1x1x16xf32> to vector<16xf32>
        %swap3A_1258 = vector.shape_cast %mul3A_1249 : vector<16xf32> to vector<1x1x1x16xf32>
        tpu.vector_store %arg6[%swap3A_1252, %swap3A_1253, %swap3A_1254, %swap3A_1255], %swap3A_1258 {strides = array<i32>} : memref<2x2x128x128xf32, #tpu.memory_space<vmem>>, vector<1x1x1x16xf32>,
        %get3A_1259 = arith.constant 0 : i32
        %get3A_1260 = arith.constant 1 : i32
        %get3A_1261 = arith.index_cast %get3A_1259 : i32 to index
        %get3A_1262 = arith.index_cast %get3A_1260 : i32 to index
        %get3A_1263 = arith.index_cast %scan3A_1178 : i32 to index
        %get3A_1264 = arith.constant 0 : index
        %get3A_1265 = tpu.vector_load %arg6[%get3A_1261, %get3A_1262, %get3A_1263, %get3A_1264] {strides = array<i32>} : memref<2x2x128x128xf32, #tpu.memory_space<vmem>>, vector<1x1x1x16xf32>,
        %get3A_1266 = vector.shape_cast %get3A_1265 : vector<1x1x1x16xf32> to vector<16xf32>
        %mul3A_1267 = arith.constant 8.000000e+00 : f32
        %mul3A_1268 = vector.broadcast %mul3A_1267 : f32 to vector<16xf32>
        %mul3A_1269 = arith.mulf %get3A_1266, %mul3A_1268 : vector<16xf32>
        %swap3A_1270 = arith.constant 0 : i32
        %swap3A_1271 = arith.constant 1 : i32
        %swap3A_1272 = arith.index_cast %swap3A_1270 : i32 to index
        %swap3A_1273 = arith.index_cast %swap3A_1271 : i32 to index
        %swap3A_1274 = arith.index_cast %scan3A_1178 : i32 to index
        %swap3A_1275 = arith.constant 0 : index
        %swap3A_1276 = tpu.vector_load %arg6[%swap3A_1272, %swap3A_1273, %swap3A_1274, %swap3A_1275] {strides = array<i32>} : memref<2x2x128x128xf32, #tpu.memory_space<vmem>>, vector<1x1x1x16xf32>,
        %swap3A_1277 = vector.shape_cast %swap3A_1276 : vector<1x1x1x16xf32> to vector<16xf32>
        %swap3A_1278 = vector.shape_cast %mul3A_1269 : vector<16xf32> to vector<1x1x1x16xf32>
        tpu.vector_store %arg6[%swap3A_1272, %swap3A_1273, %swap3A_1274, %swap3A_1275], %swap3A_1278 {strides = array<i32>} : memref<2x2x128x128xf32, #tpu.memory_space<vmem>>, vector<1x1x1x16xf32>,
        %get3A_1279 = arith.constant 0 : i32
        %get3A_1280 = arith.constant 1 : i32
        %get3A_1281 = arith.index_cast %get3A_1279 : i32 to index
        %get3A_1282 = arith.index_cast %get3A_1280 : i32 to index
        %get3A_1283 = arith.index_cast %scan3A_1178 : i32 to index
        %get3A_1284 = arith.constant 16 : index
        %get3A_1285 = tpu.vector_load %arg6[%get3A_1281, %get3A_1282, %get3A_1283, %get3A_1284] {strides = array<i32>} : memref<2x2x128x128xf32, #tpu.memory_space<vmem>>, vector<1x1x1x16xf32>,
        %get3A_1286 = vector.shape_cast %get3A_1285 : vector<1x1x1x16xf32> to vector<16xf32>
        %mul3A_1287 = arith.constant 8.000000e+00 : f32
        %mul3A_1288 = vector.broadcast %mul3A_1287 : f32 to vector<16xf32>
        %mul3A_1289 = arith.mulf %get3A_1286, %mul3A_1288 : vector<16xf32>
        %swap3A_1290 = arith.constant 0 : i32
        %swap3A_1291 = arith.constant 1 : i32
        %swap3A_1292 = arith.index_cast %swap3A_1290 : i32 to index
        %swap3A_1293 = arith.index_cast %swap3A_1291 : i32 to index
        %swap3A_1294 = arith.index_cast %scan3A_1178 : i32 to index
        %swap3A_1295 = arith.constant 16 : index
        %swap3A_1296 = tpu.vector_load %arg6[%swap3A_1292, %swap3A_1293, %swap3A_1294, %swap3A_1295] {strides = array<i32>} : memref<2x2x128x128xf32, #tpu.memory_space<vmem>>, vector<1x1x1x16xf32>,
        %swap3A_1297 = vector.shape_cast %swap3A_1296 : vector<1x1x1x16xf32> to vector<16xf32>
        %swap3A_1298 = vector.shape_cast %mul3A_1289 : vector<16xf32> to vector<1x1x1x16xf32>
        tpu.vector_store %arg6[%swap3A_1292, %swap3A_1293, %swap3A_1294, %swap3A_1295], %swap3A_1298 {strides = array<i32>} : memref<2x2x128x128xf32, #tpu.memory_space<vmem>>, vector<1x1x1x16xf32>,
        %get3A_1299 = arith.constant 0 : i32
        %get3A_1300 = arith.constant 1 : i32
        %get3A_1301 = arith.index_cast %get3A_1299 : i32 to index
        %get3A_1302 = arith.index_cast %get3A_1300 : i32 to index
        %get3A_1303 = arith.index_cast %scan3A_1178 : i32 to index
        %get3A_1304 = arith.constant 32 : index
        %get3A_1305 = tpu.vector_load %arg6[%get3A_1301, %get3A_1302, %get3A_1303, %get3A_1304] {strides = array<i32>} : memref<2x2x128x128xf32, #tpu.memory_space<vmem>>, vector<1x1x1x16xf32>,
        %get3A_1306 = vector.shape_cast %get3A_1305 : vector<1x1x1x16xf32> to vector<16xf32>
        %mul3A_1307 = arith.constant 8.000000e+00 : f32
        %mul3A_1308 = vector.broadcast %mul3A_1307 : f32 to vector<16xf32>
        %mul3A_1309 = arith.mulf %get3A_1306, %mul3A_1308 : vector<16xf32>
        %swap3A_1310 = arith.constant 0 : i32
        %swap3A_1311 = arith.constant 1 : i32
        %swap3A_1312 = arith.index_cast %swap3A_1310 : i32 to index
        %swap3A_1313 = arith.index_cast %swap3A_1311 : i32 to index
        %swap3A_1314 = arith.index_cast %scan3A_1178 : i32 to index
        %swap3A_1315 = arith.constant 32 : index
        %swap3A_1316 = tpu.vector_load %arg6[%swap3A_1312, %swap3A_1313, %swap3A_1314, %swap3A_1315] {strides = array<i32>} : memref<2x2x128x128xf32, #tpu.memory_space<vmem>>, vector<1x1x1x16xf32>,
        %swap3A_1317 = vector.shape_cast %swap3A_1316 : vector<1x1x1x16xf32> to vector<16xf32>
        %swap3A_1318 = vector.shape_cast %mul3A_1309 : vector<16xf32> to vector<1x1x1x16xf32>
        tpu.vector_store %arg6[%swap3A_1312, %swap3A_1313, %swap3A_1314, %swap3A_1315], %swap3A_1318 {strides = array<i32>} : memref<2x2x128x128xf32, #tpu.memory_space<vmem>>, vector<1x1x1x16xf32>,
        %get3A_1319 = arith.constant 0 : i32
        %get3A_1320 = arith.constant 1 : i32
        %get3A_1321 = arith.index_cast %get3A_1319 : i32 to index
        %get3A_1322 = arith.index_cast %get3A_1320 : i32 to index
        %get3A_1323 = arith.index_cast %scan3A_1178 : i32 to index
        %get3A_1324 = arith.constant 48 : index
        %get3A_1325 = tpu.vector_load %arg6[%get3A_1321, %get3A_1322, %get3A_1323, %get3A_1324] {strides = array<i32>} : memref<2x2x128x128xf32, #tpu.memory_space<vmem>>, vector<1x1x1x16xf32>,
        %get3A_1326 = vector.shape_cast %get3A_1325 : vector<1x1x1x16xf32> to vector<16xf32>
        %mul3A_1327 = arith.constant 8.000000e+00 : f32
        %mul3A_1328 = vector.broadcast %mul3A_1327 : f32 to vector<16xf32>
        %mul3A_1329 = arith.mulf %get3A_1326, %mul3A_1328 : vector<16xf32>
        %swap3A_1330 = arith.constant 0 : i32
        %swap3A_1331 = arith.constant 1 : i32
        %swap3A_1332 = arith.index_cast %swap3A_1330 : i32 to index
        %swap3A_1333 = arith.index_cast %swap3A_1331 : i32 to index
        %swap3A_1334 = arith.index_cast %scan3A_1178 : i32 to index
        %swap3A_1335 = arith.constant 48 : index
        %swap3A_1336 = tpu.vector_load %arg6[%swap3A_1332, %swap3A_1333, %swap3A_1334, %swap3A_1335] {strides = array<i32>} : memref<2x2x128x128xf32, #tpu.memory_space<vmem>>, vector<1x1x1x16xf32>,
        %swap3A_1337 = vector.shape_cast %swap3A_1336 : vector<1x1x1x16xf32> to vector<16xf32>
        %swap3A_1338 = vector.shape_cast %mul3A_1329 : vector<16xf32> to vector<1x1x1x16xf32>
        tpu.vector_store %arg6[%swap3A_1332, %swap3A_1333, %swap3A_1334, %swap3A_1335], %swap3A_1338 {strides = array<i32>} : memref<2x2x128x128xf32, #tpu.memory_space<vmem>>, vector<1x1x1x16xf32>,
        %scan3A_1339 = arith.constant 3 : i32
        %scan3A_1340 = arith.addi %scan3A_856, %scan3A_1339 : i32
        %get3A_1341 = arith.constant 0 : i32
        %get3A_1342 = arith.constant 0 : i32
        %get3A_1343 = arith.index_cast %get3A_1341 : i32 to index
        %get3A_1344 = arith.index_cast %get3A_1342 : i32 to index
        %get3A_1345 = arith.index_cast %scan3A_1340 : i32 to index
        %get3A_1346 = arith.constant 0 : index
        %get3A_1347 = tpu.vector_load %arg6[%get3A_1343, %get3A_1344, %get3A_1345, %get3A_1346] {strides = array<i32>} : memref<2x2x128x128xf32, #tpu.memory_space<vmem>>, vector<1x1x1x16xf32>,
        %get3A_1348 = vector.shape_cast %get3A_1347 : vector<1x1x1x16xf32> to vector<16xf32>
        %mul3A_1349 = arith.constant 8.000000e+00 : f32
        %mul3A_1350 = vector.broadcast %mul3A_1349 : f32 to vector<16xf32>
        %mul3A_1351 = arith.mulf %get3A_1348, %mul3A_1350 : vector<16xf32>
        %swap3A_1352 = arith.constant 0 : i32
        %swap3A_1353 = arith.constant 0 : i32
        %swap3A_1354 = arith.index_cast %swap3A_1352 : i32 to index
        %swap3A_1355 = arith.index_cast %swap3A_1353 : i32 to index
        %swap3A_1356 = arith.index_cast %scan3A_1340 : i32 to index
        %swap3A_1357 = arith.constant 0 : index
        %swap3A_1358 = tpu.vector_load %arg6[%swap3A_1354, %swap3A_1355, %swap3A_1356, %swap3A_1357] {strides = array<i32>} : memref<2x2x128x128xf32, #tpu.memory_space<vmem>>, vector<1x1x1x16xf32>,
        %swap3A_1359 = vector.shape_cast %swap3A_1358 : vector<1x1x1x16xf32> to vector<16xf32>
        %swap3A_1360 = vector.shape_cast %mul3A_1351 : vector<16xf32> to vector<1x1x1x16xf32>
        tpu.vector_store %arg6[%swap3A_1354, %swap3A_1355, %swap3A_1356, %swap3A_1357], %swap3A_1360 {strides = array<i32>} : memref<2x2x128x128xf32, #tpu.memory_space<vmem>>, vector<1x1x1x16xf32>,
        %get3A_1361 = arith.constant 0 : i32
        %get3A_1362 = arith.constant 0 : i32
        %get3A_1363 = arith.index_cast %get3A_1361 : i32 to index
        %get3A_1364 = arith.index_cast %get3A_1362 : i32 to index
        %get3A_1365 = arith.index_cast %scan3A_1340 : i32 to index
        %get3A_1366 = arith.constant 16 : index
        %get3A_1367 = tpu.vector_load %arg6[%get3A_1363, %get3A_1364, %get3A_1365, %get3A_1366] {strides = array<i32>} : memref<2x2x128x128xf32, #tpu.memory_space<vmem>>, vector<1x1x1x16xf32>,
        %get3A_1368 = vector.shape_cast %get3A_1367 : vector<1x1x1x16xf32> to vector<16xf32>
        %mul3A_1369 = arith.constant 8.000000e+00 : f32
        %mul3A_1370 = vector.broadcast %mul3A_1369 : f32 to vector<16xf32>
        %mul3A_1371 = arith.mulf %get3A_1368, %mul3A_1370 : vector<16xf32>
        %swap3A_1372 = arith.constant 0 : i32
        %swap3A_1373 = arith.constant 0 : i32
        %swap3A_1374 = arith.index_cast %swap3A_1372 : i32 to index
        %swap3A_1375 = arith.index_cast %swap3A_1373 : i32 to index
        %swap3A_1376 = arith.index_cast %scan3A_1340 : i32 to index
        %swap3A_1377 = arith.constant 16 : index
        %swap3A_1378 = tpu.vector_load %arg6[%swap3A_1374, %swap3A_1375, %swap3A_1376, %swap3A_1377] {strides = array<i32>} : memref<2x2x128x128xf32, #tpu.memory_space<vmem>>, vector<1x1x1x16xf32>,
        %swap3A_1379 = vector.shape_cast %swap3A_1378 : vector<1x1x1x16xf32> to vector<16xf32>
        %swap3A_1380 = vector.shape_cast %mul3A_1371 : vector<16xf32> to vector<1x1x1x16xf32>
        tpu.vector_store %arg6[%swap3A_1374, %swap3A_1375, %swap3A_1376, %swap3A_1377], %swap3A_1380 {strides = array<i32>} : memref<2x2x128x128xf32, #tpu.memory_space<vmem>>, vector<1x1x1x16xf32>,
        %get3A_1381 = arith.constant 0 : i32
        %get3A_1382 = arith.constant 0 : i32
        %get3A_1383 = arith.index_cast %get3A_1381 : i32 to index
        %get3A_1384 = arith.index_cast %get3A_1382 : i32 to index
        %get3A_1385 = arith.index_cast %scan3A_1340 : i32 to index
        %get3A_1386 = arith.constant 32 : index
        %get3A_1387 = tpu.vector_load %arg6[%get3A_1383, %get3A_1384, %get3A_1385, %get3A_1386] {strides = array<i32>} : memref<2x2x128x128xf32, #tpu.memory_space<vmem>>, vector<1x1x1x16xf32>,
        %get3A_1388 = vector.shape_cast %get3A_1387 : vector<1x1x1x16xf32> to vector<16xf32>
        %mul3A_1389 = arith.constant 8.000000e+00 : f32
        %mul3A_1390 = vector.broadcast %mul3A_1389 : f32 to vector<16xf32>
        %mul3A_1391 = arith.mulf %get3A_1388, %mul3A_1390 : vector<16xf32>
        %swap3A_1392 = arith.constant 0 : i32
        %swap3A_1393 = arith.constant 0 : i32
        %swap3A_1394 = arith.index_cast %swap3A_1392 : i32 to index
        %swap3A_1395 = arith.index_cast %swap3A_1393 : i32 to index
        %swap3A_1396 = arith.index_cast %scan3A_1340 : i32 to index
        %swap3A_1397 = arith.constant 32 : index
        %swap3A_1398 = tpu.vector_load %arg6[%swap3A_1394, %swap3A_1395, %swap3A_1396, %swap3A_1397] {strides = array<i32>} : memref<2x2x128x128xf32, #tpu.memory_space<vmem>>, vector<1x1x1x16xf32>,
        %swap3A_1399 = vector.shape_cast %swap3A_1398 : vector<1x1x1x16xf32> to vector<16xf32>
        %swap3A_1400 = vector.shape_cast %mul3A_1391 : vector<16xf32> to vector<1x1x1x16xf32>
        tpu.vector_store %arg6[%swap3A_1394, %swap3A_1395, %swap3A_1396, %swap3A_1397], %swap3A_1400 {strides = array<i32>} : memref<2x2x128x128xf32, #tpu.memory_space<vmem>>, vector<1x1x1x16xf32>,
        %get3A_1401 = arith.constant 0 : i32
        %get3A_1402 = arith.constant 0 : i32
        %get3A_1403 = arith.index_cast %get3A_1401 : i32 to index
        %get3A_1404 = arith.index_cast %get3A_1402 : i32 to index
        %get3A_1405 = arith.index_cast %scan3A_1340 : i32 to index
        %get3A_1406 = arith.constant 48 : index
        %get3A_1407 = tpu.vector_load %arg6[%get3A_1403, %get3A_1404, %get3A_1405, %get3A_1406] {strides = array<i32>} : memref<2x2x128x128xf32, #tpu.memory_space<vmem>>, vector<1x1x1x16xf32>,
        %get3A_1408 = vector.shape_cast %get3A_1407 : vector<1x1x1x16xf32> to vector<16xf32>
        %mul3A_1409 = arith.constant 8.000000e+00 : f32
        %mul3A_1410 = vector.broadcast %mul3A_1409 : f32 to vector<16xf32>
        %mul3A_1411 = arith.mulf %get3A_1408, %mul3A_1410 : vector<16xf32>
        %swap3A_1412 = arith.constant 0 : i32
        %swap3A_1413 = arith.constant 0 : i32
        %swap3A_1414 = arith.index_cast %swap3A_1412 : i32 to index
        %swap3A_1415 = arith.index_cast %swap3A_1413 : i32 to index
        %swap3A_1416 = arith.index_cast %scan3A_1340 : i32 to index
        %swap3A_1417 = arith.constant 48 : index
        %swap3A_1418 = tpu.vector_load %arg6[%swap3A_1414, %swap3A_1415, %swap3A_1416, %swap3A_1417] {strides = array<i32>} : memref<2x2x128x128xf32, #tpu.memory_space<vmem>>, vector<1x1x1x16xf32>,
        %swap3A_1419 = vector.shape_cast %swap3A_1418 : vector<1x1x1x16xf32> to vector<16xf32>
        %swap3A_1420 = vector.shape_cast %mul3A_1411 : vector<16xf32> to vector<1x1x1x16xf32>
        tpu.vector_store %arg6[%swap3A_1414, %swap3A_1415, %swap3A_1416, %swap3A_1417], %swap3A_1420 {strides = array<i32>} : memref<2x2x128x128xf32, #tpu.memory_space<vmem>>, vector<1x1x1x16xf32>,
        %get3A_1421 = arith.constant 0 : i32
        %get3A_1422 = arith.constant 1 : i32
        %get3A_1423 = arith.index_cast %get3A_1421 : i32 to index
        %get3A_1424 = arith.index_cast %get3A_1422 : i32 to index
        %get3A_1425 = arith.index_cast %scan3A_1340 : i32 to index
        %get3A_1426 = arith.constant 0 : index
        %get3A_1427 = tpu.vector_load %arg6[%get3A_1423, %get3A_1424, %get3A_1425, %get3A_1426] {strides = array<i32>} : memref<2x2x128x128xf32, #tpu.memory_space<vmem>>, vector<1x1x1x16xf32>,
        %get3A_1428 = vector.shape_cast %get3A_1427 : vector<1x1x1x16xf32> to vector<16xf32>
        %mul3A_1429 = arith.constant 8.000000e+00 : f32
        %mul3A_1430 = vector.broadcast %mul3A_1429 : f32 to vector<16xf32>
        %mul3A_1431 = arith.mulf %get3A_1428, %mul3A_1430 : vector<16xf32>
        %swap3A_1432 = arith.constant 0 : i32
        %swap3A_1433 = arith.constant 1 : i32
        %swap3A_1434 = arith.index_cast %swap3A_1432 : i32 to index
        %swap3A_1435 = arith.index_cast %swap3A_1433 : i32 to index
        %swap3A_1436 = arith.index_cast %scan3A_1340 : i32 to index
        %swap3A_1437 = arith.constant 0 : index
        %swap3A_1438 = tpu.vector_load %arg6[%swap3A_1434, %swap3A_1435, %swap3A_1436, %swap3A_1437] {strides = array<i32>} : memref<2x2x128x128xf32, #tpu.memory_space<vmem>>, vector<1x1x1x16xf32>,
        %swap3A_1439 = vector.shape_cast %swap3A_1438 : vector<1x1x1x16xf32> to vector<16xf32>
        %swap3A_1440 = vector.shape_cast %mul3A_1431 : vector<16xf32> to vector<1x1x1x16xf32>
        tpu.vector_store %arg6[%swap3A_1434, %swap3A_1435, %swap3A_1436, %swap3A_1437], %swap3A_1440 {strides = array<i32>} : memref<2x2x128x128xf32, #tpu.memory_space<vmem>>, vector<1x1x1x16xf32>,
        %get3A_1441 = arith.constant 0 : i32
        %get3A_1442 = arith.constant 1 : i32
        %get3A_1443 = arith.index_cast %get3A_1441 : i32 to index
        %get3A_1444 = arith.index_cast %get3A_1442 : i32 to index
        %get3A_1445 = arith.index_cast %scan3A_1340 : i32 to index
        %get3A_1446 = arith.constant 16 : index
        %get3A_1447 = tpu.vector_load %arg6[%get3A_1443, %get3A_1444, %get3A_1445, %get3A_1446] {strides = array<i32>} : memref<2x2x128x128xf32, #tpu.memory_space<vmem>>, vector<1x1x1x16xf32>,
        %get3A_1448 = vector.shape_cast %get3A_1447 : vector<1x1x1x16xf32> to vector<16xf32>
        %mul3A_1449 = arith.constant 8.000000e+00 : f32
        %mul3A_1450 = vector.broadcast %mul3A_1449 : f32 to vector<16xf32>
        %mul3A_1451 = arith.mulf %get3A_1448, %mul3A_1450 : vector<16xf32>
        %swap3A_1452 = arith.constant 0 : i32
        %swap3A_1453 = arith.constant 1 : i32
        %swap3A_1454 = arith.index_cast %swap3A_1452 : i32 to index
        %swap3A_1455 = arith.index_cast %swap3A_1453 : i32 to index
        %swap3A_1456 = arith.index_cast %scan3A_1340 : i32 to index
        %swap3A_1457 = arith.constant 16 : index
        %swap3A_1458 = tpu.vector_load %arg6[%swap3A_1454, %swap3A_1455, %swap3A_1456, %swap3A_1457] {strides = array<i32>} : memref<2x2x128x128xf32, #tpu.memory_space<vmem>>, vector<1x1x1x16xf32>,
        %swap3A_1459 = vector.shape_cast %swap3A_1458 : vector<1x1x1x16xf32> to vector<16xf32>
        %swap3A_1460 = vector.shape_cast %mul3A_1451 : vector<16xf32> to vector<1x1x1x16xf32>
        tpu.vector_store %arg6[%swap3A_1454, %swap3A_1455, %swap3A_1456, %swap3A_1457], %swap3A_1460 {strides = array<i32>} : memref<2x2x128x128xf32, #tpu.memory_space<vmem>>, vector<1x1x1x16xf32>,
        %get3A_1461 = arith.constant 0 : i32
        %get3A_1462 = arith.constant 1 : i32
        %get3A_1463 = arith.index_cast %get3A_1461 : i32 to index
        %get3A_1464 = arith.index_cast %get3A_1462 : i32 to index
        %get3A_1465 = arith.index_cast %scan3A_1340 : i32 to index
        %get3A_1466 = arith.constant 32 : index
        %get3A_1467 = tpu.vector_load %arg6[%get3A_1463, %get3A_1464, %get3A_1465, %get3A_1466] {strides = array<i32>} : memref<2x2x128x128xf32, #tpu.memory_space<vmem>>, vector<1x1x1x16xf32>,
        %get3A_1468 = vector.shape_cast %get3A_1467 : vector<1x1x1x16xf32> to vector<16xf32>
        %mul3A_1469 = arith.constant 8.000000e+00 : f32
        %mul3A_1470 = vector.broadcast %mul3A_1469 : f32 to vector<16xf32>
        %mul3A_1471 = arith.mulf %get3A_1468, %mul3A_1470 : vector<16xf32>
        %swap3A_1472 = arith.constant 0 : i32
        %swap3A_1473 = arith.constant 1 : i32
        %swap3A_1474 = arith.index_cast %swap3A_1472 : i32 to index
        %swap3A_1475 = arith.index_cast %swap3A_1473 : i32 to index
        %swap3A_1476 = arith.index_cast %scan3A_1340 : i32 to index
        %swap3A_1477 = arith.constant 32 : index
        %swap3A_1478 = tpu.vector_load %arg6[%swap3A_1474, %swap3A_1475, %swap3A_1476, %swap3A_1477] {strides = array<i32>} : memref<2x2x128x128xf32, #tpu.memory_space<vmem>>, vector<1x1x1x16xf32>,
        %swap3A_1479 = vector.shape_cast %swap3A_1478 : vector<1x1x1x16xf32> to vector<16xf32>
        %swap3A_1480 = vector.shape_cast %mul3A_1471 : vector<16xf32> to vector<1x1x1x16xf32>
        tpu.vector_store %arg6[%swap3A_1474, %swap3A_1475, %swap3A_1476, %swap3A_1477], %swap3A_1480 {strides = array<i32>} : memref<2x2x128x128xf32, #tpu.memory_space<vmem>>, vector<1x1x1x16xf32>,
        %get3A_1481 = arith.constant 0 : i32
        %get3A_1482 = arith.constant 1 : i32
        %get3A_1483 = arith.index_cast %get3A_1481 : i32 to index
        %get3A_1484 = arith.index_cast %get3A_1482 : i32 to index
        %get3A_1485 = arith.index_cast %scan3A_1340 : i32 to index
        %get3A_1486 = arith.constant 48 : index
        %get3A_1487 = tpu.vector_load %arg6[%get3A_1483, %get3A_1484, %get3A_1485, %get3A_1486] {strides = array<i32>} : memref<2x2x128x128xf32, #tpu.memory_space<vmem>>, vector<1x1x1x16xf32>,
        %get3A_1488 = vector.shape_cast %get3A_1487 : vector<1x1x1x16xf32> to vector<16xf32>
        %mul3A_1489 = arith.constant 8.000000e+00 : f32
        %mul3A_1490 = vector.broadcast %mul3A_1489 : f32 to vector<16xf32>
        %mul3A_1491 = arith.mulf %get3A_1488, %mul3A_1490 : vector<16xf32>
        %swap3A_1492 = arith.constant 0 : i32
        %swap3A_1493 = arith.constant 1 : i32
        %swap3A_1494 = arith.index_cast %swap3A_1492 : i32 to index
        %swap3A_1495 = arith.index_cast %swap3A_1493 : i32 to index
        %swap3A_1496 = arith.index_cast %scan3A_1340 : i32 to index
        %swap3A_1497 = arith.constant 48 : index
        %swap3A_1498 = tpu.vector_load %arg6[%swap3A_1494, %swap3A_1495, %swap3A_1496, %swap3A_1497] {strides = array<i32>} : memref<2x2x128x128xf32, #tpu.memory_space<vmem>>, vector<1x1x1x16xf32>,
        %swap3A_1499 = vector.shape_cast %swap3A_1498 : vector<1x1x1x16xf32> to vector<16xf32>
        %swap3A_1500 = vector.shape_cast %mul3A_1491 : vector<16xf32> to vector<1x1x1x16xf32>
        tpu.vector_store %arg6[%swap3A_1494, %swap3A_1495, %swap3A_1496, %swap3A_1497], %swap3A_1500 {strides = array<i32>} : memref<2x2x128x128xf32, #tpu.memory_space<vmem>>, vector<1x1x1x16xf32>,
      }
      %scan3A_647 = arith.constant 128 : i32
      %mul3A_648 = arith.constant 2 : i32
      %mul3A_649 = arith.muli %mul3A_528, %mul3A_648 : i32
      %add3A_650 = arith.constant 0 : i32
      %add3A_651 = arith.addi %mul3A_649, %add3A_650 : i32
      %add3A_652 = arith.addi %mul3A_2, %add3A_651 : i32
      %mul3A_653 = arith.constant 128 : i32
      %mul3A_654 = arith.muli %add3A_652, %mul3A_653 : i32
      %dma_start3A_655 = arith.constant 0 : i32
      %dma_start3A_656 = arith.constant 0 : i32
      %dma_start3A_657 = arith.constant 0 : i32
      %dma_start3A_658 = arith.constant 0 : i32
      %dma_start3A_659 = tpu.memref_slice %arg6[%dma_start3A_655, %dma_start3A_656, %dma_start3A_657, %dma_start3A_658] : memref<2x2x128x128xf32, #tpu.memory_space<vmem>> -> memref<1x1x128x128xf32, #tpu.memory_space<vmem>>
      %dma_start3A_660 = tpu.memref_squeeze %dma_start3A_659 : memref<1x1x128x128xf32, #tpu.memory_space<vmem>> -> memref<128x128xf32, #tpu.memory_space<vmem>>
      %dma_start3A_661 = arith.constant 0 : i32
      %dma_start3A_662 = tpu.memref_slice %arg4[%mul3A_654, %dma_start3A_661] : memref<819200x128xf32, #tpu.memory_space<hbm>> -> memref<128x128xf32, #tpu.memory_space<hbm>>
      %dma_start3A_663 = arith.constant 0 : i32
      %dma_start3A_664 = tpu.memref_slice %arg4[%mul3A_654, %dma_start3A_663] : memref<819200x128xf32, #tpu.memory_space<hbm>> -> memref<128x128xf32, #tpu.memory_space<hbm>>
      %dma_start3A_665 = arith.constant 0 : i32
      %dma_start3A_666 = arith.constant 0 : i32
      %dma_start3A_667 = tpu.memref_slice %arg6[%dma_start3A_655, %dma_start3A_656, %dma_start3A_665, %dma_start3A_666] : memref<2x2x128x128xf32, #tpu.memory_space<vmem>> -> memref<1x1x128x128xf32, #tpu.memory_space<vmem>>
      %dma_start3A_668 = tpu.memref_squeeze %dma_start3A_667 : memref<1x1x128x128xf32, #tpu.memory_space<vmem>> -> memref<128x128xf32, #tpu.memory_space<vmem>>
      tpu.enqueue_dma source(%dma_start3A_668 : memref<128x128xf32, #tpu.memory_space<vmem>>) target(%dma_start3A_664 : memref<128x128xf32, #tpu.memory_space<hbm>>) target_semaphore(%arg9 : memref<!tpu.dma_semaphore, #tpu.memory_space<semaphore_mem>>)
      %mul3A_669 = arith.constant 2 : i32
      %mul3A_670 = arith.muli %mul3A_528, %mul3A_669 : i32
      %add3A_671 = arith.constant 1 : i32
      %add3A_672 = arith.addi %mul3A_670, %add3A_671 : i32
      %add3A_673 = arith.addi %mul3A_2, %add3A_672 : i32
      %mul3A_674 = arith.constant 128 : i32
      %mul3A_675 = arith.muli %add3A_673, %mul3A_674 : i32
      %dma_start3A_676 = arith.constant 0 : i32
      %dma_start3A_677 = arith.constant 1 : i32
      %dma_start3A_678 = arith.constant 0 : i32
      %dma_start3A_679 = arith.constant 0 : i32
      %dma_start3A_680 = tpu.memref_slice %arg6[%dma_start3A_676, %dma_start3A_677, %dma_start3A_678, %dma_start3A_679] : memref<2x2x128x128xf32, #tpu.memory_space<vmem>> -> memref<1x1x128x128xf32, #tpu.memory_space<vmem>>
      %dma_start3A_681 = tpu.memref_squeeze %dma_start3A_680 : memref<1x1x128x128xf32, #tpu.memory_space<vmem>> -> memref<128x128xf32, #tpu.memory_space<vmem>>
      %dma_start3A_682 = arith.constant 0 : i32
      %dma_start3A_683 = tpu.memref_slice %arg4[%mul3A_675, %dma_start3A_682] : memref<819200x128xf32, #tpu.memory_space<hbm>> -> memref<128x128xf32, #tpu.memory_space<hbm>>
      %dma_start3A_684 = arith.constant 0 : i32
      %dma_start3A_685 = tpu.memref_slice %arg4[%mul3A_675, %dma_start3A_684] : memref<819200x128xf32, #tpu.memory_space<hbm>> -> memref<128x128xf32, #tpu.memory_space<hbm>>
      %dma_start3A_686 = arith.constant 0 : i32
      %dma_start3A_687 = arith.constant 0 : i32
      %dma_start3A_688 = tpu.memref_slice %arg6[%dma_start3A_676, %dma_start3A_677, %dma_start3A_686, %dma_start3A_687] : memref<2x2x128x128xf32, #tpu.memory_space<vmem>> -> memref<1x1x128x128xf32, #tpu.memory_space<vmem>>
      %dma_start3A_689 = tpu.memref_squeeze %dma_start3A_688 : memref<1x1x128x128xf32, #tpu.memory_space<vmem>> -> memref<128x128xf32, #tpu.memory_space<vmem>>
      tpu.enqueue_dma source(%dma_start3A_689 : memref<128x128xf32, #tpu.memory_space<vmem>>) target(%dma_start3A_685 : memref<128x128xf32, #tpu.memory_space<hbm>>) target_semaphore(%arg9 : memref<!tpu.dma_semaphore, #tpu.memory_space<semaphore_mem>>)
      %mul3A_690 = arith.constant 2 : i32
      %mul3A_691 = arith.muli %mul3A_690, %scan3A_526 : i32
      %add3A_692 = arith.constant 1 : i32
      %add3A_693 = arith.addi %mul3A_691, %add3A_692 : i32
      %sub3A_694 = arith.constant 1 : i32
      %sub3A_695 = arith.subi %add3A_693, %sub3A_694 : i32
      %mul3A_696 = arith.constant 2 : i32
      %mul3A_697 = arith.muli %sub3A_695, %mul3A_696 : i32
      %add3A_698 = arith.constant 0 : i32
      %add3A_699 = arith.addi %mul3A_697, %add3A_698 : i32
      %add3A_700 = arith.addi %mul3A_2, %add3A_699 : i32
      %mul3A_701 = arith.constant 128 : i32
      %mul3A_702 = arith.muli %add3A_700, %mul3A_701 : i32
      %dma_wait3A_703 = arith.constant 0 : i32
      %dma_wait3A_704 = arith.constant 0 : i32
      %dma_wait3A_705 = arith.constant 0 : i32
      %dma_wait3A_706 = arith.constant 0 : i32
      %dma_wait3A_707 = tpu.memref_slice %arg6[%dma_wait3A_703, %dma_wait3A_704, %dma_wait3A_705, %dma_wait3A_706] : memref<2x2x128x128xf32, #tpu.memory_space<vmem>> -> memref<1x1x128x128xf32, #tpu.memory_space<vmem>>
      %dma_wait3A_708 = tpu.memref_squeeze %dma_wait3A_707 : memref<1x1x128x128xf32, #tpu.memory_space<vmem>> -> memref<128x128xf32, #tpu.memory_space<vmem>>
      %dma_wait3A_709 = arith.constant 0 : i32
      %dma_wait3A_710 = tpu.memref_slice %arg4[%mul3A_702, %dma_wait3A_709] : memref<819200x128xf32, #tpu.memory_space<hbm>> -> memref<128x128xf32, #tpu.memory_space<hbm>>
      %dma_wait3A_711 = arith.constant 0 : i32
      %dma_wait3A_712 = tpu.memref_slice %arg4[%mul3A_702, %dma_wait3A_711] : memref<819200x128xf32, #tpu.memory_space<hbm>> -> memref<128x128xf32, #tpu.memory_space<hbm>>
      %dma_wait3A_713 = arith.constant 0 : i32
      %dma_wait3A_714 = arith.constant 0 : i32
      %dma_wait3A_715 = tpu.memref_slice %arg6[%dma_wait3A_703, %dma_wait3A_704, %dma_wait3A_713, %dma_wait3A_714] : memref<2x2x128x128xf32, #tpu.memory_space<vmem>> -> memref<1x1x128x128xf32, #tpu.memory_space<vmem>>
      %dma_wait3A_716 = tpu.memref_squeeze %dma_wait3A_715 : memref<1x1x128x128xf32, #tpu.memory_space<vmem>> -> memref<128x128xf32, #tpu.memory_space<vmem>>
      tpu.wait_dma2 semaphore(%arg9 : memref<!tpu.dma_semaphore, #tpu.memory_space<semaphore_mem>>) src(%dma_wait3A_716 : memref<128x128xf32, #tpu.memory_space<vmem>>) dst(%dma_wait3A_712 : memref<128x128xf32, #tpu.memory_space<hbm>>)
      %sub3A_717 = arith.constant 1 : i32
      %sub3A_718 = arith.subi %add3A_693, %sub3A_717 : i32
      %mul3A_719 = arith.constant 2 : i32
      %mul3A_720 = arith.muli %sub3A_718, %mul3A_719 : i32
      %add3A_721 = arith.constant 1 : i32
      %add3A_722 = arith.addi %mul3A_720, %add3A_721 : i32
      %add3A_723 = arith.addi %mul3A_2, %add3A_722 : i32
      %mul3A_724 = arith.constant 128 : i32
      %mul3A_725 = arith.muli %add3A_723, %mul3A_724 : i32
      %dma_wait3A_726 = arith.constant 0 : i32
      %dma_wait3A_727 = arith.constant 1 : i32
      %dma_wait3A_728 = arith.constant 0 : i32
      %dma_wait3A_729 = arith.constant 0 : i32
      %dma_wait3A_730 = tpu.memref_slice %arg6[%dma_wait3A_726, %dma_wait3A_727, %dma_wait3A_728, %dma_wait3A_729] : memref<2x2x128x128xf32, #tpu.memory_space<vmem>> -> memref<1x1x128x128xf32, #tpu.memory_space<vmem>>
      %dma_wait3A_731 = tpu.memref_squeeze %dma_wait3A_730 : memref<1x1x128x128xf32, #tpu.memory_space<vmem>> -> memref<128x128xf32, #tpu.memory_space<vmem>>
      %dma_wait3A_732 = arith.constant 0 : i32
      %dma_wait3A_733 = tpu.memref_slice %arg4[%mul3A_725, %dma_wait3A_732] : memref<819200x128xf32, #tpu.memory_space<hbm>> -> memref<128x128xf32, #tpu.memory_space<hbm>>
      %dma_wait3A_734 = arith.constant 0 : i32
      %dma_wait3A_735 = tpu.memref_slice %arg4[%mul3A_725, %dma_wait3A_734] : memref<819200x128xf32, #tpu.memory_space<hbm>> -> memref<128x128xf32, #tpu.memory_space<hbm>>
      %dma_wait3A_736 = arith.constant 0 : i32
      %dma_wait3A_737 = arith.constant 0 : i32
      %dma_wait3A_738 = tpu.memref_slice %arg6[%dma_wait3A_726, %dma_wait3A_727, %dma_wait3A_736, %dma_wait3A_737] : memref<2x2x128x128xf32, #tpu.memory_space<vmem>> -> memref<1x1x128x128xf32, #tpu.memory_space<vmem>>
      %dma_wait3A_739 = tpu.memref_squeeze %dma_wait3A_738 : memref<1x1x128x128xf32, #tpu.memory_space<vmem>> -> memref<128x128xf32, #tpu.memory_space<vmem>>
      tpu.wait_dma2 semaphore(%arg9 : memref<!tpu.dma_semaphore, #tpu.memory_space<semaphore_mem>>) src(%dma_wait3A_739 : memref<128x128xf32, #tpu.memory_space<vmem>>) dst(%dma_wait3A_735 : memref<128x128xf32, #tpu.memory_space<hbm>>)
      %add3A_740 = arith.constant 1 : i32
      %add3A_741 = arith.addi %add3A_693, %add3A_740 : i32
      %mul3A_742 = arith.constant 2 : i32
      %mul3A_743 = arith.muli %add3A_741, %mul3A_742 : i32
      %add3A_744 = arith.constant 0 : i32
      %add3A_745 = arith.addi %mul3A_743, %add3A_744 : i32
      %dma_start3A_746 = arith.constant 0 : i32
      %dma_start3A_747 = arith.constant 0 : i32
      %dma_start3A_748 = arith.constant 0 : i32
      %dma_start3A_749 = arith.constant 0 : i32
      %dma_start3A_750 = tpu.memref_slice %arg6[%dma_start3A_746, %dma_start3A_747, %dma_start3A_748, %dma_start3A_749] : memref<2x2x128x128xf32, #tpu.memory_space<vmem>> -> memref<1x1x128x128xf32, #tpu.memory_space<vmem>>
      %dma_start3A_751 = tpu.memref_squeeze %dma_start3A_750 : memref<1x1x128x128xf32, #tpu.memory_space<vmem>> -> memref<128x128xf32, #tpu.memory_space<vmem>>
      %dma_start3A_752 = arith.constant 0 : i32
      %dma_start3A_753 = tpu.memref_slice %arg5[%add3A_745, %dma_start3A_752] : memref<200x128xi32, #tpu.memory_space<vmem>> -> memref<1x128xi32, #tpu.memory_space<vmem>>
      %dma_start3A_754 = tpu.memref_squeeze %dma_start3A_753 : memref<1x128xi32, #tpu.memory_space<vmem>> -> memref<128xi32, #tpu.memory_space<vmem>>
      %dma_start3A_755 = arith.constant 0 : i32
      %dma_start3A_756 = arith.constant 0 : i32
      %dma_start3A_757 = tpu.memref_slice %arg3[%dma_start3A_755, %dma_start3A_756] : memref<1000000x128xf32, #tpu.memory_space<hbm>> -> memref<1000000x128xf32, #tpu.memory_space<hbm>>
      tpu.enqueue_indirect_dma source(%dma_start3A_757 : memref<1000000x128xf32, #tpu.memory_space<hbm>>) target(%dma_start3A_751 : memref<128x128xf32, #tpu.memory_space<vmem>>) offsets(%dma_start3A_754 : memref<128xi32, #tpu.memory_space<vmem>>) semaphore(%arg7 : memref<!tpu.dma_semaphore, #tpu.memory_space<semaphore_mem>>)
      %add3A_758 = arith.constant 1 : i32
      %add3A_759 = arith.addi %add3A_693, %add3A_758 : i32
      %mul3A_760 = arith.constant 2 : i32
      %mul3A_761 = arith.muli %add3A_759, %mul3A_760 : i32
      %add3A_762 = arith.constant 1 : i32
      %add3A_763 = arith.addi %mul3A_761, %add3A_762 : i32
      %dma_start3A_764 = arith.constant 0 : i32
      %dma_start3A_765 = arith.constant 1 : i32
      %dma_start3A_766 = arith.constant 0 : i32
      %dma_start3A_767 = arith.constant 0 : i32
      %dma_start3A_768 = tpu.memref_slice %arg6[%dma_start3A_764, %dma_start3A_765, %dma_start3A_766, %dma_start3A_767] : memref<2x2x128x128xf32, #tpu.memory_space<vmem>> -> memref<1x1x128x128xf32, #tpu.memory_space<vmem>>
      %dma_start3A_769 = tpu.memref_squeeze %dma_start3A_768 : memref<1x1x128x128xf32, #tpu.memory_space<vmem>> -> memref<128x128xf32, #tpu.memory_space<vmem>>
      %dma_start3A_770 = arith.constant 0 : i32
      %dma_start3A_771 = tpu.memref_slice %arg5[%add3A_763, %dma_start3A_770] : memref<200x128xi32, #tpu.memory_space<vmem>> -> memref<1x128xi32, #tpu.memory_space<vmem>>
      %dma_start3A_772 = tpu.memref_squeeze %dma_start3A_771 : memref<1x128xi32, #tpu.memory_space<vmem>> -> memref<128xi32, #tpu.memory_space<vmem>>
      %dma_start3A_773 = arith.constant 0 : i32
      %dma_start3A_774 = arith.constant 0 : i32
      %dma_start3A_775 = tpu.memref_slice %arg3[%dma_start3A_773, %dma_start3A_774] : memref<1000000x128xf32, #tpu.memory_space<hbm>> -> memref<1000000x128xf32, #tpu.memory_space<hbm>>
      tpu.enqueue_indirect_dma source(%dma_start3A_775 : memref<1000000x128xf32, #tpu.memory_space<hbm>>) target(%dma_start3A_769 : memref<128x128xf32, #tpu.memory_space<vmem>>) offsets(%dma_start3A_772 : memref<128xi32, #tpu.memory_space<vmem>>) semaphore(%arg7 : memref<!tpu.dma_semaphore, #tpu.memory_space<semaphore_mem>>)
      %mul3A_776 = arith.constant 2 : i32
      %mul3A_777 = arith.muli %add3A_693, %mul3A_776 : i32
      %add3A_778 = arith.constant 0 : i32
      %add3A_779 = arith.addi %mul3A_777, %add3A_778 : i32
      %dma_wait3A_780 = arith.constant 1 : i32
      %dma_wait3A_781 = arith.constant 0 : i32
      %dma_wait3A_782 = arith.constant 0 : i32
      %dma_wait3A_783 = arith.constant 0 : i32
      %dma_wait3A_784 = tpu.memref_slice %arg6[%dma_wait3A_780, %dma_wait3A_781, %dma_wait3A_782, %dma_wait3A_783] : memref<2x2x128x128xf32, #tpu.memory_space<vmem>> -> memref<1x1x128x128xf32, #tpu.memory_space<vmem>>
      %dma_wait3A_785 = tpu.memref_squeeze %dma_wait3A_784 : memref<1x1x128x128xf32, #tpu.memory_space<vmem>> -> memref<128x128xf32, #tpu.memory_space<vmem>>
      %dma_wait3A_786 = arith.constant 0 : i32
      %dma_wait3A_787 = tpu.memref_slice %arg5[%add3A_779, %dma_wait3A_786] : memref<200x128xi32, #tpu.memory_space<vmem>> -> memref<1x128xi32, #tpu.memory_space<vmem>>
      %dma_wait3A_788 = tpu.memref_squeeze %dma_wait3A_787 : memref<1x128xi32, #tpu.memory_space<vmem>> -> memref<128xi32, #tpu.memory_space<vmem>>
      %dma_wait3A_789 = arith.constant 0 : i32
      %dma_wait3A_790 = arith.constant 0 : i32
      %dma_wait3A_791 = tpu.memref_slice %arg3[%dma_wait3A_789, %dma_wait3A_790] : memref<1000000x128xf32, #tpu.memory_space<hbm>> -> memref<1000000x128xf32, #tpu.memory_space<hbm>>
      tpu.wait_indirect_dma semaphore(%arg8 : memref<!tpu.dma_semaphore, #tpu.memory_space<semaphore_mem>>) src(%dma_wait3A_791 : memref<1000000x128xf32, #tpu.memory_space<hbm>>) dst(%dma_wait3A_785 : memref<128x128xf32, #tpu.memory_space<vmem>>)
      %mul3A_792 = arith.constant 2 : i32
      %mul3A_793 = arith.muli %add3A_693, %mul3A_792 : i32
      %add3A_794 = arith.constant 1 : i32
      %add3A_795 = arith.addi %mul3A_793, %add3A_794 : i32
      %dma_wait3A_796 = arith.constant 1 : i32
      %dma_wait3A_797 = arith.constant 1 : i32
      %dma_wait3A_798 = arith.constant 0 : i32
      %dma_wait3A_799 = arith.constant 0 : i32
      %dma_wait3A_800 = tpu.memref_slice %arg6[%dma_wait3A_796, %dma_wait3A_797, %dma_wait3A_798, %dma_wait3A_799] : memref<2x2x128x128xf32, #tpu.memory_space<vmem>> -> memref<1x1x128x128xf32, #tpu.memory_space<vmem>>
      %dma_wait3A_801 = tpu.memref_squeeze %dma_wait3A_800 : memref<1x1x128x128xf32, #tpu.memory_space<vmem>> -> memref<128x128xf32, #tpu.memory_space<vmem>>
      %dma_wait3A_802 = arith.constant 0 : i32
      %dma_wait3A_803 = tpu.memref_slice %arg5[%add3A_795, %dma_wait3A_802] : memref<200x128xi32, #tpu.memory_space<vmem>> -> memref<1x128xi32, #tpu.memory_space<vmem>>
      %dma_wait3A_804 = tpu.memref_squeeze %dma_wait3A_803 : memref<1x128xi32, #tpu.memory_space<vmem>> -> memref<128xi32, #tpu.memory_space<vmem>>
      %dma_wait3A_805 = arith.constant 0 : i32
      %dma_wait3A_806 = arith.constant 0 : i32
      %dma_wait3A_807 = tpu.memref_slice %arg3[%dma_wait3A_805, %dma_wait3A_806] : memref<1000000x128xf32, #tpu.memory_space<hbm>> -> memref<1000000x128xf32, #tpu.memory_space<hbm>>
      tpu.wait_indirect_dma semaphore(%arg8 : memref<!tpu.dma_semaphore, #tpu.memory_space<semaphore_mem>>) src(%dma_wait3A_807 : memref<1000000x128xf32, #tpu.memory_space<hbm>>) dst(%dma_wait3A_801 : memref<128x128xf32, #tpu.memory_space<vmem>>)
      %scan3A_808 = arith.constant 0 : i32
      %scan3A_809 = arith.constant 0 : i32
      %scan3A_810 = arith.constant 128 : i32
      %scan3A_811 = arith.addi %scan3A_809, %scan3A_810 : i32
      %scan3A_812 = arith.constant 4 : i32
      scf.for %scan3A_856 = %scan3A_809 to %scan3A_811 step %scan3A_812  : i32 {
        %get3A = arith.constant 1 : i32
        %get3A_857 = arith.constant 0 : i32
        %get3A_858 = arith.index_cast %get3A : i32 to index
        %get3A_859 = arith.index_cast %get3A_857 : i32 to index
        %get3A_860 = arith.index_cast %scan3A_856 : i32 to index
        %get3A_861 = arith.constant 0 : index
        %get3A_862 = tpu.vector_load %arg6[%get3A_858, %get3A_859, %get3A_860, %get3A_861] {strides = array<i32>} : memref<2x2x128x128xf32, #tpu.memory_space<vmem>>, vector<1x1x1x16xf32>,
        %get3A_863 = vector.shape_cast %get3A_862 : vector<1x1x1x16xf32> to vector<16xf32>
        %mul3A_864 = arith.constant 8.000000e+00 : f32
        %mul3A_865 = vector.broadcast %mul3A_864 : f32 to vector<16xf32>
        %mul3A_866 = arith.mulf %get3A_863, %mul3A_865 : vector<16xf32>
        %swap3A = arith.constant 1 : i32
        %swap3A_867 = arith.constant 0 : i32
        %swap3A_868 = arith.index_cast %swap3A : i32 to index
        %swap3A_869 = arith.index_cast %swap3A_867 : i32 to index
        %swap3A_870 = arith.index_cast %scan3A_856 : i32 to index
        %swap3A_871 = arith.constant 0 : index
        %swap3A_872 = tpu.vector_load %arg6[%swap3A_868, %swap3A_869, %swap3A_870, %swap3A_871] {strides = array<i32>} : memref<2x2x128x128xf32, #tpu.memory_space<vmem>>, vector<1x1x1x16xf32>,
        %swap3A_873 = vector.shape_cast %swap3A_872 : vector<1x1x1x16xf32> to vector<16xf32>
        %swap3A_874 = vector.shape_cast %mul3A_866 : vector<16xf32> to vector<1x1x1x16xf32>
        tpu.vector_store %arg6[%swap3A_868, %swap3A_869, %swap3A_870, %swap3A_871], %swap3A_874 {strides = array<i32>} : memref<2x2x128x128xf32, #tpu.memory_space<vmem>>, vector<1x1x1x16xf32>,
        %get3A_875 = arith.constant 1 : i32
        %get3A_876 = arith.constant 0 : i32
        %get3A_877 = arith.index_cast %get3A_875 : i32 to index
        %get3A_878 = arith.index_cast %get3A_876 : i32 to index
        %get3A_879 = arith.index_cast %scan3A_856 : i32 to index
        %get3A_880 = arith.constant 16 : index
        %get3A_881 = tpu.vector_load %arg6[%get3A_877, %get3A_878, %get3A_879, %get3A_880] {strides = array<i32>} : memref<2x2x128x128xf32, #tpu.memory_space<vmem>>, vector<1x1x1x16xf32>,
        %get3A_882 = vector.shape_cast %get3A_881 : vector<1x1x1x16xf32> to vector<16xf32>
        %mul3A_883 = arith.constant 8.000000e+00 : f32
        %mul3A_884 = vector.broadcast %mul3A_883 : f32 to vector<16xf32>
        %mul3A_885 = arith.mulf %get3A_882, %mul3A_884 : vector<16xf32>
        %swap3A_886 = arith.constant 1 : i32
        %swap3A_887 = arith.constant 0 : i32
        %swap3A_888 = arith.index_cast %swap3A_886 : i32 to index
        %swap3A_889 = arith.index_cast %swap3A_887 : i32 to index
        %swap3A_890 = arith.index_cast %scan3A_856 : i32 to index
        %swap3A_891 = arith.constant 16 : index
        %swap3A_892 = tpu.vector_load %arg6[%swap3A_888, %swap3A_889, %swap3A_890, %swap3A_891] {strides = array<i32>} : memref<2x2x128x128xf32, #tpu.memory_space<vmem>>, vector<1x1x1x16xf32>,
        %swap3A_893 = vector.shape_cast %swap3A_892 : vector<1x1x1x16xf32> to vector<16xf32>
        %swap3A_894 = vector.shape_cast %mul3A_885 : vector<16xf32> to vector<1x1x1x16xf32>
        tpu.vector_store %arg6[%swap3A_888, %swap3A_889, %swap3A_890, %swap3A_891], %swap3A_894 {strides = array<i32>} : memref<2x2x128x128xf32, #tpu.memory_space<vmem>>, vector<1x1x1x16xf32>,
        %get3A_895 = arith.constant 1 : i32
        %get3A_896 = arith.constant 0 : i32
        %get3A_897 = arith.index_cast %get3A_895 : i32 to index
        %get3A_898 = arith.index_cast %get3A_896 : i32 to index
        %get3A_899 = arith.index_cast %scan3A_856 : i32 to index
        %get3A_900 = arith.constant 32 : index
        %get3A_901 = tpu.vector_load %arg6[%get3A_897, %get3A_898, %get3A_899, %get3A_900] {strides = array<i32>} : memref<2x2x128x128xf32, #tpu.memory_space<vmem>>, vector<1x1x1x16xf32>,
        %get3A_902 = vector.shape_cast %get3A_901 : vector<1x1x1x16xf32> to vector<16xf32>
        %mul3A_903 = arith.constant 8.000000e+00 : f32
        %mul3A_904 = vector.broadcast %mul3A_903 : f32 to vector<16xf32>
        %mul3A_905 = arith.mulf %get3A_902, %mul3A_904 : vector<16xf32>
        %swap3A_906 = arith.constant 1 : i32
        %swap3A_907 = arith.constant 0 : i32
        %swap3A_908 = arith.index_cast %swap3A_906 : i32 to index
        %swap3A_909 = arith.index_cast %swap3A_907 : i32 to index
        %swap3A_910 = arith.index_cast %scan3A_856 : i32 to index
        %swap3A_911 = arith.constant 32 : index
        %swap3A_912 = tpu.vector_load %arg6[%swap3A_908, %swap3A_909, %swap3A_910, %swap3A_911] {strides = array<i32>} : memref<2x2x128x128xf32, #tpu.memory_space<vmem>>, vector<1x1x1x16xf32>,
        %swap3A_913 = vector.shape_cast %swap3A_912 : vector<1x1x1x16xf32> to vector<16xf32>
        %swap3A_914 = vector.shape_cast %mul3A_905 : vector<16xf32> to vector<1x1x1x16xf32>
        tpu.vector_store %arg6[%swap3A_908, %swap3A_909, %swap3A_910, %swap3A_911], %swap3A_914 {strides = array<i32>} : memref<2x2x128x128xf32, #tpu.memory_space<vmem>>, vector<1x1x1x16xf32>,
        %get3A_915 = arith.constant 1 : i32
        %get3A_916 = arith.constant 0 : i32
        %get3A_917 = arith.index_cast %get3A_915 : i32 to index
        %get3A_918 = arith.index_cast %get3A_916 : i32 to index
        %get3A_919 = arith.index_cast %scan3A_856 : i32 to index
        %get3A_920 = arith.constant 48 : index
        %get3A_921 = tpu.vector_load %arg6[%get3A_917, %get3A_918, %get3A_919, %get3A_920] {strides = array<i32>} : memref<2x2x128x128xf32, #tpu.memory_space<vmem>>, vector<1x1x1x16xf32>,
        %get3A_922 = vector.shape_cast %get3A_921 : vector<1x1x1x16xf32> to vector<16xf32>
        %mul3A_923 = arith.constant 8.000000e+00 : f32
        %mul3A_924 = vector.broadcast %mul3A_923 : f32 to vector<16xf32>
        %mul3A_925 = arith.mulf %get3A_922, %mul3A_924 : vector<16xf32>
        %swap3A_926 = arith.constant 1 : i32
        %swap3A_927 = arith.constant 0 : i32
        %swap3A_928 = arith.index_cast %swap3A_926 : i32 to index
        %swap3A_929 = arith.index_cast %swap3A_927 : i32 to index
        %swap3A_930 = arith.index_cast %scan3A_856 : i32 to index
        %swap3A_931 = arith.constant 48 : index
        %swap3A_932 = tpu.vector_load %arg6[%swap3A_928, %swap3A_929, %swap3A_930, %swap3A_931] {strides = array<i32>} : memref<2x2x128x128xf32, #tpu.memory_space<vmem>>, vector<1x1x1x16xf32>,
        %swap3A_933 = vector.shape_cast %swap3A_932 : vector<1x1x1x16xf32> to vector<16xf32>
        %swap3A_934 = vector.shape_cast %mul3A_925 : vector<16xf32> to vector<1x1x1x16xf32>
        tpu.vector_store %arg6[%swap3A_928, %swap3A_929, %swap3A_930, %swap3A_931], %swap3A_934 {strides = array<i32>} : memref<2x2x128x128xf32, #tpu.memory_space<vmem>>, vector<1x1x1x16xf32>,
        %get3A_935 = arith.constant 1 : i32
        %get3A_936 = arith.constant 1 : i32
        %get3A_937 = arith.index_cast %get3A_935 : i32 to index
        %get3A_938 = arith.index_cast %get3A_936 : i32 to index
        %get3A_939 = arith.index_cast %scan3A_856 : i32 to index
        %get3A_940 = arith.constant 0 : index
        %get3A_941 = tpu.vector_load %arg6[%get3A_937, %get3A_938, %get3A_939, %get3A_940] {strides = array<i32>} : memref<2x2x128x128xf32, #tpu.memory_space<vmem>>, vector<1x1x1x16xf32>,
        %get3A_942 = vector.shape_cast %get3A_941 : vector<1x1x1x16xf32> to vector<16xf32>
        %mul3A_943 = arith.constant 8.000000e+00 : f32
        %mul3A_944 = vector.broadcast %mul3A_943 : f32 to vector<16xf32>
        %mul3A_945 = arith.mulf %get3A_942, %mul3A_944 : vector<16xf32>
        %swap3A_946 = arith.constant 1 : i32
        %swap3A_947 = arith.constant 1 : i32
        %swap3A_948 = arith.index_cast %swap3A_946 : i32 to index
        %swap3A_949 = arith.index_cast %swap3A_947 : i32 to index
        %swap3A_950 = arith.index_cast %scan3A_856 : i32 to index
        %swap3A_951 = arith.constant 0 : index
        %swap3A_952 = tpu.vector_load %arg6[%swap3A_948, %swap3A_949, %swap3A_950, %swap3A_951] {strides = array<i32>} : memref<2x2x128x128xf32, #tpu.memory_space<vmem>>, vector<1x1x1x16xf32>,
        %swap3A_953 = vector.shape_cast %swap3A_952 : vector<1x1x1x16xf32> to vector<16xf32>
        %swap3A_954 = vector.shape_cast %mul3A_945 : vector<16xf32> to vector<1x1x1x16xf32>
        tpu.vector_store %arg6[%swap3A_948, %swap3A_949, %swap3A_950, %swap3A_951], %swap3A_954 {strides = array<i32>} : memref<2x2x128x128xf32, #tpu.memory_space<vmem>>, vector<1x1x1x16xf32>,
        %get3A_955 = arith.constant 1 : i32
        %get3A_956 = arith.constant 1 : i32
        %get3A_957 = arith.index_cast %get3A_955 : i32 to index
        %get3A_958 = arith.index_cast %get3A_956 : i32 to index
        %get3A_959 = arith.index_cast %scan3A_856 : i32 to index
        %get3A_960 = arith.constant 16 : index
        %get3A_961 = tpu.vector_load %arg6[%get3A_957, %get3A_958, %get3A_959, %get3A_960] {strides = array<i32>} : memref<2x2x128x128xf32, #tpu.memory_space<vmem>>, vector<1x1x1x16xf32>,
        %get3A_962 = vector.shape_cast %get3A_961 : vector<1x1x1x16xf32> to vector<16xf32>
        %mul3A_963 = arith.constant 8.000000e+00 : f32
        %mul3A_964 = vector.broadcast %mul3A_963 : f32 to vector<16xf32>
        %mul3A_965 = arith.mulf %get3A_962, %mul3A_964 : vector<16xf32>
        %swap3A_966 = arith.constant 1 : i32
        %swap3A_967 = arith.constant 1 : i32
        %swap3A_968 = arith.index_cast %swap3A_966 : i32 to index
        %swap3A_969 = arith.index_cast %swap3A_967 : i32 to index
        %swap3A_970 = arith.index_cast %scan3A_856 : i32 to index
        %swap3A_971 = arith.constant 16 : index
        %swap3A_972 = tpu.vector_load %arg6[%swap3A_968, %swap3A_969, %swap3A_970, %swap3A_971] {strides = array<i32>} : memref<2x2x128x128xf32, #tpu.memory_space<vmem>>, vector<1x1x1x16xf32>,
        %swap3A_973 = vector.shape_cast %swap3A_972 : vector<1x1x1x16xf32> to vector<16xf32>
        %swap3A_974 = vector.shape_cast %mul3A_965 : vector<16xf32> to vector<1x1x1x16xf32>
        tpu.vector_store %arg6[%swap3A_968, %swap3A_969, %swap3A_970, %swap3A_971], %swap3A_974 {strides = array<i32>} : memref<2x2x128x128xf32, #tpu.memory_space<vmem>>, vector<1x1x1x16xf32>,
        %get3A_975 = arith.constant 1 : i32
        %get3A_976 = arith.constant 1 : i32
        %get3A_977 = arith.index_cast %get3A_975 : i32 to index
        %get3A_978 = arith.index_cast %get3A_976 : i32 to index
        %get3A_979 = arith.index_cast %scan3A_856 : i32 to index
        %get3A_980 = arith.constant 32 : index
        %get3A_981 = tpu.vector_load %arg6[%get3A_977, %get3A_978, %get3A_979, %get3A_980] {strides = array<i32>} : memref<2x2x128x128xf32, #tpu.memory_space<vmem>>, vector<1x1x1x16xf32>,
        %get3A_982 = vector.shape_cast %get3A_981 : vector<1x1x1x16xf32> to vector<16xf32>
        %mul3A_983 = arith.constant 8.000000e+00 : f32
        %mul3A_984 = vector.broadcast %mul3A_983 : f32 to vector<16xf32>
        %mul3A_985 = arith.mulf %get3A_982, %mul3A_984 : vector<16xf32>
        %swap3A_986 = arith.constant 1 : i32
        %swap3A_987 = arith.constant 1 : i32
        %swap3A_988 = arith.index_cast %swap3A_986 : i32 to index
        %swap3A_989 = arith.index_cast %swap3A_987 : i32 to index
        %swap3A_990 = arith.index_cast %scan3A_856 : i32 to index
        %swap3A_991 = arith.constant 32 : index
        %swap3A_992 = tpu.vector_load %arg6[%swap3A_988, %swap3A_989, %swap3A_990, %swap3A_991] {strides = array<i32>} : memref<2x2x128x128xf32, #tpu.memory_space<vmem>>, vector<1x1x1x16xf32>,
        %swap3A_993 = vector.shape_cast %swap3A_992 : vector<1x1x1x16xf32> to vector<16xf32>
        %swap3A_994 = vector.shape_cast %mul3A_985 : vector<16xf32> to vector<1x1x1x16xf32>
        tpu.vector_store %arg6[%swap3A_988, %swap3A_989, %swap3A_990, %swap3A_991], %swap3A_994 {strides = array<i32>} : memref<2x2x128x128xf32, #tpu.memory_space<vmem>>, vector<1x1x1x16xf32>,
        %get3A_995 = arith.constant 1 : i32
        %get3A_996 = arith.constant 1 : i32
        %get3A_997 = arith.index_cast %get3A_995 : i32 to index
        %get3A_998 = arith.index_cast %get3A_996 : i32 to index
        %get3A_999 = arith.index_cast %scan3A_856 : i32 to index
        %get3A_1000 = arith.constant 48 : index
        %get3A_1001 = tpu.vector_load %arg6[%get3A_997, %get3A_998, %get3A_999, %get3A_1000] {strides = array<i32>} : memref<2x2x128x128xf32, #tpu.memory_space<vmem>>, vector<1x1x1x16xf32>,
        %get3A_1002 = vector.shape_cast %get3A_1001 : vector<1x1x1x16xf32> to vector<16xf32>
        %mul3A_1003 = arith.constant 8.000000e+00 : f32
        %mul3A_1004 = vector.broadcast %mul3A_1003 : f32 to vector<16xf32>
        %mul3A_1005 = arith.mulf %get3A_1002, %mul3A_1004 : vector<16xf32>
        %swap3A_1006 = arith.constant 1 : i32
        %swap3A_1007 = arith.constant 1 : i32
        %swap3A_1008 = arith.index_cast %swap3A_1006 : i32 to index
        %swap3A_1009 = arith.index_cast %swap3A_1007 : i32 to index
        %swap3A_1010 = arith.index_cast %scan3A_856 : i32 to index
        %swap3A_1011 = arith.constant 48 : index
        %swap3A_1012 = tpu.vector_load %arg6[%swap3A_1008, %swap3A_1009, %swap3A_1010, %swap3A_1011] {strides = array<i32>} : memref<2x2x128x128xf32, #tpu.memory_space<vmem>>, vector<1x1x1x16xf32>,
        %swap3A_1013 = vector.shape_cast %swap3A_1012 : vector<1x1x1x16xf32> to vector<16xf32>
        %swap3A_1014 = vector.shape_cast %mul3A_1005 : vector<16xf32> to vector<1x1x1x16xf32>
        tpu.vector_store %arg6[%swap3A_1008, %swap3A_1009, %swap3A_1010, %swap3A_1011], %swap3A_1014 {strides = array<i32>} : memref<2x2x128x128xf32, #tpu.memory_space<vmem>>, vector<1x1x1x16xf32>,
        %scan3A_1015 = arith.constant 1 : i32
        %scan3A_1016 = arith.addi %scan3A_856, %scan3A_1015 : i32
        %get3A_1017 = arith.constant 1 : i32
        %get3A_1018 = arith.constant 0 : i32
        %get3A_1019 = arith.index_cast %get3A_1017 : i32 to index
        %get3A_1020 = arith.index_cast %get3A_1018 : i32 to index
        %get3A_1021 = arith.index_cast %scan3A_1016 : i32 to index
        %get3A_1022 = arith.constant 0 : index
        %get3A_1023 = tpu.vector_load %arg6[%get3A_1019, %get3A_1020, %get3A_1021, %get3A_1022] {strides = array<i32>} : memref<2x2x128x128xf32, #tpu.memory_space<vmem>>, vector<1x1x1x16xf32>,
        %get3A_1024 = vector.shape_cast %get3A_1023 : vector<1x1x1x16xf32> to vector<16xf32>
        %mul3A_1025 = arith.constant 8.000000e+00 : f32
        %mul3A_1026 = vector.broadcast %mul3A_1025 : f32 to vector<16xf32>
        %mul3A_1027 = arith.mulf %get3A_1024, %mul3A_1026 : vector<16xf32>
        %swap3A_1028 = arith.constant 1 : i32
        %swap3A_1029 = arith.constant 0 : i32
        %swap3A_1030 = arith.index_cast %swap3A_1028 : i32 to index
        %swap3A_1031 = arith.index_cast %swap3A_1029 : i32 to index
        %swap3A_1032 = arith.index_cast %scan3A_1016 : i32 to index
        %swap3A_1033 = arith.constant 0 : index
        %swap3A_1034 = tpu.vector_load %arg6[%swap3A_1030, %swap3A_1031, %swap3A_1032, %swap3A_1033] {strides = array<i32>} : memref<2x2x128x128xf32, #tpu.memory_space<vmem>>, vector<1x1x1x16xf32>,
        %swap3A_1035 = vector.shape_cast %swap3A_1034 : vector<1x1x1x16xf32> to vector<16xf32>
        %swap3A_1036 = vector.shape_cast %mul3A_1027 : vector<16xf32> to vector<1x1x1x16xf32>
        tpu.vector_store %arg6[%swap3A_1030, %swap3A_1031, %swap3A_1032, %swap3A_1033], %swap3A_1036 {strides = array<i32>} : memref<2x2x128x128xf32, #tpu.memory_space<vmem>>, vector<1x1x1x16xf32>,
        %get3A_1037 = arith.constant 1 : i32
        %get3A_1038 = arith.constant 0 : i32
        %get3A_1039 = arith.index_cast %get3A_1037 : i32 to index
        %get3A_1040 = arith.index_cast %get3A_1038 : i32 to index
        %get3A_1041 = arith.index_cast %scan3A_1016 : i32 to index
        %get3A_1042 = arith.constant 16 : index
        %get3A_1043 = tpu.vector_load %arg6[%get3A_1039, %get3A_1040, %get3A_1041, %get3A_1042] {strides = array<i32>} : memref<2x2x128x128xf32, #tpu.memory_space<vmem>>, vector<1x1x1x16xf32>,
        %get3A_1044 = vector.shape_cast %get3A_1043 : vector<1x1x1x16xf32> to vector<16xf32>
        %mul3A_1045 = arith.constant 8.000000e+00 : f32
        %mul3A_1046 = vector.broadcast %mul3A_1045 : f32 to vector<16xf32>
        %mul3A_1047 = arith.mulf %get3A_1044, %mul3A_1046 : vector<16xf32>
        %swap3A_1048 = arith.constant 1 : i32
        %swap3A_1049 = arith.constant 0 : i32
        %swap3A_1050 = arith.index_cast %swap3A_1048 : i32 to index
        %swap3A_1051 = arith.index_cast %swap3A_1049 : i32 to index
        %swap3A_1052 = arith.index_cast %scan3A_1016 : i32 to index
        %swap3A_1053 = arith.constant 16 : index
        %swap3A_1054 = tpu.vector_load %arg6[%swap3A_1050, %swap3A_1051, %swap3A_1052, %swap3A_1053] {strides = array<i32>} : memref<2x2x128x128xf32, #tpu.memory_space<vmem>>, vector<1x1x1x16xf32>,
        %swap3A_1055 = vector.shape_cast %swap3A_1054 : vector<1x1x1x16xf32> to vector<16xf32>
        %swap3A_1056 = vector.shape_cast %mul3A_1047 : vector<16xf32> to vector<1x1x1x16xf32>
        tpu.vector_store %arg6[%swap3A_1050, %swap3A_1051, %swap3A_1052, %swap3A_1053], %swap3A_1056 {strides = array<i32>} : memref<2x2x128x128xf32, #tpu.memory_space<vmem>>, vector<1x1x1x16xf32>,
        %get3A_1057 = arith.constant 1 : i32
        %get3A_1058 = arith.constant 0 : i32
        %get3A_1059 = arith.index_cast %get3A_1057 : i32 to index
        %get3A_1060 = arith.index_cast %get3A_1058 : i32 to index
        %get3A_1061 = arith.index_cast %scan3A_1016 : i32 to index
        %get3A_1062 = arith.constant 32 : index
        %get3A_1063 = tpu.vector_load %arg6[%get3A_1059, %get3A_1060, %get3A_1061, %get3A_1062] {strides = array<i32>} : memref<2x2x128x128xf32, #tpu.memory_space<vmem>>, vector<1x1x1x16xf32>,
        %get3A_1064 = vector.shape_cast %get3A_1063 : vector<1x1x1x16xf32> to vector<16xf32>
        %mul3A_1065 = arith.constant 8.000000e+00 : f32
        %mul3A_1066 = vector.broadcast %mul3A_1065 : f32 to vector<16xf32>
        %mul3A_1067 = arith.mulf %get3A_1064, %mul3A_1066 : vector<16xf32>
        %swap3A_1068 = arith.constant 1 : i32
        %swap3A_1069 = arith.constant 0 : i32
        %swap3A_1070 = arith.index_cast %swap3A_1068 : i32 to index
        %swap3A_1071 = arith.index_cast %swap3A_1069 : i32 to index
        %swap3A_1072 = arith.index_cast %scan3A_1016 : i32 to index
        %swap3A_1073 = arith.constant 32 : index
        %swap3A_1074 = tpu.vector_load %arg6[%swap3A_1070, %swap3A_1071, %swap3A_1072, %swap3A_1073] {strides = array<i32>} : memref<2x2x128x128xf32, #tpu.memory_space<vmem>>, vector<1x1x1x16xf32>,
        %swap3A_1075 = vector.shape_cast %swap3A_1074 : vector<1x1x1x16xf32> to vector<16xf32>
        %swap3A_1076 = vector.shape_cast %mul3A_1067 : vector<16xf32> to vector<1x1x1x16xf32>
        tpu.vector_store %arg6[%swap3A_1070, %swap3A_1071, %swap3A_1072, %swap3A_1073], %swap3A_1076 {strides = array<i32>} : memref<2x2x128x128xf32, #tpu.memory_space<vmem>>, vector<1x1x1x16xf32>,
        %get3A_1077 = arith.constant 1 : i32
        %get3A_1078 = arith.constant 0 : i32
        %get3A_1079 = arith.index_cast %get3A_1077 : i32 to index
        %get3A_1080 = arith.index_cast %get3A_1078 : i32 to index
        %get3A_1081 = arith.index_cast %scan3A_1016 : i32 to index
        %get3A_1082 = arith.constant 48 : index
        %get3A_1083 = tpu.vector_load %arg6[%get3A_1079, %get3A_1080, %get3A_1081, %get3A_1082] {strides = array<i32>} : memref<2x2x128x128xf32, #tpu.memory_space<vmem>>, vector<1x1x1x16xf32>,
        %get3A_1084 = vector.shape_cast %get3A_1083 : vector<1x1x1x16xf32> to vector<16xf32>
        %mul3A_1085 = arith.constant 8.000000e+00 : f32
        %mul3A_1086 = vector.broadcast %mul3A_1085 : f32 to vector<16xf32>
        %mul3A_1087 = arith.mulf %get3A_1084, %mul3A_1086 : vector<16xf32>
        %swap3A_1088 = arith.constant 1 : i32
        %swap3A_1089 = arith.constant 0 : i32
        %swap3A_1090 = arith.index_cast %swap3A_1088 : i32 to index
        %swap3A_1091 = arith.index_cast %swap3A_1089 : i32 to index
        %swap3A_1092 = arith.index_cast %scan3A_1016 : i32 to index
        %swap3A_1093 = arith.constant 48 : index
        %swap3A_1094 = tpu.vector_load %arg6[%swap3A_1090, %swap3A_1091, %swap3A_1092, %swap3A_1093] {strides = array<i32>} : memref<2x2x128x128xf32, #tpu.memory_space<vmem>>, vector<1x1x1x16xf32>,
        %swap3A_1095 = vector.shape_cast %swap3A_1094 : vector<1x1x1x16xf32> to vector<16xf32>
        %swap3A_1096 = vector.shape_cast %mul3A_1087 : vector<16xf32> to vector<1x1x1x16xf32>
        tpu.vector_store %arg6[%swap3A_1090, %swap3A_1091, %swap3A_1092, %swap3A_1093], %swap3A_1096 {strides = array<i32>} : memref<2x2x128x128xf32, #tpu.memory_space<vmem>>, vector<1x1x1x16xf32>,
        %get3A_1097 = arith.constant 1 : i32
        %get3A_1098 = arith.constant 1 : i32
        %get3A_1099 = arith.index_cast %get3A_1097 : i32 to index
        %get3A_1100 = arith.index_cast %get3A_1098 : i32 to index
        %get3A_1101 = arith.index_cast %scan3A_1016 : i32 to index
        %get3A_1102 = arith.constant 0 : index
        %get3A_1103 = tpu.vector_load %arg6[%get3A_1099, %get3A_1100, %get3A_1101, %get3A_1102] {strides = array<i32>} : memref<2x2x128x128xf32, #tpu.memory_space<vmem>>, vector<1x1x1x16xf32>,
        %get3A_1104 = vector.shape_cast %get3A_1103 : vector<1x1x1x16xf32> to vector<16xf32>
        %mul3A_1105 = arith.constant 8.000000e+00 : f32
        %mul3A_1106 = vector.broadcast %mul3A_1105 : f32 to vector<16xf32>
        %mul3A_1107 = arith.mulf %get3A_1104, %mul3A_1106 : vector<16xf32>
        %swap3A_1108 = arith.constant 1 : i32
        %swap3A_1109 = arith.constant 1 : i32
        %swap3A_1110 = arith.index_cast %swap3A_1108 : i32 to index
        %swap3A_1111 = arith.index_cast %swap3A_1109 : i32 to index
        %swap3A_1112 = arith.index_cast %scan3A_1016 : i32 to index
        %swap3A_1113 = arith.constant 0 : index
        %swap3A_1114 = tpu.vector_load %arg6[%swap3A_1110, %swap3A_1111, %swap3A_1112, %swap3A_1113] {strides = array<i32>} : memref<2x2x128x128xf32, #tpu.memory_space<vmem>>, vector<1x1x1x16xf32>,
        %swap3A_1115 = vector.shape_cast %swap3A_1114 : vector<1x1x1x16xf32> to vector<16xf32>
        %swap3A_1116 = vector.shape_cast %mul3A_1107 : vector<16xf32> to vector<1x1x1x16xf32>
        tpu.vector_store %arg6[%swap3A_1110, %swap3A_1111, %swap3A_1112, %swap3A_1113], %swap3A_1116 {strides = array<i32>} : memref<2x2x128x128xf32, #tpu.memory_space<vmem>>, vector<1x1x1x16xf32>,
        %get3A_1117 = arith.constant 1 : i32
        %get3A_1118 = arith.constant 1 : i32
        %get3A_1119 = arith.index_cast %get3A_1117 : i32 to index
        %get3A_1120 = arith.index_cast %get3A_1118 : i32 to index
        %get3A_1121 = arith.index_cast %scan3A_1016 : i32 to index
        %get3A_1122 = arith.constant 16 : index
        %get3A_1123 = tpu.vector_load %arg6[%get3A_1119, %get3A_1120, %get3A_1121, %get3A_1122] {strides = array<i32>} : memref<2x2x128x128xf32, #tpu.memory_space<vmem>>, vector<1x1x1x16xf32>,
        %get3A_1124 = vector.shape_cast %get3A_1123 : vector<1x1x1x16xf32> to vector<16xf32>
        %mul3A_1125 = arith.constant 8.000000e+00 : f32
        %mul3A_1126 = vector.broadcast %mul3A_1125 : f32 to vector<16xf32>
        %mul3A_1127 = arith.mulf %get3A_1124, %mul3A_1126 : vector<16xf32>
        %swap3A_1128 = arith.constant 1 : i32
        %swap3A_1129 = arith.constant 1 : i32
        %swap3A_1130 = arith.index_cast %swap3A_1128 : i32 to index
        %swap3A_1131 = arith.index_cast %swap3A_1129 : i32 to index
        %swap3A_1132 = arith.index_cast %scan3A_1016 : i32 to index
        %swap3A_1133 = arith.constant 16 : index
        %swap3A_1134 = tpu.vector_load %arg6[%swap3A_1130, %swap3A_1131, %swap3A_1132, %swap3A_1133] {strides = array<i32>} : memref<2x2x128x128xf32, #tpu.memory_space<vmem>>, vector<1x1x1x16xf32>,
        %swap3A_1135 = vector.shape_cast %swap3A_1134 : vector<1x1x1x16xf32> to vector<16xf32>
        %swap3A_1136 = vector.shape_cast %mul3A_1127 : vector<16xf32> to vector<1x1x1x16xf32>
        tpu.vector_store %arg6[%swap3A_1130, %swap3A_1131, %swap3A_1132, %swap3A_1133], %swap3A_1136 {strides = array<i32>} : memref<2x2x128x128xf32, #tpu.memory_space<vmem>>, vector<1x1x1x16xf32>,
        %get3A_1137 = arith.constant 1 : i32
        %get3A_1138 = arith.constant 1 : i32
        %get3A_1139 = arith.index_cast %get3A_1137 : i32 to index
        %get3A_1140 = arith.index_cast %get3A_1138 : i32 to index
        %get3A_1141 = arith.index_cast %scan3A_1016 : i32 to index
        %get3A_1142 = arith.constant 32 : index
        %get3A_1143 = tpu.vector_load %arg6[%get3A_1139, %get3A_1140, %get3A_1141, %get3A_1142] {strides = array<i32>} : memref<2x2x128x128xf32, #tpu.memory_space<vmem>>, vector<1x1x1x16xf32>,
        %get3A_1144 = vector.shape_cast %get3A_1143 : vector<1x1x1x16xf32> to vector<16xf32>
        %mul3A_1145 = arith.constant 8.000000e+00 : f32
        %mul3A_1146 = vector.broadcast %mul3A_1145 : f32 to vector<16xf32>
        %mul3A_1147 = arith.mulf %get3A_1144, %mul3A_1146 : vector<16xf32>
        %swap3A_1148 = arith.constant 1 : i32
        %swap3A_1149 = arith.constant 1 : i32
        %swap3A_1150 = arith.index_cast %swap3A_1148 : i32 to index
        %swap3A_1151 = arith.index_cast %swap3A_1149 : i32 to index
        %swap3A_1152 = arith.index_cast %scan3A_1016 : i32 to index
        %swap3A_1153 = arith.constant 32 : index
        %swap3A_1154 = tpu.vector_load %arg6[%swap3A_1150, %swap3A_1151, %swap3A_1152, %swap3A_1153] {strides = array<i32>} : memref<2x2x128x128xf32, #tpu.memory_space<vmem>>, vector<1x1x1x16xf32>,
        %swap3A_1155 = vector.shape_cast %swap3A_1154 : vector<1x1x1x16xf32> to vector<16xf32>
        %swap3A_1156 = vector.shape_cast %mul3A_1147 : vector<16xf32> to vector<1x1x1x16xf32>
        tpu.vector_store %arg6[%swap3A_1150, %swap3A_1151, %swap3A_1152, %swap3A_1153], %swap3A_1156 {strides = array<i32>} : memref<2x2x128x128xf32, #tpu.memory_space<vmem>>, vector<1x1x1x16xf32>,
        %get3A_1157 = arith.constant 1 : i32
        %get3A_1158 = arith.constant 1 : i32
        %get3A_1159 = arith.index_cast %get3A_1157 : i32 to index
        %get3A_1160 = arith.index_cast %get3A_1158 : i32 to index
        %get3A_1161 = arith.index_cast %scan3A_1016 : i32 to index
        %get3A_1162 = arith.constant 48 : index
        %get3A_1163 = tpu.vector_load %arg6[%get3A_1159, %get3A_1160, %get3A_1161, %get3A_1162] {strides = array<i32>} : memref<2x2x128x128xf32, #tpu.memory_space<vmem>>, vector<1x1x1x16xf32>,
        %get3A_1164 = vector.shape_cast %get3A_1163 : vector<1x1x1x16xf32> to vector<16xf32>
        %mul3A_1165 = arith.constant 8.000000e+00 : f32
        %mul3A_1166 = vector.broadcast %mul3A_1165 : f32 to vector<16xf32>
        %mul3A_1167 = arith.mulf %get3A_1164, %mul3A_1166 : vector<16xf32>
        %swap3A_1168 = arith.constant 1 : i32
        %swap3A_1169 = arith.constant 1 : i32
        %swap3A_1170 = arith.index_cast %swap3A_1168 : i32 to index
        %swap3A_1171 = arith.index_cast %swap3A_1169 : i32 to index
        %swap3A_1172 = arith.index_cast %scan3A_1016 : i32 to index
        %swap3A_1173 = arith.constant 48 : index
        %swap3A_1174 = tpu.vector_load %arg6[%swap3A_1170, %swap3A_1171, %swap3A_1172, %swap3A_1173] {strides = array<i32>} : memref<2x2x128x128xf32, #tpu.memory_space<vmem>>, vector<1x1x1x16xf32>,
        %swap3A_1175 = vector.shape_cast %swap3A_1174 : vector<1x1x1x16xf32> to vector<16xf32>
        %swap3A_1176 = vector.shape_cast %mul3A_1167 : vector<16xf32> to vector<1x1x1x16xf32>
        tpu.vector_store %arg6[%swap3A_1170, %swap3A_1171, %swap3A_1172, %swap3A_1173], %swap3A_1176 {strides = array<i32>} : memref<2x2x128x128xf32, #tpu.memory_space<vmem>>, vector<1x1x1x16xf32>,
        %scan3A_1177 = arith.constant 2 : i32
        %scan3A_1178 = arith.addi %scan3A_856, %scan3A_1177 : i32
        %get3A_1179 = arith.constant 1 : i32
        %get3A_1180 = arith.constant 0 : i32
        %get3A_1181 = arith.index_cast %get3A_1179 : i32 to index
        %get3A_1182 = arith.index_cast %get3A_1180 : i32 to index
        %get3A_1183 = arith.index_cast %scan3A_1178 : i32 to index
        %get3A_1184 = arith.constant 0 : index
        %get3A_1185 = tpu.vector_load %arg6[%get3A_1181, %get3A_1182, %get3A_1183, %get3A_1184] {strides = array<i32>} : memref<2x2x128x128xf32, #tpu.memory_space<vmem>>, vector<1x1x1x16xf32>,
        %get3A_1186 = vector.shape_cast %get3A_1185 : vector<1x1x1x16xf32> to vector<16xf32>
        %mul3A_1187 = arith.constant 8.000000e+00 : f32
        %mul3A_1188 = vector.broadcast %mul3A_1187 : f32 to vector<16xf32>
        %mul3A_1189 = arith.mulf %get3A_1186, %mul3A_1188 : vector<16xf32>
        %swap3A_1190 = arith.constant 1 : i32
        %swap3A_1191 = arith.constant 0 : i32
        %swap3A_1192 = arith.index_cast %swap3A_1190 : i32 to index
        %swap3A_1193 = arith.index_cast %swap3A_1191 : i32 to index
        %swap3A_1194 = arith.index_cast %scan3A_1178 : i32 to index
        %swap3A_1195 = arith.constant 0 : index
        %swap3A_1196 = tpu.vector_load %arg6[%swap3A_1192, %swap3A_1193, %swap3A_1194, %swap3A_1195] {strides = array<i32>} : memref<2x2x128x128xf32, #tpu.memory_space<vmem>>, vector<1x1x1x16xf32>,
        %swap3A_1197 = vector.shape_cast %swap3A_1196 : vector<1x1x1x16xf32> to vector<16xf32>
        %swap3A_1198 = vector.shape_cast %mul3A_1189 : vector<16xf32> to vector<1x1x1x16xf32>
        tpu.vector_store %arg6[%swap3A_1192, %swap3A_1193, %swap3A_1194, %swap3A_1195], %swap3A_1198 {strides = array<i32>} : memref<2x2x128x128xf32, #tpu.memory_space<vmem>>, vector<1x1x1x16xf32>,
        %get3A_1199 = arith.constant 1 : i32
        %get3A_1200 = arith.constant 0 : i32
        %get3A_1201 = arith.index_cast %get3A_1199 : i32 to index
        %get3A_1202 = arith.index_cast %get3A_1200 : i32 to index
        %get3A_1203 = arith.index_cast %scan3A_1178 : i32 to index
        %get3A_1204 = arith.constant 16 : index
        %get3A_1205 = tpu.vector_load %arg6[%get3A_1201, %get3A_1202, %get3A_1203, %get3A_1204] {strides = array<i32>} : memref<2x2x128x128xf32, #tpu.memory_space<vmem>>, vector<1x1x1x16xf32>,
        %get3A_1206 = vector.shape_cast %get3A_1205 : vector<1x1x1x16xf32> to vector<16xf32>
        %mul3A_1207 = arith.constant 8.000000e+00 : f32
        %mul3A_1208 = vector.broadcast %mul3A_1207 : f32 to vector<16xf32>
        %mul3A_1209 = arith.mulf %get3A_1206, %mul3A_1208 : vector<16xf32>
        %swap3A_1210 = arith.constant 1 : i32
        %swap3A_1211 = arith.constant 0 : i32
        %swap3A_1212 = arith.index_cast %swap3A_1210 : i32 to index
        %swap3A_1213 = arith.index_cast %swap3A_1211 : i32 to index
        %swap3A_1214 = arith.index_cast %scan3A_1178 : i32 to index
        %swap3A_1215 = arith.constant 16 : index
        %swap3A_1216 = tpu.vector_load %arg6[%swap3A_1212, %swap3A_1213, %swap3A_1214, %swap3A_1215] {strides = array<i32>} : memref<2x2x128x128xf32, #tpu.memory_space<vmem>>, vector<1x1x1x16xf32>,
        %swap3A_1217 = vector.shape_cast %swap3A_1216 : vector<1x1x1x16xf32> to vector<16xf32>
        %swap3A_1218 = vector.shape_cast %mul3A_1209 : vector<16xf32> to vector<1x1x1x16xf32>
        tpu.vector_store %arg6[%swap3A_1212, %swap3A_1213, %swap3A_1214, %swap3A_1215], %swap3A_1218 {strides = array<i32>} : memref<2x2x128x128xf32, #tpu.memory_space<vmem>>, vector<1x1x1x16xf32>,
        %get3A_1219 = arith.constant 1 : i32
        %get3A_1220 = arith.constant 0 : i32
        %get3A_1221 = arith.index_cast %get3A_1219 : i32 to index
        %get3A_1222 = arith.index_cast %get3A_1220 : i32 to index
        %get3A_1223 = arith.index_cast %scan3A_1178 : i32 to index
        %get3A_1224 = arith.constant 32 : index
        %get3A_1225 = tpu.vector_load %arg6[%get3A_1221, %get3A_1222, %get3A_1223, %get3A_1224] {strides = array<i32>} : memref<2x2x128x128xf32, #tpu.memory_space<vmem>>, vector<1x1x1x16xf32>,
        %get3A_1226 = vector.shape_cast %get3A_1225 : vector<1x1x1x16xf32> to vector<16xf32>
        %mul3A_1227 = arith.constant 8.000000e+00 : f32
        %mul3A_1228 = vector.broadcast %mul3A_1227 : f32 to vector<16xf32>
        %mul3A_1229 = arith.mulf %get3A_1226, %mul3A_1228 : vector<16xf32>
        %swap3A_1230 = arith.constant 1 : i32
        %swap3A_1231 = arith.constant 0 : i32
        %swap3A_1232 = arith.index_cast %swap3A_1230 : i32 to index
        %swap3A_1233 = arith.index_cast %swap3A_1231 : i32 to index
        %swap3A_1234 = arith.index_cast %scan3A_1178 : i32 to index
        %swap3A_1235 = arith.constant 32 : index
        %swap3A_1236 = tpu.vector_load %arg6[%swap3A_1232, %swap3A_1233, %swap3A_1234, %swap3A_1235] {strides = array<i32>} : memref<2x2x128x128xf32, #tpu.memory_space<vmem>>, vector<1x1x1x16xf32>,
        %swap3A_1237 = vector.shape_cast %swap3A_1236 : vector<1x1x1x16xf32> to vector<16xf32>
        %swap3A_1238 = vector.shape_cast %mul3A_1229 : vector<16xf32> to vector<1x1x1x16xf32>
        tpu.vector_store %arg6[%swap3A_1232, %swap3A_1233, %swap3A_1234, %swap3A_1235], %swap3A_1238 {strides = array<i32>} : memref<2x2x128x128xf32, #tpu.memory_space<vmem>>, vector<1x1x1x16xf32>,
        %get3A_1239 = arith.constant 1 : i32
        %get3A_1240 = arith.constant 0 : i32
        %get3A_1241 = arith.index_cast %get3A_1239 : i32 to index
        %get3A_1242 = arith.index_cast %get3A_1240 : i32 to index
        %get3A_1243 = arith.index_cast %scan3A_1178 : i32 to index
        %get3A_1244 = arith.constant 48 : index
        %get3A_1245 = tpu.vector_load %arg6[%get3A_1241, %get3A_1242, %get3A_1243, %get3A_1244] {strides = array<i32>} : memref<2x2x128x128xf32, #tpu.memory_space<vmem>>, vector<1x1x1x16xf32>,
        %get3A_1246 = vector.shape_cast %get3A_1245 : vector<1x1x1x16xf32> to vector<16xf32>
        %mul3A_1247 = arith.constant 8.000000e+00 : f32
        %mul3A_1248 = vector.broadcast %mul3A_1247 : f32 to vector<16xf32>
        %mul3A_1249 = arith.mulf %get3A_1246, %mul3A_1248 : vector<16xf32>
        %swap3A_1250 = arith.constant 1 : i32
        %swap3A_1251 = arith.constant 0 : i32
        %swap3A_1252 = arith.index_cast %swap3A_1250 : i32 to index
        %swap3A_1253 = arith.index_cast %swap3A_1251 : i32 to index
        %swap3A_1254 = arith.index_cast %scan3A_1178 : i32 to index
        %swap3A_1255 = arith.constant 48 : index
        %swap3A_1256 = tpu.vector_load %arg6[%swap3A_1252, %swap3A_1253, %swap3A_1254, %swap3A_1255] {strides = array<i32>} : memref<2x2x128x128xf32, #tpu.memory_space<vmem>>, vector<1x1x1x16xf32>,
        %swap3A_1257 = vector.shape_cast %swap3A_1256 : vector<1x1x1x16xf32> to vector<16xf32>
        %swap3A_1258 = vector.shape_cast %mul3A_1249 : vector<16xf32> to vector<1x1x1x16xf32>
        tpu.vector_store %arg6[%swap3A_1252, %swap3A_1253, %swap3A_1254, %swap3A_1255], %swap3A_1258 {strides = array<i32>} : memref<2x2x128x128xf32, #tpu.memory_space<vmem>>, vector<1x1x1x16xf32>,
        %get3A_1259 = arith.constant 1 : i32
        %get3A_1260 = arith.constant 1 : i32
        %get3A_1261 = arith.index_cast %get3A_1259 : i32 to index
        %get3A_1262 = arith.index_cast %get3A_1260 : i32 to index
        %get3A_1263 = arith.index_cast %scan3A_1178 : i32 to index
        %get3A_1264 = arith.constant 0 : index
        %get3A_1265 = tpu.vector_load %arg6[%get3A_1261, %get3A_1262, %get3A_1263, %get3A_1264] {strides = array<i32>} : memref<2x2x128x128xf32, #tpu.memory_space<vmem>>, vector<1x1x1x16xf32>,
        %get3A_1266 = vector.shape_cast %get3A_1265 : vector<1x1x1x16xf32> to vector<16xf32>
        %mul3A_1267 = arith.constant 8.000000e+00 : f32
        %mul3A_1268 = vector.broadcast %mul3A_1267 : f32 to vector<16xf32>
        %mul3A_1269 = arith.mulf %get3A_1266, %mul3A_1268 : vector<16xf32>
        %swap3A_1270 = arith.constant 1 : i32
        %swap3A_1271 = arith.constant 1 : i32
        %swap3A_1272 = arith.index_cast %swap3A_1270 : i32 to index
        %swap3A_1273 = arith.index_cast %swap3A_1271 : i32 to index
        %swap3A_1274 = arith.index_cast %scan3A_1178 : i32 to index
        %swap3A_1275 = arith.constant 0 : index
        %swap3A_1276 = tpu.vector_load %arg6[%swap3A_1272, %swap3A_1273, %swap3A_1274, %swap3A_1275] {strides = array<i32>} : memref<2x2x128x128xf32, #tpu.memory_space<vmem>>, vector<1x1x1x16xf32>,
        %swap3A_1277 = vector.shape_cast %swap3A_1276 : vector<1x1x1x16xf32> to vector<16xf32>
        %swap3A_1278 = vector.shape_cast %mul3A_1269 : vector<16xf32> to vector<1x1x1x16xf32>
        tpu.vector_store %arg6[%swap3A_1272, %swap3A_1273, %swap3A_1274, %swap3A_1275], %swap3A_1278 {strides = array<i32>} : memref<2x2x128x128xf32, #tpu.memory_space<vmem>>, vector<1x1x1x16xf32>,
        %get3A_1279 = arith.constant 1 : i32
        %get3A_1280 = arith.constant 1 : i32
        %get3A_1281 = arith.index_cast %get3A_1279 : i32 to index
        %get3A_1282 = arith.index_cast %get3A_1280 : i32 to index
        %get3A_1283 = arith.index_cast %scan3A_1178 : i32 to index
        %get3A_1284 = arith.constant 16 : index
        %get3A_1285 = tpu.vector_load %arg6[%get3A_1281, %get3A_1282, %get3A_1283, %get3A_1284] {strides = array<i32>} : memref<2x2x128x128xf32, #tpu.memory_space<vmem>>, vector<1x1x1x16xf32>,
        %get3A_1286 = vector.shape_cast %get3A_1285 : vector<1x1x1x16xf32> to vector<16xf32>
        %mul3A_1287 = arith.constant 8.000000e+00 : f32
        %mul3A_1288 = vector.broadcast %mul3A_1287 : f32 to vector<16xf32>
        %mul3A_1289 = arith.mulf %get3A_1286, %mul3A_1288 : vector<16xf32>
        %swap3A_1290 = arith.constant 1 : i32
        %swap3A_1291 = arith.constant 1 : i32
        %swap3A_1292 = arith.index_cast %swap3A_1290 : i32 to index
        %swap3A_1293 = arith.index_cast %swap3A_1291 : i32 to index
        %swap3A_1294 = arith.index_cast %scan3A_1178 : i32 to index
        %swap3A_1295 = arith.constant 16 : index
        %swap3A_1296 = tpu.vector_load %arg6[%swap3A_1292, %swap3A_1293, %swap3A_1294, %swap3A_1295] {strides = array<i32>} : memref<2x2x128x128xf32, #tpu.memory_space<vmem>>, vector<1x1x1x16xf32>,
        %swap3A_1297 = vector.shape_cast %swap3A_1296 : vector<1x1x1x16xf32> to vector<16xf32>
        %swap3A_1298 = vector.shape_cast %mul3A_1289 : vector<16xf32> to vector<1x1x1x16xf32>
        tpu.vector_store %arg6[%swap3A_1292, %swap3A_1293, %swap3A_1294, %swap3A_1295], %swap3A_1298 {strides = array<i32>} : memref<2x2x128x128xf32, #tpu.memory_space<vmem>>, vector<1x1x1x16xf32>,
        %get3A_1299 = arith.constant 1 : i32
        %get3A_1300 = arith.constant 1 : i32
        %get3A_1301 = arith.index_cast %get3A_1299 : i32 to index
        %get3A_1302 = arith.index_cast %get3A_1300 : i32 to index
        %get3A_1303 = arith.index_cast %scan3A_1178 : i32 to index
        %get3A_1304 = arith.constant 32 : index
        %get3A_1305 = tpu.vector_load %arg6[%get3A_1301, %get3A_1302, %get3A_1303, %get3A_1304] {strides = array<i32>} : memref<2x2x128x128xf32, #tpu.memory_space<vmem>>, vector<1x1x1x16xf32>,
        %get3A_1306 = vector.shape_cast %get3A_1305 : vector<1x1x1x16xf32> to vector<16xf32>
        %mul3A_1307 = arith.constant 8.000000e+00 : f32
        %mul3A_1308 = vector.broadcast %mul3A_1307 : f32 to vector<16xf32>
        %mul3A_1309 = arith.mulf %get3A_1306, %mul3A_1308 : vector<16xf32>
        %swap3A_1310 = arith.constant 1 : i32
        %swap3A_1311 = arith.constant 1 : i32
        %swap3A_1312 = arith.index_cast %swap3A_1310 : i32 to index
        %swap3A_1313 = arith.index_cast %swap3A_1311 : i32 to index
        %swap3A_1314 = arith.index_cast %scan3A_1178 : i32 to index
        %swap3A_1315 = arith.constant 32 : index
        %swap3A_1316 = tpu.vector_load %arg6[%swap3A_1312, %swap3A_1313, %swap3A_1314, %swap3A_1315] {strides = array<i32>} : memref<2x2x128x128xf32, #tpu.memory_space<vmem>>, vector<1x1x1x16xf32>,
        %swap3A_1317 = vector.shape_cast %swap3A_1316 : vector<1x1x1x16xf32> to vector<16xf32>
        %swap3A_1318 = vector.shape_cast %mul3A_1309 : vector<16xf32> to vector<1x1x1x16xf32>
        tpu.vector_store %arg6[%swap3A_1312, %swap3A_1313, %swap3A_1314, %swap3A_1315], %swap3A_1318 {strides = array<i32>} : memref<2x2x128x128xf32, #tpu.memory_space<vmem>>, vector<1x1x1x16xf32>,
        %get3A_1319 = arith.constant 1 : i32
        %get3A_1320 = arith.constant 1 : i32
        %get3A_1321 = arith.index_cast %get3A_1319 : i32 to index
        %get3A_1322 = arith.index_cast %get3A_1320 : i32 to index
        %get3A_1323 = arith.index_cast %scan3A_1178 : i32 to index
        %get3A_1324 = arith.constant 48 : index
        %get3A_1325 = tpu.vector_load %arg6[%get3A_1321, %get3A_1322, %get3A_1323, %get3A_1324] {strides = array<i32>} : memref<2x2x128x128xf32, #tpu.memory_space<vmem>>, vector<1x1x1x16xf32>,
        %get3A_1326 = vector.shape_cast %get3A_1325 : vector<1x1x1x16xf32> to vector<16xf32>
        %mul3A_1327 = arith.constant 8.000000e+00 : f32
        %mul3A_1328 = vector.broadcast %mul3A_1327 : f32 to vector<16xf32>
        %mul3A_1329 = arith.mulf %get3A_1326, %mul3A_1328 : vector<16xf32>
        %swap3A_1330 = arith.constant 1 : i32
        %swap3A_1331 = arith.constant 1 : i32
        %swap3A_1332 = arith.index_cast %swap3A_1330 : i32 to index
        %swap3A_1333 = arith.index_cast %swap3A_1331 : i32 to index
        %swap3A_1334 = arith.index_cast %scan3A_1178 : i32 to index
        %swap3A_1335 = arith.constant 48 : index
        %swap3A_1336 = tpu.vector_load %arg6[%swap3A_1332, %swap3A_1333, %swap3A_1334, %swap3A_1335] {strides = array<i32>} : memref<2x2x128x128xf32, #tpu.memory_space<vmem>>, vector<1x1x1x16xf32>,
        %swap3A_1337 = vector.shape_cast %swap3A_1336 : vector<1x1x1x16xf32> to vector<16xf32>
        %swap3A_1338 = vector.shape_cast %mul3A_1329 : vector<16xf32> to vector<1x1x1x16xf32>
        tpu.vector_store %arg6[%swap3A_1332, %swap3A_1333, %swap3A_1334, %swap3A_1335], %swap3A_1338 {strides = array<i32>} : memref<2x2x128x128xf32, #tpu.memory_space<vmem>>, vector<1x1x1x16xf32>,
        %scan3A_1339 = arith.constant 3 : i32
        %scan3A_1340 = arith.addi %scan3A_856, %scan3A_1339 : i32
        %get3A_1341 = arith.constant 1 : i32
        %get3A_1342 = arith.constant 0 : i32
        %get3A_1343 = arith.index_cast %get3A_1341 : i32 to index
        %get3A_1344 = arith.index_cast %get3A_1342 : i32 to index
        %get3A_1345 = arith.index_cast %scan3A_1340 : i32 to index
        %get3A_1346 = arith.constant 0 : index
        %get3A_1347 = tpu.vector_load %arg6[%get3A_1343, %get3A_1344, %get3A_1345, %get3A_1346] {strides = array<i32>} : memref<2x2x128x128xf32, #tpu.memory_space<vmem>>, vector<1x1x1x16xf32>,
        %get3A_1348 = vector.shape_cast %get3A_1347 : vector<1x1x1x16xf32> to vector<16xf32>
        %mul3A_1349 = arith.constant 8.000000e+00 : f32
        %mul3A_1350 = vector.broadcast %mul3A_1349 : f32 to vector<16xf32>
        %mul3A_1351 = arith.mulf %get3A_1348, %mul3A_1350 : vector<16xf32>
        %swap3A_1352 = arith.constant 1 : i32
        %swap3A_1353 = arith.constant 0 : i32
        %swap3A_1354 = arith.index_cast %swap3A_1352 : i32 to index
        %swap3A_1355 = arith.index_cast %swap3A_1353 : i32 to index
        %swap3A_1356 = arith.index_cast %scan3A_1340 : i32 to index
        %swap3A_1357 = arith.constant 0 : index
        %swap3A_1358 = tpu.vector_load %arg6[%swap3A_1354, %swap3A_1355, %swap3A_1356, %swap3A_1357] {strides = array<i32>} : memref<2x2x128x128xf32, #tpu.memory_space<vmem>>, vector<1x1x1x16xf32>,
        %swap3A_1359 = vector.shape_cast %swap3A_1358 : vector<1x1x1x16xf32> to vector<16xf32>
        %swap3A_1360 = vector.shape_cast %mul3A_1351 : vector<16xf32> to vector<1x1x1x16xf32>
        tpu.vector_store %arg6[%swap3A_1354, %swap3A_1355, %swap3A_1356, %swap3A_1357], %swap3A_1360 {strides = array<i32>} : memref<2x2x128x128xf32, #tpu.memory_space<vmem>>, vector<1x1x1x16xf32>,
        %get3A_1361 = arith.constant 1 : i32
        %get3A_1362 = arith.constant 0 : i32
        %get3A_1363 = arith.index_cast %get3A_1361 : i32 to index
        %get3A_1364 = arith.index_cast %get3A_1362 : i32 to index
        %get3A_1365 = arith.index_cast %scan3A_1340 : i32 to index
        %get3A_1366 = arith.constant 16 : index
        %get3A_1367 = tpu.vector_load %arg6[%get3A_1363, %get3A_1364, %get3A_1365, %get3A_1366] {strides = array<i32>} : memref<2x2x128x128xf32, #tpu.memory_space<vmem>>, vector<1x1x1x16xf32>,
        %get3A_1368 = vector.shape_cast %get3A_1367 : vector<1x1x1x16xf32> to vector<16xf32>
        %mul3A_1369 = arith.constant 8.000000e+00 : f32
        %mul3A_1370 = vector.broadcast %mul3A_1369 : f32 to vector<16xf32>
        %mul3A_1371 = arith.mulf %get3A_1368, %mul3A_1370 : vector<16xf32>
        %swap3A_1372 = arith.constant 1 : i32
        %swap3A_1373 = arith.constant 0 : i32
        %swap3A_1374 = arith.index_cast %swap3A_1372 : i32 to index
        %swap3A_1375 = arith.index_cast %swap3A_1373 : i32 to index
        %swap3A_1376 = arith.index_cast %scan3A_1340 : i32 to index
        %swap3A_1377 = arith.constant 16 : index
        %swap3A_1378 = tpu.vector_load %arg6[%swap3A_1374, %swap3A_1375, %swap3A_1376, %swap3A_1377] {strides = array<i32>} : memref<2x2x128x128xf32, #tpu.memory_space<vmem>>, vector<1x1x1x16xf32>,
        %swap3A_1379 = vector.shape_cast %swap3A_1378 : vector<1x1x1x16xf32> to vector<16xf32>
        %swap3A_1380 = vector.shape_cast %mul3A_1371 : vector<16xf32> to vector<1x1x1x16xf32>
        tpu.vector_store %arg6[%swap3A_1374, %swap3A_1375, %swap3A_1376, %swap3A_1377], %swap3A_1380 {strides = array<i32>} : memref<2x2x128x128xf32, #tpu.memory_space<vmem>>, vector<1x1x1x16xf32>,
        %get3A_1381 = arith.constant 1 : i32
        %get3A_1382 = arith.constant 0 : i32
        %get3A_1383 = arith.index_cast %get3A_1381 : i32 to index
        %get3A_1384 = arith.index_cast %get3A_1382 : i32 to index
        %get3A_1385 = arith.index_cast %scan3A_1340 : i32 to index
        %get3A_1386 = arith.constant 32 : index
        %get3A_1387 = tpu.vector_load %arg6[%get3A_1383, %get3A_1384, %get3A_1385, %get3A_1386] {strides = array<i32>} : memref<2x2x128x128xf32, #tpu.memory_space<vmem>>, vector<1x1x1x16xf32>,
        %get3A_1388 = vector.shape_cast %get3A_1387 : vector<1x1x1x16xf32> to vector<16xf32>
        %mul3A_1389 = arith.constant 8.000000e+00 : f32
        %mul3A_1390 = vector.broadcast %mul3A_1389 : f32 to vector<16xf32>
        %mul3A_1391 = arith.mulf %get3A_1388, %mul3A_1390 : vector<16xf32>
        %swap3A_1392 = arith.constant 1 : i32
        %swap3A_1393 = arith.constant 0 : i32
        %swap3A_1394 = arith.index_cast %swap3A_1392 : i32 to index
        %swap3A_1395 = arith.index_cast %swap3A_1393 : i32 to index
        %swap3A_1396 = arith.index_cast %scan3A_1340 : i32 to index
        %swap3A_1397 = arith.constant 32 : index
        %swap3A_1398 = tpu.vector_load %arg6[%swap3A_1394, %swap3A_1395, %swap3A_1396, %swap3A_1397] {strides = array<i32>} : memref<2x2x128x128xf32, #tpu.memory_space<vmem>>, vector<1x1x1x16xf32>,
        %swap3A_1399 = vector.shape_cast %swap3A_1398 : vector<1x1x1x16xf32> to vector<16xf32>
        %swap3A_1400 = vector.shape_cast %mul3A_1391 : vector<16xf32> to vector<1x1x1x16xf32>
        tpu.vector_store %arg6[%swap3A_1394, %swap3A_1395, %swap3A_1396, %swap3A_1397], %swap3A_1400 {strides = array<i32>} : memref<2x2x128x128xf32, #tpu.memory_space<vmem>>, vector<1x1x1x16xf32>,
        %get3A_1401 = arith.constant 1 : i32
        %get3A_1402 = arith.constant 0 : i32
        %get3A_1403 = arith.index_cast %get3A_1401 : i32 to index
        %get3A_1404 = arith.index_cast %get3A_1402 : i32 to index
        %get3A_1405 = arith.index_cast %scan3A_1340 : i32 to index
        %get3A_1406 = arith.constant 48 : index
        %get3A_1407 = tpu.vector_load %arg6[%get3A_1403, %get3A_1404, %get3A_1405, %get3A_1406] {strides = array<i32>} : memref<2x2x128x128xf32, #tpu.memory_space<vmem>>, vector<1x1x1x16xf32>,
        %get3A_1408 = vector.shape_cast %get3A_1407 : vector<1x1x1x16xf32> to vector<16xf32>
        %mul3A_1409 = arith.constant 8.000000e+00 : f32
        %mul3A_1410 = vector.broadcast %mul3A_1409 : f32 to vector<16xf32>
        %mul3A_1411 = arith.mulf %get3A_1408, %mul3A_1410 : vector<16xf32>
        %swap3A_1412 = arith.constant 1 : i32
        %swap3A_1413 = arith.constant 0 : i32
        %swap3A_1414 = arith.index_cast %swap3A_1412 : i32 to index
        %swap3A_1415 = arith.index_cast %swap3A_1413 : i32 to index
        %swap3A_1416 = arith.index_cast %scan3A_1340 : i32 to index
        %swap3A_1417 = arith.constant 48 : index
        %swap3A_1418 = tpu.vector_load %arg6[%swap3A_1414, %swap3A_1415, %swap3A_1416, %swap3A_1417] {strides = array<i32>} : memref<2x2x128x128xf32, #tpu.memory_space<vmem>>, vector<1x1x1x16xf32>,
        %swap3A_1419 = vector.shape_cast %swap3A_1418 : vector<1x1x1x16xf32> to vector<16xf32>
        %swap3A_1420 = vector.shape_cast %mul3A_1411 : vector<16xf32> to vector<1x1x1x16xf32>
        tpu.vector_store %arg6[%swap3A_1414, %swap3A_1415, %swap3A_1416, %swap3A_1417], %swap3A_1420 {strides = array<i32>} : memref<2x2x128x128xf32, #tpu.memory_space<vmem>>, vector<1x1x1x16xf32>,
        %get3A_1421 = arith.constant 1 : i32
        %get3A_1422 = arith.constant 1 : i32
        %get3A_1423 = arith.index_cast %get3A_1421 : i32 to index
        %get3A_1424 = arith.index_cast %get3A_1422 : i32 to index
        %get3A_1425 = arith.index_cast %scan3A_1340 : i32 to index
        %get3A_1426 = arith.constant 0 : index
        %get3A_1427 = tpu.vector_load %arg6[%get3A_1423, %get3A_1424, %get3A_1425, %get3A_1426] {strides = array<i32>} : memref<2x2x128x128xf32, #tpu.memory_space<vmem>>, vector<1x1x1x16xf32>,
        %get3A_1428 = vector.shape_cast %get3A_1427 : vector<1x1x1x16xf32> to vector<16xf32>
        %mul3A_1429 = arith.constant 8.000000e+00 : f32
        %mul3A_1430 = vector.broadcast %mul3A_1429 : f32 to vector<16xf32>
        %mul3A_1431 = arith.mulf %get3A_1428, %mul3A_1430 : vector<16xf32>
        %swap3A_1432 = arith.constant 1 : i32
        %swap3A_1433 = arith.constant 1 : i32
        %swap3A_1434 = arith.index_cast %swap3A_1432 : i32 to index
        %swap3A_1435 = arith.index_cast %swap3A_1433 : i32 to index
        %swap3A_1436 = arith.index_cast %scan3A_1340 : i32 to index
        %swap3A_1437 = arith.constant 0 : index
        %swap3A_1438 = tpu.vector_load %arg6[%swap3A_1434, %swap3A_1435, %swap3A_1436, %swap3A_1437] {strides = array<i32>} : memref<2x2x128x128xf32, #tpu.memory_space<vmem>>, vector<1x1x1x16xf32>,
        %swap3A_1439 = vector.shape_cast %swap3A_1438 : vector<1x1x1x16xf32> to vector<16xf32>
        %swap3A_1440 = vector.shape_cast %mul3A_1431 : vector<16xf32> to vector<1x1x1x16xf32>
        tpu.vector_store %arg6[%swap3A_1434, %swap3A_1435, %swap3A_1436, %swap3A_1437], %swap3A_1440 {strides = array<i32>} : memref<2x2x128x128xf32, #tpu.memory_space<vmem>>, vector<1x1x1x16xf32>,
        %get3A_1441 = arith.constant 1 : i32
        %get3A_1442 = arith.constant 1 : i32
        %get3A_1443 = arith.index_cast %get3A_1441 : i32 to index
        %get3A_1444 = arith.index_cast %get3A_1442 : i32 to index
        %get3A_1445 = arith.index_cast %scan3A_1340 : i32 to index
        %get3A_1446 = arith.constant 16 : index
        %get3A_1447 = tpu.vector_load %arg6[%get3A_1443, %get3A_1444, %get3A_1445, %get3A_1446] {strides = array<i32>} : memref<2x2x128x128xf32, #tpu.memory_space<vmem>>, vector<1x1x1x16xf32>,
        %get3A_1448 = vector.shape_cast %get3A_1447 : vector<1x1x1x16xf32> to vector<16xf32>
        %mul3A_1449 = arith.constant 8.000000e+00 : f32
        %mul3A_1450 = vector.broadcast %mul3A_1449 : f32 to vector<16xf32>
        %mul3A_1451 = arith.mulf %get3A_1448, %mul3A_1450 : vector<16xf32>
        %swap3A_1452 = arith.constant 1 : i32
        %swap3A_1453 = arith.constant 1 : i32
        %swap3A_1454 = arith.index_cast %swap3A_1452 : i32 to index
        %swap3A_1455 = arith.index_cast %swap3A_1453 : i32 to index
        %swap3A_1456 = arith.index_cast %scan3A_1340 : i32 to index
        %swap3A_1457 = arith.constant 16 : index
        %swap3A_1458 = tpu.vector_load %arg6[%swap3A_1454, %swap3A_1455, %swap3A_1456, %swap3A_1457] {strides = array<i32>} : memref<2x2x128x128xf32, #tpu.memory_space<vmem>>, vector<1x1x1x16xf32>,
        %swap3A_1459 = vector.shape_cast %swap3A_1458 : vector<1x1x1x16xf32> to vector<16xf32>
        %swap3A_1460 = vector.shape_cast %mul3A_1451 : vector<16xf32> to vector<1x1x1x16xf32>
        tpu.vector_store %arg6[%swap3A_1454, %swap3A_1455, %swap3A_1456, %swap3A_1457], %swap3A_1460 {strides = array<i32>} : memref<2x2x128x128xf32, #tpu.memory_space<vmem>>, vector<1x1x1x16xf32>,
        %get3A_1461 = arith.constant 1 : i32
        %get3A_1462 = arith.constant 1 : i32
        %get3A_1463 = arith.index_cast %get3A_1461 : i32 to index
        %get3A_1464 = arith.index_cast %get3A_1462 : i32 to index
        %get3A_1465 = arith.index_cast %scan3A_1340 : i32 to index
        %get3A_1466 = arith.constant 32 : index
        %get3A_1467 = tpu.vector_load %arg6[%get3A_1463, %get3A_1464, %get3A_1465, %get3A_1466] {strides = array<i32>} : memref<2x2x128x128xf32, #tpu.memory_space<vmem>>, vector<1x1x1x16xf32>,
        %get3A_1468 = vector.shape_cast %get3A_1467 : vector<1x1x1x16xf32> to vector<16xf32>
        %mul3A_1469 = arith.constant 8.000000e+00 : f32
        %mul3A_1470 = vector.broadcast %mul3A_1469 : f32 to vector<16xf32>
        %mul3A_1471 = arith.mulf %get3A_1468, %mul3A_1470 : vector<16xf32>
        %swap3A_1472 = arith.constant 1 : i32
        %swap3A_1473 = arith.constant 1 : i32
        %swap3A_1474 = arith.index_cast %swap3A_1472 : i32 to index
        %swap3A_1475 = arith.index_cast %swap3A_1473 : i32 to index
        %swap3A_1476 = arith.index_cast %scan3A_1340 : i32 to index
        %swap3A_1477 = arith.constant 32 : index
        %swap3A_1478 = tpu.vector_load %arg6[%swap3A_1474, %swap3A_1475, %swap3A_1476, %swap3A_1477] {strides = array<i32>} : memref<2x2x128x128xf32, #tpu.memory_space<vmem>>, vector<1x1x1x16xf32>,
        %swap3A_1479 = vector.shape_cast %swap3A_1478 : vector<1x1x1x16xf32> to vector<16xf32>
        %swap3A_1480 = vector.shape_cast %mul3A_1471 : vector<16xf32> to vector<1x1x1x16xf32>
        tpu.vector_store %arg6[%swap3A_1474, %swap3A_1475, %swap3A_1476, %swap3A_1477], %swap3A_1480 {strides = array<i32>} : memref<2x2x128x128xf32, #tpu.memory_space<vmem>>, vector<1x1x1x16xf32>,
        %get3A_1481 = arith.constant 1 : i32
        %get3A_1482 = arith.constant 1 : i32
        %get3A_1483 = arith.index_cast %get3A_1481 : i32 to index
        %get3A_1484 = arith.index_cast %get3A_1482 : i32 to index
        %get3A_1485 = arith.index_cast %scan3A_1340 : i32 to index
        %get3A_1486 = arith.constant 48 : index
        %get3A_1487 = tpu.vector_load %arg6[%get3A_1483, %get3A_1484, %get3A_1485, %get3A_1486] {strides = array<i32>} : memref<2x2x128x128xf32, #tpu.memory_space<vmem>>, vector<1x1x1x16xf32>,
        %get3A_1488 = vector.shape_cast %get3A_1487 : vector<1x1x1x16xf32> to vector<16xf32>
        %mul3A_1489 = arith.constant 8.000000e+00 : f32
        %mul3A_1490 = vector.broadcast %mul3A_1489 : f32 to vector<16xf32>
        %mul3A_1491 = arith.mulf %get3A_1488, %mul3A_1490 : vector<16xf32>
        %swap3A_1492 = arith.constant 1 : i32
        %swap3A_1493 = arith.constant 1 : i32
        %swap3A_1494 = arith.index_cast %swap3A_1492 : i32 to index
        %swap3A_1495 = arith.index_cast %swap3A_1493 : i32 to index
        %swap3A_1496 = arith.index_cast %scan3A_1340 : i32 to index
        %swap3A_1497 = arith.constant 48 : index
        %swap3A_1498 = tpu.vector_load %arg6[%swap3A_1494, %swap3A_1495, %swap3A_1496, %swap3A_1497] {strides = array<i32>} : memref<2x2x128x128xf32, #tpu.memory_space<vmem>>, vector<1x1x1x16xf32>,
        %swap3A_1499 = vector.shape_cast %swap3A_1498 : vector<1x1x1x16xf32> to vector<16xf32>
        %swap3A_1500 = vector.shape_cast %mul3A_1491 : vector<16xf32> to vector<1x1x1x16xf32>
        tpu.vector_store %arg6[%swap3A_1494, %swap3A_1495, %swap3A_1496, %swap3A_1497], %swap3A_1500 {strides = array<i32>} : memref<2x2x128x128xf32, #tpu.memory_space<vmem>>, vector<1x1x1x16xf32>,
      }
      %scan3A_813 = arith.constant 128 : i32
      %mul3A_814 = arith.constant 2 : i32
      %mul3A_815 = arith.muli %add3A_693, %mul3A_814 : i32
      %add3A_816 = arith.constant 0 : i32
      %add3A_817 = arith.addi %mul3A_815, %add3A_816 : i32
      %add3A_818 = arith.addi %mul3A_2, %add3A_817 : i32
      %mul3A_819 = arith.constant 128 : i32
      %mul3A_820 = arith.muli %add3A_818, %mul3A_819 : i32
      %dma_start3A_821 = arith.constant 1 : i32
      %dma_start3A_822 = arith.constant 0 : i32
      %dma_start3A_823 = arith.constant 0 : i32
      %dma_start3A_824 = arith.constant 0 : i32
      %dma_start3A_825 = tpu.memref_slice %arg6[%dma_start3A_821, %dma_start3A_822, %dma_start3A_823, %dma_start3A_824] : memref<2x2x128x128xf32, #tpu.memory_space<vmem>> -> memref<1x1x128x128xf32, #tpu.memory_space<vmem>>
      %dma_start3A_826 = tpu.memref_squeeze %dma_start3A_825 : memref<1x1x128x128xf32, #tpu.memory_space<vmem>> -> memref<128x128xf32, #tpu.memory_space<vmem>>
      %dma_start3A_827 = arith.constant 0 : i32
      %dma_start3A_828 = tpu.memref_slice %arg4[%mul3A_820, %dma_start3A_827] : memref<819200x128xf32, #tpu.memory_space<hbm>> -> memref<128x128xf32, #tpu.memory_space<hbm>>
      %dma_start3A_829 = arith.constant 0 : i32
      %dma_start3A_830 = tpu.memref_slice %arg4[%mul3A_820, %dma_start3A_829] : memref<819200x128xf32, #tpu.memory_space<hbm>> -> memref<128x128xf32, #tpu.memory_space<hbm>>
      %dma_start3A_831 = arith.constant 0 : i32
      %dma_start3A_832 = arith.constant 0 : i32
      %dma_start3A_833 = tpu.memref_slice %arg6[%dma_start3A_821, %dma_start3A_822, %dma_start3A_831, %dma_start3A_832] : memref<2x2x128x128xf32, #tpu.memory_space<vmem>> -> memref<1x1x128x128xf32, #tpu.memory_space<vmem>>
      %dma_start3A_834 = tpu.memref_squeeze %dma_start3A_833 : memref<1x1x128x128xf32, #tpu.memory_space<vmem>> -> memref<128x128xf32, #tpu.memory_space<vmem>>
      tpu.enqueue_dma source(%dma_start3A_834 : memref<128x128xf32, #tpu.memory_space<vmem>>) target(%dma_start3A_830 : memref<128x128xf32, #tpu.memory_space<hbm>>) target_semaphore(%arg10 : memref<!tpu.dma_semaphore, #tpu.memory_space<semaphore_mem>>)
      %mul3A_835 = arith.constant 2 : i32
      %mul3A_836 = arith.muli %add3A_693, %mul3A_835 : i32
      %add3A_837 = arith.constant 1 : i32
      %add3A_838 = arith.addi %mul3A_836, %add3A_837 : i32
      %add3A_839 = arith.addi %mul3A_2, %add3A_838 : i32
      %mul3A_840 = arith.constant 128 : i32
      %mul3A_841 = arith.muli %add3A_839, %mul3A_840 : i32
      %dma_start3A_842 = arith.constant 1 : i32
      %dma_start3A_843 = arith.constant 1 : i32
      %dma_start3A_844 = arith.constant 0 : i32
      %dma_start3A_845 = arith.constant 0 : i32
      %dma_start3A_846 = tpu.memref_slice %arg6[%dma_start3A_842, %dma_start3A_843, %dma_start3A_844, %dma_start3A_845] : memref<2x2x128x128xf32, #tpu.memory_space<vmem>> -> memref<1x1x128x128xf32, #tpu.memory_space<vmem>>
      %dma_start3A_847 = tpu.memref_squeeze %dma_start3A_846 : memref<1x1x128x128xf32, #tpu.memory_space<vmem>> -> memref<128x128xf32, #tpu.memory_space<vmem>>
      %dma_start3A_848 = arith.constant 0 : i32
      %dma_start3A_849 = tpu.memref_slice %arg4[%mul3A_841, %dma_start3A_848] : memref<819200x128xf32, #tpu.memory_space<hbm>> -> memref<128x128xf32, #tpu.memory_space<hbm>>
      %dma_start3A_850 = arith.constant 0 : i32
      %dma_start3A_851 = tpu.memref_slice %arg4[%mul3A_841, %dma_start3A_850] : memref<819200x128xf32, #tpu.memory_space<hbm>> -> memref<128x128xf32, #tpu.memory_space<hbm>>
      %dma_start3A_852 = arith.constant 0 : i32
      %dma_start3A_853 = arith.constant 0 : i32
      %dma_start3A_854 = tpu.memref_slice %arg6[%dma_start3A_842, %dma_start3A_843, %dma_start3A_852, %dma_start3A_853] : memref<2x2x128x128xf32, #tpu.memory_space<vmem>> -> memref<1x1x128x128xf32, #tpu.memory_space<vmem>>
      %dma_start3A_855 = tpu.memref_squeeze %dma_start3A_854 : memref<1x1x128x128xf32, #tpu.memory_space<vmem>> -> memref<128x128xf32, #tpu.memory_space<vmem>>
      tpu.enqueue_dma source(%dma_start3A_855 : memref<128x128xf32, #tpu.memory_space<vmem>>) target(%dma_start3A_851 : memref<128x128xf32, #tpu.memory_space<hbm>>) target_semaphore(%arg10 : memref<!tpu.dma_semaphore, #tpu.memory_space<semaphore_mem>>)
    }
    %scan3A_255 = arith.constant 48 : i32
    %add3A_256 = arith.constant 194 : i32
    %add3A_257 = arith.addi %mul3A_2, %add3A_256 : i32
    %mul3A_258 = arith.constant 128 : i32
    %mul3A_259 = arith.muli %add3A_257, %mul3A_258 : i32
    %dma_wait3A_260 = arith.constant 1 : i32
    %dma_wait3A_261 = arith.constant 0 : i32
    %dma_wait3A_262 = arith.constant 0 : i32
    %dma_wait3A_263 = arith.constant 0 : i32
    %dma_wait3A_264 = tpu.memref_slice %arg6[%dma_wait3A_260, %dma_wait3A_261, %dma_wait3A_262, %dma_wait3A_263] : memref<2x2x128x128xf32, #tpu.memory_space<vmem>> -> memref<1x1x128x128xf32, #tpu.memory_space<vmem>>
    %dma_wait3A_265 = tpu.memref_squeeze %dma_wait3A_264 : memref<1x1x128x128xf32, #tpu.memory_space<vmem>> -> memref<128x128xf32, #tpu.memory_space<vmem>>
    %dma_wait3A_266 = arith.constant 0 : i32
    %dma_wait3A_267 = tpu.memref_slice %arg4[%mul3A_259, %dma_wait3A_266] : memref<819200x128xf32, #tpu.memory_space<hbm>> -> memref<128x128xf32, #tpu.memory_space<hbm>>
    %dma_wait3A_268 = arith.constant 0 : i32
    %dma_wait3A_269 = tpu.memref_slice %arg4[%mul3A_259, %dma_wait3A_268] : memref<819200x128xf32, #tpu.memory_space<hbm>> -> memref<128x128xf32, #tpu.memory_space<hbm>>
    %dma_wait3A_270 = arith.constant 0 : i32
    %dma_wait3A_271 = arith.constant 0 : i32
    %dma_wait3A_272 = tpu.memref_slice %arg6[%dma_wait3A_260, %dma_wait3A_261, %dma_wait3A_270, %dma_wait3A_271] : memref<2x2x128x128xf32, #tpu.memory_space<vmem>> -> memref<1x1x128x128xf32, #tpu.memory_space<vmem>>
    %dma_wait3A_273 = tpu.memref_squeeze %dma_wait3A_272 : memref<1x1x128x128xf32, #tpu.memory_space<vmem>> -> memref<128x128xf32, #tpu.memory_space<vmem>>
    tpu.wait_dma2 semaphore(%arg10 : memref<!tpu.dma_semaphore, #tpu.memory_space<semaphore_mem>>) src(%dma_wait3A_273 : memref<128x128xf32, #tpu.memory_space<vmem>>) dst(%dma_wait3A_269 : memref<128x128xf32, #tpu.memory_space<hbm>>)
    %add3A_274 = arith.constant 195 : i32
    %add3A_275 = arith.addi %mul3A_2, %add3A_274 : i32
    %mul3A_276 = arith.constant 128 : i32
    %mul3A_277 = arith.muli %add3A_275, %mul3A_276 : i32
    %dma_wait3A_278 = arith.constant 1 : i32
    %dma_wait3A_279 = arith.constant 1 : i32
    %dma_wait3A_280 = arith.constant 0 : i32
    %dma_wait3A_281 = arith.constant 0 : i32
    %dma_wait3A_282 = tpu.memref_slice %arg6[%dma_wait3A_278, %dma_wait3A_279, %dma_wait3A_280, %dma_wait3A_281] : memref<2x2x128x128xf32, #tpu.memory_space<vmem>> -> memref<1x1x128x128xf32, #tpu.memory_space<vmem>>
    %dma_wait3A_283 = tpu.memref_squeeze %dma_wait3A_282 : memref<1x1x128x128xf32, #tpu.memory_space<vmem>> -> memref<128x128xf32, #tpu.memory_space<vmem>>
    %dma_wait3A_284 = arith.constant 0 : i32
    %dma_wait3A_285 = tpu.memref_slice %arg4[%mul3A_277, %dma_wait3A_284] : memref<819200x128xf32, #tpu.memory_space<hbm>> -> memref<128x128xf32, #tpu.memory_space<hbm>>
    %dma_wait3A_286 = arith.constant 0 : i32
    %dma_wait3A_287 = tpu.memref_slice %arg4[%mul3A_277, %dma_wait3A_286] : memref<819200x128xf32, #tpu.memory_space<hbm>> -> memref<128x128xf32, #tpu.memory_space<hbm>>
    %dma_wait3A_288 = arith.constant 0 : i32
    %dma_wait3A_289 = arith.constant 0 : i32
    %dma_wait3A_290 = tpu.memref_slice %arg6[%dma_wait3A_278, %dma_wait3A_279, %dma_wait3A_288, %dma_wait3A_289] : memref<2x2x128x128xf32, #tpu.memory_space<vmem>> -> memref<1x1x128x128xf32, #tpu.memory_space<vmem>>
    %dma_wait3A_291 = tpu.memref_squeeze %dma_wait3A_290 : memref<1x1x128x128xf32, #tpu.memory_space<vmem>> -> memref<128x128xf32, #tpu.memory_space<vmem>>
    tpu.wait_dma2 semaphore(%arg10 : memref<!tpu.dma_semaphore, #tpu.memory_space<semaphore_mem>>) src(%dma_wait3A_291 : memref<128x128xf32, #tpu.memory_space<vmem>>) dst(%dma_wait3A_287 : memref<128x128xf32, #tpu.memory_space<hbm>>)
    %dma_start3A_292 = arith.constant 198 : i32
    %dma_start3A_293 = arith.constant 1 : i32
    %dma_start3A_294 = arith.constant 0 : i32
    %dma_start3A_295 = arith.constant 0 : i32
    %dma_start3A_296 = arith.constant 0 : i32
    %dma_start3A_297 = tpu.memref_slice %arg6[%dma_start3A_293, %dma_start3A_294, %dma_start3A_295, %dma_start3A_296] : memref<2x2x128x128xf32, #tpu.memory_space<vmem>> -> memref<1x1x128x128xf32, #tpu.memory_space<vmem>>
    %dma_start3A_298 = tpu.memref_squeeze %dma_start3A_297 : memref<1x1x128x128xf32, #tpu.memory_space<vmem>> -> memref<128x128xf32, #tpu.memory_space<vmem>>
    %dma_start3A_299 = arith.constant 0 : i32
    %dma_start3A_300 = tpu.memref_slice %arg5[%dma_start3A_292, %dma_start3A_299] : memref<200x128xi32, #tpu.memory_space<vmem>> -> memref<1x128xi32, #tpu.memory_space<vmem>>
    %dma_start3A_301 = tpu.memref_squeeze %dma_start3A_300 : memref<1x128xi32, #tpu.memory_space<vmem>> -> memref<128xi32, #tpu.memory_space<vmem>>
    %dma_start3A_302 = arith.constant 0 : i32
    %dma_start3A_303 = arith.constant 0 : i32
    %dma_start3A_304 = tpu.memref_slice %arg3[%dma_start3A_302, %dma_start3A_303] : memref<1000000x128xf32, #tpu.memory_space<hbm>> -> memref<1000000x128xf32, #tpu.memory_space<hbm>>
    tpu.enqueue_indirect_dma source(%dma_start3A_304 : memref<1000000x128xf32, #tpu.memory_space<hbm>>) target(%dma_start3A_298 : memref<128x128xf32, #tpu.memory_space<vmem>>) offsets(%dma_start3A_301 : memref<128xi32, #tpu.memory_space<vmem>>) semaphore(%arg8 : memref<!tpu.dma_semaphore, #tpu.memory_space<semaphore_mem>>)
    %dma_start3A_305 = arith.constant 199 : i32
    %dma_start3A_306 = arith.constant 1 : i32
    %dma_start3A_307 = arith.constant 1 : i32
    %dma_start3A_308 = arith.constant 0 : i32
    %dma_start3A_309 = arith.constant 0 : i32
    %dma_start3A_310 = tpu.memref_slice %arg6[%dma_start3A_306, %dma_start3A_307, %dma_start3A_308, %dma_start3A_309] : memref<2x2x128x128xf32, #tpu.memory_space<vmem>> -> memref<1x1x128x128xf32, #tpu.memory_space<vmem>>
    %dma_start3A_311 = tpu.memref_squeeze %dma_start3A_310 : memref<1x1x128x128xf32, #tpu.memory_space<vmem>> -> memref<128x128xf32, #tpu.memory_space<vmem>>
    %dma_start3A_312 = arith.constant 0 : i32
    %dma_start3A_313 = tpu.memref_slice %arg5[%dma_start3A_305, %dma_start3A_312] : memref<200x128xi32, #tpu.memory_space<vmem>> -> memref<1x128xi32, #tpu.memory_space<vmem>>
    %dma_start3A_314 = tpu.memref_squeeze %dma_start3A_313 : memref<1x128xi32, #tpu.memory_space<vmem>> -> memref<128xi32, #tpu.memory_space<vmem>>
    %dma_start3A_315 = arith.constant 0 : i32
    %dma_start3A_316 = arith.constant 0 : i32
    %dma_start3A_317 = tpu.memref_slice %arg3[%dma_start3A_315, %dma_start3A_316] : memref<1000000x128xf32, #tpu.memory_space<hbm>> -> memref<1000000x128xf32, #tpu.memory_space<hbm>>
    tpu.enqueue_indirect_dma source(%dma_start3A_317 : memref<1000000x128xf32, #tpu.memory_space<hbm>>) target(%dma_start3A_311 : memref<128x128xf32, #tpu.memory_space<vmem>>) offsets(%dma_start3A_314 : memref<128xi32, #tpu.memory_space<vmem>>) semaphore(%arg8 : memref<!tpu.dma_semaphore, #tpu.memory_space<semaphore_mem>>)
    %dma_wait3A_318 = arith.constant 196 : i32
    %dma_wait3A_319 = arith.constant 0 : i32
    %dma_wait3A_320 = arith.constant 0 : i32
    %dma_wait3A_321 = arith.constant 0 : i32
    %dma_wait3A_322 = arith.constant 0 : i32
    %dma_wait3A_323 = tpu.memref_slice %arg6[%dma_wait3A_319, %dma_wait3A_320, %dma_wait3A_321, %dma_wait3A_322] : memref<2x2x128x128xf32, #tpu.memory_space<vmem>> -> memref<1x1x128x128xf32, #tpu.memory_space<vmem>>
    %dma_wait3A_324 = tpu.memref_squeeze %dma_wait3A_323 : memref<1x1x128x128xf32, #tpu.memory_space<vmem>> -> memref<128x128xf32, #tpu.memory_space<vmem>>
    %dma_wait3A_325 = arith.constant 0 : i32
    %dma_wait3A_326 = tpu.memref_slice %arg5[%dma_wait3A_318, %dma_wait3A_325] : memref<200x128xi32, #tpu.memory_space<vmem>> -> memref<1x128xi32, #tpu.memory_space<vmem>>
    %dma_wait3A_327 = tpu.memref_squeeze %dma_wait3A_326 : memref<1x128xi32, #tpu.memory_space<vmem>> -> memref<128xi32, #tpu.memory_space<vmem>>
    %dma_wait3A_328 = arith.constant 0 : i32
    %dma_wait3A_329 = arith.constant 0 : i32
    %dma_wait3A_330 = tpu.memref_slice %arg3[%dma_wait3A_328, %dma_wait3A_329] : memref<1000000x128xf32, #tpu.memory_space<hbm>> -> memref<1000000x128xf32, #tpu.memory_space<hbm>>
    tpu.wait_indirect_dma semaphore(%arg7 : memref<!tpu.dma_semaphore, #tpu.memory_space<semaphore_mem>>) src(%dma_wait3A_330 : memref<1000000x128xf32, #tpu.memory_space<hbm>>) dst(%dma_wait3A_324 : memref<128x128xf32, #tpu.memory_space<vmem>>)
    %dma_wait3A_331 = arith.constant 197 : i32
    %dma_wait3A_332 = arith.constant 0 : i32
    %dma_wait3A_333 = arith.constant 1 : i32
    %dma_wait3A_334 = arith.constant 0 : i32
    %dma_wait3A_335 = arith.constant 0 : i32
    %dma_wait3A_336 = tpu.memref_slice %arg6[%dma_wait3A_332, %dma_wait3A_333, %dma_wait3A_334, %dma_wait3A_335] : memref<2x2x128x128xf32, #tpu.memory_space<vmem>> -> memref<1x1x128x128xf32, #tpu.memory_space<vmem>>
    %dma_wait3A_337 = tpu.memref_squeeze %dma_wait3A_336 : memref<1x1x128x128xf32, #tpu.memory_space<vmem>> -> memref<128x128xf32, #tpu.memory_space<vmem>>
    %dma_wait3A_338 = arith.constant 0 : i32
    %dma_wait3A_339 = tpu.memref_slice %arg5[%dma_wait3A_331, %dma_wait3A_338] : memref<200x128xi32, #tpu.memory_space<vmem>> -> memref<1x128xi32, #tpu.memory_space<vmem>>
    %dma_wait3A_340 = tpu.memref_squeeze %dma_wait3A_339 : memref<1x128xi32, #tpu.memory_space<vmem>> -> memref<128xi32, #tpu.memory_space<vmem>>
    %dma_wait3A_341 = arith.constant 0 : i32
    %dma_wait3A_342 = arith.constant 0 : i32
    %dma_wait3A_343 = tpu.memref_slice %arg3[%dma_wait3A_341, %dma_wait3A_342] : memref<1000000x128xf32, #tpu.memory_space<hbm>> -> memref<1000000x128xf32, #tpu.memory_space<hbm>>
    tpu.wait_indirect_dma semaphore(%arg7 : memref<!tpu.dma_semaphore, #tpu.memory_space<semaphore_mem>>) src(%dma_wait3A_343 : memref<1000000x128xf32, #tpu.memory_space<hbm>>) dst(%dma_wait3A_337 : memref<128x128xf32, #tpu.memory_space<vmem>>)
    %scan3A_344 = arith.constant 0 : i32
    %scan3A_345 = arith.constant 0 : i32
    %scan3A_346 = arith.constant 128 : i32
    %scan3A_347 = arith.addi %scan3A_345, %scan3A_346 : i32
    %scan3A_348 = arith.constant 4 : i32
    scf.for %scan3A_526 = %scan3A_345 to %scan3A_347 step %scan3A_348  : i32 {
      %get3A = arith.constant 0 : i32
      %get3A_527 = arith.constant 0 : i32
      %get3A_528 = arith.index_cast %get3A : i32 to index
      %get3A_529 = arith.index_cast %get3A_527 : i32 to index
      %get3A_530 = arith.index_cast %scan3A_526 : i32 to index
      %get3A_531 = arith.constant 0 : index
      %get3A_532 = tpu.vector_load %arg6[%get3A_528, %get3A_529, %get3A_530, %get3A_531] {strides = array<i32>} : memref<2x2x128x128xf32, #tpu.memory_space<vmem>>, vector<1x1x1x16xf32>,
      %get3A_533 = vector.shape_cast %get3A_532 : vector<1x1x1x16xf32> to vector<16xf32>
      %mul3A_534 = arith.constant 8.000000e+00 : f32
      %mul3A_535 = vector.broadcast %mul3A_534 : f32 to vector<16xf32>
      %mul3A_536 = arith.mulf %get3A_533, %mul3A_535 : vector<16xf32>
      %swap3A = arith.constant 0 : i32
      %swap3A_537 = arith.constant 0 : i32
      %swap3A_538 = arith.index_cast %swap3A : i32 to index
      %swap3A_539 = arith.index_cast %swap3A_537 : i32 to index
      %swap3A_540 = arith.index_cast %scan3A_526 : i32 to index
      %swap3A_541 = arith.constant 0 : index
      %swap3A_542 = tpu.vector_load %arg6[%swap3A_538, %swap3A_539, %swap3A_540, %swap3A_541] {strides = array<i32>} : memref<2x2x128x128xf32, #tpu.memory_space<vmem>>, vector<1x1x1x16xf32>,
      %swap3A_543 = vector.shape_cast %swap3A_542 : vector<1x1x1x16xf32> to vector<16xf32>
      %swap3A_544 = vector.shape_cast %mul3A_536 : vector<16xf32> to vector<1x1x1x16xf32>
      tpu.vector_store %arg6[%swap3A_538, %swap3A_539, %swap3A_540, %swap3A_541], %swap3A_544 {strides = array<i32>} : memref<2x2x128x128xf32, #tpu.memory_space<vmem>>, vector<1x1x1x16xf32>,
      %get3A_545 = arith.constant 0 : i32
      %get3A_546 = arith.constant 0 : i32
      %get3A_547 = arith.index_cast %get3A_545 : i32 to index
      %get3A_548 = arith.index_cast %get3A_546 : i32 to index
      %get3A_549 = arith.index_cast %scan3A_526 : i32 to index
      %get3A_550 = arith.constant 16 : index
      %get3A_551 = tpu.vector_load %arg6[%get3A_547, %get3A_548, %get3A_549, %get3A_550] {strides = array<i32>} : memref<2x2x128x128xf32, #tpu.memory_space<vmem>>, vector<1x1x1x16xf32>,
      %get3A_552 = vector.shape_cast %get3A_551 : vector<1x1x1x16xf32> to vector<16xf32>
      %mul3A_553 = arith.constant 8.000000e+00 : f32
      %mul3A_554 = vector.broadcast %mul3A_553 : f32 to vector<16xf32>
      %mul3A_555 = arith.mulf %get3A_552, %mul3A_554 : vector<16xf32>
      %swap3A_556 = arith.constant 0 : i32
      %swap3A_557 = arith.constant 0 : i32
      %swap3A_558 = arith.index_cast %swap3A_556 : i32 to index
      %swap3A_559 = arith.index_cast %swap3A_557 : i32 to index
      %swap3A_560 = arith.index_cast %scan3A_526 : i32 to index
      %swap3A_561 = arith.constant 16 : index
      %swap3A_562 = tpu.vector_load %arg6[%swap3A_558, %swap3A_559, %swap3A_560, %swap3A_561] {strides = array<i32>} : memref<2x2x128x128xf32, #tpu.memory_space<vmem>>, vector<1x1x1x16xf32>,
      %swap3A_563 = vector.shape_cast %swap3A_562 : vector<1x1x1x16xf32> to vector<16xf32>
      %swap3A_564 = vector.shape_cast %mul3A_555 : vector<16xf32> to vector<1x1x1x16xf32>
      tpu.vector_store %arg6[%swap3A_558, %swap3A_559, %swap3A_560, %swap3A_561], %swap3A_564 {strides = array<i32>} : memref<2x2x128x128xf32, #tpu.memory_space<vmem>>, vector<1x1x1x16xf32>,
      %get3A_565 = arith.constant 0 : i32
      %get3A_566 = arith.constant 0 : i32
      %get3A_567 = arith.index_cast %get3A_565 : i32 to index
      %get3A_568 = arith.index_cast %get3A_566 : i32 to index
      %get3A_569 = arith.index_cast %scan3A_526 : i32 to index
      %get3A_570 = arith.constant 32 : index
      %get3A_571 = tpu.vector_load %arg6[%get3A_567, %get3A_568, %get3A_569, %get3A_570] {strides = array<i32>} : memref<2x2x128x128xf32, #tpu.memory_space<vmem>>, vector<1x1x1x16xf32>,
      %get3A_572 = vector.shape_cast %get3A_571 : vector<1x1x1x16xf32> to vector<16xf32>
      %mul3A_573 = arith.constant 8.000000e+00 : f32
      %mul3A_574 = vector.broadcast %mul3A_573 : f32 to vector<16xf32>
      %mul3A_575 = arith.mulf %get3A_572, %mul3A_574 : vector<16xf32>
      %swap3A_576 = arith.constant 0 : i32
      %swap3A_577 = arith.constant 0 : i32
      %swap3A_578 = arith.index_cast %swap3A_576 : i32 to index
      %swap3A_579 = arith.index_cast %swap3A_577 : i32 to index
      %swap3A_580 = arith.index_cast %scan3A_526 : i32 to index
      %swap3A_581 = arith.constant 32 : index
      %swap3A_582 = tpu.vector_load %arg6[%swap3A_578, %swap3A_579, %swap3A_580, %swap3A_581] {strides = array<i32>} : memref<2x2x128x128xf32, #tpu.memory_space<vmem>>, vector<1x1x1x16xf32>,
      %swap3A_583 = vector.shape_cast %swap3A_582 : vector<1x1x1x16xf32> to vector<16xf32>
      %swap3A_584 = vector.shape_cast %mul3A_575 : vector<16xf32> to vector<1x1x1x16xf32>
      tpu.vector_store %arg6[%swap3A_578, %swap3A_579, %swap3A_580, %swap3A_581], %swap3A_584 {strides = array<i32>} : memref<2x2x128x128xf32, #tpu.memory_space<vmem>>, vector<1x1x1x16xf32>,
      %get3A_585 = arith.constant 0 : i32
      %get3A_586 = arith.constant 0 : i32
      %get3A_587 = arith.index_cast %get3A_585 : i32 to index
      %get3A_588 = arith.index_cast %get3A_586 : i32 to index
      %get3A_589 = arith.index_cast %scan3A_526 : i32 to index
      %get3A_590 = arith.constant 48 : index
      %get3A_591 = tpu.vector_load %arg6[%get3A_587, %get3A_588, %get3A_589, %get3A_590] {strides = array<i32>} : memref<2x2x128x128xf32, #tpu.memory_space<vmem>>, vector<1x1x1x16xf32>,
      %get3A_592 = vector.shape_cast %get3A_591 : vector<1x1x1x16xf32> to vector<16xf32>
      %mul3A_593 = arith.constant 8.000000e+00 : f32
      %mul3A_594 = vector.broadcast %mul3A_593 : f32 to vector<16xf32>
      %mul3A_595 = arith.mulf %get3A_592, %mul3A_594 : vector<16xf32>
      %swap3A_596 = arith.constant 0 : i32
      %swap3A_597 = arith.constant 0 : i32
      %swap3A_598 = arith.index_cast %swap3A_596 : i32 to index
      %swap3A_599 = arith.index_cast %swap3A_597 : i32 to index
      %swap3A_600 = arith.index_cast %scan3A_526 : i32 to index
      %swap3A_601 = arith.constant 48 : index
      %swap3A_602 = tpu.vector_load %arg6[%swap3A_598, %swap3A_599, %swap3A_600, %swap3A_601] {strides = array<i32>} : memref<2x2x128x128xf32, #tpu.memory_space<vmem>>, vector<1x1x1x16xf32>,
      %swap3A_603 = vector.shape_cast %swap3A_602 : vector<1x1x1x16xf32> to vector<16xf32>
      %swap3A_604 = vector.shape_cast %mul3A_595 : vector<16xf32> to vector<1x1x1x16xf32>
      tpu.vector_store %arg6[%swap3A_598, %swap3A_599, %swap3A_600, %swap3A_601], %swap3A_604 {strides = array<i32>} : memref<2x2x128x128xf32, #tpu.memory_space<vmem>>, vector<1x1x1x16xf32>,
      %get3A_605 = arith.constant 0 : i32
      %get3A_606 = arith.constant 1 : i32
      %get3A_607 = arith.index_cast %get3A_605 : i32 to index
      %get3A_608 = arith.index_cast %get3A_606 : i32 to index
      %get3A_609 = arith.index_cast %scan3A_526 : i32 to index
      %get3A_610 = arith.constant 0 : index
      %get3A_611 = tpu.vector_load %arg6[%get3A_607, %get3A_608, %get3A_609, %get3A_610] {strides = array<i32>} : memref<2x2x128x128xf32, #tpu.memory_space<vmem>>, vector<1x1x1x16xf32>,
      %get3A_612 = vector.shape_cast %get3A_611 : vector<1x1x1x16xf32> to vector<16xf32>
      %mul3A_613 = arith.constant 8.000000e+00 : f32
      %mul3A_614 = vector.broadcast %mul3A_613 : f32 to vector<16xf32>
      %mul3A_615 = arith.mulf %get3A_612, %mul3A_614 : vector<16xf32>
      %swap3A_616 = arith.constant 0 : i32
      %swap3A_617 = arith.constant 1 : i32
      %swap3A_618 = arith.index_cast %swap3A_616 : i32 to index
      %swap3A_619 = arith.index_cast %swap3A_617 : i32 to index
      %swap3A_620 = arith.index_cast %scan3A_526 : i32 to index
      %swap3A_621 = arith.constant 0 : index
      %swap3A_622 = tpu.vector_load %arg6[%swap3A_618, %swap3A_619, %swap3A_620, %swap3A_621] {strides = array<i32>} : memref<2x2x128x128xf32, #tpu.memory_space<vmem>>, vector<1x1x1x16xf32>,
      %swap3A_623 = vector.shape_cast %swap3A_622 : vector<1x1x1x16xf32> to vector<16xf32>
      %swap3A_624 = vector.shape_cast %mul3A_615 : vector<16xf32> to vector<1x1x1x16xf32>
      tpu.vector_store %arg6[%swap3A_618, %swap3A_619, %swap3A_620, %swap3A_621], %swap3A_624 {strides = array<i32>} : memref<2x2x128x128xf32, #tpu.memory_space<vmem>>, vector<1x1x1x16xf32>,
      %get3A_625 = arith.constant 0 : i32
      %get3A_626 = arith.constant 1 : i32
      %get3A_627 = arith.index_cast %get3A_625 : i32 to index
      %get3A_628 = arith.index_cast %get3A_626 : i32 to index
      %get3A_629 = arith.index_cast %scan3A_526 : i32 to index
      %get3A_630 = arith.constant 16 : index
      %get3A_631 = tpu.vector_load %arg6[%get3A_627, %get3A_628, %get3A_629, %get3A_630] {strides = array<i32>} : memref<2x2x128x128xf32, #tpu.memory_space<vmem>>, vector<1x1x1x16xf32>,
      %get3A_632 = vector.shape_cast %get3A_631 : vector<1x1x1x16xf32> to vector<16xf32>
      %mul3A_633 = arith.constant 8.000000e+00 : f32
      %mul3A_634 = vector.broadcast %mul3A_633 : f32 to vector<16xf32>
      %mul3A_635 = arith.mulf %get3A_632, %mul3A_634 : vector<16xf32>
      %swap3A_636 = arith.constant 0 : i32
      %swap3A_637 = arith.constant 1 : i32
      %swap3A_638 = arith.index_cast %swap3A_636 : i32 to index
      %swap3A_639 = arith.index_cast %swap3A_637 : i32 to index
      %swap3A_640 = arith.index_cast %scan3A_526 : i32 to index
      %swap3A_641 = arith.constant 16 : index
      %swap3A_642 = tpu.vector_load %arg6[%swap3A_638, %swap3A_639, %swap3A_640, %swap3A_641] {strides = array<i32>} : memref<2x2x128x128xf32, #tpu.memory_space<vmem>>, vector<1x1x1x16xf32>,
      %swap3A_643 = vector.shape_cast %swap3A_642 : vector<1x1x1x16xf32> to vector<16xf32>
      %swap3A_644 = vector.shape_cast %mul3A_635 : vector<16xf32> to vector<1x1x1x16xf32>
      tpu.vector_store %arg6[%swap3A_638, %swap3A_639, %swap3A_640, %swap3A_641], %swap3A_644 {strides = array<i32>} : memref<2x2x128x128xf32, #tpu.memory_space<vmem>>, vector<1x1x1x16xf32>,
      %get3A_645 = arith.constant 0 : i32
      %get3A_646 = arith.constant 1 : i32
      %get3A_647 = arith.index_cast %get3A_645 : i32 to index
      %get3A_648 = arith.index_cast %get3A_646 : i32 to index
      %get3A_649 = arith.index_cast %scan3A_526 : i32 to index
      %get3A_650 = arith.constant 32 : index
      %get3A_651 = tpu.vector_load %arg6[%get3A_647, %get3A_648, %get3A_649, %get3A_650] {strides = array<i32>} : memref<2x2x128x128xf32, #tpu.memory_space<vmem>>, vector<1x1x1x16xf32>,
      %get3A_652 = vector.shape_cast %get3A_651 : vector<1x1x1x16xf32> to vector<16xf32>
      %mul3A_653 = arith.constant 8.000000e+00 : f32
      %mul3A_654 = vector.broadcast %mul3A_653 : f32 to vector<16xf32>
      %mul3A_655 = arith.mulf %get3A_652, %mul3A_654 : vector<16xf32>
      %swap3A_656 = arith.constant 0 : i32
      %swap3A_657 = arith.constant 1 : i32
      %swap3A_658 = arith.index_cast %swap3A_656 : i32 to index
      %swap3A_659 = arith.index_cast %swap3A_657 : i32 to index
      %swap3A_660 = arith.index_cast %scan3A_526 : i32 to index
      %swap3A_661 = arith.constant 32 : index
      %swap3A_662 = tpu.vector_load %arg6[%swap3A_658, %swap3A_659, %swap3A_660, %swap3A_661] {strides = array<i32>} : memref<2x2x128x128xf32, #tpu.memory_space<vmem>>, vector<1x1x1x16xf32>,
      %swap3A_663 = vector.shape_cast %swap3A_662 : vector<1x1x1x16xf32> to vector<16xf32>
      %swap3A_664 = vector.shape_cast %mul3A_655 : vector<16xf32> to vector<1x1x1x16xf32>
      tpu.vector_store %arg6[%swap3A_658, %swap3A_659, %swap3A_660, %swap3A_661], %swap3A_664 {strides = array<i32>} : memref<2x2x128x128xf32, #tpu.memory_space<vmem>>, vector<1x1x1x16xf32>,
      %get3A_665 = arith.constant 0 : i32
      %get3A_666 = arith.constant 1 : i32
      %get3A_667 = arith.index_cast %get3A_665 : i32 to index
      %get3A_668 = arith.index_cast %get3A_666 : i32 to index
      %get3A_669 = arith.index_cast %scan3A_526 : i32 to index
      %get3A_670 = arith.constant 48 : index
      %get3A_671 = tpu.vector_load %arg6[%get3A_667, %get3A_668, %get3A_669, %get3A_670] {strides = array<i32>} : memref<2x2x128x128xf32, #tpu.memory_space<vmem>>, vector<1x1x1x16xf32>,
      %get3A_672 = vector.shape_cast %get3A_671 : vector<1x1x1x16xf32> to vector<16xf32>
      %mul3A_673 = arith.constant 8.000000e+00 : f32
      %mul3A_674 = vector.broadcast %mul3A_673 : f32 to vector<16xf32>
      %mul3A_675 = arith.mulf %get3A_672, %mul3A_674 : vector<16xf32>
      %swap3A_676 = arith.constant 0 : i32
      %swap3A_677 = arith.constant 1 : i32
      %swap3A_678 = arith.index_cast %swap3A_676 : i32 to index
      %swap3A_679 = arith.index_cast %swap3A_677 : i32 to index
      %swap3A_680 = arith.index_cast %scan3A_526 : i32 to index
      %swap3A_681 = arith.constant 48 : index
      %swap3A_682 = tpu.vector_load %arg6[%swap3A_678, %swap3A_679, %swap3A_680, %swap3A_681] {strides = array<i32>} : memref<2x2x128x128xf32, #tpu.memory_space<vmem>>, vector<1x1x1x16xf32>,
      %swap3A_683 = vector.shape_cast %swap3A_682 : vector<1x1x1x16xf32> to vector<16xf32>
      %swap3A_684 = vector.shape_cast %mul3A_675 : vector<16xf32> to vector<1x1x1x16xf32>
      tpu.vector_store %arg6[%swap3A_678, %swap3A_679, %swap3A_680, %swap3A_681], %swap3A_684 {strides = array<i32>} : memref<2x2x128x128xf32, #tpu.memory_space<vmem>>, vector<1x1x1x16xf32>,
      %scan3A_685 = arith.constant 1 : i32
      %scan3A_686 = arith.addi %scan3A_526, %scan3A_685 : i32
      %get3A_687 = arith.constant 0 : i32
      %get3A_688 = arith.constant 0 : i32
      %get3A_689 = arith.index_cast %get3A_687 : i32 to index
      %get3A_690 = arith.index_cast %get3A_688 : i32 to index
      %get3A_691 = arith.index_cast %scan3A_686 : i32 to index
      %get3A_692 = arith.constant 0 : index
      %get3A_693 = tpu.vector_load %arg6[%get3A_689, %get3A_690, %get3A_691, %get3A_692] {strides = array<i32>} : memref<2x2x128x128xf32, #tpu.memory_space<vmem>>, vector<1x1x1x16xf32>,
      %get3A_694 = vector.shape_cast %get3A_693 : vector<1x1x1x16xf32> to vector<16xf32>
      %mul3A_695 = arith.constant 8.000000e+00 : f32
      %mul3A_696 = vector.broadcast %mul3A_695 : f32 to vector<16xf32>
      %mul3A_697 = arith.mulf %get3A_694, %mul3A_696 : vector<16xf32>
      %swap3A_698 = arith.constant 0 : i32
      %swap3A_699 = arith.constant 0 : i32
      %swap3A_700 = arith.index_cast %swap3A_698 : i32 to index
      %swap3A_701 = arith.index_cast %swap3A_699 : i32 to index
      %swap3A_702 = arith.index_cast %scan3A_686 : i32 to index
      %swap3A_703 = arith.constant 0 : index
      %swap3A_704 = tpu.vector_load %arg6[%swap3A_700, %swap3A_701, %swap3A_702, %swap3A_703] {strides = array<i32>} : memref<2x2x128x128xf32, #tpu.memory_space<vmem>>, vector<1x1x1x16xf32>,
      %swap3A_705 = vector.shape_cast %swap3A_704 : vector<1x1x1x16xf32> to vector<16xf32>
      %swap3A_706 = vector.shape_cast %mul3A_697 : vector<16xf32> to vector<1x1x1x16xf32>
      tpu.vector_store %arg6[%swap3A_700, %swap3A_701, %swap3A_702, %swap3A_703], %swap3A_706 {strides = array<i32>} : memref<2x2x128x128xf32, #tpu.memory_space<vmem>>, vector<1x1x1x16xf32>,
      %get3A_707 = arith.constant 0 : i32
      %get3A_708 = arith.constant 0 : i32
      %get3A_709 = arith.index_cast %get3A_707 : i32 to index
      %get3A_710 = arith.index_cast %get3A_708 : i32 to index
      %get3A_711 = arith.index_cast %scan3A_686 : i32 to index
      %get3A_712 = arith.constant 16 : index
      %get3A_713 = tpu.vector_load %arg6[%get3A_709, %get3A_710, %get3A_711, %get3A_712] {strides = array<i32>} : memref<2x2x128x128xf32, #tpu.memory_space<vmem>>, vector<1x1x1x16xf32>,
      %get3A_714 = vector.shape_cast %get3A_713 : vector<1x1x1x16xf32> to vector<16xf32>
      %mul3A_715 = arith.constant 8.000000e+00 : f32
      %mul3A_716 = vector.broadcast %mul3A_715 : f32 to vector<16xf32>
      %mul3A_717 = arith.mulf %get3A_714, %mul3A_716 : vector<16xf32>
      %swap3A_718 = arith.constant 0 : i32
      %swap3A_719 = arith.constant 0 : i32
      %swap3A_720 = arith.index_cast %swap3A_718 : i32 to index
      %swap3A_721 = arith.index_cast %swap3A_719 : i32 to index
      %swap3A_722 = arith.index_cast %scan3A_686 : i32 to index
      %swap3A_723 = arith.constant 16 : index
      %swap3A_724 = tpu.vector_load %arg6[%swap3A_720, %swap3A_721, %swap3A_722, %swap3A_723] {strides = array<i32>} : memref<2x2x128x128xf32, #tpu.memory_space<vmem>>, vector<1x1x1x16xf32>,
      %swap3A_725 = vector.shape_cast %swap3A_724 : vector<1x1x1x16xf32> to vector<16xf32>
      %swap3A_726 = vector.shape_cast %mul3A_717 : vector<16xf32> to vector<1x1x1x16xf32>
      tpu.vector_store %arg6[%swap3A_720, %swap3A_721, %swap3A_722, %swap3A_723], %swap3A_726 {strides = array<i32>} : memref<2x2x128x128xf32, #tpu.memory_space<vmem>>, vector<1x1x1x16xf32>,
      %get3A_727 = arith.constant 0 : i32
      %get3A_728 = arith.constant 0 : i32
      %get3A_729 = arith.index_cast %get3A_727 : i32 to index
      %get3A_730 = arith.index_cast %get3A_728 : i32 to index
      %get3A_731 = arith.index_cast %scan3A_686 : i32 to index
      %get3A_732 = arith.constant 32 : index
      %get3A_733 = tpu.vector_load %arg6[%get3A_729, %get3A_730, %get3A_731, %get3A_732] {strides = array<i32>} : memref<2x2x128x128xf32, #tpu.memory_space<vmem>>, vector<1x1x1x16xf32>,
      %get3A_734 = vector.shape_cast %get3A_733 : vector<1x1x1x16xf32> to vector<16xf32>
      %mul3A_735 = arith.constant 8.000000e+00 : f32
      %mul3A_736 = vector.broadcast %mul3A_735 : f32 to vector<16xf32>
      %mul3A_737 = arith.mulf %get3A_734, %mul3A_736 : vector<16xf32>
      %swap3A_738 = arith.constant 0 : i32
      %swap3A_739 = arith.constant 0 : i32
      %swap3A_740 = arith.index_cast %swap3A_738 : i32 to index
      %swap3A_741 = arith.index_cast %swap3A_739 : i32 to index
      %swap3A_742 = arith.index_cast %scan3A_686 : i32 to index
      %swap3A_743 = arith.constant 32 : index
      %swap3A_744 = tpu.vector_load %arg6[%swap3A_740, %swap3A_741, %swap3A_742, %swap3A_743] {strides = array<i32>} : memref<2x2x128x128xf32, #tpu.memory_space<vmem>>, vector<1x1x1x16xf32>,
      %swap3A_745 = vector.shape_cast %swap3A_744 : vector<1x1x1x16xf32> to vector<16xf32>
      %swap3A_746 = vector.shape_cast %mul3A_737 : vector<16xf32> to vector<1x1x1x16xf32>
      tpu.vector_store %arg6[%swap3A_740, %swap3A_741, %swap3A_742, %swap3A_743], %swap3A_746 {strides = array<i32>} : memref<2x2x128x128xf32, #tpu.memory_space<vmem>>, vector<1x1x1x16xf32>,
      %get3A_747 = arith.constant 0 : i32
      %get3A_748 = arith.constant 0 : i32
      %get3A_749 = arith.index_cast %get3A_747 : i32 to index
      %get3A_750 = arith.index_cast %get3A_748 : i32 to index
      %get3A_751 = arith.index_cast %scan3A_686 : i32 to index
      %get3A_752 = arith.constant 48 : index
      %get3A_753 = tpu.vector_load %arg6[%get3A_749, %get3A_750, %get3A_751, %get3A_752] {strides = array<i32>} : memref<2x2x128x128xf32, #tpu.memory_space<vmem>>, vector<1x1x1x16xf32>,
      %get3A_754 = vector.shape_cast %get3A_753 : vector<1x1x1x16xf32> to vector<16xf32>
      %mul3A_755 = arith.constant 8.000000e+00 : f32
      %mul3A_756 = vector.broadcast %mul3A_755 : f32 to vector<16xf32>
      %mul3A_757 = arith.mulf %get3A_754, %mul3A_756 : vector<16xf32>
      %swap3A_758 = arith.constant 0 : i32
      %swap3A_759 = arith.constant 0 : i32
      %swap3A_760 = arith.index_cast %swap3A_758 : i32 to index
      %swap3A_761 = arith.index_cast %swap3A_759 : i32 to index
      %swap3A_762 = arith.index_cast %scan3A_686 : i32 to index
      %swap3A_763 = arith.constant 48 : index
      %swap3A_764 = tpu.vector_load %arg6[%swap3A_760, %swap3A_761, %swap3A_762, %swap3A_763] {strides = array<i32>} : memref<2x2x128x128xf32, #tpu.memory_space<vmem>>, vector<1x1x1x16xf32>,
      %swap3A_765 = vector.shape_cast %swap3A_764 : vector<1x1x1x16xf32> to vector<16xf32>
      %swap3A_766 = vector.shape_cast %mul3A_757 : vector<16xf32> to vector<1x1x1x16xf32>
      tpu.vector_store %arg6[%swap3A_760, %swap3A_761, %swap3A_762, %swap3A_763], %swap3A_766 {strides = array<i32>} : memref<2x2x128x128xf32, #tpu.memory_space<vmem>>, vector<1x1x1x16xf32>,
      %get3A_767 = arith.constant 0 : i32
      %get3A_768 = arith.constant 1 : i32
      %get3A_769 = arith.index_cast %get3A_767 : i32 to index
      %get3A_770 = arith.index_cast %get3A_768 : i32 to index
      %get3A_771 = arith.index_cast %scan3A_686 : i32 to index
      %get3A_772 = arith.constant 0 : index
      %get3A_773 = tpu.vector_load %arg6[%get3A_769, %get3A_770, %get3A_771, %get3A_772] {strides = array<i32>} : memref<2x2x128x128xf32, #tpu.memory_space<vmem>>, vector<1x1x1x16xf32>,
      %get3A_774 = vector.shape_cast %get3A_773 : vector<1x1x1x16xf32> to vector<16xf32>
      %mul3A_775 = arith.constant 8.000000e+00 : f32
      %mul3A_776 = vector.broadcast %mul3A_775 : f32 to vector<16xf32>
      %mul3A_777 = arith.mulf %get3A_774, %mul3A_776 : vector<16xf32>
      %swap3A_778 = arith.constant 0 : i32
      %swap3A_779 = arith.constant 1 : i32
      %swap3A_780 = arith.index_cast %swap3A_778 : i32 to index
      %swap3A_781 = arith.index_cast %swap3A_779 : i32 to index
      %swap3A_782 = arith.index_cast %scan3A_686 : i32 to index
      %swap3A_783 = arith.constant 0 : index
      %swap3A_784 = tpu.vector_load %arg6[%swap3A_780, %swap3A_781, %swap3A_782, %swap3A_783] {strides = array<i32>} : memref<2x2x128x128xf32, #tpu.memory_space<vmem>>, vector<1x1x1x16xf32>,
      %swap3A_785 = vector.shape_cast %swap3A_784 : vector<1x1x1x16xf32> to vector<16xf32>
      %swap3A_786 = vector.shape_cast %mul3A_777 : vector<16xf32> to vector<1x1x1x16xf32>
      tpu.vector_store %arg6[%swap3A_780, %swap3A_781, %swap3A_782, %swap3A_783], %swap3A_786 {strides = array<i32>} : memref<2x2x128x128xf32, #tpu.memory_space<vmem>>, vector<1x1x1x16xf32>,
      %get3A_787 = arith.constant 0 : i32
      %get3A_788 = arith.constant 1 : i32
      %get3A_789 = arith.index_cast %get3A_787 : i32 to index
      %get3A_790 = arith.index_cast %get3A_788 : i32 to index
      %get3A_791 = arith.index_cast %scan3A_686 : i32 to index
      %get3A_792 = arith.constant 16 : index
      %get3A_793 = tpu.vector_load %arg6[%get3A_789, %get3A_790, %get3A_791, %get3A_792] {strides = array<i32>} : memref<2x2x128x128xf32, #tpu.memory_space<vmem>>, vector<1x1x1x16xf32>,
      %get3A_794 = vector.shape_cast %get3A_793 : vector<1x1x1x16xf32> to vector<16xf32>
      %mul3A_795 = arith.constant 8.000000e+00 : f32
      %mul3A_796 = vector.broadcast %mul3A_795 : f32 to vector<16xf32>
      %mul3A_797 = arith.mulf %get3A_794, %mul3A_796 : vector<16xf32>
      %swap3A_798 = arith.constant 0 : i32
      %swap3A_799 = arith.constant 1 : i32
      %swap3A_800 = arith.index_cast %swap3A_798 : i32 to index
      %swap3A_801 = arith.index_cast %swap3A_799 : i32 to index
      %swap3A_802 = arith.index_cast %scan3A_686 : i32 to index
      %swap3A_803 = arith.constant 16 : index
      %swap3A_804 = tpu.vector_load %arg6[%swap3A_800, %swap3A_801, %swap3A_802, %swap3A_803] {strides = array<i32>} : memref<2x2x128x128xf32, #tpu.memory_space<vmem>>, vector<1x1x1x16xf32>,
      %swap3A_805 = vector.shape_cast %swap3A_804 : vector<1x1x1x16xf32> to vector<16xf32>
      %swap3A_806 = vector.shape_cast %mul3A_797 : vector<16xf32> to vector<1x1x1x16xf32>
      tpu.vector_store %arg6[%swap3A_800, %swap3A_801, %swap3A_802, %swap3A_803], %swap3A_806 {strides = array<i32>} : memref<2x2x128x128xf32, #tpu.memory_space<vmem>>, vector<1x1x1x16xf32>,
      %get3A_807 = arith.constant 0 : i32
      %get3A_808 = arith.constant 1 : i32
      %get3A_809 = arith.index_cast %get3A_807 : i32 to index
      %get3A_810 = arith.index_cast %get3A_808 : i32 to index
      %get3A_811 = arith.index_cast %scan3A_686 : i32 to index
      %get3A_812 = arith.constant 32 : index
      %get3A_813 = tpu.vector_load %arg6[%get3A_809, %get3A_810, %get3A_811, %get3A_812] {strides = array<i32>} : memref<2x2x128x128xf32, #tpu.memory_space<vmem>>, vector<1x1x1x16xf32>,
      %get3A_814 = vector.shape_cast %get3A_813 : vector<1x1x1x16xf32> to vector<16xf32>
      %mul3A_815 = arith.constant 8.000000e+00 : f32
      %mul3A_816 = vector.broadcast %mul3A_815 : f32 to vector<16xf32>
      %mul3A_817 = arith.mulf %get3A_814, %mul3A_816 : vector<16xf32>
      %swap3A_818 = arith.constant 0 : i32
      %swap3A_819 = arith.constant 1 : i32
      %swap3A_820 = arith.index_cast %swap3A_818 : i32 to index
      %swap3A_821 = arith.index_cast %swap3A_819 : i32 to index
      %swap3A_822 = arith.index_cast %scan3A_686 : i32 to index
      %swap3A_823 = arith.constant 32 : index
      %swap3A_824 = tpu.vector_load %arg6[%swap3A_820, %swap3A_821, %swap3A_822, %swap3A_823] {strides = array<i32>} : memref<2x2x128x128xf32, #tpu.memory_space<vmem>>, vector<1x1x1x16xf32>,
      %swap3A_825 = vector.shape_cast %swap3A_824 : vector<1x1x1x16xf32> to vector<16xf32>
      %swap3A_826 = vector.shape_cast %mul3A_817 : vector<16xf32> to vector<1x1x1x16xf32>
      tpu.vector_store %arg6[%swap3A_820, %swap3A_821, %swap3A_822, %swap3A_823], %swap3A_826 {strides = array<i32>} : memref<2x2x128x128xf32, #tpu.memory_space<vmem>>, vector<1x1x1x16xf32>,
      %get3A_827 = arith.constant 0 : i32
      %get3A_828 = arith.constant 1 : i32
      %get3A_829 = arith.index_cast %get3A_827 : i32 to index
      %get3A_830 = arith.index_cast %get3A_828 : i32 to index
      %get3A_831 = arith.index_cast %scan3A_686 : i32 to index
      %get3A_832 = arith.constant 48 : index
      %get3A_833 = tpu.vector_load %arg6[%get3A_829, %get3A_830, %get3A_831, %get3A_832] {strides = array<i32>} : memref<2x2x128x128xf32, #tpu.memory_space<vmem>>, vector<1x1x1x16xf32>,
      %get3A_834 = vector.shape_cast %get3A_833 : vector<1x1x1x16xf32> to vector<16xf32>
      %mul3A_835 = arith.constant 8.000000e+00 : f32
      %mul3A_836 = vector.broadcast %mul3A_835 : f32 to vector<16xf32>
      %mul3A_837 = arith.mulf %get3A_834, %mul3A_836 : vector<16xf32>
      %swap3A_838 = arith.constant 0 : i32
      %swap3A_839 = arith.constant 1 : i32
      %swap3A_840 = arith.index_cast %swap3A_838 : i32 to index
      %swap3A_841 = arith.index_cast %swap3A_839 : i32 to index
      %swap3A_842 = arith.index_cast %scan3A_686 : i32 to index
      %swap3A_843 = arith.constant 48 : index
      %swap3A_844 = tpu.vector_load %arg6[%swap3A_840, %swap3A_841, %swap3A_842, %swap3A_843] {strides = array<i32>} : memref<2x2x128x128xf32, #tpu.memory_space<vmem>>, vector<1x1x1x16xf32>,
      %swap3A_845 = vector.shape_cast %swap3A_844 : vector<1x1x1x16xf32> to vector<16xf32>
      %swap3A_846 = vector.shape_cast %mul3A_837 : vector<16xf32> to vector<1x1x1x16xf32>
      tpu.vector_store %arg6[%swap3A_840, %swap3A_841, %swap3A_842, %swap3A_843], %swap3A_846 {strides = array<i32>} : memref<2x2x128x128xf32, #tpu.memory_space<vmem>>, vector<1x1x1x16xf32>,
      %scan3A_847 = arith.constant 2 : i32
      %scan3A_848 = arith.addi %scan3A_526, %scan3A_847 : i32
      %get3A_849 = arith.constant 0 : i32
      %get3A_850 = arith.constant 0 : i32
      %get3A_851 = arith.index_cast %get3A_849 : i32 to index
      %get3A_852 = arith.index_cast %get3A_850 : i32 to index
      %get3A_853 = arith.index_cast %scan3A_848 : i32 to index
      %get3A_854 = arith.constant 0 : index
      %get3A_855 = tpu.vector_load %arg6[%get3A_851, %get3A_852, %get3A_853, %get3A_854] {strides = array<i32>} : memref<2x2x128x128xf32, #tpu.memory_space<vmem>>, vector<1x1x1x16xf32>,
      %get3A_856 = vector.shape_cast %get3A_855 : vector<1x1x1x16xf32> to vector<16xf32>
      %mul3A_857 = arith.constant 8.000000e+00 : f32
      %mul3A_858 = vector.broadcast %mul3A_857 : f32 to vector<16xf32>
      %mul3A_859 = arith.mulf %get3A_856, %mul3A_858 : vector<16xf32>
      %swap3A_860 = arith.constant 0 : i32
      %swap3A_861 = arith.constant 0 : i32
      %swap3A_862 = arith.index_cast %swap3A_860 : i32 to index
      %swap3A_863 = arith.index_cast %swap3A_861 : i32 to index
      %swap3A_864 = arith.index_cast %scan3A_848 : i32 to index
      %swap3A_865 = arith.constant 0 : index
      %swap3A_866 = tpu.vector_load %arg6[%swap3A_862, %swap3A_863, %swap3A_864, %swap3A_865] {strides = array<i32>} : memref<2x2x128x128xf32, #tpu.memory_space<vmem>>, vector<1x1x1x16xf32>,
      %swap3A_867 = vector.shape_cast %swap3A_866 : vector<1x1x1x16xf32> to vector<16xf32>
      %swap3A_868 = vector.shape_cast %mul3A_859 : vector<16xf32> to vector<1x1x1x16xf32>
      tpu.vector_store %arg6[%swap3A_862, %swap3A_863, %swap3A_864, %swap3A_865], %swap3A_868 {strides = array<i32>} : memref<2x2x128x128xf32, #tpu.memory_space<vmem>>, vector<1x1x1x16xf32>,
      %get3A_869 = arith.constant 0 : i32
      %get3A_870 = arith.constant 0 : i32
      %get3A_871 = arith.index_cast %get3A_869 : i32 to index
      %get3A_872 = arith.index_cast %get3A_870 : i32 to index
      %get3A_873 = arith.index_cast %scan3A_848 : i32 to index
      %get3A_874 = arith.constant 16 : index
      %get3A_875 = tpu.vector_load %arg6[%get3A_871, %get3A_872, %get3A_873, %get3A_874] {strides = array<i32>} : memref<2x2x128x128xf32, #tpu.memory_space<vmem>>, vector<1x1x1x16xf32>,
      %get3A_876 = vector.shape_cast %get3A_875 : vector<1x1x1x16xf32> to vector<16xf32>
      %mul3A_877 = arith.constant 8.000000e+00 : f32
      %mul3A_878 = vector.broadcast %mul3A_877 : f32 to vector<16xf32>
      %mul3A_879 = arith.mulf %get3A_876, %mul3A_878 : vector<16xf32>
      %swap3A_880 = arith.constant 0 : i32
      %swap3A_881 = arith.constant 0 : i32
      %swap3A_882 = arith.index_cast %swap3A_880 : i32 to index
      %swap3A_883 = arith.index_cast %swap3A_881 : i32 to index
      %swap3A_884 = arith.index_cast %scan3A_848 : i32 to index
      %swap3A_885 = arith.constant 16 : index
      %swap3A_886 = tpu.vector_load %arg6[%swap3A_882, %swap3A_883, %swap3A_884, %swap3A_885] {strides = array<i32>} : memref<2x2x128x128xf32, #tpu.memory_space<vmem>>, vector<1x1x1x16xf32>,
      %swap3A_887 = vector.shape_cast %swap3A_886 : vector<1x1x1x16xf32> to vector<16xf32>
      %swap3A_888 = vector.shape_cast %mul3A_879 : vector<16xf32> to vector<1x1x1x16xf32>
      tpu.vector_store %arg6[%swap3A_882, %swap3A_883, %swap3A_884, %swap3A_885], %swap3A_888 {strides = array<i32>} : memref<2x2x128x128xf32, #tpu.memory_space<vmem>>, vector<1x1x1x16xf32>,
      %get3A_889 = arith.constant 0 : i32
      %get3A_890 = arith.constant 0 : i32
      %get3A_891 = arith.index_cast %get3A_889 : i32 to index
      %get3A_892 = arith.index_cast %get3A_890 : i32 to index
      %get3A_893 = arith.index_cast %scan3A_848 : i32 to index
      %get3A_894 = arith.constant 32 : index
      %get3A_895 = tpu.vector_load %arg6[%get3A_891, %get3A_892, %get3A_893, %get3A_894] {strides = array<i32>} : memref<2x2x128x128xf32, #tpu.memory_space<vmem>>, vector<1x1x1x16xf32>,
      %get3A_896 = vector.shape_cast %get3A_895 : vector<1x1x1x16xf32> to vector<16xf32>
      %mul3A_897 = arith.constant 8.000000e+00 : f32
      %mul3A_898 = vector.broadcast %mul3A_897 : f32 to vector<16xf32>
      %mul3A_899 = arith.mulf %get3A_896, %mul3A_898 : vector<16xf32>
      %swap3A_900 = arith.constant 0 : i32
      %swap3A_901 = arith.constant 0 : i32
      %swap3A_902 = arith.index_cast %swap3A_900 : i32 to index
      %swap3A_903 = arith.index_cast %swap3A_901 : i32 to index
      %swap3A_904 = arith.index_cast %scan3A_848 : i32 to index
      %swap3A_905 = arith.constant 32 : index
      %swap3A_906 = tpu.vector_load %arg6[%swap3A_902, %swap3A_903, %swap3A_904, %swap3A_905] {strides = array<i32>} : memref<2x2x128x128xf32, #tpu.memory_space<vmem>>, vector<1x1x1x16xf32>,
      %swap3A_907 = vector.shape_cast %swap3A_906 : vector<1x1x1x16xf32> to vector<16xf32>
      %swap3A_908 = vector.shape_cast %mul3A_899 : vector<16xf32> to vector<1x1x1x16xf32>
      tpu.vector_store %arg6[%swap3A_902, %swap3A_903, %swap3A_904, %swap3A_905], %swap3A_908 {strides = array<i32>} : memref<2x2x128x128xf32, #tpu.memory_space<vmem>>, vector<1x1x1x16xf32>,
      %get3A_909 = arith.constant 0 : i32
      %get3A_910 = arith.constant 0 : i32
      %get3A_911 = arith.index_cast %get3A_909 : i32 to index
      %get3A_912 = arith.index_cast %get3A_910 : i32 to index
      %get3A_913 = arith.index_cast %scan3A_848 : i32 to index
      %get3A_914 = arith.constant 48 : index
      %get3A_915 = tpu.vector_load %arg6[%get3A_911, %get3A_912, %get3A_913, %get3A_914] {strides = array<i32>} : memref<2x2x128x128xf32, #tpu.memory_space<vmem>>, vector<1x1x1x16xf32>,
      %get3A_916 = vector.shape_cast %get3A_915 : vector<1x1x1x16xf32> to vector<16xf32>
      %mul3A_917 = arith.constant 8.000000e+00 : f32
      %mul3A_918 = vector.broadcast %mul3A_917 : f32 to vector<16xf32>
      %mul3A_919 = arith.mulf %get3A_916, %mul3A_918 : vector<16xf32>
      %swap3A_920 = arith.constant 0 : i32
      %swap3A_921 = arith.constant 0 : i32
      %swap3A_922 = arith.index_cast %swap3A_920 : i32 to index
      %swap3A_923 = arith.index_cast %swap3A_921 : i32 to index
      %swap3A_924 = arith.index_cast %scan3A_848 : i32 to index
      %swap3A_925 = arith.constant 48 : index
      %swap3A_926 = tpu.vector_load %arg6[%swap3A_922, %swap3A_923, %swap3A_924, %swap3A_925] {strides = array<i32>} : memref<2x2x128x128xf32, #tpu.memory_space<vmem>>, vector<1x1x1x16xf32>,
      %swap3A_927 = vector.shape_cast %swap3A_926 : vector<1x1x1x16xf32> to vector<16xf32>
      %swap3A_928 = vector.shape_cast %mul3A_919 : vector<16xf32> to vector<1x1x1x16xf32>
      tpu.vector_store %arg6[%swap3A_922, %swap3A_923, %swap3A_924, %swap3A_925], %swap3A_928 {strides = array<i32>} : memref<2x2x128x128xf32, #tpu.memory_space<vmem>>, vector<1x1x1x16xf32>,
      %get3A_929 = arith.constant 0 : i32
      %get3A_930 = arith.constant 1 : i32
      %get3A_931 = arith.index_cast %get3A_929 : i32 to index
      %get3A_932 = arith.index_cast %get3A_930 : i32 to index
      %get3A_933 = arith.index_cast %scan3A_848 : i32 to index
      %get3A_934 = arith.constant 0 : index
      %get3A_935 = tpu.vector_load %arg6[%get3A_931, %get3A_932, %get3A_933, %get3A_934] {strides = array<i32>} : memref<2x2x128x128xf32, #tpu.memory_space<vmem>>, vector<1x1x1x16xf32>,
      %get3A_936 = vector.shape_cast %get3A_935 : vector<1x1x1x16xf32> to vector<16xf32>
      %mul3A_937 = arith.constant 8.000000e+00 : f32
      %mul3A_938 = vector.broadcast %mul3A_937 : f32 to vector<16xf32>
      %mul3A_939 = arith.mulf %get3A_936, %mul3A_938 : vector<16xf32>
      %swap3A_940 = arith.constant 0 : i32
      %swap3A_941 = arith.constant 1 : i32
      %swap3A_942 = arith.index_cast %swap3A_940 : i32 to index
      %swap3A_943 = arith.index_cast %swap3A_941 : i32 to index
      %swap3A_944 = arith.index_cast %scan3A_848 : i32 to index
      %swap3A_945 = arith.constant 0 : index
      %swap3A_946 = tpu.vector_load %arg6[%swap3A_942, %swap3A_943, %swap3A_944, %swap3A_945] {strides = array<i32>} : memref<2x2x128x128xf32, #tpu.memory_space<vmem>>, vector<1x1x1x16xf32>,
      %swap3A_947 = vector.shape_cast %swap3A_946 : vector<1x1x1x16xf32> to vector<16xf32>
      %swap3A_948 = vector.shape_cast %mul3A_939 : vector<16xf32> to vector<1x1x1x16xf32>
      tpu.vector_store %arg6[%swap3A_942, %swap3A_943, %swap3A_944, %swap3A_945], %swap3A_948 {strides = array<i32>} : memref<2x2x128x128xf32, #tpu.memory_space<vmem>>, vector<1x1x1x16xf32>,
      %get3A_949 = arith.constant 0 : i32
      %get3A_950 = arith.constant 1 : i32
      %get3A_951 = arith.index_cast %get3A_949 : i32 to index
      %get3A_952 = arith.index_cast %get3A_950 : i32 to index
      %get3A_953 = arith.index_cast %scan3A_848 : i32 to index
      %get3A_954 = arith.constant 16 : index
      %get3A_955 = tpu.vector_load %arg6[%get3A_951, %get3A_952, %get3A_953, %get3A_954] {strides = array<i32>} : memref<2x2x128x128xf32, #tpu.memory_space<vmem>>, vector<1x1x1x16xf32>,
      %get3A_956 = vector.shape_cast %get3A_955 : vector<1x1x1x16xf32> to vector<16xf32>
      %mul3A_957 = arith.constant 8.000000e+00 : f32
      %mul3A_958 = vector.broadcast %mul3A_957 : f32 to vector<16xf32>
      %mul3A_959 = arith.mulf %get3A_956, %mul3A_958 : vector<16xf32>
      %swap3A_960 = arith.constant 0 : i32
      %swap3A_961 = arith.constant 1 : i32
      %swap3A_962 = arith.index_cast %swap3A_960 : i32 to index
      %swap3A_963 = arith.index_cast %swap3A_961 : i32 to index
      %swap3A_964 = arith.index_cast %scan3A_848 : i32 to index
      %swap3A_965 = arith.constant 16 : index
      %swap3A_966 = tpu.vector_load %arg6[%swap3A_962, %swap3A_963, %swap3A_964, %swap3A_965] {strides = array<i32>} : memref<2x2x128x128xf32, #tpu.memory_space<vmem>>, vector<1x1x1x16xf32>,
      %swap3A_967 = vector.shape_cast %swap3A_966 : vector<1x1x1x16xf32> to vector<16xf32>
      %swap3A_968 = vector.shape_cast %mul3A_959 : vector<16xf32> to vector<1x1x1x16xf32>
      tpu.vector_store %arg6[%swap3A_962, %swap3A_963, %swap3A_964, %swap3A_965], %swap3A_968 {strides = array<i32>} : memref<2x2x128x128xf32, #tpu.memory_space<vmem>>, vector<1x1x1x16xf32>,
      %get3A_969 = arith.constant 0 : i32
      %get3A_970 = arith.constant 1 : i32
      %get3A_971 = arith.index_cast %get3A_969 : i32 to index
      %get3A_972 = arith.index_cast %get3A_970 : i32 to index
      %get3A_973 = arith.index_cast %scan3A_848 : i32 to index
      %get3A_974 = arith.constant 32 : index
      %get3A_975 = tpu.vector_load %arg6[%get3A_971, %get3A_972, %get3A_973, %get3A_974] {strides = array<i32>} : memref<2x2x128x128xf32, #tpu.memory_space<vmem>>, vector<1x1x1x16xf32>,
      %get3A_976 = vector.shape_cast %get3A_975 : vector<1x1x1x16xf32> to vector<16xf32>
      %mul3A_977 = arith.constant 8.000000e+00 : f32
      %mul3A_978 = vector.broadcast %mul3A_977 : f32 to vector<16xf32>
      %mul3A_979 = arith.mulf %get3A_976, %mul3A_978 : vector<16xf32>
      %swap3A_980 = arith.constant 0 : i32
      %swap3A_981 = arith.constant 1 : i32
      %swap3A_982 = arith.index_cast %swap3A_980 : i32 to index
      %swap3A_983 = arith.index_cast %swap3A_981 : i32 to index
      %swap3A_984 = arith.index_cast %scan3A_848 : i32 to index
      %swap3A_985 = arith.constant 32 : index
      %swap3A_986 = tpu.vector_load %arg6[%swap3A_982, %swap3A_983, %swap3A_984, %swap3A_985] {strides = array<i32>} : memref<2x2x128x128xf32, #tpu.memory_space<vmem>>, vector<1x1x1x16xf32>,
      %swap3A_987 = vector.shape_cast %swap3A_986 : vector<1x1x1x16xf32> to vector<16xf32>
      %swap3A_988 = vector.shape_cast %mul3A_979 : vector<16xf32> to vector<1x1x1x16xf32>
      tpu.vector_store %arg6[%swap3A_982, %swap3A_983, %swap3A_984, %swap3A_985], %swap3A_988 {strides = array<i32>} : memref<2x2x128x128xf32, #tpu.memory_space<vmem>>, vector<1x1x1x16xf32>,
      %get3A_989 = arith.constant 0 : i32
      %get3A_990 = arith.constant 1 : i32
      %get3A_991 = arith.index_cast %get3A_989 : i32 to index
      %get3A_992 = arith.index_cast %get3A_990 : i32 to index
      %get3A_993 = arith.index_cast %scan3A_848 : i32 to index
      %get3A_994 = arith.constant 48 : index
      %get3A_995 = tpu.vector_load %arg6[%get3A_991, %get3A_992, %get3A_993, %get3A_994] {strides = array<i32>} : memref<2x2x128x128xf32, #tpu.memory_space<vmem>>, vector<1x1x1x16xf32>,
      %get3A_996 = vector.shape_cast %get3A_995 : vector<1x1x1x16xf32> to vector<16xf32>
      %mul3A_997 = arith.constant 8.000000e+00 : f32
      %mul3A_998 = vector.broadcast %mul3A_997 : f32 to vector<16xf32>
      %mul3A_999 = arith.mulf %get3A_996, %mul3A_998 : vector<16xf32>
      %swap3A_1000 = arith.constant 0 : i32
      %swap3A_1001 = arith.constant 1 : i32
      %swap3A_1002 = arith.index_cast %swap3A_1000 : i32 to index
      %swap3A_1003 = arith.index_cast %swap3A_1001 : i32 to index
      %swap3A_1004 = arith.index_cast %scan3A_848 : i32 to index
      %swap3A_1005 = arith.constant 48 : index
      %swap3A_1006 = tpu.vector_load %arg6[%swap3A_1002, %swap3A_1003, %swap3A_1004, %swap3A_1005] {strides = array<i32>} : memref<2x2x128x128xf32, #tpu.memory_space<vmem>>, vector<1x1x1x16xf32>,
      %swap3A_1007 = vector.shape_cast %swap3A_1006 : vector<1x1x1x16xf32> to vector<16xf32>
      %swap3A_1008 = vector.shape_cast %mul3A_999 : vector<16xf32> to vector<1x1x1x16xf32>
      tpu.vector_store %arg6[%swap3A_1002, %swap3A_1003, %swap3A_1004, %swap3A_1005], %swap3A_1008 {strides = array<i32>} : memref<2x2x128x128xf32, #tpu.memory_space<vmem>>, vector<1x1x1x16xf32>,
      %scan3A_1009 = arith.constant 3 : i32
      %scan3A_1010 = arith.addi %scan3A_526, %scan3A_1009 : i32
      %get3A_1011 = arith.constant 0 : i32
      %get3A_1012 = arith.constant 0 : i32
      %get3A_1013 = arith.index_cast %get3A_1011 : i32 to index
      %get3A_1014 = arith.index_cast %get3A_1012 : i32 to index
      %get3A_1015 = arith.index_cast %scan3A_1010 : i32 to index
      %get3A_1016 = arith.constant 0 : index
      %get3A_1017 = tpu.vector_load %arg6[%get3A_1013, %get3A_1014, %get3A_1015, %get3A_1016] {strides = array<i32>} : memref<2x2x128x128xf32, #tpu.memory_space<vmem>>, vector<1x1x1x16xf32>,
      %get3A_1018 = vector.shape_cast %get3A_1017 : vector<1x1x1x16xf32> to vector<16xf32>
      %mul3A_1019 = arith.constant 8.000000e+00 : f32
      %mul3A_1020 = vector.broadcast %mul3A_1019 : f32 to vector<16xf32>
      %mul3A_1021 = arith.mulf %get3A_1018, %mul3A_1020 : vector<16xf32>
      %swap3A_1022 = arith.constant 0 : i32
      %swap3A_1023 = arith.constant 0 : i32
      %swap3A_1024 = arith.index_cast %swap3A_1022 : i32 to index
      %swap3A_1025 = arith.index_cast %swap3A_1023 : i32 to index
      %swap3A_1026 = arith.index_cast %scan3A_1010 : i32 to index
      %swap3A_1027 = arith.constant 0 : index
      %swap3A_1028 = tpu.vector_load %arg6[%swap3A_1024, %swap3A_1025, %swap3A_1026, %swap3A_1027] {strides = array<i32>} : memref<2x2x128x128xf32, #tpu.memory_space<vmem>>, vector<1x1x1x16xf32>,
      %swap3A_1029 = vector.shape_cast %swap3A_1028 : vector<1x1x1x16xf32> to vector<16xf32>
      %swap3A_1030 = vector.shape_cast %mul3A_1021 : vector<16xf32> to vector<1x1x1x16xf32>
      tpu.vector_store %arg6[%swap3A_1024, %swap3A_1025, %swap3A_1026, %swap3A_1027], %swap3A_1030 {strides = array<i32>} : memref<2x2x128x128xf32, #tpu.memory_space<vmem>>, vector<1x1x1x16xf32>,
      %get3A_1031 = arith.constant 0 : i32
      %get3A_1032 = arith.constant 0 : i32
      %get3A_1033 = arith.index_cast %get3A_1031 : i32 to index
      %get3A_1034 = arith.index_cast %get3A_1032 : i32 to index
      %get3A_1035 = arith.index_cast %scan3A_1010 : i32 to index
      %get3A_1036 = arith.constant 16 : index
      %get3A_1037 = tpu.vector_load %arg6[%get3A_1033, %get3A_1034, %get3A_1035, %get3A_1036] {strides = array<i32>} : memref<2x2x128x128xf32, #tpu.memory_space<vmem>>, vector<1x1x1x16xf32>,
      %get3A_1038 = vector.shape_cast %get3A_1037 : vector<1x1x1x16xf32> to vector<16xf32>
      %mul3A_1039 = arith.constant 8.000000e+00 : f32
      %mul3A_1040 = vector.broadcast %mul3A_1039 : f32 to vector<16xf32>
      %mul3A_1041 = arith.mulf %get3A_1038, %mul3A_1040 : vector<16xf32>
      %swap3A_1042 = arith.constant 0 : i32
      %swap3A_1043 = arith.constant 0 : i32
      %swap3A_1044 = arith.index_cast %swap3A_1042 : i32 to index
      %swap3A_1045 = arith.index_cast %swap3A_1043 : i32 to index
      %swap3A_1046 = arith.index_cast %scan3A_1010 : i32 to index
      %swap3A_1047 = arith.constant 16 : index
      %swap3A_1048 = tpu.vector_load %arg6[%swap3A_1044, %swap3A_1045, %swap3A_1046, %swap3A_1047] {strides = array<i32>} : memref<2x2x128x128xf32, #tpu.memory_space<vmem>>, vector<1x1x1x16xf32>,
      %swap3A_1049 = vector.shape_cast %swap3A_1048 : vector<1x1x1x16xf32> to vector<16xf32>
      %swap3A_1050 = vector.shape_cast %mul3A_1041 : vector<16xf32> to vector<1x1x1x16xf32>
      tpu.vector_store %arg6[%swap3A_1044, %swap3A_1045, %swap3A_1046, %swap3A_1047], %swap3A_1050 {strides = array<i32>} : memref<2x2x128x128xf32, #tpu.memory_space<vmem>>, vector<1x1x1x16xf32>,
      %get3A_1051 = arith.constant 0 : i32
      %get3A_1052 = arith.constant 0 : i32
      %get3A_1053 = arith.index_cast %get3A_1051 : i32 to index
      %get3A_1054 = arith.index_cast %get3A_1052 : i32 to index
      %get3A_1055 = arith.index_cast %scan3A_1010 : i32 to index
      %get3A_1056 = arith.constant 32 : index
      %get3A_1057 = tpu.vector_load %arg6[%get3A_1053, %get3A_1054, %get3A_1055, %get3A_1056] {strides = array<i32>} : memref<2x2x128x128xf32, #tpu.memory_space<vmem>>, vector<1x1x1x16xf32>,
      %get3A_1058 = vector.shape_cast %get3A_1057 : vector<1x1x1x16xf32> to vector<16xf32>
      %mul3A_1059 = arith.constant 8.000000e+00 : f32
      %mul3A_1060 = vector.broadcast %mul3A_1059 : f32 to vector<16xf32>
      %mul3A_1061 = arith.mulf %get3A_1058, %mul3A_1060 : vector<16xf32>
      %swap3A_1062 = arith.constant 0 : i32
      %swap3A_1063 = arith.constant 0 : i32
      %swap3A_1064 = arith.index_cast %swap3A_1062 : i32 to index
      %swap3A_1065 = arith.index_cast %swap3A_1063 : i32 to index
      %swap3A_1066 = arith.index_cast %scan3A_1010 : i32 to index
      %swap3A_1067 = arith.constant 32 : index
      %swap3A_1068 = tpu.vector_load %arg6[%swap3A_1064, %swap3A_1065, %swap3A_1066, %swap3A_1067] {strides = array<i32>} : memref<2x2x128x128xf32, #tpu.memory_space<vmem>>, vector<1x1x1x16xf32>,
      %swap3A_1069 = vector.shape_cast %swap3A_1068 : vector<1x1x1x16xf32> to vector<16xf32>
      %swap3A_1070 = vector.shape_cast %mul3A_1061 : vector<16xf32> to vector<1x1x1x16xf32>
      tpu.vector_store %arg6[%swap3A_1064, %swap3A_1065, %swap3A_1066, %swap3A_1067], %swap3A_1070 {strides = array<i32>} : memref<2x2x128x128xf32, #tpu.memory_space<vmem>>, vector<1x1x1x16xf32>,
      %get3A_1071 = arith.constant 0 : i32
      %get3A_1072 = arith.constant 0 : i32
      %get3A_1073 = arith.index_cast %get3A_1071 : i32 to index
      %get3A_1074 = arith.index_cast %get3A_1072 : i32 to index
      %get3A_1075 = arith.index_cast %scan3A_1010 : i32 to index
      %get3A_1076 = arith.constant 48 : index
      %get3A_1077 = tpu.vector_load %arg6[%get3A_1073, %get3A_1074, %get3A_1075, %get3A_1076] {strides = array<i32>} : memref<2x2x128x128xf32, #tpu.memory_space<vmem>>, vector<1x1x1x16xf32>,
      %get3A_1078 = vector.shape_cast %get3A_1077 : vector<1x1x1x16xf32> to vector<16xf32>
      %mul3A_1079 = arith.constant 8.000000e+00 : f32
      %mul3A_1080 = vector.broadcast %mul3A_1079 : f32 to vector<16xf32>
      %mul3A_1081 = arith.mulf %get3A_1078, %mul3A_1080 : vector<16xf32>
      %swap3A_1082 = arith.constant 0 : i32
      %swap3A_1083 = arith.constant 0 : i32
      %swap3A_1084 = arith.index_cast %swap3A_1082 : i32 to index
      %swap3A_1085 = arith.index_cast %swap3A_1083 : i32 to index
      %swap3A_1086 = arith.index_cast %scan3A_1010 : i32 to index
      %swap3A_1087 = arith.constant 48 : index
      %swap3A_1088 = tpu.vector_load %arg6[%swap3A_1084, %swap3A_1085, %swap3A_1086, %swap3A_1087] {strides = array<i32>} : memref<2x2x128x128xf32, #tpu.memory_space<vmem>>, vector<1x1x1x16xf32>,
      %swap3A_1089 = vector.shape_cast %swap3A_1088 : vector<1x1x1x16xf32> to vector<16xf32>
      %swap3A_1090 = vector.shape_cast %mul3A_1081 : vector<16xf32> to vector<1x1x1x16xf32>
      tpu.vector_store %arg6[%swap3A_1084, %swap3A_1085, %swap3A_1086, %swap3A_1087], %swap3A_1090 {strides = array<i32>} : memref<2x2x128x128xf32, #tpu.memory_space<vmem>>, vector<1x1x1x16xf32>,
      %get3A_1091 = arith.constant 0 : i32
      %get3A_1092 = arith.constant 1 : i32
      %get3A_1093 = arith.index_cast %get3A_1091 : i32 to index
      %get3A_1094 = arith.index_cast %get3A_1092 : i32 to index
      %get3A_1095 = arith.index_cast %scan3A_1010 : i32 to index
      %get3A_1096 = arith.constant 0 : index
      %get3A_1097 = tpu.vector_load %arg6[%get3A_1093, %get3A_1094, %get3A_1095, %get3A_1096] {strides = array<i32>} : memref<2x2x128x128xf32, #tpu.memory_space<vmem>>, vector<1x1x1x16xf32>,
      %get3A_1098 = vector.shape_cast %get3A_1097 : vector<1x1x1x16xf32> to vector<16xf32>
      %mul3A_1099 = arith.constant 8.000000e+00 : f32
      %mul3A_1100 = vector.broadcast %mul3A_1099 : f32 to vector<16xf32>
      %mul3A_1101 = arith.mulf %get3A_1098, %mul3A_1100 : vector<16xf32>
      %swap3A_1102 = arith.constant 0 : i32
      %swap3A_1103 = arith.constant 1 : i32
      %swap3A_1104 = arith.index_cast %swap3A_1102 : i32 to index
      %swap3A_1105 = arith.index_cast %swap3A_1103 : i32 to index
      %swap3A_1106 = arith.index_cast %scan3A_1010 : i32 to index
      %swap3A_1107 = arith.constant 0 : index
      %swap3A_1108 = tpu.vector_load %arg6[%swap3A_1104, %swap3A_1105, %swap3A_1106, %swap3A_1107] {strides = array<i32>} : memref<2x2x128x128xf32, #tpu.memory_space<vmem>>, vector<1x1x1x16xf32>,
      %swap3A_1109 = vector.shape_cast %swap3A_1108 : vector<1x1x1x16xf32> to vector<16xf32>
      %swap3A_1110 = vector.shape_cast %mul3A_1101 : vector<16xf32> to vector<1x1x1x16xf32>
      tpu.vector_store %arg6[%swap3A_1104, %swap3A_1105, %swap3A_1106, %swap3A_1107], %swap3A_1110 {strides = array<i32>} : memref<2x2x128x128xf32, #tpu.memory_space<vmem>>, vector<1x1x1x16xf32>,
      %get3A_1111 = arith.constant 0 : i32
      %get3A_1112 = arith.constant 1 : i32
      %get3A_1113 = arith.index_cast %get3A_1111 : i32 to index
      %get3A_1114 = arith.index_cast %get3A_1112 : i32 to index
      %get3A_1115 = arith.index_cast %scan3A_1010 : i32 to index
      %get3A_1116 = arith.constant 16 : index
      %get3A_1117 = tpu.vector_load %arg6[%get3A_1113, %get3A_1114, %get3A_1115, %get3A_1116] {strides = array<i32>} : memref<2x2x128x128xf32, #tpu.memory_space<vmem>>, vector<1x1x1x16xf32>,
      %get3A_1118 = vector.shape_cast %get3A_1117 : vector<1x1x1x16xf32> to vector<16xf32>
      %mul3A_1119 = arith.constant 8.000000e+00 : f32
      %mul3A_1120 = vector.broadcast %mul3A_1119 : f32 to vector<16xf32>
      %mul3A_1121 = arith.mulf %get3A_1118, %mul3A_1120 : vector<16xf32>
      %swap3A_1122 = arith.constant 0 : i32
      %swap3A_1123 = arith.constant 1 : i32
      %swap3A_1124 = arith.index_cast %swap3A_1122 : i32 to index
      %swap3A_1125 = arith.index_cast %swap3A_1123 : i32 to index
      %swap3A_1126 = arith.index_cast %scan3A_1010 : i32 to index
      %swap3A_1127 = arith.constant 16 : index
      %swap3A_1128 = tpu.vector_load %arg6[%swap3A_1124, %swap3A_1125, %swap3A_1126, %swap3A_1127] {strides = array<i32>} : memref<2x2x128x128xf32, #tpu.memory_space<vmem>>, vector<1x1x1x16xf32>,
      %swap3A_1129 = vector.shape_cast %swap3A_1128 : vector<1x1x1x16xf32> to vector<16xf32>
      %swap3A_1130 = vector.shape_cast %mul3A_1121 : vector<16xf32> to vector<1x1x1x16xf32>
      tpu.vector_store %arg6[%swap3A_1124, %swap3A_1125, %swap3A_1126, %swap3A_1127], %swap3A_1130 {strides = array<i32>} : memref<2x2x128x128xf32, #tpu.memory_space<vmem>>, vector<1x1x1x16xf32>,
      %get3A_1131 = arith.constant 0 : i32
      %get3A_1132 = arith.constant 1 : i32
      %get3A_1133 = arith.index_cast %get3A_1131 : i32 to index
      %get3A_1134 = arith.index_cast %get3A_1132 : i32 to index
      %get3A_1135 = arith.index_cast %scan3A_1010 : i32 to index
      %get3A_1136 = arith.constant 32 : index
      %get3A_1137 = tpu.vector_load %arg6[%get3A_1133, %get3A_1134, %get3A_1135, %get3A_1136] {strides = array<i32>} : memref<2x2x128x128xf32, #tpu.memory_space<vmem>>, vector<1x1x1x16xf32>,
      %get3A_1138 = vector.shape_cast %get3A_1137 : vector<1x1x1x16xf32> to vector<16xf32>
      %mul3A_1139 = arith.constant 8.000000e+00 : f32
      %mul3A_1140 = vector.broadcast %mul3A_1139 : f32 to vector<16xf32>
      %mul3A_1141 = arith.mulf %get3A_1138, %mul3A_1140 : vector<16xf32>
      %swap3A_1142 = arith.constant 0 : i32
      %swap3A_1143 = arith.constant 1 : i32
      %swap3A_1144 = arith.index_cast %swap3A_1142 : i32 to index
      %swap3A_1145 = arith.index_cast %swap3A_1143 : i32 to index
      %swap3A_1146 = arith.index_cast %scan3A_1010 : i32 to index
      %swap3A_1147 = arith.constant 32 : index
      %swap3A_1148 = tpu.vector_load %arg6[%swap3A_1144, %swap3A_1145, %swap3A_1146, %swap3A_1147] {strides = array<i32>} : memref<2x2x128x128xf32, #tpu.memory_space<vmem>>, vector<1x1x1x16xf32>,
      %swap3A_1149 = vector.shape_cast %swap3A_1148 : vector<1x1x1x16xf32> to vector<16xf32>
      %swap3A_1150 = vector.shape_cast %mul3A_1141 : vector<16xf32> to vector<1x1x1x16xf32>
      tpu.vector_store %arg6[%swap3A_1144, %swap3A_1145, %swap3A_1146, %swap3A_1147], %swap3A_1150 {strides = array<i32>} : memref<2x2x128x128xf32, #tpu.memory_space<vmem>>, vector<1x1x1x16xf32>,
      %get3A_1151 = arith.constant 0 : i32
      %get3A_1152 = arith.constant 1 : i32
      %get3A_1153 = arith.index_cast %get3A_1151 : i32 to index
      %get3A_1154 = arith.index_cast %get3A_1152 : i32 to index
      %get3A_1155 = arith.index_cast %scan3A_1010 : i32 to index
      %get3A_1156 = arith.constant 48 : index
      %get3A_1157 = tpu.vector_load %arg6[%get3A_1153, %get3A_1154, %get3A_1155, %get3A_1156] {strides = array<i32>} : memref<2x2x128x128xf32, #tpu.memory_space<vmem>>, vector<1x1x1x16xf32>,
      %get3A_1158 = vector.shape_cast %get3A_1157 : vector<1x1x1x16xf32> to vector<16xf32>
      %mul3A_1159 = arith.constant 8.000000e+00 : f32
      %mul3A_1160 = vector.broadcast %mul3A_1159 : f32 to vector<16xf32>
      %mul3A_1161 = arith.mulf %get3A_1158, %mul3A_1160 : vector<16xf32>
      %swap3A_1162 = arith.constant 0 : i32
      %swap3A_1163 = arith.constant 1 : i32
      %swap3A_1164 = arith.index_cast %swap3A_1162 : i32 to index
      %swap3A_1165 = arith.index_cast %swap3A_1163 : i32 to index
      %swap3A_1166 = arith.index_cast %scan3A_1010 : i32 to index
      %swap3A_1167 = arith.constant 48 : index
      %swap3A_1168 = tpu.vector_load %arg6[%swap3A_1164, %swap3A_1165, %swap3A_1166, %swap3A_1167] {strides = array<i32>} : memref<2x2x128x128xf32, #tpu.memory_space<vmem>>, vector<1x1x1x16xf32>,
      %swap3A_1169 = vector.shape_cast %swap3A_1168 : vector<1x1x1x16xf32> to vector<16xf32>
      %swap3A_1170 = vector.shape_cast %mul3A_1161 : vector<16xf32> to vector<1x1x1x16xf32>
      tpu.vector_store %arg6[%swap3A_1164, %swap3A_1165, %swap3A_1166, %swap3A_1167], %swap3A_1170 {strides = array<i32>} : memref<2x2x128x128xf32, #tpu.memory_space<vmem>>, vector<1x1x1x16xf32>,
    }
    %scan3A_349 = arith.constant 128 : i32
    %add3A_350 = arith.constant 196 : i32
    %add3A_351 = arith.addi %mul3A_2, %add3A_350 : i32
    %mul3A_352 = arith.constant 128 : i32
    %mul3A_353 = arith.muli %add3A_351, %mul3A_352 : i32
    %dma_start3A_354 = arith.constant 0 : i32
    %dma_start3A_355 = arith.constant 0 : i32
    %dma_start3A_356 = arith.constant 0 : i32
    %dma_start3A_357 = arith.constant 0 : i32
    %dma_start3A_358 = tpu.memref_slice %arg6[%dma_start3A_354, %dma_start3A_355, %dma_start3A_356, %dma_start3A_357] : memref<2x2x128x128xf32, #tpu.memory_space<vmem>> -> memref<1x1x128x128xf32, #tpu.memory_space<vmem>>
    %dma_start3A_359 = tpu.memref_squeeze %dma_start3A_358 : memref<1x1x128x128xf32, #tpu.memory_space<vmem>> -> memref<128x128xf32, #tpu.memory_space<vmem>>
    %dma_start3A_360 = arith.constant 0 : i32
    %dma_start3A_361 = tpu.memref_slice %arg4[%mul3A_353, %dma_start3A_360] : memref<819200x128xf32, #tpu.memory_space<hbm>> -> memref<128x128xf32, #tpu.memory_space<hbm>>
    %dma_start3A_362 = arith.constant 0 : i32
    %dma_start3A_363 = tpu.memref_slice %arg4[%mul3A_353, %dma_start3A_362] : memref<819200x128xf32, #tpu.memory_space<hbm>> -> memref<128x128xf32, #tpu.memory_space<hbm>>
    %dma_start3A_364 = arith.constant 0 : i32
    %dma_start3A_365 = arith.constant 0 : i32
    %dma_start3A_366 = tpu.memref_slice %arg6[%dma_start3A_354, %dma_start3A_355, %dma_start3A_364, %dma_start3A_365] : memref<2x2x128x128xf32, #tpu.memory_space<vmem>> -> memref<1x1x128x128xf32, #tpu.memory_space<vmem>>
    %dma_start3A_367 = tpu.memref_squeeze %dma_start3A_366 : memref<1x1x128x128xf32, #tpu.memory_space<vmem>> -> memref<128x128xf32, #tpu.memory_space<vmem>>
    tpu.enqueue_dma source(%dma_start3A_367 : memref<128x128xf32, #tpu.memory_space<vmem>>) target(%dma_start3A_363 : memref<128x128xf32, #tpu.memory_space<hbm>>) target_semaphore(%arg9 : memref<!tpu.dma_semaphore, #tpu.memory_space<semaphore_mem>>)
    %add3A_368 = arith.constant 197 : i32
    %add3A_369 = arith.addi %mul3A_2, %add3A_368 : i32
    %mul3A_370 = arith.constant 128 : i32
    %mul3A_371 = arith.muli %add3A_369, %mul3A_370 : i32
    %dma_start3A_372 = arith.constant 0 : i32
    %dma_start3A_373 = arith.constant 1 : i32
    %dma_start3A_374 = arith.constant 0 : i32
    %dma_start3A_375 = arith.constant 0 : i32
    %dma_start3A_376 = tpu.memref_slice %arg6[%dma_start3A_372, %dma_start3A_373, %dma_start3A_374, %dma_start3A_375] : memref<2x2x128x128xf32, #tpu.memory_space<vmem>> -> memref<1x1x128x128xf32, #tpu.memory_space<vmem>>
    %dma_start3A_377 = tpu.memref_squeeze %dma_start3A_376 : memref<1x1x128x128xf32, #tpu.memory_space<vmem>> -> memref<128x128xf32, #tpu.memory_space<vmem>>
    %dma_start3A_378 = arith.constant 0 : i32
    %dma_start3A_379 = tpu.memref_slice %arg4[%mul3A_371, %dma_start3A_378] : memref<819200x128xf32, #tpu.memory_space<hbm>> -> memref<128x128xf32, #tpu.memory_space<hbm>>
    %dma_start3A_380 = arith.constant 0 : i32
    %dma_start3A_381 = tpu.memref_slice %arg4[%mul3A_371, %dma_start3A_380] : memref<819200x128xf32, #tpu.memory_space<hbm>> -> memref<128x128xf32, #tpu.memory_space<hbm>>
    %dma_start3A_382 = arith.constant 0 : i32
    %dma_start3A_383 = arith.constant 0 : i32
    %dma_start3A_384 = tpu.memref_slice %arg6[%dma_start3A_372, %dma_start3A_373, %dma_start3A_382, %dma_start3A_383] : memref<2x2x128x128xf32, #tpu.memory_space<vmem>> -> memref<1x1x128x128xf32, #tpu.memory_space<vmem>>
    %dma_start3A_385 = tpu.memref_squeeze %dma_start3A_384 : memref<1x1x128x128xf32, #tpu.memory_space<vmem>> -> memref<128x128xf32, #tpu.memory_space<vmem>>
    tpu.enqueue_dma source(%dma_start3A_385 : memref<128x128xf32, #tpu.memory_space<vmem>>) target(%dma_start3A_381 : memref<128x128xf32, #tpu.memory_space<hbm>>) target_semaphore(%arg9 : memref<!tpu.dma_semaphore, #tpu.memory_space<semaphore_mem>>)
    %dma_wait3A_386 = arith.constant 198 : i32
    %dma_wait3A_387 = arith.constant 1 : i32
    %dma_wait3A_388 = arith.constant 0 : i32
    %dma_wait3A_389 = arith.constant 0 : i32
    %dma_wait3A_390 = arith.constant 0 : i32
    %dma_wait3A_391 = tpu.memref_slice %arg6[%dma_wait3A_387, %dma_wait3A_388, %dma_wait3A_389, %dma_wait3A_390] : memref<2x2x128x128xf32, #tpu.memory_space<vmem>> -> memref<1x1x128x128xf32, #tpu.memory_space<vmem>>
    %dma_wait3A_392 = tpu.memref_squeeze %dma_wait3A_391 : memref<1x1x128x128xf32, #tpu.memory_space<vmem>> -> memref<128x128xf32, #tpu.memory_space<vmem>>
    %dma_wait3A_393 = arith.constant 0 : i32
    %dma_wait3A_394 = tpu.memref_slice %arg5[%dma_wait3A_386, %dma_wait3A_393] : memref<200x128xi32, #tpu.memory_space<vmem>> -> memref<1x128xi32, #tpu.memory_space<vmem>>
    %dma_wait3A_395 = tpu.memref_squeeze %dma_wait3A_394 : memref<1x128xi32, #tpu.memory_space<vmem>> -> memref<128xi32, #tpu.memory_space<vmem>>
    %dma_wait3A_396 = arith.constant 0 : i32
    %dma_wait3A_397 = arith.constant 0 : i32
    %dma_wait3A_398 = tpu.memref_slice %arg3[%dma_wait3A_396, %dma_wait3A_397] : memref<1000000x128xf32, #tpu.memory_space<hbm>> -> memref<1000000x128xf32, #tpu.memory_space<hbm>>
    tpu.wait_indirect_dma semaphore(%arg8 : memref<!tpu.dma_semaphore, #tpu.memory_space<semaphore_mem>>) src(%dma_wait3A_398 : memref<1000000x128xf32, #tpu.memory_space<hbm>>) dst(%dma_wait3A_392 : memref<128x128xf32, #tpu.memory_space<vmem>>)
    %dma_wait3A_399 = arith.constant 199 : i32
    %dma_wait3A_400 = arith.constant 1 : i32
    %dma_wait3A_401 = arith.constant 1 : i32
    %dma_wait3A_402 = arith.constant 0 : i32
    %dma_wait3A_403 = arith.constant 0 : i32
    %dma_wait3A_404 = tpu.memref_slice %arg6[%dma_wait3A_400, %dma_wait3A_401, %dma_wait3A_402, %dma_wait3A_403] : memref<2x2x128x128xf32, #tpu.memory_space<vmem>> -> memref<1x1x128x128xf32, #tpu.memory_space<vmem>>
    %dma_wait3A_405 = tpu.memref_squeeze %dma_wait3A_404 : memref<1x1x128x128xf32, #tpu.memory_space<vmem>> -> memref<128x128xf32, #tpu.memory_space<vmem>>
    %dma_wait3A_406 = arith.constant 0 : i32
    %dma_wait3A_407 = tpu.memref_slice %arg5[%dma_wait3A_399, %dma_wait3A_406] : memref<200x128xi32, #tpu.memory_space<vmem>> -> memref<1x128xi32, #tpu.memory_space<vmem>>
    %dma_wait3A_408 = tpu.memref_squeeze %dma_wait3A_407 : memref<1x128xi32, #tpu.memory_space<vmem>> -> memref<128xi32, #tpu.memory_space<vmem>>
    %dma_wait3A_409 = arith.constant 0 : i32
    %dma_wait3A_410 = arith.constant 0 : i32
    %dma_wait3A_411 = tpu.memref_slice %arg3[%dma_wait3A_409, %dma_wait3A_410] : memref<1000000x128xf32, #tpu.memory_space<hbm>> -> memref<1000000x128xf32, #tpu.memory_space<hbm>>
    tpu.wait_indirect_dma semaphore(%arg8 : memref<!tpu.dma_semaphore, #tpu.memory_space<semaphore_mem>>) src(%dma_wait3A_411 : memref<1000000x128xf32, #tpu.memory_space<hbm>>) dst(%dma_wait3A_405 : memref<128x128xf32, #tpu.memory_space<vmem>>)
    %scan3A_412 = arith.constant 0 : i32
    %scan3A_413 = arith.constant 0 : i32
    %scan3A_414 = arith.constant 128 : i32
    %scan3A_415 = arith.addi %scan3A_413, %scan3A_414 : i32
    %scan3A_416 = arith.constant 4 : i32
    scf.for %scan3A_526 = %scan3A_413 to %scan3A_415 step %scan3A_416  : i32 {
      %get3A = arith.constant 1 : i32
      %get3A_527 = arith.constant 0 : i32
      %get3A_528 = arith.index_cast %get3A : i32 to index
      %get3A_529 = arith.index_cast %get3A_527 : i32 to index
      %get3A_530 = arith.index_cast %scan3A_526 : i32 to index
      %get3A_531 = arith.constant 0 : index
      %get3A_532 = tpu.vector_load %arg6[%get3A_528, %get3A_529, %get3A_530, %get3A_531] {strides = array<i32>} : memref<2x2x128x128xf32, #tpu.memory_space<vmem>>, vector<1x1x1x16xf32>,
      %get3A_533 = vector.shape_cast %get3A_532 : vector<1x1x1x16xf32> to vector<16xf32>
      %mul3A_534 = arith.constant 8.000000e+00 : f32
      %mul3A_535 = vector.broadcast %mul3A_534 : f32 to vector<16xf32>
      %mul3A_536 = arith.mulf %get3A_533, %mul3A_535 : vector<16xf32>
      %swap3A = arith.constant 1 : i32
      %swap3A_537 = arith.constant 0 : i32
      %swap3A_538 = arith.index_cast %swap3A : i32 to index
      %swap3A_539 = arith.index_cast %swap3A_537 : i32 to index
      %swap3A_540 = arith.index_cast %scan3A_526 : i32 to index
      %swap3A_541 = arith.constant 0 : index
      %swap3A_542 = tpu.vector_load %arg6[%swap3A_538, %swap3A_539, %swap3A_540, %swap3A_541] {strides = array<i32>} : memref<2x2x128x128xf32, #tpu.memory_space<vmem>>, vector<1x1x1x16xf32>,
      %swap3A_543 = vector.shape_cast %swap3A_542 : vector<1x1x1x16xf32> to vector<16xf32>
      %swap3A_544 = vector.shape_cast %mul3A_536 : vector<16xf32> to vector<1x1x1x16xf32>
      tpu.vector_store %arg6[%swap3A_538, %swap3A_539, %swap3A_540, %swap3A_541], %swap3A_544 {strides = array<i32>} : memref<2x2x128x128xf32, #tpu.memory_space<vmem>>, vector<1x1x1x16xf32>,
      %get3A_545 = arith.constant 1 : i32
      %get3A_546 = arith.constant 0 : i32
      %get3A_547 = arith.index_cast %get3A_545 : i32 to index
      %get3A_548 = arith.index_cast %get3A_546 : i32 to index
      %get3A_549 = arith.index_cast %scan3A_526 : i32 to index
      %get3A_550 = arith.constant 16 : index
      %get3A_551 = tpu.vector_load %arg6[%get3A_547, %get3A_548, %get3A_549, %get3A_550] {strides = array<i32>} : memref<2x2x128x128xf32, #tpu.memory_space<vmem>>, vector<1x1x1x16xf32>,
      %get3A_552 = vector.shape_cast %get3A_551 : vector<1x1x1x16xf32> to vector<16xf32>
      %mul3A_553 = arith.constant 8.000000e+00 : f32
      %mul3A_554 = vector.broadcast %mul3A_553 : f32 to vector<16xf32>
      %mul3A_555 = arith.mulf %get3A_552, %mul3A_554 : vector<16xf32>
      %swap3A_556 = arith.constant 1 : i32
      %swap3A_557 = arith.constant 0 : i32
      %swap3A_558 = arith.index_cast %swap3A_556 : i32 to index
      %swap3A_559 = arith.index_cast %swap3A_557 : i32 to index
      %swap3A_560 = arith.index_cast %scan3A_526 : i32 to index
      %swap3A_561 = arith.constant 16 : index
      %swap3A_562 = tpu.vector_load %arg6[%swap3A_558, %swap3A_559, %swap3A_560, %swap3A_561] {strides = array<i32>} : memref<2x2x128x128xf32, #tpu.memory_space<vmem>>, vector<1x1x1x16xf32>,
      %swap3A_563 = vector.shape_cast %swap3A_562 : vector<1x1x1x16xf32> to vector<16xf32>
      %swap3A_564 = vector.shape_cast %mul3A_555 : vector<16xf32> to vector<1x1x1x16xf32>
      tpu.vector_store %arg6[%swap3A_558, %swap3A_559, %swap3A_560, %swap3A_561], %swap3A_564 {strides = array<i32>} : memref<2x2x128x128xf32, #tpu.memory_space<vmem>>, vector<1x1x1x16xf32>,
      %get3A_565 = arith.constant 1 : i32
      %get3A_566 = arith.constant 0 : i32
      %get3A_567 = arith.index_cast %get3A_565 : i32 to index
      %get3A_568 = arith.index_cast %get3A_566 : i32 to index
      %get3A_569 = arith.index_cast %scan3A_526 : i32 to index
      %get3A_570 = arith.constant 32 : index
      %get3A_571 = tpu.vector_load %arg6[%get3A_567, %get3A_568, %get3A_569, %get3A_570] {strides = array<i32>} : memref<2x2x128x128xf32, #tpu.memory_space<vmem>>, vector<1x1x1x16xf32>,
      %get3A_572 = vector.shape_cast %get3A_571 : vector<1x1x1x16xf32> to vector<16xf32>
      %mul3A_573 = arith.constant 8.000000e+00 : f32
      %mul3A_574 = vector.broadcast %mul3A_573 : f32 to vector<16xf32>
      %mul3A_575 = arith.mulf %get3A_572, %mul3A_574 : vector<16xf32>
      %swap3A_576 = arith.constant 1 : i32
      %swap3A_577 = arith.constant 0 : i32
      %swap3A_578 = arith.index_cast %swap3A_576 : i32 to index
      %swap3A_579 = arith.index_cast %swap3A_577 : i32 to index
      %swap3A_580 = arith.index_cast %scan3A_526 : i32 to index
      %swap3A_581 = arith.constant 32 : index
      %swap3A_582 = tpu.vector_load %arg6[%swap3A_578, %swap3A_579, %swap3A_580, %swap3A_581] {strides = array<i32>} : memref<2x2x128x128xf32, #tpu.memory_space<vmem>>, vector<1x1x1x16xf32>,
      %swap3A_583 = vector.shape_cast %swap3A_582 : vector<1x1x1x16xf32> to vector<16xf32>
      %swap3A_584 = vector.shape_cast %mul3A_575 : vector<16xf32> to vector<1x1x1x16xf32>
      tpu.vector_store %arg6[%swap3A_578, %swap3A_579, %swap3A_580, %swap3A_581], %swap3A_584 {strides = array<i32>} : memref<2x2x128x128xf32, #tpu.memory_space<vmem>>, vector<1x1x1x16xf32>,
      %get3A_585 = arith.constant 1 : i32
      %get3A_586 = arith.constant 0 : i32
      %get3A_587 = arith.index_cast %get3A_585 : i32 to index
      %get3A_588 = arith.index_cast %get3A_586 : i32 to index
      %get3A_589 = arith.index_cast %scan3A_526 : i32 to index
      %get3A_590 = arith.constant 48 : index
      %get3A_591 = tpu.vector_load %arg6[%get3A_587, %get3A_588, %get3A_589, %get3A_590] {strides = array<i32>} : memref<2x2x128x128xf32, #tpu.memory_space<vmem>>, vector<1x1x1x16xf32>,
      %get3A_592 = vector.shape_cast %get3A_591 : vector<1x1x1x16xf32> to vector<16xf32>
      %mul3A_593 = arith.constant 8.000000e+00 : f32
      %mul3A_594 = vector.broadcast %mul3A_593 : f32 to vector<16xf32>
      %mul3A_595 = arith.mulf %get3A_592, %mul3A_594 : vector<16xf32>
      %swap3A_596 = arith.constant 1 : i32
      %swap3A_597 = arith.constant 0 : i32
      %swap3A_598 = arith.index_cast %swap3A_596 : i32 to index
      %swap3A_599 = arith.index_cast %swap3A_597 : i32 to index
      %swap3A_600 = arith.index_cast %scan3A_526 : i32 to index
      %swap3A_601 = arith.constant 48 : index
      %swap3A_602 = tpu.vector_load %arg6[%swap3A_598, %swap3A_599, %swap3A_600, %swap3A_601] {strides = array<i32>} : memref<2x2x128x128xf32, #tpu.memory_space<vmem>>, vector<1x1x1x16xf32>,
      %swap3A_603 = vector.shape_cast %swap3A_602 : vector<1x1x1x16xf32> to vector<16xf32>
      %swap3A_604 = vector.shape_cast %mul3A_595 : vector<16xf32> to vector<1x1x1x16xf32>
      tpu.vector_store %arg6[%swap3A_598, %swap3A_599, %swap3A_600, %swap3A_601], %swap3A_604 {strides = array<i32>} : memref<2x2x128x128xf32, #tpu.memory_space<vmem>>, vector<1x1x1x16xf32>,
      %get3A_605 = arith.constant 1 : i32
      %get3A_606 = arith.constant 1 : i32
      %get3A_607 = arith.index_cast %get3A_605 : i32 to index
      %get3A_608 = arith.index_cast %get3A_606 : i32 to index
      %get3A_609 = arith.index_cast %scan3A_526 : i32 to index
      %get3A_610 = arith.constant 0 : index
      %get3A_611 = tpu.vector_load %arg6[%get3A_607, %get3A_608, %get3A_609, %get3A_610] {strides = array<i32>} : memref<2x2x128x128xf32, #tpu.memory_space<vmem>>, vector<1x1x1x16xf32>,
      %get3A_612 = vector.shape_cast %get3A_611 : vector<1x1x1x16xf32> to vector<16xf32>
      %mul3A_613 = arith.constant 8.000000e+00 : f32
      %mul3A_614 = vector.broadcast %mul3A_613 : f32 to vector<16xf32>
      %mul3A_615 = arith.mulf %get3A_612, %mul3A_614 : vector<16xf32>
      %swap3A_616 = arith.constant 1 : i32
      %swap3A_617 = arith.constant 1 : i32
      %swap3A_618 = arith.index_cast %swap3A_616 : i32 to index
      %swap3A_619 = arith.index_cast %swap3A_617 : i32 to index
      %swap3A_620 = arith.index_cast %scan3A_526 : i32 to index
      %swap3A_621 = arith.constant 0 : index
      %swap3A_622 = tpu.vector_load %arg6[%swap3A_618, %swap3A_619, %swap3A_620, %swap3A_621] {strides = array<i32>} : memref<2x2x128x128xf32, #tpu.memory_space<vmem>>, vector<1x1x1x16xf32>,
      %swap3A_623 = vector.shape_cast %swap3A_622 : vector<1x1x1x16xf32> to vector<16xf32>
      %swap3A_624 = vector.shape_cast %mul3A_615 : vector<16xf32> to vector<1x1x1x16xf32>
      tpu.vector_store %arg6[%swap3A_618, %swap3A_619, %swap3A_620, %swap3A_621], %swap3A_624 {strides = array<i32>} : memref<2x2x128x128xf32, #tpu.memory_space<vmem>>, vector<1x1x1x16xf32>,
      %get3A_625 = arith.constant 1 : i32
      %get3A_626 = arith.constant 1 : i32
      %get3A_627 = arith.index_cast %get3A_625 : i32 to index
      %get3A_628 = arith.index_cast %get3A_626 : i32 to index
      %get3A_629 = arith.index_cast %scan3A_526 : i32 to index
      %get3A_630 = arith.constant 16 : index
      %get3A_631 = tpu.vector_load %arg6[%get3A_627, %get3A_628, %get3A_629, %get3A_630] {strides = array<i32>} : memref<2x2x128x128xf32, #tpu.memory_space<vmem>>, vector<1x1x1x16xf32>,
      %get3A_632 = vector.shape_cast %get3A_631 : vector<1x1x1x16xf32> to vector<16xf32>
      %mul3A_633 = arith.constant 8.000000e+00 : f32
      %mul3A_634 = vector.broadcast %mul3A_633 : f32 to vector<16xf32>
      %mul3A_635 = arith.mulf %get3A_632, %mul3A_634 : vector<16xf32>
      %swap3A_636 = arith.constant 1 : i32
      %swap3A_637 = arith.constant 1 : i32
      %swap3A_638 = arith.index_cast %swap3A_636 : i32 to index
      %swap3A_639 = arith.index_cast %swap3A_637 : i32 to index
      %swap3A_640 = arith.index_cast %scan3A_526 : i32 to index
      %swap3A_641 = arith.constant 16 : index
      %swap3A_642 = tpu.vector_load %arg6[%swap3A_638, %swap3A_639, %swap3A_640, %swap3A_641] {strides = array<i32>} : memref<2x2x128x128xf32, #tpu.memory_space<vmem>>, vector<1x1x1x16xf32>,
      %swap3A_643 = vector.shape_cast %swap3A_642 : vector<1x1x1x16xf32> to vector<16xf32>
      %swap3A_644 = vector.shape_cast %mul3A_635 : vector<16xf32> to vector<1x1x1x16xf32>
      tpu.vector_store %arg6[%swap3A_638, %swap3A_639, %swap3A_640, %swap3A_641], %swap3A_644 {strides = array<i32>} : memref<2x2x128x128xf32, #tpu.memory_space<vmem>>, vector<1x1x1x16xf32>,
      %get3A_645 = arith.constant 1 : i32
      %get3A_646 = arith.constant 1 : i32
      %get3A_647 = arith.index_cast %get3A_645 : i32 to index
      %get3A_648 = arith.index_cast %get3A_646 : i32 to index
      %get3A_649 = arith.index_cast %scan3A_526 : i32 to index
      %get3A_650 = arith.constant 32 : index
      %get3A_651 = tpu.vector_load %arg6[%get3A_647, %get3A_648, %get3A_649, %get3A_650] {strides = array<i32>} : memref<2x2x128x128xf32, #tpu.memory_space<vmem>>, vector<1x1x1x16xf32>,
      %get3A_652 = vector.shape_cast %get3A_651 : vector<1x1x1x16xf32> to vector<16xf32>
      %mul3A_653 = arith.constant 8.000000e+00 : f32
      %mul3A_654 = vector.broadcast %mul3A_653 : f32 to vector<16xf32>
      %mul3A_655 = arith.mulf %get3A_652, %mul3A_654 : vector<16xf32>
      %swap3A_656 = arith.constant 1 : i32
      %swap3A_657 = arith.constant 1 : i32
      %swap3A_658 = arith.index_cast %swap3A_656 : i32 to index
      %swap3A_659 = arith.index_cast %swap3A_657 : i32 to index
      %swap3A_660 = arith.index_cast %scan3A_526 : i32 to index
      %swap3A_661 = arith.constant 32 : index
      %swap3A_662 = tpu.vector_load %arg6[%swap3A_658, %swap3A_659, %swap3A_660, %swap3A_661] {strides = array<i32>} : memref<2x2x128x128xf32, #tpu.memory_space<vmem>>, vector<1x1x1x16xf32>,
      %swap3A_663 = vector.shape_cast %swap3A_662 : vector<1x1x1x16xf32> to vector<16xf32>
      %swap3A_664 = vector.shape_cast %mul3A_655 : vector<16xf32> to vector<1x1x1x16xf32>
      tpu.vector_store %arg6[%swap3A_658, %swap3A_659, %swap3A_660, %swap3A_661], %swap3A_664 {strides = array<i32>} : memref<2x2x128x128xf32, #tpu.memory_space<vmem>>, vector<1x1x1x16xf32>,
      %get3A_665 = arith.constant 1 : i32
      %get3A_666 = arith.constant 1 : i32
      %get3A_667 = arith.index_cast %get3A_665 : i32 to index
      %get3A_668 = arith.index_cast %get3A_666 : i32 to index
      %get3A_669 = arith.index_cast %scan3A_526 : i32 to index
      %get3A_670 = arith.constant 48 : index
      %get3A_671 = tpu.vector_load %arg6[%get3A_667, %get3A_668, %get3A_669, %get3A_670] {strides = array<i32>} : memref<2x2x128x128xf32, #tpu.memory_space<vmem>>, vector<1x1x1x16xf32>,
      %get3A_672 = vector.shape_cast %get3A_671 : vector<1x1x1x16xf32> to vector<16xf32>
      %mul3A_673 = arith.constant 8.000000e+00 : f32
      %mul3A_674 = vector.broadcast %mul3A_673 : f32 to vector<16xf32>
      %mul3A_675 = arith.mulf %get3A_672, %mul3A_674 : vector<16xf32>
      %swap3A_676 = arith.constant 1 : i32
      %swap3A_677 = arith.constant 1 : i32
      %swap3A_678 = arith.index_cast %swap3A_676 : i32 to index
      %swap3A_679 = arith.index_cast %swap3A_677 : i32 to index
      %swap3A_680 = arith.index_cast %scan3A_526 : i32 to index
      %swap3A_681 = arith.constant 48 : index
      %swap3A_682 = tpu.vector_load %arg6[%swap3A_678, %swap3A_679, %swap3A_680, %swap3A_681] {strides = array<i32>} : memref<2x2x128x128xf32, #tpu.memory_space<vmem>>, vector<1x1x1x16xf32>,
      %swap3A_683 = vector.shape_cast %swap3A_682 : vector<1x1x1x16xf32> to vector<16xf32>
      %swap3A_684 = vector.shape_cast %mul3A_675 : vector<16xf32> to vector<1x1x1x16xf32>
      tpu.vector_store %arg6[%swap3A_678, %swap3A_679, %swap3A_680, %swap3A_681], %swap3A_684 {strides = array<i32>} : memref<2x2x128x128xf32, #tpu.memory_space<vmem>>, vector<1x1x1x16xf32>,
      %scan3A_685 = arith.constant 1 : i32
      %scan3A_686 = arith.addi %scan3A_526, %scan3A_685 : i32
      %get3A_687 = arith.constant 1 : i32
      %get3A_688 = arith.constant 0 : i32
      %get3A_689 = arith.index_cast %get3A_687 : i32 to index
      %get3A_690 = arith.index_cast %get3A_688 : i32 to index
      %get3A_691 = arith.index_cast %scan3A_686 : i32 to index
      %get3A_692 = arith.constant 0 : index
      %get3A_693 = tpu.vector_load %arg6[%get3A_689, %get3A_690, %get3A_691, %get3A_692] {strides = array<i32>} : memref<2x2x128x128xf32, #tpu.memory_space<vmem>>, vector<1x1x1x16xf32>,
      %get3A_694 = vector.shape_cast %get3A_693 : vector<1x1x1x16xf32> to vector<16xf32>
      %mul3A_695 = arith.constant 8.000000e+00 : f32
      %mul3A_696 = vector.broadcast %mul3A_695 : f32 to vector<16xf32>
      %mul3A_697 = arith.mulf %get3A_694, %mul3A_696 : vector<16xf32>
      %swap3A_698 = arith.constant 1 : i32
      %swap3A_699 = arith.constant 0 : i32
      %swap3A_700 = arith.index_cast %swap3A_698 : i32 to index
      %swap3A_701 = arith.index_cast %swap3A_699 : i32 to index
      %swap3A_702 = arith.index_cast %scan3A_686 : i32 to index
      %swap3A_703 = arith.constant 0 : index
      %swap3A_704 = tpu.vector_load %arg6[%swap3A_700, %swap3A_701, %swap3A_702, %swap3A_703] {strides = array<i32>} : memref<2x2x128x128xf32, #tpu.memory_space<vmem>>, vector<1x1x1x16xf32>,
      %swap3A_705 = vector.shape_cast %swap3A_704 : vector<1x1x1x16xf32> to vector<16xf32>
      %swap3A_706 = vector.shape_cast %mul3A_697 : vector<16xf32> to vector<1x1x1x16xf32>
      tpu.vector_store %arg6[%swap3A_700, %swap3A_701, %swap3A_702, %swap3A_703], %swap3A_706 {strides = array<i32>} : memref<2x2x128x128xf32, #tpu.memory_space<vmem>>, vector<1x1x1x16xf32>,
      %get3A_707 = arith.constant 1 : i32
      %get3A_708 = arith.constant 0 : i32
      %get3A_709 = arith.index_cast %get3A_707 : i32 to index
      %get3A_710 = arith.index_cast %get3A_708 : i32 to index
      %get3A_711 = arith.index_cast %scan3A_686 : i32 to index
      %get3A_712 = arith.constant 16 : index
      %get3A_713 = tpu.vector_load %arg6[%get3A_709, %get3A_710, %get3A_711, %get3A_712] {strides = array<i32>} : memref<2x2x128x128xf32, #tpu.memory_space<vmem>>, vector<1x1x1x16xf32>,
      %get3A_714 = vector.shape_cast %get3A_713 : vector<1x1x1x16xf32> to vector<16xf32>
      %mul3A_715 = arith.constant 8.000000e+00 : f32
      %mul3A_716 = vector.broadcast %mul3A_715 : f32 to vector<16xf32>
      %mul3A_717 = arith.mulf %get3A_714, %mul3A_716 : vector<16xf32>
      %swap3A_718 = arith.constant 1 : i32
      %swap3A_719 = arith.constant 0 : i32
      %swap3A_720 = arith.index_cast %swap3A_718 : i32 to index
      %swap3A_721 = arith.index_cast %swap3A_719 : i32 to index
      %swap3A_722 = arith.index_cast %scan3A_686 : i32 to index
      %swap3A_723 = arith.constant 16 : index
      %swap3A_724 = tpu.vector_load %arg6[%swap3A_720, %swap3A_721, %swap3A_722, %swap3A_723] {strides = array<i32>} : memref<2x2x128x128xf32, #tpu.memory_space<vmem>>, vector<1x1x1x16xf32>,
      %swap3A_725 = vector.shape_cast %swap3A_724 : vector<1x1x1x16xf32> to vector<16xf32>
      %swap3A_726 = vector.shape_cast %mul3A_717 : vector<16xf32> to vector<1x1x1x16xf32>
      tpu.vector_store %arg6[%swap3A_720, %swap3A_721, %swap3A_722, %swap3A_723], %swap3A_726 {strides = array<i32>} : memref<2x2x128x128xf32, #tpu.memory_space<vmem>>, vector<1x1x1x16xf32>,
      %get3A_727 = arith.constant 1 : i32
      %get3A_728 = arith.constant 0 : i32
      %get3A_729 = arith.index_cast %get3A_727 : i32 to index
      %get3A_730 = arith.index_cast %get3A_728 : i32 to index
      %get3A_731 = arith.index_cast %scan3A_686 : i32 to index
      %get3A_732 = arith.constant 32 : index
      %get3A_733 = tpu.vector_load %arg6[%get3A_729, %get3A_730, %get3A_731, %get3A_732] {strides = array<i32>} : memref<2x2x128x128xf32, #tpu.memory_space<vmem>>, vector<1x1x1x16xf32>,
      %get3A_734 = vector.shape_cast %get3A_733 : vector<1x1x1x16xf32> to vector<16xf32>
      %mul3A_735 = arith.constant 8.000000e+00 : f32
      %mul3A_736 = vector.broadcast %mul3A_735 : f32 to vector<16xf32>
      %mul3A_737 = arith.mulf %get3A_734, %mul3A_736 : vector<16xf32>
      %swap3A_738 = arith.constant 1 : i32
      %swap3A_739 = arith.constant 0 : i32
      %swap3A_740 = arith.index_cast %swap3A_738 : i32 to index
      %swap3A_741 = arith.index_cast %swap3A_739 : i32 to index
      %swap3A_742 = arith.index_cast %scan3A_686 : i32 to index
      %swap3A_743 = arith.constant 32 : index
      %swap3A_744 = tpu.vector_load %arg6[%swap3A_740, %swap3A_741, %swap3A_742, %swap3A_743] {strides = array<i32>} : memref<2x2x128x128xf32, #tpu.memory_space<vmem>>, vector<1x1x1x16xf32>,
      %swap3A_745 = vector.shape_cast %swap3A_744 : vector<1x1x1x16xf32> to vector<16xf32>
      %swap3A_746 = vector.shape_cast %mul3A_737 : vector<16xf32> to vector<1x1x1x16xf32>
      tpu.vector_store %arg6[%swap3A_740, %swap3A_741, %swap3A_742, %swap3A_743], %swap3A_746 {strides = array<i32>} : memref<2x2x128x128xf32, #tpu.memory_space<vmem>>, vector<1x1x1x16xf32>,
      %get3A_747 = arith.constant 1 : i32
      %get3A_748 = arith.constant 0 : i32
      %get3A_749 = arith.index_cast %get3A_747 : i32 to index
      %get3A_750 = arith.index_cast %get3A_748 : i32 to index
      %get3A_751 = arith.index_cast %scan3A_686 : i32 to index
      %get3A_752 = arith.constant 48 : index
      %get3A_753 = tpu.vector_load %arg6[%get3A_749, %get3A_750, %get3A_751, %get3A_752] {strides = array<i32>} : memref<2x2x128x128xf32, #tpu.memory_space<vmem>>, vector<1x1x1x16xf32>,
      %get3A_754 = vector.shape_cast %get3A_753 : vector<1x1x1x16xf32> to vector<16xf32>
      %mul3A_755 = arith.constant 8.000000e+00 : f32
      %mul3A_756 = vector.broadcast %mul3A_755 : f32 to vector<16xf32>
      %mul3A_757 = arith.mulf %get3A_754, %mul3A_756 : vector<16xf32>
      %swap3A_758 = arith.constant 1 : i32
      %swap3A_759 = arith.constant 0 : i32
      %swap3A_760 = arith.index_cast %swap3A_758 : i32 to index
      %swap3A_761 = arith.index_cast %swap3A_759 : i32 to index
      %swap3A_762 = arith.index_cast %scan3A_686 : i32 to index
      %swap3A_763 = arith.constant 48 : index
      %swap3A_764 = tpu.vector_load %arg6[%swap3A_760, %swap3A_761, %swap3A_762, %swap3A_763] {strides = array<i32>} : memref<2x2x128x128xf32, #tpu.memory_space<vmem>>, vector<1x1x1x16xf32>,
      %swap3A_765 = vector.shape_cast %swap3A_764 : vector<1x1x1x16xf32> to vector<16xf32>
      %swap3A_766 = vector.shape_cast %mul3A_757 : vector<16xf32> to vector<1x1x1x16xf32>
      tpu.vector_store %arg6[%swap3A_760, %swap3A_761, %swap3A_762, %swap3A_763], %swap3A_766 {strides = array<i32>} : memref<2x2x128x128xf32, #tpu.memory_space<vmem>>, vector<1x1x1x16xf32>,
      %get3A_767 = arith.constant 1 : i32
      %get3A_768 = arith.constant 1 : i32
      %get3A_769 = arith.index_cast %get3A_767 : i32 to index
      %get3A_770 = arith.index_cast %get3A_768 : i32 to index
      %get3A_771 = arith.index_cast %scan3A_686 : i32 to index
      %get3A_772 = arith.constant 0 : index
      %get3A_773 = tpu.vector_load %arg6[%get3A_769, %get3A_770, %get3A_771, %get3A_772] {strides = array<i32>} : memref<2x2x128x128xf32, #tpu.memory_space<vmem>>, vector<1x1x1x16xf32>,
      %get3A_774 = vector.shape_cast %get3A_773 : vector<1x1x1x16xf32> to vector<16xf32>
      %mul3A_775 = arith.constant 8.000000e+00 : f32
      %mul3A_776 = vector.broadcast %mul3A_775 : f32 to vector<16xf32>
      %mul3A_777 = arith.mulf %get3A_774, %mul3A_776 : vector<16xf32>
      %swap3A_778 = arith.constant 1 : i32
      %swap3A_779 = arith.constant 1 : i32
      %swap3A_780 = arith.index_cast %swap3A_778 : i32 to index
      %swap3A_781 = arith.index_cast %swap3A_779 : i32 to index
      %swap3A_782 = arith.index_cast %scan3A_686 : i32 to index
      %swap3A_783 = arith.constant 0 : index
      %swap3A_784 = tpu.vector_load %arg6[%swap3A_780, %swap3A_781, %swap3A_782, %swap3A_783] {strides = array<i32>} : memref<2x2x128x128xf32, #tpu.memory_space<vmem>>, vector<1x1x1x16xf32>,
      %swap3A_785 = vector.shape_cast %swap3A_784 : vector<1x1x1x16xf32> to vector<16xf32>
      %swap3A_786 = vector.shape_cast %mul3A_777 : vector<16xf32> to vector<1x1x1x16xf32>
      tpu.vector_store %arg6[%swap3A_780, %swap3A_781, %swap3A_782, %swap3A_783], %swap3A_786 {strides = array<i32>} : memref<2x2x128x128xf32, #tpu.memory_space<vmem>>, vector<1x1x1x16xf32>,
      %get3A_787 = arith.constant 1 : i32
      %get3A_788 = arith.constant 1 : i32
      %get3A_789 = arith.index_cast %get3A_787 : i32 to index
      %get3A_790 = arith.index_cast %get3A_788 : i32 to index
      %get3A_791 = arith.index_cast %scan3A_686 : i32 to index
      %get3A_792 = arith.constant 16 : index
      %get3A_793 = tpu.vector_load %arg6[%get3A_789, %get3A_790, %get3A_791, %get3A_792] {strides = array<i32>} : memref<2x2x128x128xf32, #tpu.memory_space<vmem>>, vector<1x1x1x16xf32>,
      %get3A_794 = vector.shape_cast %get3A_793 : vector<1x1x1x16xf32> to vector<16xf32>
      %mul3A_795 = arith.constant 8.000000e+00 : f32
      %mul3A_796 = vector.broadcast %mul3A_795 : f32 to vector<16xf32>
      %mul3A_797 = arith.mulf %get3A_794, %mul3A_796 : vector<16xf32>
      %swap3A_798 = arith.constant 1 : i32
      %swap3A_799 = arith.constant 1 : i32
      %swap3A_800 = arith.index_cast %swap3A_798 : i32 to index
      %swap3A_801 = arith.index_cast %swap3A_799 : i32 to index
      %swap3A_802 = arith.index_cast %scan3A_686 : i32 to index
      %swap3A_803 = arith.constant 16 : index
      %swap3A_804 = tpu.vector_load %arg6[%swap3A_800, %swap3A_801, %swap3A_802, %swap3A_803] {strides = array<i32>} : memref<2x2x128x128xf32, #tpu.memory_space<vmem>>, vector<1x1x1x16xf32>,
      %swap3A_805 = vector.shape_cast %swap3A_804 : vector<1x1x1x16xf32> to vector<16xf32>
      %swap3A_806 = vector.shape_cast %mul3A_797 : vector<16xf32> to vector<1x1x1x16xf32>
      tpu.vector_store %arg6[%swap3A_800, %swap3A_801, %swap3A_802, %swap3A_803], %swap3A_806 {strides = array<i32>} : memref<2x2x128x128xf32, #tpu.memory_space<vmem>>, vector<1x1x1x16xf32>,
      %get3A_807 = arith.constant 1 : i32
      %get3A_808 = arith.constant 1 : i32
      %get3A_809 = arith.index_cast %get3A_807 : i32 to index
      %get3A_810 = arith.index_cast %get3A_808 : i32 to index
      %get3A_811 = arith.index_cast %scan3A_686 : i32 to index
      %get3A_812 = arith.constant 32 : index
      %get3A_813 = tpu.vector_load %arg6[%get3A_809, %get3A_810, %get3A_811, %get3A_812] {strides = array<i32>} : memref<2x2x128x128xf32, #tpu.memory_space<vmem>>, vector<1x1x1x16xf32>,
      %get3A_814 = vector.shape_cast %get3A_813 : vector<1x1x1x16xf32> to vector<16xf32>
      %mul3A_815 = arith.constant 8.000000e+00 : f32
      %mul3A_816 = vector.broadcast %mul3A_815 : f32 to vector<16xf32>
      %mul3A_817 = arith.mulf %get3A_814, %mul3A_816 : vector<16xf32>
      %swap3A_818 = arith.constant 1 : i32
      %swap3A_819 = arith.constant 1 : i32
      %swap3A_820 = arith.index_cast %swap3A_818 : i32 to index
      %swap3A_821 = arith.index_cast %swap3A_819 : i32 to index
      %swap3A_822 = arith.index_cast %scan3A_686 : i32 to index
      %swap3A_823 = arith.constant 32 : index
      %swap3A_824 = tpu.vector_load %arg6[%swap3A_820, %swap3A_821, %swap3A_822, %swap3A_823] {strides = array<i32>} : memref<2x2x128x128xf32, #tpu.memory_space<vmem>>, vector<1x1x1x16xf32>,
      %swap3A_825 = vector.shape_cast %swap3A_824 : vector<1x1x1x16xf32> to vector<16xf32>
      %swap3A_826 = vector.shape_cast %mul3A_817 : vector<16xf32> to vector<1x1x1x16xf32>
      tpu.vector_store %arg6[%swap3A_820, %swap3A_821, %swap3A_822, %swap3A_823], %swap3A_826 {strides = array<i32>} : memref<2x2x128x128xf32, #tpu.memory_space<vmem>>, vector<1x1x1x16xf32>,
      %get3A_827 = arith.constant 1 : i32
      %get3A_828 = arith.constant 1 : i32
      %get3A_829 = arith.index_cast %get3A_827 : i32 to index
      %get3A_830 = arith.index_cast %get3A_828 : i32 to index
      %get3A_831 = arith.index_cast %scan3A_686 : i32 to index
      %get3A_832 = arith.constant 48 : index
      %get3A_833 = tpu.vector_load %arg6[%get3A_829, %get3A_830, %get3A_831, %get3A_832] {strides = array<i32>} : memref<2x2x128x128xf32, #tpu.memory_space<vmem>>, vector<1x1x1x16xf32>,
      %get3A_834 = vector.shape_cast %get3A_833 : vector<1x1x1x16xf32> to vector<16xf32>
      %mul3A_835 = arith.constant 8.000000e+00 : f32
      %mul3A_836 = vector.broadcast %mul3A_835 : f32 to vector<16xf32>
      %mul3A_837 = arith.mulf %get3A_834, %mul3A_836 : vector<16xf32>
      %swap3A_838 = arith.constant 1 : i32
      %swap3A_839 = arith.constant 1 : i32
      %swap3A_840 = arith.index_cast %swap3A_838 : i32 to index
      %swap3A_841 = arith.index_cast %swap3A_839 : i32 to index
      %swap3A_842 = arith.index_cast %scan3A_686 : i32 to index
      %swap3A_843 = arith.constant 48 : index
      %swap3A_844 = tpu.vector_load %arg6[%swap3A_840, %swap3A_841, %swap3A_842, %swap3A_843] {strides = array<i32>} : memref<2x2x128x128xf32, #tpu.memory_space<vmem>>, vector<1x1x1x16xf32>,
      %swap3A_845 = vector.shape_cast %swap3A_844 : vector<1x1x1x16xf32> to vector<16xf32>
      %swap3A_846 = vector.shape_cast %mul3A_837 : vector<16xf32> to vector<1x1x1x16xf32>
      tpu.vector_store %arg6[%swap3A_840, %swap3A_841, %swap3A_842, %swap3A_843], %swap3A_846 {strides = array<i32>} : memref<2x2x128x128xf32, #tpu.memory_space<vmem>>, vector<1x1x1x16xf32>,
      %scan3A_847 = arith.constant 2 : i32
      %scan3A_848 = arith.addi %scan3A_526, %scan3A_847 : i32
      %get3A_849 = arith.constant 1 : i32
      %get3A_850 = arith.constant 0 : i32
      %get3A_851 = arith.index_cast %get3A_849 : i32 to index
      %get3A_852 = arith.index_cast %get3A_850 : i32 to index
      %get3A_853 = arith.index_cast %scan3A_848 : i32 to index
      %get3A_854 = arith.constant 0 : index
      %get3A_855 = tpu.vector_load %arg6[%get3A_851, %get3A_852, %get3A_853, %get3A_854] {strides = array<i32>} : memref<2x2x128x128xf32, #tpu.memory_space<vmem>>, vector<1x1x1x16xf32>,
      %get3A_856 = vector.shape_cast %get3A_855 : vector<1x1x1x16xf32> to vector<16xf32>
      %mul3A_857 = arith.constant 8.000000e+00 : f32
      %mul3A_858 = vector.broadcast %mul3A_857 : f32 to vector<16xf32>
      %mul3A_859 = arith.mulf %get3A_856, %mul3A_858 : vector<16xf32>
      %swap3A_860 = arith.constant 1 : i32
      %swap3A_861 = arith.constant 0 : i32
      %swap3A_862 = arith.index_cast %swap3A_860 : i32 to index
      %swap3A_863 = arith.index_cast %swap3A_861 : i32 to index
      %swap3A_864 = arith.index_cast %scan3A_848 : i32 to index
      %swap3A_865 = arith.constant 0 : index
      %swap3A_866 = tpu.vector_load %arg6[%swap3A_862, %swap3A_863, %swap3A_864, %swap3A_865] {strides = array<i32>} : memref<2x2x128x128xf32, #tpu.memory_space<vmem>>, vector<1x1x1x16xf32>,
      %swap3A_867 = vector.shape_cast %swap3A_866 : vector<1x1x1x16xf32> to vector<16xf32>
      %swap3A_868 = vector.shape_cast %mul3A_859 : vector<16xf32> to vector<1x1x1x16xf32>
      tpu.vector_store %arg6[%swap3A_862, %swap3A_863, %swap3A_864, %swap3A_865], %swap3A_868 {strides = array<i32>} : memref<2x2x128x128xf32, #tpu.memory_space<vmem>>, vector<1x1x1x16xf32>,
      %get3A_869 = arith.constant 1 : i32
      %get3A_870 = arith.constant 0 : i32
      %get3A_871 = arith.index_cast %get3A_869 : i32 to index
      %get3A_872 = arith.index_cast %get3A_870 : i32 to index
      %get3A_873 = arith.index_cast %scan3A_848 : i32 to index
      %get3A_874 = arith.constant 16 : index
      %get3A_875 = tpu.vector_load %arg6[%get3A_871, %get3A_872, %get3A_873, %get3A_874] {strides = array<i32>} : memref<2x2x128x128xf32, #tpu.memory_space<vmem>>, vector<1x1x1x16xf32>,
      %get3A_876 = vector.shape_cast %get3A_875 : vector<1x1x1x16xf32> to vector<16xf32>
      %mul3A_877 = arith.constant 8.000000e+00 : f32
      %mul3A_878 = vector.broadcast %mul3A_877 : f32 to vector<16xf32>
      %mul3A_879 = arith.mulf %get3A_876, %mul3A_878 : vector<16xf32>
      %swap3A_880 = arith.constant 1 : i32
      %swap3A_881 = arith.constant 0 : i32
      %swap3A_882 = arith.index_cast %swap3A_880 : i32 to index
      %swap3A_883 = arith.index_cast %swap3A_881 : i32 to index
      %swap3A_884 = arith.index_cast %scan3A_848 : i32 to index
      %swap3A_885 = arith.constant 16 : index
      %swap3A_886 = tpu.vector_load %arg6[%swap3A_882, %swap3A_883, %swap3A_884, %swap3A_885] {strides = array<i32>} : memref<2x2x128x128xf32, #tpu.memory_space<vmem>>, vector<1x1x1x16xf32>,
      %swap3A_887 = vector.shape_cast %swap3A_886 : vector<1x1x1x16xf32> to vector<16xf32>
      %swap3A_888 = vector.shape_cast %mul3A_879 : vector<16xf32> to vector<1x1x1x16xf32>
      tpu.vector_store %arg6[%swap3A_882, %swap3A_883, %swap3A_884, %swap3A_885], %swap3A_888 {strides = array<i32>} : memref<2x2x128x128xf32, #tpu.memory_space<vmem>>, vector<1x1x1x16xf32>,
      %get3A_889 = arith.constant 1 : i32
      %get3A_890 = arith.constant 0 : i32
      %get3A_891 = arith.index_cast %get3A_889 : i32 to index
      %get3A_892 = arith.index_cast %get3A_890 : i32 to index
      %get3A_893 = arith.index_cast %scan3A_848 : i32 to index
      %get3A_894 = arith.constant 32 : index
      %get3A_895 = tpu.vector_load %arg6[%get3A_891, %get3A_892, %get3A_893, %get3A_894] {strides = array<i32>} : memref<2x2x128x128xf32, #tpu.memory_space<vmem>>, vector<1x1x1x16xf32>,
      %get3A_896 = vector.shape_cast %get3A_895 : vector<1x1x1x16xf32> to vector<16xf32>
      %mul3A_897 = arith.constant 8.000000e+00 : f32
      %mul3A_898 = vector.broadcast %mul3A_897 : f32 to vector<16xf32>
      %mul3A_899 = arith.mulf %get3A_896, %mul3A_898 : vector<16xf32>
      %swap3A_900 = arith.constant 1 : i32
      %swap3A_901 = arith.constant 0 : i32
      %swap3A_902 = arith.index_cast %swap3A_900 : i32 to index
      %swap3A_903 = arith.index_cast %swap3A_901 : i32 to index
      %swap3A_904 = arith.index_cast %scan3A_848 : i32 to index
      %swap3A_905 = arith.constant 32 : index
      %swap3A_906 = tpu.vector_load %arg6[%swap3A_902, %swap3A_903, %swap3A_904, %swap3A_905] {strides = array<i32>} : memref<2x2x128x128xf32, #tpu.memory_space<vmem>>, vector<1x1x1x16xf32>,
      %swap3A_907 = vector.shape_cast %swap3A_906 : vector<1x1x1x16xf32> to vector<16xf32>
      %swap3A_908 = vector.shape_cast %mul3A_899 : vector<16xf32> to vector<1x1x1x16xf32>
      tpu.vector_store %arg6[%swap3A_902, %swap3A_903, %swap3A_904, %swap3A_905], %swap3A_908 {strides = array<i32>} : memref<2x2x128x128xf32, #tpu.memory_space<vmem>>, vector<1x1x1x16xf32>,
      %get3A_909 = arith.constant 1 : i32
      %get3A_910 = arith.constant 0 : i32
      %get3A_911 = arith.index_cast %get3A_909 : i32 to index
      %get3A_912 = arith.index_cast %get3A_910 : i32 to index
      %get3A_913 = arith.index_cast %scan3A_848 : i32 to index
      %get3A_914 = arith.constant 48 : index
      %get3A_915 = tpu.vector_load %arg6[%get3A_911, %get3A_912, %get3A_913, %get3A_914] {strides = array<i32>} : memref<2x2x128x128xf32, #tpu.memory_space<vmem>>, vector<1x1x1x16xf32>,
      %get3A_916 = vector.shape_cast %get3A_915 : vector<1x1x1x16xf32> to vector<16xf32>
      %mul3A_917 = arith.constant 8.000000e+00 : f32
      %mul3A_918 = vector.broadcast %mul3A_917 : f32 to vector<16xf32>
      %mul3A_919 = arith.mulf %get3A_916, %mul3A_918 : vector<16xf32>
      %swap3A_920 = arith.constant 1 : i32
      %swap3A_921 = arith.constant 0 : i32
      %swap3A_922 = arith.index_cast %swap3A_920 : i32 to index
      %swap3A_923 = arith.index_cast %swap3A_921 : i32 to index
      %swap3A_924 = arith.index_cast %scan3A_848 : i32 to index
      %swap3A_925 = arith.constant 48 : index
      %swap3A_926 = tpu.vector_load %arg6[%swap3A_922, %swap3A_923, %swap3A_924, %swap3A_925] {strides = array<i32>} : memref<2x2x128x128xf32, #tpu.memory_space<vmem>>, vector<1x1x1x16xf32>,
      %swap3A_927 = vector.shape_cast %swap3A_926 : vector<1x1x1x16xf32> to vector<16xf32>
      %swap3A_928 = vector.shape_cast %mul3A_919 : vector<16xf32> to vector<1x1x1x16xf32>
      tpu.vector_store %arg6[%swap3A_922, %swap3A_923, %swap3A_924, %swap3A_925], %swap3A_928 {strides = array<i32>} : memref<2x2x128x128xf32, #tpu.memory_space<vmem>>, vector<1x1x1x16xf32>,
      %get3A_929 = arith.constant 1 : i32
      %get3A_930 = arith.constant 1 : i32
      %get3A_931 = arith.index_cast %get3A_929 : i32 to index
      %get3A_932 = arith.index_cast %get3A_930 : i32 to index
      %get3A_933 = arith.index_cast %scan3A_848 : i32 to index
      %get3A_934 = arith.constant 0 : index
      %get3A_935 = tpu.vector_load %arg6[%get3A_931, %get3A_932, %get3A_933, %get3A_934] {strides = array<i32>} : memref<2x2x128x128xf32, #tpu.memory_space<vmem>>, vector<1x1x1x16xf32>,
      %get3A_936 = vector.shape_cast %get3A_935 : vector<1x1x1x16xf32> to vector<16xf32>
      %mul3A_937 = arith.constant 8.000000e+00 : f32
      %mul3A_938 = vector.broadcast %mul3A_937 : f32 to vector<16xf32>
      %mul3A_939 = arith.mulf %get3A_936, %mul3A_938 : vector<16xf32>
      %swap3A_940 = arith.constant 1 : i32
      %swap3A_941 = arith.constant 1 : i32
      %swap3A_942 = arith.index_cast %swap3A_940 : i32 to index
      %swap3A_943 = arith.index_cast %swap3A_941 : i32 to index
      %swap3A_944 = arith.index_cast %scan3A_848 : i32 to index
      %swap3A_945 = arith.constant 0 : index
      %swap3A_946 = tpu.vector_load %arg6[%swap3A_942, %swap3A_943, %swap3A_944, %swap3A_945] {strides = array<i32>} : memref<2x2x128x128xf32, #tpu.memory_space<vmem>>, vector<1x1x1x16xf32>,
      %swap3A_947 = vector.shape_cast %swap3A_946 : vector<1x1x1x16xf32> to vector<16xf32>
      %swap3A_948 = vector.shape_cast %mul3A_939 : vector<16xf32> to vector<1x1x1x16xf32>
      tpu.vector_store %arg6[%swap3A_942, %swap3A_943, %swap3A_944, %swap3A_945], %swap3A_948 {strides = array<i32>} : memref<2x2x128x128xf32, #tpu.memory_space<vmem>>, vector<1x1x1x16xf32>,
      %get3A_949 = arith.constant 1 : i32
      %get3A_950 = arith.constant 1 : i32
      %get3A_951 = arith.index_cast %get3A_949 : i32 to index
      %get3A_952 = arith.index_cast %get3A_950 : i32 to index
      %get3A_953 = arith.index_cast %scan3A_848 : i32 to index
      %get3A_954 = arith.constant 16 : index
      %get3A_955 = tpu.vector_load %arg6[%get3A_951, %get3A_952, %get3A_953, %get3A_954] {strides = array<i32>} : memref<2x2x128x128xf32, #tpu.memory_space<vmem>>, vector<1x1x1x16xf32>,
      %get3A_956 = vector.shape_cast %get3A_955 : vector<1x1x1x16xf32> to vector<16xf32>
      %mul3A_957 = arith.constant 8.000000e+00 : f32
      %mul3A_958 = vector.broadcast %mul3A_957 : f32 to vector<16xf32>
      %mul3A_959 = arith.mulf %get3A_956, %mul3A_958 : vector<16xf32>
      %swap3A_960 = arith.constant 1 : i32
      %swap3A_961 = arith.constant 1 : i32
      %swap3A_962 = arith.index_cast %swap3A_960 : i32 to index
      %swap3A_963 = arith.index_cast %swap3A_961 : i32 to index
      %swap3A_964 = arith.index_cast %scan3A_848 : i32 to index
      %swap3A_965 = arith.constant 16 : index
      %swap3A_966 = tpu.vector_load %arg6[%swap3A_962, %swap3A_963, %swap3A_964, %swap3A_965] {strides = array<i32>} : memref<2x2x128x128xf32, #tpu.memory_space<vmem>>, vector<1x1x1x16xf32>,
      %swap3A_967 = vector.shape_cast %swap3A_966 : vector<1x1x1x16xf32> to vector<16xf32>
      %swap3A_968 = vector.shape_cast %mul3A_959 : vector<16xf32> to vector<1x1x1x16xf32>
      tpu.vector_store %arg6[%swap3A_962, %swap3A_963, %swap3A_964, %swap3A_965], %swap3A_968 {strides = array<i32>} : memref<2x2x128x128xf32, #tpu.memory_space<vmem>>, vector<1x1x1x16xf32>,
      %get3A_969 = arith.constant 1 : i32
      %get3A_970 = arith.constant 1 : i32
      %get3A_971 = arith.index_cast %get3A_969 : i32 to index
      %get3A_972 = arith.index_cast %get3A_970 : i32 to index
      %get3A_973 = arith.index_cast %scan3A_848 : i32 to index
      %get3A_974 = arith.constant 32 : index
      %get3A_975 = tpu.vector_load %arg6[%get3A_971, %get3A_972, %get3A_973, %get3A_974] {strides = array<i32>} : memref<2x2x128x128xf32, #tpu.memory_space<vmem>>, vector<1x1x1x16xf32>,
      %get3A_976 = vector.shape_cast %get3A_975 : vector<1x1x1x16xf32> to vector<16xf32>
      %mul3A_977 = arith.constant 8.000000e+00 : f32
      %mul3A_978 = vector.broadcast %mul3A_977 : f32 to vector<16xf32>
      %mul3A_979 = arith.mulf %get3A_976, %mul3A_978 : vector<16xf32>
      %swap3A_980 = arith.constant 1 : i32
      %swap3A_981 = arith.constant 1 : i32
      %swap3A_982 = arith.index_cast %swap3A_980 : i32 to index
      %swap3A_983 = arith.index_cast %swap3A_981 : i32 to index
      %swap3A_984 = arith.index_cast %scan3A_848 : i32 to index
      %swap3A_985 = arith.constant 32 : index
      %swap3A_986 = tpu.vector_load %arg6[%swap3A_982, %swap3A_983, %swap3A_984, %swap3A_985] {strides = array<i32>} : memref<2x2x128x128xf32, #tpu.memory_space<vmem>>, vector<1x1x1x16xf32>,
      %swap3A_987 = vector.shape_cast %swap3A_986 : vector<1x1x1x16xf32> to vector<16xf32>
      %swap3A_988 = vector.shape_cast %mul3A_979 : vector<16xf32> to vector<1x1x1x16xf32>
      tpu.vector_store %arg6[%swap3A_982, %swap3A_983, %swap3A_984, %swap3A_985], %swap3A_988 {strides = array<i32>} : memref<2x2x128x128xf32, #tpu.memory_space<vmem>>, vector<1x1x1x16xf32>,
      %get3A_989 = arith.constant 1 : i32
      %get3A_990 = arith.constant 1 : i32
      %get3A_991 = arith.index_cast %get3A_989 : i32 to index
      %get3A_992 = arith.index_cast %get3A_990 : i32 to index
      %get3A_993 = arith.index_cast %scan3A_848 : i32 to index
      %get3A_994 = arith.constant 48 : index
      %get3A_995 = tpu.vector_load %arg6[%get3A_991, %get3A_992, %get3A_993, %get3A_994] {strides = array<i32>} : memref<2x2x128x128xf32, #tpu.memory_space<vmem>>, vector<1x1x1x16xf32>,
      %get3A_996 = vector.shape_cast %get3A_995 : vector<1x1x1x16xf32> to vector<16xf32>
      %mul3A_997 = arith.constant 8.000000e+00 : f32
      %mul3A_998 = vector.broadcast %mul3A_997 : f32 to vector<16xf32>
      %mul3A_999 = arith.mulf %get3A_996, %mul3A_998 : vector<16xf32>
      %swap3A_1000 = arith.constant 1 : i32
      %swap3A_1001 = arith.constant 1 : i32
      %swap3A_1002 = arith.index_cast %swap3A_1000 : i32 to index
      %swap3A_1003 = arith.index_cast %swap3A_1001 : i32 to index
      %swap3A_1004 = arith.index_cast %scan3A_848 : i32 to index
      %swap3A_1005 = arith.constant 48 : index
      %swap3A_1006 = tpu.vector_load %arg6[%swap3A_1002, %swap3A_1003, %swap3A_1004, %swap3A_1005] {strides = array<i32>} : memref<2x2x128x128xf32, #tpu.memory_space<vmem>>, vector<1x1x1x16xf32>,
      %swap3A_1007 = vector.shape_cast %swap3A_1006 : vector<1x1x1x16xf32> to vector<16xf32>
      %swap3A_1008 = vector.shape_cast %mul3A_999 : vector<16xf32> to vector<1x1x1x16xf32>
      tpu.vector_store %arg6[%swap3A_1002, %swap3A_1003, %swap3A_1004, %swap3A_1005], %swap3A_1008 {strides = array<i32>} : memref<2x2x128x128xf32, #tpu.memory_space<vmem>>, vector<1x1x1x16xf32>,
      %scan3A_1009 = arith.constant 3 : i32
      %scan3A_1010 = arith.addi %scan3A_526, %scan3A_1009 : i32
      %get3A_1011 = arith.constant 1 : i32
      %get3A_1012 = arith.constant 0 : i32
      %get3A_1013 = arith.index_cast %get3A_1011 : i32 to index
      %get3A_1014 = arith.index_cast %get3A_1012 : i32 to index
      %get3A_1015 = arith.index_cast %scan3A_1010 : i32 to index
      %get3A_1016 = arith.constant 0 : index
      %get3A_1017 = tpu.vector_load %arg6[%get3A_1013, %get3A_1014, %get3A_1015, %get3A_1016] {strides = array<i32>} : memref<2x2x128x128xf32, #tpu.memory_space<vmem>>, vector<1x1x1x16xf32>,
      %get3A_1018 = vector.shape_cast %get3A_1017 : vector<1x1x1x16xf32> to vector<16xf32>
      %mul3A_1019 = arith.constant 8.000000e+00 : f32
      %mul3A_1020 = vector.broadcast %mul3A_1019 : f32 to vector<16xf32>
      %mul3A_1021 = arith.mulf %get3A_1018, %mul3A_1020 : vector<16xf32>
      %swap3A_1022 = arith.constant 1 : i32
      %swap3A_1023 = arith.constant 0 : i32
      %swap3A_1024 = arith.index_cast %swap3A_1022 : i32 to index
      %swap3A_1025 = arith.index_cast %swap3A_1023 : i32 to index
      %swap3A_1026 = arith.index_cast %scan3A_1010 : i32 to index
      %swap3A_1027 = arith.constant 0 : index
      %swap3A_1028 = tpu.vector_load %arg6[%swap3A_1024, %swap3A_1025, %swap3A_1026, %swap3A_1027] {strides = array<i32>} : memref<2x2x128x128xf32, #tpu.memory_space<vmem>>, vector<1x1x1x16xf32>,
      %swap3A_1029 = vector.shape_cast %swap3A_1028 : vector<1x1x1x16xf32> to vector<16xf32>
      %swap3A_1030 = vector.shape_cast %mul3A_1021 : vector<16xf32> to vector<1x1x1x16xf32>
      tpu.vector_store %arg6[%swap3A_1024, %swap3A_1025, %swap3A_1026, %swap3A_1027], %swap3A_1030 {strides = array<i32>} : memref<2x2x128x128xf32, #tpu.memory_space<vmem>>, vector<1x1x1x16xf32>,
      %get3A_1031 = arith.constant 1 : i32
      %get3A_1032 = arith.constant 0 : i32
      %get3A_1033 = arith.index_cast %get3A_1031 : i32 to index
      %get3A_1034 = arith.index_cast %get3A_1032 : i32 to index
      %get3A_1035 = arith.index_cast %scan3A_1010 : i32 to index
      %get3A_1036 = arith.constant 16 : index
      %get3A_1037 = tpu.vector_load %arg6[%get3A_1033, %get3A_1034, %get3A_1035, %get3A_1036] {strides = array<i32>} : memref<2x2x128x128xf32, #tpu.memory_space<vmem>>, vector<1x1x1x16xf32>,
      %get3A_1038 = vector.shape_cast %get3A_1037 : vector<1x1x1x16xf32> to vector<16xf32>
      %mul3A_1039 = arith.constant 8.000000e+00 : f32
      %mul3A_1040 = vector.broadcast %mul3A_1039 : f32 to vector<16xf32>
      %mul3A_1041 = arith.mulf %get3A_1038, %mul3A_1040 : vector<16xf32>
      %swap3A_1042 = arith.constant 1 : i32
      %swap3A_1043 = arith.constant 0 : i32
      %swap3A_1044 = arith.index_cast %swap3A_1042 : i32 to index
      %swap3A_1045 = arith.index_cast %swap3A_1043 : i32 to index
      %swap3A_1046 = arith.index_cast %scan3A_1010 : i32 to index
      %swap3A_1047 = arith.constant 16 : index
      %swap3A_1048 = tpu.vector_load %arg6[%swap3A_1044, %swap3A_1045, %swap3A_1046, %swap3A_1047] {strides = array<i32>} : memref<2x2x128x128xf32, #tpu.memory_space<vmem>>, vector<1x1x1x16xf32>,
      %swap3A_1049 = vector.shape_cast %swap3A_1048 : vector<1x1x1x16xf32> to vector<16xf32>
      %swap3A_1050 = vector.shape_cast %mul3A_1041 : vector<16xf32> to vector<1x1x1x16xf32>
      tpu.vector_store %arg6[%swap3A_1044, %swap3A_1045, %swap3A_1046, %swap3A_1047], %swap3A_1050 {strides = array<i32>} : memref<2x2x128x128xf32, #tpu.memory_space<vmem>>, vector<1x1x1x16xf32>,
      %get3A_1051 = arith.constant 1 : i32
      %get3A_1052 = arith.constant 0 : i32
      %get3A_1053 = arith.index_cast %get3A_1051 : i32 to index
      %get3A_1054 = arith.index_cast %get3A_1052 : i32 to index
      %get3A_1055 = arith.index_cast %scan3A_1010 : i32 to index
      %get3A_1056 = arith.constant 32 : index
      %get3A_1057 = tpu.vector_load %arg6[%get3A_1053, %get3A_1054, %get3A_1055, %get3A_1056] {strides = array<i32>} : memref<2x2x128x128xf32, #tpu.memory_space<vmem>>, vector<1x1x1x16xf32>,
      %get3A_1058 = vector.shape_cast %get3A_1057 : vector<1x1x1x16xf32> to vector<16xf32>
      %mul3A_1059 = arith.constant 8.000000e+00 : f32
      %mul3A_1060 = vector.broadcast %mul3A_1059 : f32 to vector<16xf32>
      %mul3A_1061 = arith.mulf %get3A_1058, %mul3A_1060 : vector<16xf32>
      %swap3A_1062 = arith.constant 1 : i32
      %swap3A_1063 = arith.constant 0 : i32
      %swap3A_1064 = arith.index_cast %swap3A_1062 : i32 to index
      %swap3A_1065 = arith.index_cast %swap3A_1063 : i32 to index
      %swap3A_1066 = arith.index_cast %scan3A_1010 : i32 to index
      %swap3A_1067 = arith.constant 32 : index
      %swap3A_1068 = tpu.vector_load %arg6[%swap3A_1064, %swap3A_1065, %swap3A_1066, %swap3A_1067] {strides = array<i32>} : memref<2x2x128x128xf32, #tpu.memory_space<vmem>>, vector<1x1x1x16xf32>,
      %swap3A_1069 = vector.shape_cast %swap3A_1068 : vector<1x1x1x16xf32> to vector<16xf32>
      %swap3A_1070 = vector.shape_cast %mul3A_1061 : vector<16xf32> to vector<1x1x1x16xf32>
      tpu.vector_store %arg6[%swap3A_1064, %swap3A_1065, %swap3A_1066, %swap3A_1067], %swap3A_1070 {strides = array<i32>} : memref<2x2x128x128xf32, #tpu.memory_space<vmem>>, vector<1x1x1x16xf32>,
      %get3A_1071 = arith.constant 1 : i32
      %get3A_1072 = arith.constant 0 : i32
      %get3A_1073 = arith.index_cast %get3A_1071 : i32 to index
      %get3A_1074 = arith.index_cast %get3A_1072 : i32 to index
      %get3A_1075 = arith.index_cast %scan3A_1010 : i32 to index
      %get3A_1076 = arith.constant 48 : index
      %get3A_1077 = tpu.vector_load %arg6[%get3A_1073, %get3A_1074, %get3A_1075, %get3A_1076] {strides = array<i32>} : memref<2x2x128x128xf32, #tpu.memory_space<vmem>>, vector<1x1x1x16xf32>,
      %get3A_1078 = vector.shape_cast %get3A_1077 : vector<1x1x1x16xf32> to vector<16xf32>
      %mul3A_1079 = arith.constant 8.000000e+00 : f32
      %mul3A_1080 = vector.broadcast %mul3A_1079 : f32 to vector<16xf32>
      %mul3A_1081 = arith.mulf %get3A_1078, %mul3A_1080 : vector<16xf32>
      %swap3A_1082 = arith.constant 1 : i32
      %swap3A_1083 = arith.constant 0 : i32
      %swap3A_1084 = arith.index_cast %swap3A_1082 : i32 to index
      %swap3A_1085 = arith.index_cast %swap3A_1083 : i32 to index
      %swap3A_1086 = arith.index_cast %scan3A_1010 : i32 to index
      %swap3A_1087 = arith.constant 48 : index
      %swap3A_1088 = tpu.vector_load %arg6[%swap3A_1084, %swap3A_1085, %swap3A_1086, %swap3A_1087] {strides = array<i32>} : memref<2x2x128x128xf32, #tpu.memory_space<vmem>>, vector<1x1x1x16xf32>,
      %swap3A_1089 = vector.shape_cast %swap3A_1088 : vector<1x1x1x16xf32> to vector<16xf32>
      %swap3A_1090 = vector.shape_cast %mul3A_1081 : vector<16xf32> to vector<1x1x1x16xf32>
      tpu.vector_store %arg6[%swap3A_1084, %swap3A_1085, %swap3A_1086, %swap3A_1087], %swap3A_1090 {strides = array<i32>} : memref<2x2x128x128xf32, #tpu.memory_space<vmem>>, vector<1x1x1x16xf32>,
      %get3A_1091 = arith.constant 1 : i32
      %get3A_1092 = arith.constant 1 : i32
      %get3A_1093 = arith.index_cast %get3A_1091 : i32 to index
      %get3A_1094 = arith.index_cast %get3A_1092 : i32 to index
      %get3A_1095 = arith.index_cast %scan3A_1010 : i32 to index
      %get3A_1096 = arith.constant 0 : index
      %get3A_1097 = tpu.vector_load %arg6[%get3A_1093, %get3A_1094, %get3A_1095, %get3A_1096] {strides = array<i32>} : memref<2x2x128x128xf32, #tpu.memory_space<vmem>>, vector<1x1x1x16xf32>,
      %get3A_1098 = vector.shape_cast %get3A_1097 : vector<1x1x1x16xf32> to vector<16xf32>
      %mul3A_1099 = arith.constant 8.000000e+00 : f32
      %mul3A_1100 = vector.broadcast %mul3A_1099 : f32 to vector<16xf32>
      %mul3A_1101 = arith.mulf %get3A_1098, %mul3A_1100 : vector<16xf32>
      %swap3A_1102 = arith.constant 1 : i32
      %swap3A_1103 = arith.constant 1 : i32
      %swap3A_1104 = arith.index_cast %swap3A_1102 : i32 to index
      %swap3A_1105 = arith.index_cast %swap3A_1103 : i32 to index
      %swap3A_1106 = arith.index_cast %scan3A_1010 : i32 to index
      %swap3A_1107 = arith.constant 0 : index
      %swap3A_1108 = tpu.vector_load %arg6[%swap3A_1104, %swap3A_1105, %swap3A_1106, %swap3A_1107] {strides = array<i32>} : memref<2x2x128x128xf32, #tpu.memory_space<vmem>>, vector<1x1x1x16xf32>,
      %swap3A_1109 = vector.shape_cast %swap3A_1108 : vector<1x1x1x16xf32> to vector<16xf32>
      %swap3A_1110 = vector.shape_cast %mul3A_1101 : vector<16xf32> to vector<1x1x1x16xf32>
      tpu.vector_store %arg6[%swap3A_1104, %swap3A_1105, %swap3A_1106, %swap3A_1107], %swap3A_1110 {strides = array<i32>} : memref<2x2x128x128xf32, #tpu.memory_space<vmem>>, vector<1x1x1x16xf32>,
      %get3A_1111 = arith.constant 1 : i32
      %get3A_1112 = arith.constant 1 : i32
      %get3A_1113 = arith.index_cast %get3A_1111 : i32 to index
      %get3A_1114 = arith.index_cast %get3A_1112 : i32 to index
      %get3A_1115 = arith.index_cast %scan3A_1010 : i32 to index
      %get3A_1116 = arith.constant 16 : index
      %get3A_1117 = tpu.vector_load %arg6[%get3A_1113, %get3A_1114, %get3A_1115, %get3A_1116] {strides = array<i32>} : memref<2x2x128x128xf32, #tpu.memory_space<vmem>>, vector<1x1x1x16xf32>,
      %get3A_1118 = vector.shape_cast %get3A_1117 : vector<1x1x1x16xf32> to vector<16xf32>
      %mul3A_1119 = arith.constant 8.000000e+00 : f32
      %mul3A_1120 = vector.broadcast %mul3A_1119 : f32 to vector<16xf32>
      %mul3A_1121 = arith.mulf %get3A_1118, %mul3A_1120 : vector<16xf32>
      %swap3A_1122 = arith.constant 1 : i32
      %swap3A_1123 = arith.constant 1 : i32
      %swap3A_1124 = arith.index_cast %swap3A_1122 : i32 to index
      %swap3A_1125 = arith.index_cast %swap3A_1123 : i32 to index
      %swap3A_1126 = arith.index_cast %scan3A_1010 : i32 to index
      %swap3A_1127 = arith.constant 16 : index
      %swap3A_1128 = tpu.vector_load %arg6[%swap3A_1124, %swap3A_1125, %swap3A_1126, %swap3A_1127] {strides = array<i32>} : memref<2x2x128x128xf32, #tpu.memory_space<vmem>>, vector<1x1x1x16xf32>,
      %swap3A_1129 = vector.shape_cast %swap3A_1128 : vector<1x1x1x16xf32> to vector<16xf32>
      %swap3A_1130 = vector.shape_cast %mul3A_1121 : vector<16xf32> to vector<1x1x1x16xf32>
      tpu.vector_store %arg6[%swap3A_1124, %swap3A_1125, %swap3A_1126, %swap3A_1127], %swap3A_1130 {strides = array<i32>} : memref<2x2x128x128xf32, #tpu.memory_space<vmem>>, vector<1x1x1x16xf32>,
      %get3A_1131 = arith.constant 1 : i32
      %get3A_1132 = arith.constant 1 : i32
      %get3A_1133 = arith.index_cast %get3A_1131 : i32 to index
      %get3A_1134 = arith.index_cast %get3A_1132 : i32 to index
      %get3A_1135 = arith.index_cast %scan3A_1010 : i32 to index
      %get3A_1136 = arith.constant 32 : index
      %get3A_1137 = tpu.vector_load %arg6[%get3A_1133, %get3A_1134, %get3A_1135, %get3A_1136] {strides = array<i32>} : memref<2x2x128x128xf32, #tpu.memory_space<vmem>>, vector<1x1x1x16xf32>,
      %get3A_1138 = vector.shape_cast %get3A_1137 : vector<1x1x1x16xf32> to vector<16xf32>
      %mul3A_1139 = arith.constant 8.000000e+00 : f32
      %mul3A_1140 = vector.broadcast %mul3A_1139 : f32 to vector<16xf32>
      %mul3A_1141 = arith.mulf %get3A_1138, %mul3A_1140 : vector<16xf32>
      %swap3A_1142 = arith.constant 1 : i32
      %swap3A_1143 = arith.constant 1 : i32
      %swap3A_1144 = arith.index_cast %swap3A_1142 : i32 to index
      %swap3A_1145 = arith.index_cast %swap3A_1143 : i32 to index
      %swap3A_1146 = arith.index_cast %scan3A_1010 : i32 to index
      %swap3A_1147 = arith.constant 32 : index
      %swap3A_1148 = tpu.vector_load %arg6[%swap3A_1144, %swap3A_1145, %swap3A_1146, %swap3A_1147] {strides = array<i32>} : memref<2x2x128x128xf32, #tpu.memory_space<vmem>>, vector<1x1x1x16xf32>,
      %swap3A_1149 = vector.shape_cast %swap3A_1148 : vector<1x1x1x16xf32> to vector<16xf32>
      %swap3A_1150 = vector.shape_cast %mul3A_1141 : vector<16xf32> to vector<1x1x1x16xf32>
      tpu.vector_store %arg6[%swap3A_1144, %swap3A_1145, %swap3A_1146, %swap3A_1147], %swap3A_1150 {strides = array<i32>} : memref<2x2x128x128xf32, #tpu.memory_space<vmem>>, vector<1x1x1x16xf32>,
      %get3A_1151 = arith.constant 1 : i32
      %get3A_1152 = arith.constant 1 : i32
      %get3A_1153 = arith.index_cast %get3A_1151 : i32 to index
      %get3A_1154 = arith.index_cast %get3A_1152 : i32 to index
      %get3A_1155 = arith.index_cast %scan3A_1010 : i32 to index
      %get3A_1156 = arith.constant 48 : index
      %get3A_1157 = tpu.vector_load %arg6[%get3A_1153, %get3A_1154, %get3A_1155, %get3A_1156] {strides = array<i32>} : memref<2x2x128x128xf32, #tpu.memory_space<vmem>>, vector<1x1x1x16xf32>,
      %get3A_1158 = vector.shape_cast %get3A_1157 : vector<1x1x1x16xf32> to vector<16xf32>
      %mul3A_1159 = arith.constant 8.000000e+00 : f32
      %mul3A_1160 = vector.broadcast %mul3A_1159 : f32 to vector<16xf32>
      %mul3A_1161 = arith.mulf %get3A_1158, %mul3A_1160 : vector<16xf32>
      %swap3A_1162 = arith.constant 1 : i32
      %swap3A_1163 = arith.constant 1 : i32
      %swap3A_1164 = arith.index_cast %swap3A_1162 : i32 to index
      %swap3A_1165 = arith.index_cast %swap3A_1163 : i32 to index
      %swap3A_1166 = arith.index_cast %scan3A_1010 : i32 to index
      %swap3A_1167 = arith.constant 48 : index
      %swap3A_1168 = tpu.vector_load %arg6[%swap3A_1164, %swap3A_1165, %swap3A_1166, %swap3A_1167] {strides = array<i32>} : memref<2x2x128x128xf32, #tpu.memory_space<vmem>>, vector<1x1x1x16xf32>,
      %swap3A_1169 = vector.shape_cast %swap3A_1168 : vector<1x1x1x16xf32> to vector<16xf32>
      %swap3A_1170 = vector.shape_cast %mul3A_1161 : vector<16xf32> to vector<1x1x1x16xf32>
      tpu.vector_store %arg6[%swap3A_1164, %swap3A_1165, %swap3A_1166, %swap3A_1167], %swap3A_1170 {strides = array<i32>} : memref<2x2x128x128xf32, #tpu.memory_space<vmem>>, vector<1x1x1x16xf32>,
    }
    %scan3A_417 = arith.constant 128 : i32
    %add3A_418 = arith.constant 198 : i32
    %add3A_419 = arith.addi %mul3A_2, %add3A_418 : i32
    %mul3A_420 = arith.constant 128 : i32
    %mul3A_421 = arith.muli %add3A_419, %mul3A_420 : i32
    %dma_start3A_422 = arith.constant 1 : i32
    %dma_start3A_423 = arith.constant 0 : i32
    %dma_start3A_424 = arith.constant 0 : i32
    %dma_start3A_425 = arith.constant 0 : i32
    %dma_start3A_426 = tpu.memref_slice %arg6[%dma_start3A_422, %dma_start3A_423, %dma_start3A_424, %dma_start3A_425] : memref<2x2x128x128xf32, #tpu.memory_space<vmem>> -> memref<1x1x128x128xf32, #tpu.memory_space<vmem>>
    %dma_start3A_427 = tpu.memref_squeeze %dma_start3A_426 : memref<1x1x128x128xf32, #tpu.memory_space<vmem>> -> memref<128x128xf32, #tpu.memory_space<vmem>>
    %dma_start3A_428 = arith.constant 0 : i32
    %dma_start3A_429 = tpu.memref_slice %arg4[%mul3A_421, %dma_start3A_428] : memref<819200x128xf32, #tpu.memory_space<hbm>> -> memref<128x128xf32, #tpu.memory_space<hbm>>
    %dma_start3A_430 = arith.constant 0 : i32
    %dma_start3A_431 = tpu.memref_slice %arg4[%mul3A_421, %dma_start3A_430] : memref<819200x128xf32, #tpu.memory_space<hbm>> -> memref<128x128xf32, #tpu.memory_space<hbm>>
    %dma_start3A_432 = arith.constant 0 : i32
    %dma_start3A_433 = arith.constant 0 : i32
    %dma_start3A_434 = tpu.memref_slice %arg6[%dma_start3A_422, %dma_start3A_423, %dma_start3A_432, %dma_start3A_433] : memref<2x2x128x128xf32, #tpu.memory_space<vmem>> -> memref<1x1x128x128xf32, #tpu.memory_space<vmem>>
    %dma_start3A_435 = tpu.memref_squeeze %dma_start3A_434 : memref<1x1x128x128xf32, #tpu.memory_space<vmem>> -> memref<128x128xf32, #tpu.memory_space<vmem>>
    tpu.enqueue_dma source(%dma_start3A_435 : memref<128x128xf32, #tpu.memory_space<vmem>>) target(%dma_start3A_431 : memref<128x128xf32, #tpu.memory_space<hbm>>) target_semaphore(%arg10 : memref<!tpu.dma_semaphore, #tpu.memory_space<semaphore_mem>>)
    %add3A_436 = arith.constant 199 : i32
    %add3A_437 = arith.addi %mul3A_2, %add3A_436 : i32
    %mul3A_438 = arith.constant 128 : i32
    %mul3A_439 = arith.muli %add3A_437, %mul3A_438 : i32
    %dma_start3A_440 = arith.constant 1 : i32
    %dma_start3A_441 = arith.constant 1 : i32
    %dma_start3A_442 = arith.constant 0 : i32
    %dma_start3A_443 = arith.constant 0 : i32
    %dma_start3A_444 = tpu.memref_slice %arg6[%dma_start3A_440, %dma_start3A_441, %dma_start3A_442, %dma_start3A_443] : memref<2x2x128x128xf32, #tpu.memory_space<vmem>> -> memref<1x1x128x128xf32, #tpu.memory_space<vmem>>
    %dma_start3A_445 = tpu.memref_squeeze %dma_start3A_444 : memref<1x1x128x128xf32, #tpu.memory_space<vmem>> -> memref<128x128xf32, #tpu.memory_space<vmem>>
    %dma_start3A_446 = arith.constant 0 : i32
    %dma_start3A_447 = tpu.memref_slice %arg4[%mul3A_439, %dma_start3A_446] : memref<819200x128xf32, #tpu.memory_space<hbm>> -> memref<128x128xf32, #tpu.memory_space<hbm>>
    %dma_start3A_448 = arith.constant 0 : i32
    %dma_start3A_449 = tpu.memref_slice %arg4[%mul3A_439, %dma_start3A_448] : memref<819200x128xf32, #tpu.memory_space<hbm>> -> memref<128x128xf32, #tpu.memory_space<hbm>>
    %dma_start3A_450 = arith.constant 0 : i32
    %dma_start3A_451 = arith.constant 0 : i32
    %dma_start3A_452 = tpu.memref_slice %arg6[%dma_start3A_440, %dma_start3A_441, %dma_start3A_450, %dma_start3A_451] : memref<2x2x128x128xf32, #tpu.memory_space<vmem>> -> memref<1x1x128x128xf32, #tpu.memory_space<vmem>>
    %dma_start3A_453 = tpu.memref_squeeze %dma_start3A_452 : memref<1x1x128x128xf32, #tpu.memory_space<vmem>> -> memref<128x128xf32, #tpu.memory_space<vmem>>
    tpu.enqueue_dma source(%dma_start3A_453 : memref<128x128xf32, #tpu.memory_space<vmem>>) target(%dma_start3A_449 : memref<128x128xf32, #tpu.memory_space<hbm>>) target_semaphore(%arg10 : memref<!tpu.dma_semaphore, #tpu.memory_space<semaphore_mem>>)
    %add3A_454 = arith.constant 196 : i32
    %add3A_455 = arith.addi %mul3A_2, %add3A_454 : i32
    %mul3A_456 = arith.constant 128 : i32
    %mul3A_457 = arith.muli %add3A_455, %mul3A_456 : i32
    %dma_wait3A_458 = arith.constant 0 : i32
    %dma_wait3A_459 = arith.constant 0 : i32
    %dma_wait3A_460 = arith.constant 0 : i32
    %dma_wait3A_461 = arith.constant 0 : i32
    %dma_wait3A_462 = tpu.memref_slice %arg6[%dma_wait3A_458, %dma_wait3A_459, %dma_wait3A_460, %dma_wait3A_461] : memref<2x2x128x128xf32, #tpu.memory_space<vmem>> -> memref<1x1x128x128xf32, #tpu.memory_space<vmem>>
    %dma_wait3A_463 = tpu.memref_squeeze %dma_wait3A_462 : memref<1x1x128x128xf32, #tpu.memory_space<vmem>> -> memref<128x128xf32, #tpu.memory_space<vmem>>
    %dma_wait3A_464 = arith.constant 0 : i32
    %dma_wait3A_465 = tpu.memref_slice %arg4[%mul3A_457, %dma_wait3A_464] : memref<819200x128xf32, #tpu.memory_space<hbm>> -> memref<128x128xf32, #tpu.memory_space<hbm>>
    %dma_wait3A_466 = arith.constant 0 : i32
    %dma_wait3A_467 = tpu.memref_slice %arg4[%mul3A_457, %dma_wait3A_466] : memref<819200x128xf32, #tpu.memory_space<hbm>> -> memref<128x128xf32, #tpu.memory_space<hbm>>
    %dma_wait3A_468 = arith.constant 0 : i32
    %dma_wait3A_469 = arith.constant 0 : i32
    %dma_wait3A_470 = tpu.memref_slice %arg6[%dma_wait3A_458, %dma_wait3A_459, %dma_wait3A_468, %dma_wait3A_469] : memref<2x2x128x128xf32, #tpu.memory_space<vmem>> -> memref<1x1x128x128xf32, #tpu.memory_space<vmem>>
    %dma_wait3A_471 = tpu.memref_squeeze %dma_wait3A_470 : memref<1x1x128x128xf32, #tpu.memory_space<vmem>> -> memref<128x128xf32, #tpu.memory_space<vmem>>
    tpu.wait_dma2 semaphore(%arg9 : memref<!tpu.dma_semaphore, #tpu.memory_space<semaphore_mem>>) src(%dma_wait3A_471 : memref<128x128xf32, #tpu.memory_space<vmem>>) dst(%dma_wait3A_467 : memref<128x128xf32, #tpu.memory_space<hbm>>)
    %add3A_472 = arith.constant 198 : i32
    %add3A_473 = arith.addi %mul3A_2, %add3A_472 : i32
    %mul3A_474 = arith.constant 128 : i32
    %mul3A_475 = arith.muli %add3A_473, %mul3A_474 : i32
    %dma_wait3A_476 = arith.constant 1 : i32
    %dma_wait3A_477 = arith.constant 0 : i32
    %dma_wait3A_478 = arith.constant 0 : i32
    %dma_wait3A_479 = arith.constant 0 : i32
    %dma_wait3A_480 = tpu.memref_slice %arg6[%dma_wait3A_476, %dma_wait3A_477, %dma_wait3A_478, %dma_wait3A_479] : memref<2x2x128x128xf32, #tpu.memory_space<vmem>> -> memref<1x1x128x128xf32, #tpu.memory_space<vmem>>
    %dma_wait3A_481 = tpu.memref_squeeze %dma_wait3A_480 : memref<1x1x128x128xf32, #tpu.memory_space<vmem>> -> memref<128x128xf32, #tpu.memory_space<vmem>>
    %dma_wait3A_482 = arith.constant 0 : i32
    %dma_wait3A_483 = tpu.memref_slice %arg4[%mul3A_475, %dma_wait3A_482] : memref<819200x128xf32, #tpu.memory_space<hbm>> -> memref<128x128xf32, #tpu.memory_space<hbm>>
    %dma_wait3A_484 = arith.constant 0 : i32
    %dma_wait3A_485 = tpu.memref_slice %arg4[%mul3A_475, %dma_wait3A_484] : memref<819200x128xf32, #tpu.memory_space<hbm>> -> memref<128x128xf32, #tpu.memory_space<hbm>>
    %dma_wait3A_486 = arith.constant 0 : i32
    %dma_wait3A_487 = arith.constant 0 : i32
    %dma_wait3A_488 = tpu.memref_slice %arg6[%dma_wait3A_476, %dma_wait3A_477, %dma_wait3A_486, %dma_wait3A_487] : memref<2x2x128x128xf32, #tpu.memory_space<vmem>> -> memref<1x1x128x128xf32, #tpu.memory_space<vmem>>
    %dma_wait3A_489 = tpu.memref_squeeze %dma_wait3A_488 : memref<1x1x128x128xf32, #tpu.memory_space<vmem>> -> memref<128x128xf32, #tpu.memory_space<vmem>>
    tpu.wait_dma2 semaphore(%arg10 : memref<!tpu.dma_semaphore, #tpu.memory_space<semaphore_mem>>) src(%dma_wait3A_489 : memref<128x128xf32, #tpu.memory_space<vmem>>) dst(%dma_wait3A_485 : memref<128x128xf32, #tpu.memory_space<hbm>>)
    %add3A_490 = arith.constant 197 : i32
    %add3A_491 = arith.addi %mul3A_2, %add3A_490 : i32
    %mul3A_492 = arith.constant 128 : i32
    %mul3A_493 = arith.muli %add3A_491, %mul3A_492 : i32
    %dma_wait3A_494 = arith.constant 0 : i32
    %dma_wait3A_495 = arith.constant 1 : i32
    %dma_wait3A_496 = arith.constant 0 : i32
    %dma_wait3A_497 = arith.constant 0 : i32
    %dma_wait3A_498 = tpu.memref_slice %arg6[%dma_wait3A_494, %dma_wait3A_495, %dma_wait3A_496, %dma_wait3A_497] : memref<2x2x128x128xf32, #tpu.memory_space<vmem>> -> memref<1x1x128x128xf32, #tpu.memory_space<vmem>>
    %dma_wait3A_499 = tpu.memref_squeeze %dma_wait3A_498 : memref<1x1x128x128xf32, #tpu.memory_space<vmem>> -> memref<128x128xf32, #tpu.memory_space<vmem>>
    %dma_wait3A_500 = arith.constant 0 : i32
    %dma_wait3A_501 = tpu.memref_slice %arg4[%mul3A_493, %dma_wait3A_500] : memref<819200x128xf32, #tpu.memory_space<hbm>> -> memref<128x128xf32, #tpu.memory_space<hbm>>
    %dma_wait3A_502 = arith.constant 0 : i32
    %dma_wait3A_503 = tpu.memref_slice %arg4[%mul3A_493, %dma_wait3A_502] : memref<819200x128xf32, #tpu.memory_space<hbm>> -> memref<128x128xf32, #tpu.memory_space<hbm>>
    %dma_wait3A_504 = arith.constant 0 : i32
    %dma_wait3A_505 = arith.constant 0 : i32
    %dma_wait3A_506 = tpu.memref_slice %arg6[%dma_wait3A_494, %dma_wait3A_495, %dma_wait3A_504, %dma_wait3A_505] : memref<2x2x128x128xf32, #tpu.memory_space<vmem>> -> memref<1x1x128x128xf32, #tpu.memory_space<vmem>>
    %dma_wait3A_507 = tpu.memref_squeeze %dma_wait3A_506 : memref<1x1x128x128xf32, #tpu.memory_space<vmem>> -> memref<128x128xf32, #tpu.memory_space<vmem>>
    tpu.wait_dma2 semaphore(%arg9 : memref<!tpu.dma_semaphore, #tpu.memory_space<semaphore_mem>>) src(%dma_wait3A_507 : memref<128x128xf32, #tpu.memory_space<vmem>>) dst(%dma_wait3A_503 : memref<128x128xf32, #tpu.memory_space<hbm>>)
    %add3A_508 = arith.constant 199 : i32
    %add3A_509 = arith.addi %mul3A_2, %add3A_508 : i32
    %mul3A_510 = arith.constant 128 : i32
    %mul3A_511 = arith.muli %add3A_509, %mul3A_510 : i32
    %dma_wait3A_512 = arith.constant 1 : i32
    %dma_wait3A_513 = arith.constant 1 : i32
    %dma_wait3A_514 = arith.constant 0 : i32
    %dma_wait3A_515 = arith.constant 0 : i32
    %dma_wait3A_516 = tpu.memref_slice %arg6[%dma_wait3A_512, %dma_wait3A_513, %dma_wait3A_514, %dma_wait3A_515] : memref<2x2x128x128xf32, #tpu.memory_space<vmem>> -> memref<1x1x128x128xf32, #tpu.memory_space<vmem>>
    %dma_wait3A_517 = tpu.memref_squeeze %dma_wait3A_516 : memref<1x1x128x128xf32, #tpu.memory_space<vmem>> -> memref<128x128xf32, #tpu.memory_space<vmem>>
    %dma_wait3A_518 = arith.constant 0 : i32
    %dma_wait3A_519 = tpu.memref_slice %arg4[%mul3A_511, %dma_wait3A_518] : memref<819200x128xf32, #tpu.memory_space<hbm>> -> memref<128x128xf32, #tpu.memory_space<hbm>>
    %dma_wait3A_520 = arith.constant 0 : i32
    %dma_wait3A_521 = tpu.memref_slice %arg4[%mul3A_511, %dma_wait3A_520] : memref<819200x128xf32, #tpu.memory_space<hbm>> -> memref<128x128xf32, #tpu.memory_space<hbm>>
    %dma_wait3A_522 = arith.constant 0 : i32
    %dma_wait3A_523 = arith.constant 0 : i32
    %dma_wait3A_524 = tpu.memref_slice %arg6[%dma_wait3A_512, %dma_wait3A_513, %dma_wait3A_522, %dma_wait3A_523] : memref<2x2x128x128xf32, #tpu.memory_space<vmem>> -> memref<1x1x128x128xf32, #tpu.memory_space<vmem>>
    %dma_wait3A_525 = tpu.memref_squeeze %dma_wait3A_524 : memref<1x1x128x128xf32, #tpu.memory_space<vmem>> -> memref<128x128xf32, #tpu.memory_space<vmem>>
    tpu.wait_dma2 semaphore(%arg10 : memref<!tpu.dma_semaphore, #tpu.memory_space<semaphore_mem>>) src(%dma_wait3A_525 : memref<128x128xf32, #tpu.memory_space<vmem>>) dst(%dma_wait3A_521 : memref<128x128xf32, #tpu.memory_space<hbm>>)
    return
  }
}

</mosaic_0001>

<sc_bundles>
// kernel: _emb_lookup.3.cloned.1.call-start
scs
__scs_entry_jumppad:
0x0: {  	(pc) =	sbr.rel $0x88, $3  }
0x1: {  	(tag) =	ssettag $0x0;
	lr =	simm.s32 $0x1  }
0x2: {  	[smem:$0x3F9F] =	sst lr;
	_ =	strace $0xD0000000  }
0x3: {  	_ = 	snop  }
0x4: {  	_ = 	snop  }
0x5: {  	_ = 	snop  }
0x6: {  	_ = 	snop  }
0x7: {  	_ = 	snop  }
__scs_overlays_trampoline_lowered:
0x8: {  	[smem:$0x3FAE] =	sst s0  }
0x9: {  	[smem:$0x3FAF] =	sst s1  }
0xa: {  	[smem:$0x3FB0] =	sst s2  }
0xb: {  	[smem:$0x3FB1] =	sst s3  }
0xc: {  	[smem:$0x3FB2] =	sst s4  }
0xd: {  	[smem:$0x3FB3] =	sst s5  }
0xe: {  	[smem:$0x3FB4] =	sst s6  }
0xf: {  	[smem:$0x3FB5] =	sst s7  }
0x10: {  	[smem:$0x3FB6] =	sst s8  }
0x11: {  	[smem:$0x3FB7] =	sst s9;
	s0 =	simm.s32 @!p0 $0x0  }
0x12: {  	s1 =	sld [smem:$0x3F9D];
	s0 =	simm.s32 @p0 $0x1  }
0x13: {  	[smem:$0x3FB8] =	sst s0;
	s0 =	simm.s32 @!p1 $0x0  }
0x14: {  	s2 =	sld [smem:$0x3F9C];
	s0 =	simm.s32 @p1 $0x1  }
0x15: {  	[smem:$0x3FB9] =	sst s0;
	s0 =	simm.s32 @!p2 $0x0  }
0x16: {  	s3 =	sld [smem:$0x3FDB];
	s0 =	simm.s32 @p2 $0x1  }
0x17: {  	s4 =	simm.s32 $0x1BF5;
	[smem:$0x3FBB] =	sst s0  }
0x18: {  	s0 =	sld [smem:$0x3F9E];
	_ =	swait.ge [sflag:s4], $0x0  }
0x19: {  	s7 =	sld [smem:$0x3F9F]  }
0x1a: {  	s8 =	sadd.s32 $0xFFFFE003, lr  }
0x1b: {  	s9 =	sadd.s32 $0xFFFFFEF7, lr;
	s5 =	simm.s32 $0xFFFFFFFF;
	p2 =	slt.u32 s8, $0xFFFFF086  }
0x1c: {  	p1 =	slt.u32 s9, $0xF7A;
	s5 =	simm.s32 @!p2 $0x0  }
0x1d: {  	s5 =	simm.s32 @p1 $0x1;
	p0 =	seq.s32 s7, s2  }
0x1e: {  	s7 =	smul.u32 @!p0 $0xF7A, s2;
	p2 =	seq.s32 @!p0 s5, $0x0  }
0x1f: {  	s9 =	smul.u32 $0xF7A, s1;
	s8 =	simm.s32 @!p0 $0x1BF5;
	p2 =	por !p2, p0  }
0x20: {  	[sflag:s8] =	ssyncset.s32 @!p0 $0xFFFFF086;
	s6 =	sadd.s32 @!p0 s3, s7;
	s7 =	simm.s32 @!p0 $0x108  }
0x21: {  	s3 =	sadd.s32 s3, s9;
	s6 =	sadd.s32 @!p0 $0x88, s6;
	s7 =	simm.s32 @p2 $0x1082  }
0x22: {  	[simem:s7], [sflag:s8] =	dma.local @!p0 [hbm:s6], $0xF7A  }
0x23: {  	s9 =	sor.u32 $0xD0000000, s2;
	s6 =	simm.s32 $0x108;
	_ =	swait.ge @!p0 [sflag:s8], $0x0  }
0x24: {  	s3 =	sadd.s32 $0x88, s3;
	s6 =	simm.s32 @!p1 $0x1082;
	[sflag:s4] =	ssyncset.s32 $0xFFFFF086  }
0x25: {  	[simem:s6], [sflag:s4] =	dma.local [hbm:s3], $0xF7A  }
0x26: {  	[smem:$0x3F9F] =	sst s1;
	(tag) =	ssettag s2;
	_ =	strace s9  }
0x27: {  	s1 =	sld [smem:$0x3FAF]  }
0x28: {  	s2 =	sld [smem:$0x3FB0]  }
0x29: {  	s4 =	sld [smem:$0x3FB2]  }
0x2a: {  	p0 =	seq.s32 s5, $0x0;
	s5 =	sld [smem:$0x3FB3]  }
0x2b: {  	s6 =	sld [smem:$0x3FB4]  }
0x2c: {  	s7 =	sld [smem:$0x3FB5]  }
0x2d: {  	s3 =	simm.s32 $0x108;
	s8 =	sld [smem:$0x3FB6]  }
0x2e: {  	s3 =	simm.s32 @!p0 $0x1082;
	s9 =	sld [smem:$0x3FB7]  }
0x2f: {  	lr =	sadd.s32 s0, s3;
	s0 =	sld [smem:$0x3FAE]  }
0x30: {  	s3 =	sld [smem:$0x3FB1]  }
0x31: {  	[smem:$0x3FBA] =	sst s10  }
0x32: {  	s10 =	sld [smem:$0x3FB8];
	_ =	sdelay $0x3  }
0x33: {  	p0 =	seq.s32 s10, $0x1;
	s10 =	sld [smem:$0x3FBA];
	_ =	sdelay $0x3  }
0x34: {  	[smem:$0x3FBA] =	sst s10  }
0x35: {  	s10 =	sld [smem:$0x3FB9];
	_ =	sdelay $0x3  }
0x36: {  	p1 =	seq.s32 s10, $0x1;
	s10 =	sld [smem:$0x3FBA];
	_ =	sdelay $0x3  }
0x37: {  	[smem:$0x3FBA] =	sst s10  }
0x38: {  	s10 =	sld [smem:$0x3FBB]  }
0x39: {  	_ = 	snop;
	(pc) =	sbr.ind lr, $3  }
0x3a: {  	_ = 	snop  }
0x3b: {  	_ = 	snop  }
0x3c: {  	p2 =	seq.s32 s10, $0x1;
	s10 =	sld [smem:$0x3FBA]  }
0x3d: {  	_ =	shalt  }
0x3e: {  	_ =	shalt  }
0x3f: {  	_ =	shalt  }
0x40: {  	_ =	shalt  }
0x41: {  	_ =	shalt  }
0x42: {  	_ =	shalt  }
0x43: {  	_ =	shalt  }
0x44: {  	_ =	shalt  }
0x45: {  	_ =	shalt  }
0x46: {  	_ =	shalt  }
0x47: {  	_ =	shalt  }
0x48: {  	_ =	shalt  }
0x49: {  	_ =	shalt  }
0x4a: {  	_ =	shalt  }
0x4b: {  	_ =	shalt  }
0x4c: {  	_ =	shalt  }
0x4d: {  	_ =	shalt  }
0x4e: {  	_ =	shalt  }
0x4f: {  	_ =	shalt  }
0x50: {  	_ =	shalt  }
0x51: {  	_ =	shalt  }
0x52: {  	_ =	shalt  }
0x53: {  	_ =	shalt  }
0x54: {  	_ =	shalt  }
0x55: {  	_ =	shalt  }
0x56: {  	_ =	shalt  }
0x57: {  	_ =	shalt  }
0x58: {  	_ =	shalt  }
0x59: {  	_ =	shalt  }
0x5a: {  	_ =	shalt  }
0x5b: {  	_ =	shalt  }
0x5c: {  	_ =	shalt  }
0x5d: {  	_ =	shalt  }
0x5e: {  	_ =	shalt  }
0x5f: {  	_ =	shalt  }
0x60: {  	_ =	shalt  }
0x61: {  	_ =	shalt  }
0x62: {  	_ =	shalt  }
0x63: {  	_ =	shalt  }
0x64: {  	_ =	shalt  }
0x65: {  	_ =	shalt  }
0x66: {  	_ =	shalt  }
0x67: {  	_ =	shalt  }
0x68: {  	_ =	shalt  }
0x69: {  	_ =	shalt  }
0x6a: {  	_ =	shalt  }
0x6b: {  	_ =	shalt  }
0x6c: {  	_ =	shalt  }
0x6d: {  	_ =	shalt  }
0x6e: {  	_ =	shalt  }
0x6f: {  	_ =	shalt  }
0x70: {  	_ =	shalt  }
0x71: {  	_ =	shalt  }
0x72: {  	_ =	shalt  }
0x73: {  	_ =	shalt  }
0x74: {  	_ =	shalt  }
0x75: {  	_ =	shalt  }
0x76: {  	_ =	shalt  }
0x77: {  	_ =	shalt  }
0x78: {  	_ =	shalt  }
0x79: {  	_ =	shalt  }
0x7a: {  	_ =	shalt  }
0x7b: {  	_ =	shalt  }
0x7c: {  	_ =	shalt  }
0x7d: {  	_ =	shalt  }
0x7e: {  	_ =	shalt  }
0x7f: {  	_ =	shalt  }
0x80: {  	_ =	shalt  }
0x81: {  	_ =	shalt  }
0x82: {  	_ =	shalt  }
0x83: {  	_ =	shalt  }
0x84: {  	_ =	shalt  }
0x85: {  	_ =	shalt  }
0x86: {  	_ =	shalt  }
0x87: {  	_ =	shalt  }
.Lfunc_end0:
.L_simem_size_0:
called_computation_lowered:
.L_overlay_start_0:
0x88: {  	s2 =	sld [smem:$0x3FD9]  }
0x89: {  	s3 =	sld [smem:$0x3FFE];
	_ =	sdelay $0x1  }
0x8a: {  	s1 =	srdreg.scid  }
0x8b: {  	s0 =	sand.u32 $0x1, s1  }
0x8c: {  	s18 =	sshll.u32 s0, $0xA;
	s2 =	sadd.s32 s3, s2  }
0x8d: {  	s2 =	sadd.s32 s2, s18  }
0x8e: {  	[smem:$0x3FC6] =	sst s2  }
0x8f: {  	_ = 	snop  }
0x90: {  	s2 =	sld [smem:$0x3FC9]  }
0x91: {  	s19 =	sld [smem:$0x3FC8]  }
0x92: {  	s4 =	sld [smem:$0x3FD0];
	(tm) =	ssettm $0x1  }
0x93: {  	s5 =	sld [smem:$0x3FFB];
	_ =	sdelay $0x3  }
0x94: {  	_ =	strace s5  }
0x95: {  	s5 =	sld [smem:$0x3FFC];
	_ =	sdelay $0x3  }
0x96: {  	_ =	strace s5  }
0x97: {  	s5 =	sld [smem:$0x3FFD];
	_ =	sdelay $0x3  }
0x98: {  	_ =	strace s5  }
0x99: {  	_ =	strace $0x8FFFFFFF  }
0x9a: {  	s20 =	sld [smem:$0x3FDB];
	_ =	sdelay $0x1  }
0x9b: {  	s6 =	simm.s32 $_scs_section_size  }
0x9c: {  	s7 =	simm.s32 $_size__tile_overlayer_lowered;
	s8 =	simm.s32 $_tile_overlayer_lowered  }
0x9d: {  	s23 =	simm.s32 $0x1BFF;
	s22 =	sshll.u32 s8, $0x1;
	s5 =	sadd.s32 s6, s20  }
0x9e: {  	s9 =	simm.s32 $0x0;
	s21 =	sshll.u32 s7, $0x1;
	s7 =	sadd.s32 s22, s5  }
0x9f: {  	[timem:s9], [sflag:s23] =	dma.local [hbm:s7], s21  }
0xa0: {  	_ =	swait.ge [sflag:s23], s21  }
0xa1: {  	s6 =	ssub.s32 $0x0, s21;
	[sflag:s23] =	ssyncset.done $0x0  }
0xa2: {  	[sflag:s23] =	ssyncadd.s32 s6;
	_ =	sdelay $0x1  }
0xa3: {  	s24 =	simm.s32 $0x1B8B  }
0xa4: {  	_ =	swait.ge [sflag:s24], $0x1  }
0xa5: {  	[sflag:s24] =	ssyncset.done $0x0  }
0xa6: {  	s25 =	simm.s32 $0x1B8E;
	[sflag:s24] =	ssyncadd.s32 $0xFFFFFFFF  }
0xa7: {  	s26 =	simm.s32 $execute0_lowered;
	[smem:$0x3FD2] =	sst s25  }
0xa8: {  	s6 =	sshll.u32 s26, $0x1;
	_ =	strace $0x80000046;
	[dreg:$0x1] =	wrdreg $0xFFFFFFFF  }
0xa9: {  	s28 =	simm.s32 $_size_execute0_lowered;
	s5 =	sadd.s32 s5, s6;
	[dreg:$0x0] =	wrdreg $0x0  }
0xaa: {  	s6 =	sshll.u32 s28, $0x1;
	[dreg:$0x2] =	wrdreg s5  }
0xab: {  	[dreg:$0x3] =	wrdreg s6  }
0xac: {  	[dreg:$0x4] =	wrdreg $0xC0  }
0xad: {  	_ =	task [dreg:s9], $0x5FFFF  }
0xae: {  	[dreg:$0x1] =	wrdreg $0xFFFFFFFF  }
0xaf: {  	[dreg:$0x0] =	wrdreg $0x60  }
0xb0: {  	[dreg:$0x2] =	wrdreg s2  }
0xb1: {  	[dreg:$0x3] =	wrdreg s19  }
0xb2: {  	[dreg:$0x4] =	wrdreg s4  }
0xb3: {  	[dreg:$0x5] =	wrdreg $0x9  }
0xb4: {  	_ =	task.clear_ibuf [dreg:s9], $0x6FFFF;
	_ =	strace $0x90000046  }
0xb5: {  	s29 =	simm.s32 $0x9;
	_ =	strace $0x80000048  }
0xb6: {  	_ =	swait.ge [sflag:s29], $0x1  }
0xb7: {  	[sflag:s29] =	ssyncadd.s32 $0xFFFFFFFF  }
0xb8: {  	_ =	strace $0x90000048  }
0xb9: {  	_ =	sfence  }
0xba: {  	s30 =	sld [smem:$0x0];
	_ =	sdelay $0x2  }
0xbb: {  	s31 =	sshll.u32 s1, $0xD;
	s1 =	sshrl.u32 s1, $0x2  }
0xbc: {  	s3 =	sand.u32 $0x4000, s31;
	s1 =	sadd.s32 s1, s30  }
0xbd: {  	s0 =	sor.u32 s3, s0;
	s1 =	sshll.u32 s1, $0x11  }
0xbe: {  	s0 =	sor.u32 s1, s0  }
0xbf: {  	s0 =	sadd.s32 $0x8F2B, s0  }
0xc0: {  	[sflag:s0] =	ssyncadd.remote.s32 $0x1  }
0xc1: {  	_ =	sfence.sel $0xFFFF  }
0xc2: {  	[dreg:$0x0] =	wrdreg $0xFFFFFFFF;
	(pc) =	sbr.abs _section_cstart, $3  }
0xc3: {  	[dreg:$0x1] =	wrdreg $0xFFFFFFFF  }
0xc4: {  	_ =	task.clear_ibuf [dreg:s9], $0x2FFFF;
	_ =	strace $0x9FFFFFFF  }
0xc5: {  	(tm) =	ssettm $0x7FFFFFFF  }
tec
execute0_lowered:
.L_overlay_start_1:
0x0: {  	(tag) =	ssettag $0x1  }
0x1: {  	s0 =	rddreg [dreg:$0x0];
	s1 =	srdreg.scid  }
0x2: {  	s3 =	stileid.u32;
	s2 =	rddreg [dreg:$0x1];
	s17 =	simm.s32 $0x5  }
0x3: {  	s18 =	simm.s32 $0x80;
	s19 =	simm.s32 $0xA400;
	s21 =	simm.s32 $0xE400  }
0x4: {  	s23 =	simm.s32 $0x12400;
	s24 =	simm.s32 $0x1;
	s25 =	simm.s32 $0x6400  }
0x5: {  	s26 =	simm.s32 $0x3;
	s1 =	sand.u32 $0x1, s1;
	s4 =	sshll.u32 s3, $0x1  }
0x6: {  	s30 =	simm.s32 $0x2;
	s31 =	simm.s32 $0x4;
	s5 =	sor.u32 s1, s4  }
0x7: {  	s20 =	simm.s32 $0x0;
	s3 =	rddreg [dreg:$0x2];
	s6 =	smul.u32 $0xC80, s5  }
0x8: {  	s4 =	simm.s32 $0x0;
	s1 =	ssub.s32 $0x2, s1;
	s7 =	smul.u32 $0x64000, s5  }
0x9: {  	[smem:$0x7FF] =	sst s4;
	s8 =	sshrl.u32 s1, $0x1;
	s9 =	smul.u32 $0x320000, s5  }
0xa: {  	s5 =	smul.u32 $0xC8, s5;
	_ =	strace $0x80000047;
	s1 =	ssub.s32 s1, s8  }
0xb: {  	s0 =	sadd.s32 s0, s6;
	s7 =	sadd.s32 s3, s7;
	s28 =	sshrl.u32 s9, $0x3  }
0xc: {  	s11 =	sor.u32 $0x1, s5;
	s16 =	smax.u32 s1, $0x1;
	[dreg:$0x4] =	wrdreg s0  }
0xd: {  	s29 =	sadd.s32 $0x800, s7;
	s9 =	sadd.s32 $0x1000, s7;
	s0 =	sadd.s32 s3, s28  }
0xe: {  	s10 =	sadd.s32 $0x1800, s7;
	[dreg:$0x5] =	wrdreg s29;
	s12 =	sadd.s32 $0x62000, s0  }
0xf: {  	s13 =	sadd.s32 $0x62800, s0;
	s14 =	sadd.s32 $0x63000, s0;
	s15 =	sadd.s32 $0x63800, s0  }
.LBB2_1:
0x10: {  	s0 =	rddreg [dreg:$0x4]  }
0x11: {  	[tilespmem:s4], [sflag:$0x5] =	stream.linear.gather [hbm4b:s0+s4], $0x6400, $0x38;
	[tilespmem:$0x16400] =	vst v63  }
0x12: {  	_ =	swait.ge [sflag:s17], $0x6400  }
0x13: {  	[sflag:s17] =	ssyncset.done $0x0  }
0x14: {  	[sflag:s17] =	ssyncadd.s32 $0xFFFF9C00  }
0x15: {  	[tilespmem:s25], [sflag:$0x1] =	stream.indirect.gather [hbm4b:s2+s18], $0x80, s4, s18, $0xb8;
	[tilespmem:$0x16400] =	vst v63  }
0x16: {  	_ = 	snop  }
0x17: {  	[tilespmem:s19], [sflag:$0x1] =	stream.indirect.gather [hbm4b:s2+s18], $0x80, s18, s18, $0xb8;
	[tilespmem:$0x16400] =	vst v63  }
0x18: {  	s28 =	simm.s32 $0x100  }
0x19: {  	[tilespmem:s21], [sflag:$0x2] =	stream.indirect.gather [hbm4b:s2+s18], $0x80, s28, s18, $0xb8;
	[tilespmem:$0x16400] =	vst v63  }
0x1a: {  	s29 =	simm.s32 $0x180  }
0x1b: {  	[tilespmem:s23], [sflag:$0x2] =	stream.indirect.gather [hbm4b:s2+s18], $0x80, s29, s18, $0xb8;
	[tilespmem:$0x16400] =	vst v63  }
0x1c: {  	_ =	swait.ge [sflag:s24], $0x4000  }
0x1d: {  	[sflag:s24] =	ssyncset.done $0x0  }
0x1e: {  	[sflag:s24] =	ssyncadd.s32 $0xFFFFC000  }
0x1f: {  	_ =	swait.ge [sflag:s24], $0x4000  }
0x20: {  	[sflag:s24] =	ssyncset.done $0x0  }
0x21: {  	[sflag:s24] =	ssyncadd.s32 $0xFFFFC000  }
0x22: {  	v0 =	vld [tilespmem:s25+$0x1A0]  }
0x23: {  	v1 =	vld [tilespmem:s25+$0xA0]  }
0x24: {  	v2 =	vld [tilespmem:s25+$0x90]  }
0x25: {  	v3 =	vld [tilespmem:s25+$0x80]  }
0x26: {  	v4 =	vld [tilespmem:s25+$0xB0]  }
0x27: {  	v5 =	vld [tilespmem:s25+$0x4030]  }
0x28: {  	v6 =	vld [tilespmem:s25+$0x4080]  }
0x29: {  	v12 =	vld [tilespmem:s25+$0x4020]  }
0x2a: {  	v7 =	vld [tilespmem:s25+$0x4090]  }
0x2b: {  	v8 =	vld [tilespmem:s25+$0x40A0]  }
0x2c: {  	v9 =	vld [tilespmem:s25+$0x4190]  }
0x2d: {  	v10 =	vld [tilespmem:s25+$0x41A0]  }
0x2e: {  	v11 =	vld [tilespmem:s25+$0x0]  }
0x2f: {  	v13 =	vld [tilespmem:s25+$0x40B0]  }
0x30: {  	v14 =	vld [tilespmem:s25+$0x100];
	v0 =	vmul.f32 $8.000000000e+00, v0  }
0x31: {  	v15 =	vld [tilespmem:s25+$0x110];
	v9 =	vmul.f32 $8.000000000e+00, v9  }
0x32: {  	v16 =	vld [tilespmem:s25+$0x120];
	v17 =	vmul.f32 $8.000000000e+00, v8;
	[tilespmem:s25+$0x1A0] =	vst v0  }
0x33: {  	v18 =	vld [tilespmem:s25+$0x30];
	v6 =	vmul.f32 $8.000000000e+00, v6;
	[tilespmem:s25+$0x4190] =	vst v9  }
0x34: {  	v21 =	vld [tilespmem:s25+$0x1B0];
	v0 =	vmul.f32 $8.000000000e+00, v10;
	[tilespmem:s25+$0x40A0] =	vst v17  }
0x35: {  	v10 =	vmul.f32 $8.000000000e+00, v11;
	v11 =	vld [tilespmem:s25+$0x130];
	[tilespmem:s25+$0x4080] =	vst v6  }
0x36: {  	v9 =	vmul.f32 $8.000000000e+00, v13;
	v13 =	vld [tilespmem:s25+$0x4100];
	[tilespmem:s25+$0x41A0] =	vst v0  }
0x37: {  	[tilespmem:s25+$0x0] =	vst v10;
	v0 =	vmul.f32 $8.000000000e+00, v14;
	v10 =	vld [tilespmem:s25+$0x4110]  }
0x38: {  	[tilespmem:s25+$0x40B0] =	vst v9;
	v9 =	vmul.f32 $8.000000000e+00, v15;
	v14 =	vld [tilespmem:s25+$0x41B0]  }
0x39: {  	v19 =	vld [tilespmem:s25+$0x20];
	v8 =	vmul.f32 $8.000000000e+00, v1;
	[tilespmem:s25+$0x100] =	vst v0;
	v0 =	vmul.f32 $8.000000000e+00, v16  }
0x3a: {  	v20 =	vld [tilespmem:s25+$0x10];
	v1 =	vmul.f32 $8.000000000e+00, v18;
	[tilespmem:s25+$0x110] =	vst v9;
	v9 =	vmul.f32 $8.000000000e+00, v11  }
0x3b: {  	v6 =	vmul.f32 $8.000000000e+00, v21;
	v15 =	vld [tilespmem:s25+$0x4010];
	[tilespmem:s25+$0x120] =	vst v0;
	v0 =	vmul.f32 $8.000000000e+00, v13  }
0x3c: {  	v16 =	vld [tilespmem:s25+$0x4000];
	v13 =	vmul.f32 $8.000000000e+00, v7;
	[tilespmem:s25+$0x130] =	vst v9;
	v7 =	vmul.f32 $8.000000000e+00, v10  }
0x3d: {  	v11 =	vld [tilespmem:s25+$0x190];
	v9 =	vmul.f32 $8.000000000e+00, v2;
	[tilespmem:s25+$0x4100] =	vst v0;
	v0 =	vmul.f32 $8.000000000e+00, v14  }
0x3e: {  	[tilespmem:s25+$0x4110] =	vst v7;
	v7 =	vmul.f32 $8.000000000e+00, v5;
	v5 =	vmul.f32 $8.000000000e+00, v12;
	v12 =	vld [tilespmem:s25+$0x4180]  }
0x3f: {  	v10 =	vmul.f32 $8.000000000e+00, v3;
	v14 =	vmul.f32 $8.000000000e+00, v4;
	[tilespmem:s25+$0x4090] =	vst v13;
	v13 =	vld [tilespmem:s25+$0x180]  }
0x40: {  	v2 =	vmul.f32 $8.000000000e+00, v15;
	v3 =	vmul.f32 $8.000000000e+00, v19;
	v15 =	vld [tilespmem:s25+$0x4130];
	[tilespmem:s25+$0x41B0] =	vst v0  }
0x41: {  	s1 =	simm.s32 $0x0;
	s6 =	simm.s32 $0x6600;
	s0 =	simm.s32 $0x6400;
	v4 =	vmul.f32 $8.000000000e+00, v20;
	v0 =	vmul.f32 $8.000000000e+00, v16;
	[tilespmem:s25+$0xB0] =	vst v14;
	v14 =	vld [tilespmem:s25+$0x4120]  }
.LBB2_2:
0x42: {  	v16 =	vld [tilespmem:s6+$0x1A0];
	s1 =	sadd.s32 $0x4, s1;
	[tilespmem:s0+$0xA0] =	vst v8;
	v8 =	vmul.f32 $8.000000000e+00, v11  }
0x43: {  	v11 =	vld [tilespmem:s6+$0xA0];
	p0 =	slt.u32 s1, $0x7C;
	[tilespmem:s0+$0x90] =	vst v9;
	v9 =	vmul.f32 $8.000000000e+00, v12  }
0x44: {  	v12 =	vld [tilespmem:s6+$0x90];
	[tilespmem:s0+$0x80] =	vst v10;
	v10 =	vmul.f32 $8.000000000e+00, v13  }
0x45: {  	v13 =	vld [tilespmem:s6+$0x80];
	v15 =	vmul.f32 $8.000000000e+00, v15;
	[tilespmem:s0+$0x4180] =	vst v9  }
0x46: {  	v9 =	vld [tilespmem:s6+$0xB0];
	[tilespmem:s0+$0x4030] =	vst v7;
	v7 =	vmul.f32 $8.000000000e+00, v14  }
0x47: {  	v14 =	vld [tilespmem:s6+$0x4030];
	v16 =	vmul.f32 $8.000000000e+00, v16;
	[tilespmem:s0+$0x180] =	vst v10  }
0x48: {  	v10 =	vld [tilespmem:s6+$0x4080];
	[tilespmem:s0+$0x4020] =	vst v5  }
0x49: {  	v5 =	vld [tilespmem:s6+$0x4020];
	[tilespmem:s0+$0x4130] =	vst v15  }
0x4a: {  	v15 =	vld [tilespmem:s6+$0x4090];
	[tilespmem:s0+$0x4010] =	vst v2  }
0x4b: {  	v2 =	vld [tilespmem:s6+$0x40A0];
	[tilespmem:s0+$0x4120] =	vst v7  }
0x4c: {  	v7 =	vld [tilespmem:s6+$0x4190];
	[tilespmem:s0+$0x4000] =	vst v0  }
0x4d: {  	v0 =	vld [tilespmem:s6+$0x41A0];
	[tilespmem:s0+$0x30] =	vst v1  }
0x4e: {  	v1 =	vld [tilespmem:s6+$0x0];
	[tilespmem:s0+$0x20] =	vst v3  }
0x4f: {  	v3 =	vld [tilespmem:s6+$0x40B0];
	[tilespmem:s0+$0x190] =	vst v8  }
0x50: {  	v8 =	vld [tilespmem:s6+$0x100];
	[tilespmem:s0+$0x10] =	vst v4  }
0x51: {  	v4 =	vld [tilespmem:s6+$0x110];
	v7 =	vmul.f32 $8.000000000e+00, v7;
	[tilespmem:s0+$0x1B0] =	vst v6;
	s0 =	smov.u32 s6  }
0x52: {  	v6 =	vld [tilespmem:s6+$0x120];
	[tilespmem:s6+$0x1A0] =	vst v16;
	v0 =	vmul.f32 $8.000000000e+00, v0  }
0x53: {  	v16 =	vmul.f32 $8.000000000e+00, v2;
	v1 =	vmul.f32 $8.000000000e+00, v1;
	v2 =	vld [tilespmem:s6+$0x130];
	[tilespmem:s6+$0x4190] =	vst v7  }
0x54: {  	v15 =	vmul.f32 $8.000000000e+00, v15;
	v3 =	vmul.f32 $8.000000000e+00, v3;
	v7 =	vld [tilespmem:s6+$0x4100];
	[tilespmem:s6+$0x41A0] =	vst v0  }
0x55: {  	v17 =	vmul.f32 $8.000000000e+00, v10;
	[tilespmem:s6+$0x0] =	vst v1;
	v0 =	vmul.f32 $8.000000000e+00, v8;
	v1 =	vld [tilespmem:s6+$0x4110]  }
0x56: {  	v18 =	vmul.f32 $8.000000000e+00, v9;
	[tilespmem:s6+$0x40B0] =	vst v3;
	v3 =	vmul.f32 $8.000000000e+00, v4;
	v4 =	vld [tilespmem:s6+$0x41B0]  }
0x57: {  	v8 =	vmul.f32 $8.000000000e+00, v11;
	v19 =	vld [tilespmem:s6+$0x4010];
	[tilespmem:s6+$0x100] =	vst v0;
	v0 =	vmul.f32 $8.000000000e+00, v6  }
0x58: {  	v9 =	vmul.f32 $8.000000000e+00, v12;
	v6 =	vld [tilespmem:s6+$0x4000];
	[tilespmem:s6+$0x110] =	vst v3;
	v2 =	vmul.f32 $8.000000000e+00, v2  }
0x59: {  	v10 =	vmul.f32 $8.000000000e+00, v13;
	v3 =	vld [tilespmem:s6+$0x30];
	[tilespmem:s6+$0x120] =	vst v0;
	v0 =	vmul.f32 $8.000000000e+00, v7  }
0x5a: {  	v7 =	vmul.f32 $8.000000000e+00, v14;
	v13 =	vld [tilespmem:s6+$0x20];
	[tilespmem:s6+$0x130] =	vst v2;
	v1 =	vmul.f32 $8.000000000e+00, v1  }
0x5b: {  	v5 =	vmul.f32 $8.000000000e+00, v5;
	v14 =	vld [tilespmem:s6+$0x10];
	[tilespmem:s6+$0x4100] =	vst v0;
	v4 =	vmul.f32 $8.000000000e+00, v4  }
0x5c: {  	v2 =	vmul.f32 $8.000000000e+00, v19;
	[tilespmem:s6+$0x4110] =	vst v1;
	v19 =	vld [tilespmem:s6+$0x1B0]  }
.Ltmp0:
0x5d: {  	v0 =	vmul.f32 $8.000000000e+00, v6;
	v11 =	vld [tilespmem:s6+$0x190];
	[tilespmem:s6+$0x41B0] =	vst v4;
	(pc) =	sbr.rel @p0 .LBB2_2-.Ltmp0, $4  }
0x5e: {  	v1 =	vmul.f32 $8.000000000e+00, v3;
	[tilespmem:s6+$0x40A0] =	vst v16;
	v12 =	vld [tilespmem:s6+$0x4180]  }
0x5f: {  	v3 =	vmul.f32 $8.000000000e+00, v13;
	[tilespmem:s6+$0x4090] =	vst v15;
	v13 =	vld [tilespmem:s6+$0x180]  }
0x60: {  	v4 =	vmul.f32 $8.000000000e+00, v14;
	[tilespmem:s6+$0x4080] =	vst v17;
	v15 =	vld [tilespmem:s6+$0x4130]  }
0x61: {  	s6 =	sadd.s32 $0x200, s6;
	[tilespmem:s0+$0xB0] =	vst v18;
	v14 =	vld [tilespmem:s0+$0x4120];
	v6 =	vmul.f32 $8.000000000e+00, v19  }
0x62: {  	[tilespmem:s0+$0xA0] =	vst v8  }
0x63: {  	[tilespmem:s0+$0x90] =	vst v9  }
0x64: {  	[tilespmem:s0+$0x80] =	vst v10  }
0x65: {  	[tilespmem:s0+$0x4030] =	vst v7  }
0x66: {  	[tilespmem:s0+$0x4020] =	vst v5  }
0x67: {  	[tilespmem:s0+$0x4010] =	vst v2  }
0x68: {  	[tilespmem:s0+$0x4000] =	vst v0  }
0x69: {  	[tilespmem:s0+$0x30] =	vst v1  }
0x6a: {  	[tilespmem:s0+$0x20] =	vst v3  }
0x6b: {  	v0 =	vmul.f32 $8.000000000e+00, v11;
	[tilespmem:s0+$0x10] =	vst v4  }
0x6c: {  	v8 =	vmul.f32 $8.000000000e+00, v12;
	[tilespmem:s0+$0x1B0] =	vst v6  }
0x6d: {  	v9 =	vmul.f32 $8.000000000e+00, v13;
	[tilespmem:s0+$0x190] =	vst v0  }
0x6e: {  	[tilespmem:s0+$0x4180] =	vst v8;
	v7 =	vmul.f32 $8.000000000e+00, v15  }
0x6f: {  	[tilespmem:s0+$0x180] =	vst v9;
	v5 =	vmul.f32 $8.000000000e+00, v14  }
0x70: {  	[tilespmem:s0+$0x4130] =	vst v7  }
0x71: {  	[tilespmem:s0+$0x4120] =	vst v5  }
0x72: {  	[hbm4b:s7+s4] =	stream.linear.scatter [tilespmem:s25], [sflag:$0x3], $0x4000, $0x38;
	[tilespmem:$0x16400] =	vst v63  }
0x73: {  	s22 =	rddreg [dreg:$0x5]  }
0x74: {  	[hbm4b:s22+s4] =	stream.linear.scatter [tilespmem:s19], [sflag:$0x3], $0x4000, $0x38;
	[tilespmem:$0x16400] =	vst v63  }
0x75: {  	_ =	swait.ge [sflag:s26], $0x4000  }
0x76: {  	[sflag:s26] =	ssyncset.done $0x0  }
0x77: {  	[sflag:s26] =	ssyncadd.s32 $0xFFFFC000  }
0x78: {  	_ =	swait.ge [sflag:s26], $0x4000  }
0x79: {  	[sflag:s26] =	ssyncset.done $0x0  }
0x7a: {  	s28 =	simm.s32 $0x200;
	[sflag:s26] =	ssyncadd.s32 $0xFFFFC000  }
0x7b: {  	[tilespmem:s25], [sflag:$0x1] =	stream.indirect.gather [hbm4b:s2+s18], $0x80, s28, s18, $0xb8;
	[tilespmem:$0x16400] =	vst v63  }
0x7c: {  	s29 =	simm.s32 $0x280  }
0x7d: {  	[tilespmem:s19], [sflag:$0x1] =	stream.indirect.gather [hbm4b:s2+s18], $0x80, s29, s18, $0xb8;
	[tilespmem:$0x16400] =	vst v63  }
0x7e: {  	_ =	swait.ge [sflag:s30], $0x4000  }
0x7f: {  	[sflag:s30] =	ssyncset.done $0x0  }
0x80: {  	[sflag:s30] =	ssyncadd.s32 $0xFFFFC000  }
0x81: {  	_ =	swait.ge [sflag:s30], $0x4000  }
0x82: {  	[sflag:s30] =	ssyncset.done $0x0  }
0x83: {  	s0 =	simm.s32 $0xE400;
	[sflag:s30] =	ssyncadd.s32 $0xFFFFC000  }
0x84: {  	v0 =	vld [tilespmem:s0+$0x1A0]  }
0x85: {  	v1 =	vld [tilespmem:s0+$0xA0]  }
0x86: {  	v2 =	vld [tilespmem:s0+$0x90]  }
0x87: {  	v3 =	vld [tilespmem:s0+$0x80]  }
0x88: {  	v4 =	vld [tilespmem:s0+$0xB0]  }
0x89: {  	v5 =	vld [tilespmem:s0+$0x4030]  }
0x8a: {  	v6 =	vld [tilespmem:s0+$0x4080]  }
0x8b: {  	v12 =	vld [tilespmem:s0+$0x4020]  }
0x8c: {  	v7 =	vld [tilespmem:s0+$0x4090]  }
0x8d: {  	v8 =	vld [tilespmem:s0+$0x40A0]  }
0x8e: {  	v9 =	vld [tilespmem:s0+$0x4190]  }
0x8f: {  	v10 =	vld [tilespmem:s0+$0x41A0]  }
0x90: {  	v11 =	vld [tilespmem:s0+$0x0]  }
0x91: {  	v13 =	vld [tilespmem:s0+$0x40B0]  }
0x92: {  	v14 =	vld [tilespmem:s0+$0x100];
	v0 =	vmul.f32 $8.000000000e+00, v0  }
0x93: {  	v15 =	vld [tilespmem:s0+$0x110];
	v9 =	vmul.f32 $8.000000000e+00, v9  }
0x94: {  	v16 =	vld [tilespmem:s0+$0x120];
	v17 =	vmul.f32 $8.000000000e+00, v8;
	[tilespmem:s0+$0x1A0] =	vst v0  }
0x95: {  	v18 =	vld [tilespmem:s0+$0x30];
	v6 =	vmul.f32 $8.000000000e+00, v6;
	[tilespmem:s0+$0x4190] =	vst v9  }
0x96: {  	v21 =	vld [tilespmem:s0+$0x1B0];
	v0 =	vmul.f32 $8.000000000e+00, v10;
	[tilespmem:s0+$0x40A0] =	vst v17  }
0x97: {  	v10 =	vmul.f32 $8.000000000e+00, v11;
	v11 =	vld [tilespmem:s0+$0x130];
	[tilespmem:s0+$0x4080] =	vst v6  }
0x98: {  	v9 =	vmul.f32 $8.000000000e+00, v13;
	v13 =	vld [tilespmem:s0+$0x4100];
	[tilespmem:s0+$0x41A0] =	vst v0  }
0x99: {  	[tilespmem:s0+$0x0] =	vst v10;
	v0 =	vmul.f32 $8.000000000e+00, v14;
	v10 =	vld [tilespmem:s0+$0x4110]  }
0x9a: {  	[tilespmem:s0+$0x40B0] =	vst v9;
	v9 =	vmul.f32 $8.000000000e+00, v15;
	v14 =	vld [tilespmem:s0+$0x41B0]  }
0x9b: {  	v19 =	vld [tilespmem:s0+$0x20];
	v8 =	vmul.f32 $8.000000000e+00, v1;
	[tilespmem:s0+$0x100] =	vst v0;
	v0 =	vmul.f32 $8.000000000e+00, v16  }
0x9c: {  	v20 =	vld [tilespmem:s0+$0x10];
	v1 =	vmul.f32 $8.000000000e+00, v18;
	[tilespmem:s0+$0x110] =	vst v9;
	v9 =	vmul.f32 $8.000000000e+00, v11  }
0x9d: {  	v6 =	vmul.f32 $8.000000000e+00, v21;
	v15 =	vld [tilespmem:s0+$0x4010];
	[tilespmem:s0+$0x120] =	vst v0;
	v0 =	vmul.f32 $8.000000000e+00, v13  }
0x9e: {  	v16 =	vld [tilespmem:s0+$0x4000];
	v13 =	vmul.f32 $8.000000000e+00, v7;
	[tilespmem:s0+$0x130] =	vst v9;
	v7 =	vmul.f32 $8.000000000e+00, v10  }
0x9f: {  	v11 =	vld [tilespmem:s0+$0x190];
	v9 =	vmul.f32 $8.000000000e+00, v2;
	[tilespmem:s0+$0x4100] =	vst v0;
	v0 =	vmul.f32 $8.000000000e+00, v14  }
0xa0: {  	[tilespmem:s0+$0x4110] =	vst v7;
	v7 =	vmul.f32 $8.000000000e+00, v5;
	v5 =	vmul.f32 $8.000000000e+00, v12;
	v12 =	vld [tilespmem:s0+$0x4180]  }
0xa1: {  	v10 =	vmul.f32 $8.000000000e+00, v3;
	v14 =	vmul.f32 $8.000000000e+00, v4;
	[tilespmem:s0+$0x4090] =	vst v13;
	v13 =	vld [tilespmem:s0+$0x180]  }
0xa2: {  	v2 =	vmul.f32 $8.000000000e+00, v15;
	v3 =	vmul.f32 $8.000000000e+00, v19;
	v15 =	vld [tilespmem:s0+$0x4130];
	[tilespmem:s0+$0x41B0] =	vst v0  }
0xa3: {  	s1 =	simm.s32 $0x0;
	s6 =	simm.s32 $0xE600;
	v4 =	vmul.f32 $8.000000000e+00, v20;
	v0 =	vmul.f32 $8.000000000e+00, v16;
	[tilespmem:s0+$0xB0] =	vst v14;
	v14 =	vld [tilespmem:s0+$0x4120]  }
.LBB2_4:
0xa4: {  	v16 =	vld [tilespmem:s6+$0x1A0];
	s1 =	sadd.s32 $0x4, s1;
	[tilespmem:s0+$0xA0] =	vst v8;
	v8 =	vmul.f32 $8.000000000e+00, v11  }
0xa5: {  	v11 =	vld [tilespmem:s6+$0xA0];
	p0 =	slt.u32 s1, $0x7C;
	[tilespmem:s0+$0x90] =	vst v9;
	v9 =	vmul.f32 $8.000000000e+00, v12  }
0xa6: {  	v12 =	vld [tilespmem:s6+$0x90];
	[tilespmem:s0+$0x80] =	vst v10;
	v10 =	vmul.f32 $8.000000000e+00, v13  }
0xa7: {  	v13 =	vld [tilespmem:s6+$0x80];
	v15 =	vmul.f32 $8.000000000e+00, v15;
	[tilespmem:s0+$0x4180] =	vst v9  }
0xa8: {  	v9 =	vld [tilespmem:s6+$0xB0];
	[tilespmem:s0+$0x4030] =	vst v7;
	v7 =	vmul.f32 $8.000000000e+00, v14  }
0xa9: {  	v14 =	vld [tilespmem:s6+$0x4030];
	v16 =	vmul.f32 $8.000000000e+00, v16;
	[tilespmem:s0+$0x180] =	vst v10  }
0xaa: {  	v10 =	vld [tilespmem:s6+$0x4080];
	[tilespmem:s0+$0x4020] =	vst v5  }
0xab: {  	v5 =	vld [tilespmem:s6+$0x4020];
	[tilespmem:s0+$0x4130] =	vst v15  }
0xac: {  	v15 =	vld [tilespmem:s6+$0x4090];
	[tilespmem:s0+$0x4010] =	vst v2  }
0xad: {  	v2 =	vld [tilespmem:s6+$0x40A0];
	[tilespmem:s0+$0x4120] =	vst v7  }
0xae: {  	v7 =	vld [tilespmem:s6+$0x4190];
	[tilespmem:s0+$0x4000] =	vst v0  }
0xaf: {  	v0 =	vld [tilespmem:s6+$0x41A0];
	[tilespmem:s0+$0x30] =	vst v1  }
0xb0: {  	v1 =	vld [tilespmem:s6+$0x0];
	[tilespmem:s0+$0x20] =	vst v3  }
0xb1: {  	v3 =	vld [tilespmem:s6+$0x40B0];
	[tilespmem:s0+$0x190] =	vst v8  }
0xb2: {  	v8 =	vld [tilespmem:s6+$0x100];
	[tilespmem:s0+$0x10] =	vst v4  }
0xb3: {  	v4 =	vld [tilespmem:s6+$0x110];
	v7 =	vmul.f32 $8.000000000e+00, v7;
	[tilespmem:s0+$0x1B0] =	vst v6;
	s0 =	smov.u32 s6  }
0xb4: {  	v6 =	vld [tilespmem:s6+$0x120];
	[tilespmem:s6+$0x1A0] =	vst v16;
	v0 =	vmul.f32 $8.000000000e+00, v0  }
0xb5: {  	v16 =	vmul.f32 $8.000000000e+00, v2;
	v1 =	vmul.f32 $8.000000000e+00, v1;
	v2 =	vld [tilespmem:s6+$0x130];
	[tilespmem:s6+$0x4190] =	vst v7  }
0xb6: {  	v15 =	vmul.f32 $8.000000000e+00, v15;
	v3 =	vmul.f32 $8.000000000e+00, v3;
	v7 =	vld [tilespmem:s6+$0x4100];
	[tilespmem:s6+$0x41A0] =	vst v0  }
0xb7: {  	v17 =	vmul.f32 $8.000000000e+00, v10;
	[tilespmem:s6+$0x0] =	vst v1;
	v0 =	vmul.f32 $8.000000000e+00, v8;
	v1 =	vld [tilespmem:s6+$0x4110]  }
0xb8: {  	v18 =	vmul.f32 $8.000000000e+00, v9;
	[tilespmem:s6+$0x40B0] =	vst v3;
	v3 =	vmul.f32 $8.000000000e+00, v4;
	v4 =	vld [tilespmem:s6+$0x41B0]  }
0xb9: {  	v8 =	vmul.f32 $8.000000000e+00, v11;
	v19 =	vld [tilespmem:s6+$0x4010];
	[tilespmem:s6+$0x100] =	vst v0;
	v0 =	vmul.f32 $8.000000000e+00, v6  }
0xba: {  	v9 =	vmul.f32 $8.000000000e+00, v12;
	v6 =	vld [tilespmem:s6+$0x4000];
	[tilespmem:s6+$0x110] =	vst v3;
	v2 =	vmul.f32 $8.000000000e+00, v2  }
0xbb: {  	v10 =	vmul.f32 $8.000000000e+00, v13;
	v3 =	vld [tilespmem:s6+$0x30];
	[tilespmem:s6+$0x120] =	vst v0;
	v0 =	vmul.f32 $8.000000000e+00, v7  }
0xbc: {  	v7 =	vmul.f32 $8.000000000e+00, v14;
	v13 =	vld [tilespmem:s6+$0x20];
	[tilespmem:s6+$0x130] =	vst v2;
	v1 =	vmul.f32 $8.000000000e+00, v1  }
0xbd: {  	v5 =	vmul.f32 $8.000000000e+00, v5;
	v14 =	vld [tilespmem:s6+$0x10];
	[tilespmem:s6+$0x4100] =	vst v0;
	v4 =	vmul.f32 $8.000000000e+00, v4  }
0xbe: {  	v2 =	vmul.f32 $8.000000000e+00, v19;
	[tilespmem:s6+$0x4110] =	vst v1;
	v19 =	vld [tilespmem:s6+$0x1B0]  }
.Ltmp1:
0xbf: {  	v0 =	vmul.f32 $8.000000000e+00, v6;
	v11 =	vld [tilespmem:s6+$0x190];
	[tilespmem:s6+$0x41B0] =	vst v4;
	(pc) =	sbr.rel @p0 .LBB2_4-.Ltmp1, $4  }
0xc0: {  	v1 =	vmul.f32 $8.000000000e+00, v3;
	[tilespmem:s6+$0x40A0] =	vst v16;
	v12 =	vld [tilespmem:s6+$0x4180]  }
0xc1: {  	v3 =	vmul.f32 $8.000000000e+00, v13;
	[tilespmem:s6+$0x4090] =	vst v15;
	v13 =	vld [tilespmem:s6+$0x180]  }
0xc2: {  	v4 =	vmul.f32 $8.000000000e+00, v14;
	[tilespmem:s6+$0x4080] =	vst v17;
	v15 =	vld [tilespmem:s6+$0x4130]  }
0xc3: {  	s6 =	sadd.s32 $0x200, s6;
	[tilespmem:s0+$0xB0] =	vst v18;
	v14 =	vld [tilespmem:s0+$0x4120];
	v6 =	vmul.f32 $8.000000000e+00, v19  }
0xc4: {  	[tilespmem:s0+$0xA0] =	vst v8  }
0xc5: {  	[tilespmem:s0+$0x90] =	vst v9  }
0xc6: {  	[tilespmem:s0+$0x80] =	vst v10  }
0xc7: {  	[tilespmem:s0+$0x4030] =	vst v7  }
0xc8: {  	[tilespmem:s0+$0x4020] =	vst v5  }
0xc9: {  	[tilespmem:s0+$0x4010] =	vst v2  }
0xca: {  	[tilespmem:s0+$0x4000] =	vst v0  }
0xcb: {  	[tilespmem:s0+$0x30] =	vst v1  }
0xcc: {  	[tilespmem:s0+$0x20] =	vst v3  }
0xcd: {  	v63 =	vmul.f32 $8.000000000e+00, v11;
	[tilespmem:s0+$0x10] =	vst v4  }
0xce: {  	v59 =	vmul.f32 $8.000000000e+00, v12;
	[tilespmem:s0+$0x1B0] =	vst v6  }
0xcf: {  	v60 =	vmul.f32 $8.000000000e+00, v13;
	[tilespmem:s0+$0x190] =	vst v63  }
0xd0: {  	[tilespmem:s0+$0x4180] =	vst v59;
	v61 =	vmul.f32 $8.000000000e+00, v15  }
0xd1: {  	[tilespmem:s0+$0x180] =	vst v60;
	v62 =	vmul.f32 $8.000000000e+00, v14  }
0xd2: {  	[tilespmem:s0+$0x4130] =	vst v61  }
0xd3: {  	[tilespmem:s0+$0x4120] =	vst v62  }
0xd4: {  	[hbm4b:s9+s4] =	stream.linear.scatter [tilespmem:s21], [sflag:$0x4], $0x4000, $0x38;
	[tilespmem:$0x16400] =	vst v63  }
0xd5: {  	s22 =	simm.s32 $0x1  }
0xd6: {  	[hbm4b:s10+s4] =	stream.linear.scatter [tilespmem:s23], [sflag:$0x4], $0x4000, $0x38;
	[tilespmem:$0x16400] =	vst v63  }
.LBB2_6:
0xd7: {  	_ =	swait.ge [sflag:s31], $0x4000  }
0xd8: {  	[sflag:s31] =	ssyncset.done $0x0  }
0xd9: {  	s1 =	sshll.u32 s22, $0x2;
	[sflag:s31] =	ssyncadd.s32 $0xFFFFC000  }
0xda: {  	s29 =	sor.u32 $0x2, s1;
	_ =	swait.ge [sflag:s31], $0x4000  }
0xdb: {  	s28 =	sshllo.u32 s22, $0x2;
	s0 =	sshll.u32 s29, $0x7;
	[sflag:s31] =	ssyncset.done $0x0  }
0xdc: {  	s8 =	sshll.u32 s28, $0x7;
	s0 =	sand.u32 $0x3FFFFF00, s0;
	[sflag:s31] =	ssyncadd.s32 $0xFFFFC000  }
0xdd: {  	[tilespmem:s21], [sflag:$0x2] =	stream.indirect.gather [hbm4b:s2+s18], $0x80, s0, s18, $0xb8;
	[tilespmem:$0x16400] =	vst v63  }
0xde: {  	s0 =	sand.u32 $0x3FFFFF80, s8  }
0xdf: {  	[tilespmem:s23], [sflag:$0x2] =	stream.indirect.gather [hbm4b:s2+s18], $0x80, s0, s18, $0xb8;
	[tilespmem:$0x16400] =	vst v63  }
0xe0: {  	_ =	swait.ge [sflag:s24], $0x4000  }
0xe1: {  	[sflag:s24] =	ssyncset.done $0x0  }
0xe2: {  	[sflag:s24] =	ssyncadd.s32 $0xFFFFC000  }
0xe3: {  	_ =	swait.ge [sflag:s24], $0x4000  }
0xe4: {  	[sflag:s24] =	ssyncset.done $0x0  }
0xe5: {  	s0 =	simm.s32 $0x6400;
	[sflag:s24] =	ssyncadd.s32 $0xFFFFC000  }
0xe6: {  	v0 =	vld [tilespmem:s0+$0x1A0]  }
0xe7: {  	v1 =	vld [tilespmem:s0+$0xA0]  }
0xe8: {  	v2 =	vld [tilespmem:s0+$0x90]  }
0xe9: {  	v3 =	vld [tilespmem:s0+$0x80]  }
0xea: {  	v4 =	vld [tilespmem:s0+$0xB0]  }
0xeb: {  	v5 =	vld [tilespmem:s0+$0x4030]  }
0xec: {  	v6 =	vld [tilespmem:s0+$0x4080]  }
0xed: {  	v12 =	vld [tilespmem:s0+$0x4020]  }
0xee: {  	v7 =	vld [tilespmem:s0+$0x4090]  }
0xef: {  	v8 =	vld [tilespmem:s0+$0x40A0]  }
0xf0: {  	v9 =	vld [tilespmem:s0+$0x4190]  }
0xf1: {  	v10 =	vld [tilespmem:s0+$0x41A0]  }
0xf2: {  	v11 =	vld [tilespmem:s0+$0x0]  }
0xf3: {  	v13 =	vld [tilespmem:s0+$0x40B0]  }
0xf4: {  	v14 =	vld [tilespmem:s0+$0x100];
	v0 =	vmul.f32 $8.000000000e+00, v0  }
0xf5: {  	v15 =	vld [tilespmem:s0+$0x110];
	v9 =	vmul.f32 $8.000000000e+00, v9  }
0xf6: {  	v16 =	vld [tilespmem:s0+$0x120];
	v17 =	vmul.f32 $8.000000000e+00, v8;
	[tilespmem:s0+$0x1A0] =	vst v0  }
0xf7: {  	v18 =	vld [tilespmem:s0+$0x30];
	v20 =	vmul.f32 $8.000000000e+00, v6;
	[tilespmem:s0+$0x4190] =	vst v9  }
0xf8: {  	v21 =	vld [tilespmem:s0+$0x10];
	v0 =	vmul.f32 $8.000000000e+00, v10;
	[tilespmem:s0+$0x40A0] =	vst v17  }
0xf9: {  	v10 =	vmul.f32 $8.000000000e+00, v11;
	v11 =	vld [tilespmem:s0+$0x130];
	[tilespmem:s0+$0x4080] =	vst v20  }
0xfa: {  	v9 =	vmul.f32 $8.000000000e+00, v13;
	v13 =	vld [tilespmem:s0+$0x4100];
	[tilespmem:s0+$0x41A0] =	vst v0  }
0xfb: {  	[tilespmem:s0+$0x0] =	vst v10;
	v0 =	vmul.f32 $8.000000000e+00, v14;
	v10 =	vld [tilespmem:s0+$0x4110]  }
0xfc: {  	[tilespmem:s0+$0x40B0] =	vst v9;
	v9 =	vmul.f32 $8.000000000e+00, v15;
	v14 =	vld [tilespmem:s0+$0x41B0]  }
0xfd: {  	v8 =	vmul.f32 $8.000000000e+00, v1;
	v15 =	vld [tilespmem:s0+$0x4010];
	[tilespmem:s0+$0x100] =	vst v0;
	v0 =	vmul.f32 $8.000000000e+00, v16  }
0xfe: {  	v19 =	vld [tilespmem:s0+$0x20];
	v6 =	vmul.f32 $8.000000000e+00, v12;
	[tilespmem:s0+$0x110] =	vst v9;
	v9 =	vmul.f32 $8.000000000e+00, v11  }
0xff: {  	v22 =	vld [tilespmem:s0+$0x1B0];
	v1 =	vmul.f32 $8.000000000e+00, v21;
	[tilespmem:s0+$0x120] =	vst v0;
	v0 =	vmul.f32 $8.000000000e+00, v13  }
0x100: {  	v16 =	vld [tilespmem:s0+$0x4000];
	v13 =	vmul.f32 $8.000000000e+00, v7;
	[tilespmem:s0+$0x130] =	vst v9;
	v7 =	vmul.f32 $8.000000000e+00, v10  }
0x101: {  	v11 =	vld [tilespmem:s0+$0x190];
	v9 =	vmul.f32 $8.000000000e+00, v2;
	v10 =	vmul.f32 $8.000000000e+00, v3;
	[tilespmem:s0+$0x4100] =	vst v0  }
0x102: {  	v12 =	vld [tilespmem:s0+$0x4180];
	v3 =	vmul.f32 $8.000000000e+00, v15;
	v0 =	vmul.f32 $8.000000000e+00, v14;
	[tilespmem:s0+$0x4090] =	vst v13  }
0x103: {  	v2 =	vmul.f32 $8.000000000e+00, v18;
	v14 =	vmul.f32 $8.000000000e+00, v4;
	v13 =	vld [tilespmem:s0+$0x180];
	[tilespmem:s0+$0x4110] =	vst v7  }
0x104: {  	v15 =	vld [tilespmem:s0+$0x4130];
	v4 =	vmul.f32 $8.000000000e+00, v19;
	v7 =	vmul.f32 $8.000000000e+00, v5;
	[tilespmem:s0+$0x41B0] =	vst v0  }
0x105: {  	s6 =	simm.s32 $0x0;
	s8 =	simm.s32 $0x6600;
	v5 =	vmul.f32 $8.000000000e+00, v22;
	v0 =	vmul.f32 $8.000000000e+00, v16;
	[tilespmem:s0+$0xB0] =	vst v14;
	v14 =	vld [tilespmem:s0+$0x4120]  }
.LBB2_7:
0x106: {  	v16 =	vld [tilespmem:s8+$0x1A0];
	s6 =	sadd.s32 $0x4, s6;
	[tilespmem:s0+$0xA0] =	vst v8;
	v8 =	vmul.f32 $8.000000000e+00, v11  }
0x107: {  	v11 =	vld [tilespmem:s8+$0xA0];
	p0 =	slt.u32 s6, $0x7C;
	[tilespmem:s0+$0x90] =	vst v9;
	v9 =	vmul.f32 $8.000000000e+00, v12  }
0x108: {  	v12 =	vld [tilespmem:s8+$0x90];
	[tilespmem:s0+$0x80] =	vst v10;
	v10 =	vmul.f32 $8.000000000e+00, v13  }
0x109: {  	v13 =	vld [tilespmem:s8+$0x80];
	v15 =	vmul.f32 $8.000000000e+00, v15;
	[tilespmem:s0+$0x4180] =	vst v9  }
0x10a: {  	v9 =	vld [tilespmem:s8+$0xB0];
	[tilespmem:s0+$0x4030] =	vst v7;
	v7 =	vmul.f32 $8.000000000e+00, v14  }
0x10b: {  	v14 =	vld [tilespmem:s8+$0x4030];
	v16 =	vmul.f32 $8.000000000e+00, v16;
	[tilespmem:s0+$0x180] =	vst v10  }
0x10c: {  	v10 =	vld [tilespmem:s8+$0x4080];
	[tilespmem:s0+$0x4020] =	vst v6  }
0x10d: {  	v6 =	vld [tilespmem:s8+$0x4020];
	[tilespmem:s0+$0x4130] =	vst v15  }
0x10e: {  	v15 =	vld [tilespmem:s8+$0x4090];
	[tilespmem:s0+$0x4010] =	vst v3  }
0x10f: {  	v3 =	vld [tilespmem:s8+$0x40A0];
	[tilespmem:s0+$0x4120] =	vst v7  }
0x110: {  	v7 =	vld [tilespmem:s8+$0x4190];
	[tilespmem:s0+$0x4000] =	vst v0  }
0x111: {  	v0 =	vld [tilespmem:s8+$0x41A0];
	[tilespmem:s0+$0x30] =	vst v2  }
0x112: {  	v2 =	vld [tilespmem:s8+$0x0];
	[tilespmem:s0+$0x20] =	vst v4  }
0x113: {  	v4 =	vld [tilespmem:s8+$0x40B0];
	[tilespmem:s0+$0x190] =	vst v8  }
0x114: {  	v8 =	vld [tilespmem:s8+$0x100];
	[tilespmem:s0+$0x10] =	vst v1  }
0x115: {  	v1 =	vld [tilespmem:s8+$0x110];
	v7 =	vmul.f32 $8.000000000e+00, v7;
	[tilespmem:s0+$0x1B0] =	vst v5;
	s0 =	smov.u32 s8  }
0x116: {  	v5 =	vld [tilespmem:s8+$0x120];
	[tilespmem:s8+$0x1A0] =	vst v16;
	v0 =	vmul.f32 $8.000000000e+00, v0  }
0x117: {  	v16 =	vmul.f32 $8.000000000e+00, v3;
	v2 =	vmul.f32 $8.000000000e+00, v2;
	v3 =	vld [tilespmem:s8+$0x130];
	[tilespmem:s8+$0x4190] =	vst v7  }
0x118: {  	v15 =	vmul.f32 $8.000000000e+00, v15;
	v4 =	vmul.f32 $8.000000000e+00, v4;
	v7 =	vld [tilespmem:s8+$0x4100];
	[tilespmem:s8+$0x41A0] =	vst v0  }
0x119: {  	v17 =	vmul.f32 $8.000000000e+00, v10;
	[tilespmem:s8+$0x0] =	vst v2;
	v0 =	vmul.f32 $8.000000000e+00, v8;
	v2 =	vld [tilespmem:s8+$0x4110]  }
0x11a: {  	v18 =	vmul.f32 $8.000000000e+00, v9;
	[tilespmem:s8+$0x40B0] =	vst v4;
	v1 =	vmul.f32 $8.000000000e+00, v1;
	v4 =	vld [tilespmem:s8+$0x41B0]  }
0x11b: {  	v8 =	vmul.f32 $8.000000000e+00, v11;
	v19 =	vld [tilespmem:s8+$0x4010];
	[tilespmem:s8+$0x100] =	vst v0;
	v0 =	vmul.f32 $8.000000000e+00, v5  }
0x11c: {  	v9 =	vmul.f32 $8.000000000e+00, v12;
	v5 =	vld [tilespmem:s8+$0x4000];
	[tilespmem:s8+$0x110] =	vst v1;
	v1 =	vmul.f32 $8.000000000e+00, v3  }
0x11d: {  	v10 =	vmul.f32 $8.000000000e+00, v13;
	v12 =	vld [tilespmem:s8+$0x30];
	[tilespmem:s8+$0x120] =	vst v0;
	v0 =	vmul.f32 $8.000000000e+00, v7  }
0x11e: {  	v7 =	vmul.f32 $8.000000000e+00, v14;
	v13 =	vld [tilespmem:s8+$0x20];
	[tilespmem:s8+$0x130] =	vst v1;
	v1 =	vmul.f32 $8.000000000e+00, v2  }
0x11f: {  	v6 =	vmul.f32 $8.000000000e+00, v6;
	v14 =	vld [tilespmem:s8+$0x10];
	[tilespmem:s8+$0x4100] =	vst v0;
	v2 =	vmul.f32 $8.000000000e+00, v4  }
0x120: {  	v3 =	vmul.f32 $8.000000000e+00, v19;
	[tilespmem:s8+$0x4110] =	vst v1;
	v19 =	vld [tilespmem:s8+$0x1B0]  }
.Ltmp2:
0x121: {  	v0 =	vmul.f32 $8.000000000e+00, v5;
	v11 =	vld [tilespmem:s8+$0x190];
	[tilespmem:s8+$0x41B0] =	vst v2;
	(pc) =	sbr.rel @p0 .LBB2_7-.Ltmp2, $4  }
0x122: {  	v2 =	vmul.f32 $8.000000000e+00, v12;
	[tilespmem:s8+$0x40A0] =	vst v16;
	v12 =	vld [tilespmem:s8+$0x4180]  }
0x123: {  	v4 =	vmul.f32 $8.000000000e+00, v13;
	[tilespmem:s8+$0x4090] =	vst v15;
	v13 =	vld [tilespmem:s8+$0x180]  }
0x124: {  	v1 =	vmul.f32 $8.000000000e+00, v14;
	[tilespmem:s8+$0x4080] =	vst v17;
	v15 =	vld [tilespmem:s8+$0x4130]  }
0x125: {  	s8 =	sadd.s32 $0x200, s8;
	[tilespmem:s0+$0xB0] =	vst v18;
	v14 =	vld [tilespmem:s0+$0x4120];
	v5 =	vmul.f32 $8.000000000e+00, v19  }
0x126: {  	[tilespmem:s0+$0xA0] =	vst v8  }
0x127: {  	[tilespmem:s0+$0x90] =	vst v9  }
0x128: {  	[tilespmem:s0+$0x80] =	vst v10  }
0x129: {  	[tilespmem:s0+$0x4030] =	vst v7  }
0x12a: {  	[tilespmem:s0+$0x4020] =	vst v6  }
0x12b: {  	[tilespmem:s0+$0x4010] =	vst v3  }
0x12c: {  	[tilespmem:s0+$0x4000] =	vst v0  }
0x12d: {  	[tilespmem:s0+$0x30] =	vst v2  }
0x12e: {  	[tilespmem:s0+$0x20] =	vst v4  }
0x12f: {  	v0 =	vmul.f32 $8.000000000e+00, v11;
	[tilespmem:s0+$0x10] =	vst v1  }
0x130: {  	v8 =	vmul.f32 $8.000000000e+00, v12;
	[tilespmem:s0+$0x1B0] =	vst v5  }
0x131: {  	v9 =	vmul.f32 $8.000000000e+00, v13;
	[tilespmem:s0+$0x190] =	vst v0  }
0x132: {  	s6 =	sadd.s32 s5, s1;
	[tilespmem:s0+$0x4180] =	vst v8;
	v7 =	vmul.f32 $8.000000000e+00, v15  }
0x133: {  	s6 =	sshll.u32 s6, $0xB;
	[tilespmem:s0+$0x180] =	vst v9;
	v6 =	vmul.f32 $8.000000000e+00, v14  }
0x134: {  	s1 =	sadd.s32 s1, s11;
	s6 =	sand.u32 $0x1FFFE000, s6;
	[tilespmem:s0+$0x4130] =	vst v7  }
0x135: {  	s8 =	sadd.s32 s3, s6;
	[tilespmem:s0+$0x4120] =	vst v6;
	s0 =	sshll.u32 s1, $0xB  }
0x136: {  	[hbm4b:s8+s4] =	stream.linear.scatter [tilespmem:s25], [sflag:$0x3], $0x4000, $0x38;
	[tilespmem:$0x16400] =	vst v63  }
0x137: {  	s0 =	sand.u32 $0x1FFFE800, s0  }
0x138: {  	s0 =	sadd.s32 s3, s0  }
0x139: {  	[hbm4b:s0+s4] =	stream.linear.scatter [tilespmem:s19], [sflag:$0x3], $0x4000, $0x38;
	[tilespmem:$0x16400] =	vst v63  }
0x13a: {  	_ =	swait.ge [sflag:s26], $0x4000  }
0x13b: {  	[sflag:s26] =	ssyncset.done $0x0  }
0x13c: {  	[sflag:s26] =	ssyncadd.s32 $0xFFFFC000  }
0x13d: {  	s6 =	sshll.u32 s22, $0x9;
	_ =	swait.ge [sflag:s26], $0x4000  }
0x13e: {  	s0 =	sand.u32 $0x3FFFFE00, s6;
	[sflag:s26] =	ssyncset.done $0x0  }
0x13f: {  	s8 =	sadd.s32 $0x200, s0;
	[sflag:s26] =	ssyncadd.s32 $0xFFFFC000  }
0x140: {  	[tilespmem:s25], [sflag:$0x1] =	stream.indirect.gather [hbm4b:s2+s18], $0x80, s8, s18, $0xb8;
	[tilespmem:$0x16400] =	vst v63  }
0x141: {  	s0 =	sadd.s32 $0x280, s0  }
0x142: {  	[tilespmem:s19], [sflag:$0x1] =	stream.indirect.gather [hbm4b:s2+s18], $0x80, s0, s18, $0xb8;
	[tilespmem:$0x16400] =	vst v63  }
0x143: {  	_ =	swait.ge [sflag:s30], $0x4000  }
0x144: {  	[sflag:s30] =	ssyncset.done $0x0  }
0x145: {  	[sflag:s30] =	ssyncadd.s32 $0xFFFFC000  }
0x146: {  	_ =	swait.ge [sflag:s30], $0x4000  }
0x147: {  	[sflag:s30] =	ssyncset.done $0x0  }
0x148: {  	s0 =	simm.s32 $0xE400;
	[sflag:s30] =	ssyncadd.s32 $0xFFFFC000  }
0x149: {  	v0 =	vld [tilespmem:s0+$0x1A0]  }
0x14a: {  	v1 =	vld [tilespmem:s0+$0xA0]  }
0x14b: {  	v2 =	vld [tilespmem:s0+$0x90]  }
0x14c: {  	v3 =	vld [tilespmem:s0+$0x80]  }
0x14d: {  	v4 =	vld [tilespmem:s0+$0xB0]  }
0x14e: {  	v5 =	vld [tilespmem:s0+$0x4030]  }
0x14f: {  	v6 =	vld [tilespmem:s0+$0x4080]  }
0x150: {  	v12 =	vld [tilespmem:s0+$0x4020]  }
0x151: {  	v7 =	vld [tilespmem:s0+$0x4090]  }
0x152: {  	v8 =	vld [tilespmem:s0+$0x40A0]  }
0x153: {  	v9 =	vld [tilespmem:s0+$0x4190]  }
0x154: {  	v10 =	vld [tilespmem:s0+$0x41A0]  }
0x155: {  	v11 =	vld [tilespmem:s0+$0x0]  }
0x156: {  	v13 =	vld [tilespmem:s0+$0x40B0]  }
0x157: {  	v14 =	vld [tilespmem:s0+$0x100];
	v0 =	vmul.f32 $8.000000000e+00, v0  }
0x158: {  	v15 =	vld [tilespmem:s0+$0x110];
	v9 =	vmul.f32 $8.000000000e+00, v9  }
0x159: {  	v16 =	vld [tilespmem:s0+$0x120];
	v17 =	vmul.f32 $8.000000000e+00, v8;
	[tilespmem:s0+$0x1A0] =	vst v0  }
0x15a: {  	v18 =	vld [tilespmem:s0+$0x30];
	v20 =	vmul.f32 $8.000000000e+00, v6;
	[tilespmem:s0+$0x4190] =	vst v9  }
0x15b: {  	v21 =	vld [tilespmem:s0+$0x10];
	v0 =	vmul.f32 $8.000000000e+00, v10;
	[tilespmem:s0+$0x40A0] =	vst v17  }
0x15c: {  	v10 =	vmul.f32 $8.000000000e+00, v11;
	v11 =	vld [tilespmem:s0+$0x130];
	[tilespmem:s0+$0x4080] =	vst v20  }
0x15d: {  	v9 =	vmul.f32 $8.000000000e+00, v13;
	v13 =	vld [tilespmem:s0+$0x4100];
	[tilespmem:s0+$0x41A0] =	vst v0  }
0x15e: {  	[tilespmem:s0+$0x0] =	vst v10;
	v0 =	vmul.f32 $8.000000000e+00, v14;
	v10 =	vld [tilespmem:s0+$0x4110]  }
0x15f: {  	[tilespmem:s0+$0x40B0] =	vst v9;
	v9 =	vmul.f32 $8.000000000e+00, v15;
	v14 =	vld [tilespmem:s0+$0x41B0]  }
0x160: {  	v8 =	vmul.f32 $8.000000000e+00, v1;
	v15 =	vld [tilespmem:s0+$0x4010];
	[tilespmem:s0+$0x100] =	vst v0;
	v0 =	vmul.f32 $8.000000000e+00, v16  }
0x161: {  	v19 =	vld [tilespmem:s0+$0x20];
	v6 =	vmul.f32 $8.000000000e+00, v12;
	[tilespmem:s0+$0x110] =	vst v9;
	v9 =	vmul.f32 $8.000000000e+00, v11  }
0x162: {  	v22 =	vld [tilespmem:s0+$0x1B0];
	v1 =	vmul.f32 $8.000000000e+00, v21;
	[tilespmem:s0+$0x120] =	vst v0;
	v0 =	vmul.f32 $8.000000000e+00, v13  }
0x163: {  	v16 =	vld [tilespmem:s0+$0x4000];
	v13 =	vmul.f32 $8.000000000e+00, v7;
	[tilespmem:s0+$0x130] =	vst v9;
	v7 =	vmul.f32 $8.000000000e+00, v10  }
0x164: {  	v11 =	vld [tilespmem:s0+$0x190];
	v9 =	vmul.f32 $8.000000000e+00, v2;
	v10 =	vmul.f32 $8.000000000e+00, v3;
	[tilespmem:s0+$0x4100] =	vst v0  }
0x165: {  	v12 =	vld [tilespmem:s0+$0x4180];
	v3 =	vmul.f32 $8.000000000e+00, v15;
	v0 =	vmul.f32 $8.000000000e+00, v14;
	[tilespmem:s0+$0x4090] =	vst v13  }
0x166: {  	v2 =	vmul.f32 $8.000000000e+00, v18;
	v14 =	vmul.f32 $8.000000000e+00, v4;
	v13 =	vld [tilespmem:s0+$0x180];
	[tilespmem:s0+$0x4110] =	vst v7  }
0x167: {  	v15 =	vld [tilespmem:s0+$0x4130];
	v4 =	vmul.f32 $8.000000000e+00, v19;
	v7 =	vmul.f32 $8.000000000e+00, v5;
	[tilespmem:s0+$0x41B0] =	vst v0  }
0x168: {  	s1 =	simm.s32 $0x0;
	s6 =	simm.s32 $0xE600;
	v5 =	vmul.f32 $8.000000000e+00, v22;
	v0 =	vmul.f32 $8.000000000e+00, v16;
	[tilespmem:s0+$0xB0] =	vst v14;
	v14 =	vld [tilespmem:s0+$0x4120]  }
.LBB2_9:
0x169: {  	v16 =	vld [tilespmem:s6+$0x1A0];
	s1 =	sadd.s32 $0x4, s1;
	[tilespmem:s0+$0xA0] =	vst v8;
	v8 =	vmul.f32 $8.000000000e+00, v11  }
0x16a: {  	v11 =	vld [tilespmem:s6+$0xA0];
	p0 =	slt.u32 s1, $0x7C;
	[tilespmem:s0+$0x90] =	vst v9;
	v9 =	vmul.f32 $8.000000000e+00, v12  }
0x16b: {  	v12 =	vld [tilespmem:s6+$0x90];
	[tilespmem:s0+$0x80] =	vst v10;
	v10 =	vmul.f32 $8.000000000e+00, v13  }
0x16c: {  	v13 =	vld [tilespmem:s6+$0x80];
	v15 =	vmul.f32 $8.000000000e+00, v15;
	[tilespmem:s0+$0x4180] =	vst v9  }
0x16d: {  	v9 =	vld [tilespmem:s6+$0xB0];
	[tilespmem:s0+$0x4030] =	vst v7;
	v7 =	vmul.f32 $8.000000000e+00, v14  }
0x16e: {  	v14 =	vld [tilespmem:s6+$0x4030];
	v16 =	vmul.f32 $8.000000000e+00, v16;
	[tilespmem:s0+$0x180] =	vst v10  }
0x16f: {  	v10 =	vld [tilespmem:s6+$0x4080];
	[tilespmem:s0+$0x4020] =	vst v6  }
0x170: {  	v6 =	vld [tilespmem:s6+$0x4020];
	[tilespmem:s0+$0x4130] =	vst v15  }
0x171: {  	v15 =	vld [tilespmem:s6+$0x4090];
	[tilespmem:s0+$0x4010] =	vst v3  }
0x172: {  	v3 =	vld [tilespmem:s6+$0x40A0];
	[tilespmem:s0+$0x4120] =	vst v7  }
0x173: {  	v7 =	vld [tilespmem:s6+$0x4190];
	[tilespmem:s0+$0x4000] =	vst v0  }
0x174: {  	v0 =	vld [tilespmem:s6+$0x41A0];
	[tilespmem:s0+$0x30] =	vst v2  }
0x175: {  	v2 =	vld [tilespmem:s6+$0x0];
	[tilespmem:s0+$0x20] =	vst v4  }
0x176: {  	v4 =	vld [tilespmem:s6+$0x40B0];
	[tilespmem:s0+$0x190] =	vst v8  }
0x177: {  	v8 =	vld [tilespmem:s6+$0x100];
	[tilespmem:s0+$0x10] =	vst v1  }
0x178: {  	v1 =	vld [tilespmem:s6+$0x110];
	v7 =	vmul.f32 $8.000000000e+00, v7;
	[tilespmem:s0+$0x1B0] =	vst v5;
	s0 =	smov.u32 s6  }
0x179: {  	v5 =	vld [tilespmem:s6+$0x120];
	[tilespmem:s6+$0x1A0] =	vst v16;
	v0 =	vmul.f32 $8.000000000e+00, v0  }
0x17a: {  	v16 =	vmul.f32 $8.000000000e+00, v3;
	v2 =	vmul.f32 $8.000000000e+00, v2;
	v3 =	vld [tilespmem:s6+$0x130];
	[tilespmem:s6+$0x4190] =	vst v7  }
0x17b: {  	v15 =	vmul.f32 $8.000000000e+00, v15;
	v4 =	vmul.f32 $8.000000000e+00, v4;
	v7 =	vld [tilespmem:s6+$0x4100];
	[tilespmem:s6+$0x41A0] =	vst v0  }
0x17c: {  	v17 =	vmul.f32 $8.000000000e+00, v10;
	[tilespmem:s6+$0x0] =	vst v2;
	v0 =	vmul.f32 $8.000000000e+00, v8;
	v2 =	vld [tilespmem:s6+$0x4110]  }
0x17d: {  	v18 =	vmul.f32 $8.000000000e+00, v9;
	[tilespmem:s6+$0x40B0] =	vst v4;
	v1 =	vmul.f32 $8.000000000e+00, v1;
	v4 =	vld [tilespmem:s6+$0x41B0]  }
0x17e: {  	v8 =	vmul.f32 $8.000000000e+00, v11;
	v19 =	vld [tilespmem:s6+$0x4010];
	[tilespmem:s6+$0x100] =	vst v0;
	v0 =	vmul.f32 $8.000000000e+00, v5  }
0x17f: {  	v9 =	vmul.f32 $8.000000000e+00, v12;
	v5 =	vld [tilespmem:s6+$0x4000];
	[tilespmem:s6+$0x110] =	vst v1;
	v1 =	vmul.f32 $8.000000000e+00, v3  }
0x180: {  	v10 =	vmul.f32 $8.000000000e+00, v13;
	v12 =	vld [tilespmem:s6+$0x30];
	[tilespmem:s6+$0x120] =	vst v0;
	v0 =	vmul.f32 $8.000000000e+00, v7  }
0x181: {  	v7 =	vmul.f32 $8.000000000e+00, v14;
	v13 =	vld [tilespmem:s6+$0x20];
	[tilespmem:s6+$0x130] =	vst v1;
	v1 =	vmul.f32 $8.000000000e+00, v2  }
0x182: {  	v6 =	vmul.f32 $8.000000000e+00, v6;
	v14 =	vld [tilespmem:s6+$0x10];
	[tilespmem:s6+$0x4100] =	vst v0;
	v2 =	vmul.f32 $8.000000000e+00, v4  }
0x183: {  	v3 =	vmul.f32 $8.000000000e+00, v19;
	[tilespmem:s6+$0x4110] =	vst v1;
	v19 =	vld [tilespmem:s6+$0x1B0]  }
.Ltmp3:
0x184: {  	v0 =	vmul.f32 $8.000000000e+00, v5;
	v11 =	vld [tilespmem:s6+$0x190];
	[tilespmem:s6+$0x41B0] =	vst v2;
	(pc) =	sbr.rel @p0 .LBB2_9-.Ltmp3, $4  }
0x185: {  	v2 =	vmul.f32 $8.000000000e+00, v12;
	[tilespmem:s6+$0x40A0] =	vst v16;
	v12 =	vld [tilespmem:s6+$0x4180]  }
0x186: {  	v4 =	vmul.f32 $8.000000000e+00, v13;
	[tilespmem:s6+$0x4090] =	vst v15;
	v13 =	vld [tilespmem:s6+$0x180]  }
0x187: {  	v1 =	vmul.f32 $8.000000000e+00, v14;
	[tilespmem:s6+$0x4080] =	vst v17;
	v15 =	vld [tilespmem:s6+$0x4130]  }
0x188: {  	s6 =	sadd.s32 $0x200, s6;
	[tilespmem:s0+$0xB0] =	vst v18;
	v14 =	vld [tilespmem:s0+$0x4120];
	v5 =	vmul.f32 $8.000000000e+00, v19  }
0x189: {  	[tilespmem:s0+$0xA0] =	vst v8  }
0x18a: {  	[tilespmem:s0+$0x90] =	vst v9  }
0x18b: {  	[tilespmem:s0+$0x80] =	vst v10  }
0x18c: {  	[tilespmem:s0+$0x4030] =	vst v7  }
0x18d: {  	[tilespmem:s0+$0x4020] =	vst v6  }
0x18e: {  	[tilespmem:s0+$0x4010] =	vst v3  }
0x18f: {  	[tilespmem:s0+$0x4000] =	vst v0  }
0x190: {  	[tilespmem:s0+$0x30] =	vst v2  }
0x191: {  	[tilespmem:s0+$0x20] =	vst v4  }
0x192: {  	v63 =	vmul.f32 $8.000000000e+00, v11;
	[tilespmem:s0+$0x10] =	vst v1  }
0x193: {  	v59 =	vmul.f32 $8.000000000e+00, v12;
	[tilespmem:s0+$0x1B0] =	vst v5  }
0x194: {  	v60 =	vmul.f32 $8.000000000e+00, v13;
	[tilespmem:s0+$0x190] =	vst v63  }
0x195: {  	s1 =	sadd.s32 s5, s29;
	[tilespmem:s0+$0x4180] =	vst v59;
	v61 =	vmul.f32 $8.000000000e+00, v15  }
0x196: {  	s22 =	sadd.s32 $0x1, s22;
	s1 =	sshll.u32 s1, $0xB;
	[tilespmem:s0+$0x180] =	vst v60;
	v62 =	vmul.f32 $8.000000000e+00, v14  }
0x197: {  	s29 =	sadd.s32 s5, s28;
	p0 =	sne.s32 s22, $0x31;
	s1 =	sand.u32 $0x1FFFF000, s1;
	[tilespmem:s0+$0x4130] =	vst v61  }
.Ltmp4:
0x198: {  	s8 =	sadd.s32 s3, s1;
	[tilespmem:s0+$0x4120] =	vst v62;
	s0 =	sshll.u32 s29, $0xB;
	(pc) =	sbr.rel @p0 .LBB2_6-.Ltmp4, $4  }
0x199: {  	[hbm4b:s8+s4] =	stream.linear.scatter [tilespmem:s21], [sflag:$0x4], $0x4000, $0x38;
	[tilespmem:$0x16400] =	vst v63  }
0x19a: {  	s0 =	sand.u32 $0x1FFFF800, s0  }
0x19b: {  	s0 =	sadd.s32 s3, s0  }
0x19c: {  	[hbm4b:s0+s4] =	stream.linear.scatter [tilespmem:s23], [sflag:$0x4], $0x4000, $0x38;
	[tilespmem:$0x16400] =	vst v63  }
0x19d: {  	_ =	swait.ge [sflag:s31], $0x4000  }
0x19e: {  	[sflag:s31] =	ssyncset.done $0x0  }
0x19f: {  	[sflag:s31] =	ssyncadd.s32 $0xFFFFC000  }
0x1a0: {  	_ =	swait.ge [sflag:s31], $0x4000  }
0x1a1: {  	[sflag:s31] =	ssyncset.done $0x0  }
0x1a2: {  	s0 =	simm.s32 $0x6300;
	[sflag:s31] =	ssyncadd.s32 $0xFFFFC000  }
0x1a3: {  	[tilespmem:s21], [sflag:$0x2] =	stream.indirect.gather [hbm4b:s2+s18], $0x80, s0, s18, $0xb8;
	[tilespmem:$0x16400] =	vst v63  }
0x1a4: {  	s29 =	simm.s32 $0x6380  }
0x1a5: {  	[tilespmem:s23], [sflag:$0x2] =	stream.indirect.gather [hbm4b:s2+s18], $0x80, s29, s18, $0xb8;
	[tilespmem:$0x16400] =	vst v63  }
0x1a6: {  	_ =	swait.ge [sflag:s24], $0x4000  }
0x1a7: {  	[sflag:s24] =	ssyncset.done $0x0  }
0x1a8: {  	[sflag:s24] =	ssyncadd.s32 $0xFFFFC000  }
0x1a9: {  	_ =	swait.ge [sflag:s24], $0x4000  }
0x1aa: {  	[sflag:s24] =	ssyncset.done $0x0  }
0x1ab: {  	s0 =	simm.s32 $0x6400;
	[sflag:s24] =	ssyncadd.s32 $0xFFFFC000  }
0x1ac: {  	v0 =	vld [tilespmem:s0+$0x1A0]  }
0x1ad: {  	v1 =	vld [tilespmem:s0+$0xA0]  }
0x1ae: {  	v2 =	vld [tilespmem:s0+$0x90]  }
0x1af: {  	v3 =	vld [tilespmem:s0+$0x80]  }
0x1b0: {  	v4 =	vld [tilespmem:s0+$0xB0]  }
0x1b1: {  	v5 =	vld [tilespmem:s0+$0x4030]  }
0x1b2: {  	v6 =	vld [tilespmem:s0+$0x4080]  }
0x1b3: {  	v12 =	vld [tilespmem:s0+$0x4020]  }
0x1b4: {  	v7 =	vld [tilespmem:s0+$0x4090]  }
0x1b5: {  	v8 =	vld [tilespmem:s0+$0x40A0]  }
0x1b6: {  	v9 =	vld [tilespmem:s0+$0x4190]  }
0x1b7: {  	v10 =	vld [tilespmem:s0+$0x41A0]  }
0x1b8: {  	v11 =	vld [tilespmem:s0+$0x0]  }
0x1b9: {  	v13 =	vld [tilespmem:s0+$0x40B0]  }
0x1ba: {  	v14 =	vld [tilespmem:s0+$0x100];
	v0 =	vmul.f32 $8.000000000e+00, v0  }
0x1bb: {  	v15 =	vld [tilespmem:s0+$0x110];
	v9 =	vmul.f32 $8.000000000e+00, v9  }
0x1bc: {  	v16 =	vld [tilespmem:s0+$0x120];
	v17 =	vmul.f32 $8.000000000e+00, v8;
	[tilespmem:s0+$0x1A0] =	vst v0  }
0x1bd: {  	v18 =	vld [tilespmem:s0+$0x30];
	v6 =	vmul.f32 $8.000000000e+00, v6;
	[tilespmem:s0+$0x4190] =	vst v9  }
0x1be: {  	v21 =	vld [tilespmem:s0+$0x1B0];
	v0 =	vmul.f32 $8.000000000e+00, v10;
	[tilespmem:s0+$0x40A0] =	vst v17  }
0x1bf: {  	v10 =	vmul.f32 $8.000000000e+00, v11;
	v11 =	vld [tilespmem:s0+$0x130];
	[tilespmem:s0+$0x4080] =	vst v6  }
0x1c0: {  	v9 =	vmul.f32 $8.000000000e+00, v13;
	v13 =	vld [tilespmem:s0+$0x4100];
	[tilespmem:s0+$0x41A0] =	vst v0  }
0x1c1: {  	[tilespmem:s0+$0x0] =	vst v10;
	v0 =	vmul.f32 $8.000000000e+00, v14;
	v10 =	vld [tilespmem:s0+$0x4110]  }
0x1c2: {  	[tilespmem:s0+$0x40B0] =	vst v9;
	v9 =	vmul.f32 $8.000000000e+00, v15;
	v14 =	vld [tilespmem:s0+$0x41B0]  }
0x1c3: {  	v19 =	vld [tilespmem:s0+$0x20];
	v8 =	vmul.f32 $8.000000000e+00, v1;
	[tilespmem:s0+$0x100] =	vst v0;
	v0 =	vmul.f32 $8.000000000e+00, v16  }
0x1c4: {  	v20 =	vld [tilespmem:s0+$0x10];
	v1 =	vmul.f32 $8.000000000e+00, v18;
	[tilespmem:s0+$0x110] =	vst v9;
	v9 =	vmul.f32 $8.000000000e+00, v11  }
0x1c5: {  	v6 =	vmul.f32 $8.000000000e+00, v21;
	v15 =	vld [tilespmem:s0+$0x4010];
	[tilespmem:s0+$0x120] =	vst v0;
	v0 =	vmul.f32 $8.000000000e+00, v13  }
0x1c6: {  	v16 =	vld [tilespmem:s0+$0x4000];
	v13 =	vmul.f32 $8.000000000e+00, v7;
	[tilespmem:s0+$0x130] =	vst v9;
	v7 =	vmul.f32 $8.000000000e+00, v10  }
0x1c7: {  	v11 =	vld [tilespmem:s0+$0x190];
	v9 =	vmul.f32 $8.000000000e+00, v2;
	[tilespmem:s0+$0x4100] =	vst v0;
	v0 =	vmul.f32 $8.000000000e+00, v14  }
0x1c8: {  	[tilespmem:s0+$0x4110] =	vst v7;
	v7 =	vmul.f32 $8.000000000e+00, v5;
	v5 =	vmul.f32 $8.000000000e+00, v12;
	v12 =	vld [tilespmem:s0+$0x4180]  }
0x1c9: {  	v10 =	vmul.f32 $8.000000000e+00, v3;
	v14 =	vmul.f32 $8.000000000e+00, v4;
	[tilespmem:s0+$0x4090] =	vst v13;
	v13 =	vld [tilespmem:s0+$0x180]  }
0x1ca: {  	v2 =	vmul.f32 $8.000000000e+00, v15;
	v3 =	vmul.f32 $8.000000000e+00, v19;
	v15 =	vld [tilespmem:s0+$0x4130];
	[tilespmem:s0+$0x41B0] =	vst v0  }
0x1cb: {  	s1 =	simm.s32 $0x0;
	s6 =	simm.s32 $0x6600;
	v4 =	vmul.f32 $8.000000000e+00, v20;
	v0 =	vmul.f32 $8.000000000e+00, v16;
	[tilespmem:s0+$0xB0] =	vst v14;
	v14 =	vld [tilespmem:s0+$0x4120]  }
.LBB2_12:
0x1cc: {  	v16 =	vld [tilespmem:s6+$0x1A0];
	s1 =	sadd.s32 $0x4, s1;
	[tilespmem:s0+$0xA0] =	vst v8;
	v8 =	vmul.f32 $8.000000000e+00, v11  }
0x1cd: {  	v11 =	vld [tilespmem:s6+$0xA0];
	p0 =	slt.u32 s1, $0x7C;
	[tilespmem:s0+$0x90] =	vst v9;
	v9 =	vmul.f32 $8.000000000e+00, v12  }
0x1ce: {  	v12 =	vld [tilespmem:s6+$0x90];
	[tilespmem:s0+$0x80] =	vst v10;
	v10 =	vmul.f32 $8.000000000e+00, v13  }
0x1cf: {  	v13 =	vld [tilespmem:s6+$0x80];
	v15 =	vmul.f32 $8.000000000e+00, v15;
	[tilespmem:s0+$0x4180] =	vst v9  }
0x1d0: {  	v9 =	vld [tilespmem:s6+$0xB0];
	[tilespmem:s0+$0x4030] =	vst v7;
	v7 =	vmul.f32 $8.000000000e+00, v14  }
0x1d1: {  	v14 =	vld [tilespmem:s6+$0x4030];
	v16 =	vmul.f32 $8.000000000e+00, v16;
	[tilespmem:s0+$0x180] =	vst v10  }
0x1d2: {  	v10 =	vld [tilespmem:s6+$0x4080];
	[tilespmem:s0+$0x4020] =	vst v5  }
0x1d3: {  	v5 =	vld [tilespmem:s6+$0x4020];
	[tilespmem:s0+$0x4130] =	vst v15  }
0x1d4: {  	v15 =	vld [tilespmem:s6+$0x4090];
	[tilespmem:s0+$0x4010] =	vst v2  }
0x1d5: {  	v2 =	vld [tilespmem:s6+$0x40A0];
	[tilespmem:s0+$0x4120] =	vst v7  }
0x1d6: {  	v7 =	vld [tilespmem:s6+$0x4190];
	[tilespmem:s0+$0x4000] =	vst v0  }
0x1d7: {  	v0 =	vld [tilespmem:s6+$0x41A0];
	[tilespmem:s0+$0x30] =	vst v1  }
0x1d8: {  	v1 =	vld [tilespmem:s6+$0x0];
	[tilespmem:s0+$0x20] =	vst v3  }
0x1d9: {  	v3 =	vld [tilespmem:s6+$0x40B0];
	[tilespmem:s0+$0x190] =	vst v8  }
0x1da: {  	v8 =	vld [tilespmem:s6+$0x100];
	[tilespmem:s0+$0x10] =	vst v4  }
0x1db: {  	v4 =	vld [tilespmem:s6+$0x110];
	v7 =	vmul.f32 $8.000000000e+00, v7;
	[tilespmem:s0+$0x1B0] =	vst v6;
	s0 =	smov.u32 s6  }
0x1dc: {  	v6 =	vld [tilespmem:s6+$0x120];
	[tilespmem:s6+$0x1A0] =	vst v16;
	v0 =	vmul.f32 $8.000000000e+00, v0  }
0x1dd: {  	v16 =	vmul.f32 $8.000000000e+00, v2;
	v1 =	vmul.f32 $8.000000000e+00, v1;
	v2 =	vld [tilespmem:s6+$0x130];
	[tilespmem:s6+$0x4190] =	vst v7  }
0x1de: {  	v15 =	vmul.f32 $8.000000000e+00, v15;
	v3 =	vmul.f32 $8.000000000e+00, v3;
	v7 =	vld [tilespmem:s6+$0x4100];
	[tilespmem:s6+$0x41A0] =	vst v0  }
0x1df: {  	v17 =	vmul.f32 $8.000000000e+00, v10;
	[tilespmem:s6+$0x0] =	vst v1;
	v0 =	vmul.f32 $8.000000000e+00, v8;
	v1 =	vld [tilespmem:s6+$0x4110]  }
0x1e0: {  	v18 =	vmul.f32 $8.000000000e+00, v9;
	[tilespmem:s6+$0x40B0] =	vst v3;
	v3 =	vmul.f32 $8.000000000e+00, v4;
	v4 =	vld [tilespmem:s6+$0x41B0]  }
0x1e1: {  	v8 =	vmul.f32 $8.000000000e+00, v11;
	v19 =	vld [tilespmem:s6+$0x4010];
	[tilespmem:s6+$0x100] =	vst v0;
	v0 =	vmul.f32 $8.000000000e+00, v6  }
0x1e2: {  	v9 =	vmul.f32 $8.000000000e+00, v12;
	v6 =	vld [tilespmem:s6+$0x4000];
	[tilespmem:s6+$0x110] =	vst v3;
	v2 =	vmul.f32 $8.000000000e+00, v2  }
0x1e3: {  	v10 =	vmul.f32 $8.000000000e+00, v13;
	v3 =	vld [tilespmem:s6+$0x30];
	[tilespmem:s6+$0x120] =	vst v0;
	v0 =	vmul.f32 $8.000000000e+00, v7  }
0x1e4: {  	v7 =	vmul.f32 $8.000000000e+00, v14;
	v13 =	vld [tilespmem:s6+$0x20];
	[tilespmem:s6+$0x130] =	vst v2;
	v1 =	vmul.f32 $8.000000000e+00, v1  }
0x1e5: {  	v5 =	vmul.f32 $8.000000000e+00, v5;
	v14 =	vld [tilespmem:s6+$0x10];
	[tilespmem:s6+$0x4100] =	vst v0;
	v4 =	vmul.f32 $8.000000000e+00, v4  }
0x1e6: {  	v2 =	vmul.f32 $8.000000000e+00, v19;
	[tilespmem:s6+$0x4110] =	vst v1;
	v19 =	vld [tilespmem:s6+$0x1B0]  }
.Ltmp5:
0x1e7: {  	v0 =	vmul.f32 $8.000000000e+00, v6;
	v11 =	vld [tilespmem:s6+$0x190];
	[tilespmem:s6+$0x41B0] =	vst v4;
	(pc) =	sbr.rel @p0 .LBB2_12-.Ltmp5, $4  }
0x1e8: {  	v1 =	vmul.f32 $8.000000000e+00, v3;
	[tilespmem:s6+$0x40A0] =	vst v16;
	v12 =	vld [tilespmem:s6+$0x4180]  }
0x1e9: {  	v3 =	vmul.f32 $8.000000000e+00, v13;
	[tilespmem:s6+$0x4090] =	vst v15;
	v13 =	vld [tilespmem:s6+$0x180]  }
0x1ea: {  	v4 =	vmul.f32 $8.000000000e+00, v14;
	[tilespmem:s6+$0x4080] =	vst v17;
	v15 =	vld [tilespmem:s6+$0x4130]  }
0x1eb: {  	s6 =	sadd.s32 $0x200, s6;
	[tilespmem:s0+$0xB0] =	vst v18;
	v14 =	vld [tilespmem:s0+$0x4120];
	v6 =	vmul.f32 $8.000000000e+00, v19  }
0x1ec: {  	[tilespmem:s0+$0xA0] =	vst v8  }
0x1ed: {  	[tilespmem:s0+$0x90] =	vst v9  }
0x1ee: {  	[tilespmem:s0+$0x80] =	vst v10  }
0x1ef: {  	[tilespmem:s0+$0x4030] =	vst v7  }
0x1f0: {  	[tilespmem:s0+$0x4020] =	vst v5  }
0x1f1: {  	[tilespmem:s0+$0x4010] =	vst v2  }
0x1f2: {  	[tilespmem:s0+$0x4000] =	vst v0  }
0x1f3: {  	[tilespmem:s0+$0x30] =	vst v1  }
0x1f4: {  	[tilespmem:s0+$0x20] =	vst v3  }
0x1f5: {  	v0 =	vmul.f32 $8.000000000e+00, v11;
	[tilespmem:s0+$0x10] =	vst v4  }
0x1f6: {  	v8 =	vmul.f32 $8.000000000e+00, v12;
	[tilespmem:s0+$0x1B0] =	vst v6  }
0x1f7: {  	v9 =	vmul.f32 $8.000000000e+00, v13;
	[tilespmem:s0+$0x190] =	vst v0  }
0x1f8: {  	[tilespmem:s0+$0x4180] =	vst v8;
	v7 =	vmul.f32 $8.000000000e+00, v15  }
0x1f9: {  	[tilespmem:s0+$0x180] =	vst v9;
	v5 =	vmul.f32 $8.000000000e+00, v14  }
0x1fa: {  	[tilespmem:s0+$0x4130] =	vst v7  }
0x1fb: {  	[tilespmem:s0+$0x4120] =	vst v5  }
0x1fc: {  	[hbm4b:s12+s4] =	stream.linear.scatter [tilespmem:s25], [sflag:$0x3], $0x4000, $0x38;
	[tilespmem:$0x16400] =	vst v63  }
0x1fd: {  	_ = 	snop  }
0x1fe: {  	[hbm4b:s13+s4] =	stream.linear.scatter [tilespmem:s19], [sflag:$0x3], $0x4000, $0x38;
	[tilespmem:$0x16400] =	vst v63  }
0x1ff: {  	_ =	swait.ge [sflag:s30], $0x4000  }
0x200: {  	[sflag:s30] =	ssyncset.done $0x0  }
0x201: {  	[sflag:s30] =	ssyncadd.s32 $0xFFFFC000  }
0x202: {  	_ =	swait.ge [sflag:s30], $0x4000  }
0x203: {  	[sflag:s30] =	ssyncset.done $0x0  }
0x204: {  	s0 =	simm.s32 $0xE400;
	[sflag:s30] =	ssyncadd.s32 $0xFFFFC000  }
0x205: {  	v0 =	vld [tilespmem:s0+$0x1A0]  }
0x206: {  	v1 =	vld [tilespmem:s0+$0xA0]  }
0x207: {  	v2 =	vld [tilespmem:s0+$0x90]  }
0x208: {  	v3 =	vld [tilespmem:s0+$0x80]  }
0x209: {  	v4 =	vld [tilespmem:s0+$0xB0]  }
0x20a: {  	v5 =	vld [tilespmem:s0+$0x4030]  }
0x20b: {  	v6 =	vld [tilespmem:s0+$0x4080]  }
0x20c: {  	v12 =	vld [tilespmem:s0+$0x4020]  }
0x20d: {  	v7 =	vld [tilespmem:s0+$0x4090]  }
0x20e: {  	v8 =	vld [tilespmem:s0+$0x40A0]  }
0x20f: {  	v9 =	vld [tilespmem:s0+$0x4190]  }
0x210: {  	v10 =	vld [tilespmem:s0+$0x41A0]  }
0x211: {  	v11 =	vld [tilespmem:s0+$0x0]  }
0x212: {  	v13 =	vld [tilespmem:s0+$0x40B0]  }
0x213: {  	v14 =	vld [tilespmem:s0+$0x100];
	v0 =	vmul.f32 $8.000000000e+00, v0  }
0x214: {  	v15 =	vld [tilespmem:s0+$0x110];
	v9 =	vmul.f32 $8.000000000e+00, v9  }
0x215: {  	v16 =	vld [tilespmem:s0+$0x120];
	v17 =	vmul.f32 $8.000000000e+00, v8;
	[tilespmem:s0+$0x1A0] =	vst v0  }
0x216: {  	v18 =	vld [tilespmem:s0+$0x30];
	v6 =	vmul.f32 $8.000000000e+00, v6;
	[tilespmem:s0+$0x4190] =	vst v9  }
0x217: {  	v21 =	vld [tilespmem:s0+$0x1B0];
	v0 =	vmul.f32 $8.000000000e+00, v10;
	[tilespmem:s0+$0x40A0] =	vst v17  }
0x218: {  	v10 =	vmul.f32 $8.000000000e+00, v11;
	v11 =	vld [tilespmem:s0+$0x130];
	[tilespmem:s0+$0x4080] =	vst v6  }
0x219: {  	v9 =	vmul.f32 $8.000000000e+00, v13;
	v13 =	vld [tilespmem:s0+$0x4100];
	[tilespmem:s0+$0x41A0] =	vst v0  }
0x21a: {  	[tilespmem:s0+$0x0] =	vst v10;
	v0 =	vmul.f32 $8.000000000e+00, v14;
	v10 =	vld [tilespmem:s0+$0x4110]  }
0x21b: {  	[tilespmem:s0+$0x40B0] =	vst v9;
	v9 =	vmul.f32 $8.000000000e+00, v15;
	v14 =	vld [tilespmem:s0+$0x41B0]  }
0x21c: {  	v19 =	vld [tilespmem:s0+$0x20];
	v8 =	vmul.f32 $8.000000000e+00, v1;
	[tilespmem:s0+$0x100] =	vst v0;
	v0 =	vmul.f32 $8.000000000e+00, v16  }
0x21d: {  	v20 =	vld [tilespmem:s0+$0x10];
	v1 =	vmul.f32 $8.000000000e+00, v18;
	[tilespmem:s0+$0x110] =	vst v9;
	v9 =	vmul.f32 $8.000000000e+00, v11  }
0x21e: {  	v6 =	vmul.f32 $8.000000000e+00, v21;
	v15 =	vld [tilespmem:s0+$0x4010];
	[tilespmem:s0+$0x120] =	vst v0;
	v0 =	vmul.f32 $8.000000000e+00, v13  }
0x21f: {  	v16 =	vld [tilespmem:s0+$0x4000];
	v13 =	vmul.f32 $8.000000000e+00, v7;
	[tilespmem:s0+$0x130] =	vst v9;
	v7 =	vmul.f32 $8.000000000e+00, v10  }
0x220: {  	v11 =	vld [tilespmem:s0+$0x190];
	v9 =	vmul.f32 $8.000000000e+00, v2;
	[tilespmem:s0+$0x4100] =	vst v0;
	v0 =	vmul.f32 $8.000000000e+00, v14  }
0x221: {  	[tilespmem:s0+$0x4110] =	vst v7;
	v7 =	vmul.f32 $8.000000000e+00, v5;
	v5 =	vmul.f32 $8.000000000e+00, v12;
	v12 =	vld [tilespmem:s0+$0x4180]  }
0x222: {  	v10 =	vmul.f32 $8.000000000e+00, v3;
	v14 =	vmul.f32 $8.000000000e+00, v4;
	[tilespmem:s0+$0x4090] =	vst v13;
	v13 =	vld [tilespmem:s0+$0x180]  }
0x223: {  	v2 =	vmul.f32 $8.000000000e+00, v15;
	v3 =	vmul.f32 $8.000000000e+00, v19;
	v15 =	vld [tilespmem:s0+$0x4130];
	[tilespmem:s0+$0x41B0] =	vst v0  }
0x224: {  	s1 =	simm.s32 $0x0;
	s6 =	simm.s32 $0xE600;
	v4 =	vmul.f32 $8.000000000e+00, v20;
	v0 =	vmul.f32 $8.000000000e+00, v16;
	[tilespmem:s0+$0xB0] =	vst v14;
	v14 =	vld [tilespmem:s0+$0x4120]  }
.LBB2_14:
0x225: {  	v16 =	vld [tilespmem:s6+$0x1A0];
	s1 =	sadd.s32 $0x4, s1;
	[tilespmem:s0+$0xA0] =	vst v8;
	v8 =	vmul.f32 $8.000000000e+00, v11  }
0x226: {  	v11 =	vld [tilespmem:s6+$0xA0];
	p0 =	slt.u32 s1, $0x7C;
	[tilespmem:s0+$0x90] =	vst v9;
	v9 =	vmul.f32 $8.000000000e+00, v12  }
0x227: {  	v12 =	vld [tilespmem:s6+$0x90];
	[tilespmem:s0+$0x80] =	vst v10;
	v10 =	vmul.f32 $8.000000000e+00, v13  }
0x228: {  	v13 =	vld [tilespmem:s6+$0x80];
	v15 =	vmul.f32 $8.000000000e+00, v15;
	[tilespmem:s0+$0x4180] =	vst v9  }
0x229: {  	v9 =	vld [tilespmem:s6+$0xB0];
	[tilespmem:s0+$0x4030] =	vst v7;
	v7 =	vmul.f32 $8.000000000e+00, v14  }
0x22a: {  	v14 =	vld [tilespmem:s6+$0x4030];
	v16 =	vmul.f32 $8.000000000e+00, v16;
	[tilespmem:s0+$0x180] =	vst v10  }
0x22b: {  	v10 =	vld [tilespmem:s6+$0x4080];
	[tilespmem:s0+$0x4020] =	vst v5  }
0x22c: {  	v5 =	vld [tilespmem:s6+$0x4020];
	[tilespmem:s0+$0x4130] =	vst v15  }
0x22d: {  	v15 =	vld [tilespmem:s6+$0x4090];
	[tilespmem:s0+$0x4010] =	vst v2  }
0x22e: {  	v2 =	vld [tilespmem:s6+$0x40A0];
	[tilespmem:s0+$0x4120] =	vst v7  }
0x22f: {  	v7 =	vld [tilespmem:s6+$0x4190];
	[tilespmem:s0+$0x4000] =	vst v0  }
0x230: {  	v0 =	vld [tilespmem:s6+$0x41A0];
	[tilespmem:s0+$0x30] =	vst v1  }
0x231: {  	v1 =	vld [tilespmem:s6+$0x0];
	[tilespmem:s0+$0x20] =	vst v3  }
0x232: {  	v3 =	vld [tilespmem:s6+$0x40B0];
	[tilespmem:s0+$0x190] =	vst v8  }
0x233: {  	v8 =	vld [tilespmem:s6+$0x100];
	[tilespmem:s0+$0x10] =	vst v4  }
0x234: {  	v4 =	vld [tilespmem:s6+$0x110];
	v7 =	vmul.f32 $8.000000000e+00, v7;
	[tilespmem:s0+$0x1B0] =	vst v6;
	s0 =	smov.u32 s6  }
0x235: {  	v6 =	vld [tilespmem:s6+$0x120];
	[tilespmem:s6+$0x1A0] =	vst v16;
	v0 =	vmul.f32 $8.000000000e+00, v0  }
0x236: {  	v16 =	vmul.f32 $8.000000000e+00, v2;
	v1 =	vmul.f32 $8.000000000e+00, v1;
	v2 =	vld [tilespmem:s6+$0x130];
	[tilespmem:s6+$0x4190] =	vst v7  }
0x237: {  	v15 =	vmul.f32 $8.000000000e+00, v15;
	v3 =	vmul.f32 $8.000000000e+00, v3;
	v7 =	vld [tilespmem:s6+$0x4100];
	[tilespmem:s6+$0x41A0] =	vst v0  }
0x238: {  	v17 =	vmul.f32 $8.000000000e+00, v10;
	[tilespmem:s6+$0x0] =	vst v1;
	v0 =	vmul.f32 $8.000000000e+00, v8;
	v1 =	vld [tilespmem:s6+$0x4110]  }
0x239: {  	v18 =	vmul.f32 $8.000000000e+00, v9;
	[tilespmem:s6+$0x40B0] =	vst v3;
	v3 =	vmul.f32 $8.000000000e+00, v4;
	v4 =	vld [tilespmem:s6+$0x41B0]  }
0x23a: {  	v8 =	vmul.f32 $8.000000000e+00, v11;
	v19 =	vld [tilespmem:s6+$0x4010];
	[tilespmem:s6+$0x100] =	vst v0;
	v0 =	vmul.f32 $8.000000000e+00, v6  }
0x23b: {  	v9 =	vmul.f32 $8.000000000e+00, v12;
	v6 =	vld [tilespmem:s6+$0x4000];
	[tilespmem:s6+$0x110] =	vst v3;
	v2 =	vmul.f32 $8.000000000e+00, v2  }
0x23c: {  	v10 =	vmul.f32 $8.000000000e+00, v13;
	v3 =	vld [tilespmem:s6+$0x30];
	[tilespmem:s6+$0x120] =	vst v0;
	v0 =	vmul.f32 $8.000000000e+00, v7  }
0x23d: {  	v7 =	vmul.f32 $8.000000000e+00, v14;
	v13 =	vld [tilespmem:s6+$0x20];
	[tilespmem:s6+$0x130] =	vst v2;
	v1 =	vmul.f32 $8.000000000e+00, v1  }
0x23e: {  	v5 =	vmul.f32 $8.000000000e+00, v5;
	v14 =	vld [tilespmem:s6+$0x10];
	[tilespmem:s6+$0x4100] =	vst v0;
	v4 =	vmul.f32 $8.000000000e+00, v4  }
0x23f: {  	v2 =	vmul.f32 $8.000000000e+00, v19;
	[tilespmem:s6+$0x4110] =	vst v1;
	v19 =	vld [tilespmem:s6+$0x1B0]  }
.Ltmp6:
0x240: {  	v0 =	vmul.f32 $8.000000000e+00, v6;
	v11 =	vld [tilespmem:s6+$0x190];
	[tilespmem:s6+$0x41B0] =	vst v4;
	(pc) =	sbr.rel @p0 .LBB2_14-.Ltmp6, $4  }
0x241: {  	v1 =	vmul.f32 $8.000000000e+00, v3;
	[tilespmem:s6+$0x40A0] =	vst v16;
	v12 =	vld [tilespmem:s6+$0x4180]  }
0x242: {  	v3 =	vmul.f32 $8.000000000e+00, v13;
	[tilespmem:s6+$0x4090] =	vst v15;
	v13 =	vld [tilespmem:s6+$0x180]  }
0x243: {  	v4 =	vmul.f32 $8.000000000e+00, v14;
	[tilespmem:s6+$0x4080] =	vst v17;
	v15 =	vld [tilespmem:s6+$0x4130]  }
0x244: {  	s6 =	sadd.s32 $0x200, s6;
	[tilespmem:s0+$0xB0] =	vst v18;
	v14 =	vld [tilespmem:s0+$0x4120];
	v6 =	vmul.f32 $8.000000000e+00, v19  }
0x245: {  	[tilespmem:s0+$0xA0] =	vst v8  }
0x246: {  	[tilespmem:s0+$0x90] =	vst v9  }
0x247: {  	[tilespmem:s0+$0x80] =	vst v10  }
0x248: {  	[tilespmem:s0+$0x4030] =	vst v7  }
0x249: {  	[tilespmem:s0+$0x4020] =	vst v5  }
0x24a: {  	[tilespmem:s0+$0x4010] =	vst v2  }
0x24b: {  	[tilespmem:s0+$0x4000] =	vst v0  }
0x24c: {  	[tilespmem:s0+$0x30] =	vst v1  }
0x24d: {  	[tilespmem:s0+$0x20] =	vst v3  }
0x24e: {  	v63 =	vmul.f32 $8.000000000e+00, v11;
	[tilespmem:s0+$0x10] =	vst v4  }
0x24f: {  	v59 =	vmul.f32 $8.000000000e+00, v12;
	[tilespmem:s0+$0x1B0] =	vst v6  }
0x250: {  	v60 =	vmul.f32 $8.000000000e+00, v13;
	[tilespmem:s0+$0x190] =	vst v63  }
0x251: {  	[tilespmem:s0+$0x4180] =	vst v59;
	v61 =	vmul.f32 $8.000000000e+00, v15  }
0x252: {  	[tilespmem:s0+$0x180] =	vst v60;
	v62 =	vmul.f32 $8.000000000e+00, v14  }
0x253: {  	[tilespmem:s0+$0x4130] =	vst v61  }
0x254: {  	[tilespmem:s0+$0x4120] =	vst v62  }
0x255: {  	[hbm4b:s14+s4] =	stream.linear.scatter [tilespmem:s21], [sflag:$0x4], $0x4000, $0x38;
	[tilespmem:$0x16400] =	vst v63  }
0x256: {  	_ = 	snop  }
0x257: {  	[hbm4b:s15+s4] =	stream.linear.scatter [tilespmem:s23], [sflag:$0x4], $0x4000, $0x38;
	[tilespmem:$0x16400] =	vst v63  }
0x258: {  	_ =	swait.ge [sflag:s26], $0x4000  }
0x259: {  	[sflag:s26] =	ssyncset.done $0x0  }
0x25a: {  	[sflag:s26] =	ssyncadd.s32 $0xFFFFC000  }
0x25b: {  	_ =	swait.ge [sflag:s31], $0x4000  }
0x25c: {  	[sflag:s31] =	ssyncset.done $0x0  }
0x25d: {  	s20 =	sadd.s32 $0x1, s20;
	[sflag:s31] =	ssyncadd.s32 $0xFFFFC000  }
0x25e: {  	p0 =	sne.s32 s20, s16;
	_ =	swait.ge [sflag:s26], $0x4000  }
.Ltmp7:
0x25f: {  	[sflag:s26] =	ssyncset.done $0x0;
	(pc) =	sbr.rel @p0 .LBB2_1-.Ltmp7, $4  }
0x260: {  	[sflag:s26] =	ssyncadd.s32 $0xFFFFC000  }
0x261: {  	_ =	swait.ge [sflag:s31], $0x4000  }
0x262: {  	[sflag:s31] =	ssyncset.done $0x0  }
0x263: {  	[sflag:s31] =	ssyncadd.s32 $0xFFFFC000  }
0x264: {  	_ =	sfence.sel $0x180000  }
0x265: {  	[bflag:$0x0] =	sbarrier.arrive $0xFFFF  }
0x266: {  	_ =	strace $0x90000047  }
0x267: {  	s0 =	stileid.u32;
	[bflag:$0x2] =	sbarrier.arrive $0xFFFF  }
0x268: {  	p0 =	sne.s32 s0, $0x0;
	s0 =	rddreg [dreg:$0x3]  }
0x269: {  	s0 =	sadd.s32 @!p0 $0x100000, s0  }
0x26a: {  	[sflag:s0] =	ssyncadd.tile.s32 @!p0 $0x1;
	_ =	shalt  }
.Lfunc_end2:
_tile_overlayer_lowered:
.L_overlay_start_2:
0x26b: {  	(tag) =	ssettag $0x2  }
0x26c: {  	s0 =	rddreg [dreg:$0x0];
	s2 =	stileid.u32  }
0x26d: {  	s1 =	rddreg [dreg:$0x1];
	p0 =	sne.s32 s2, $0x0  }
0x26e: {  	s3 =	rddreg [dreg:$0x2];
	[bflag:$0x3] =	sbarrier.arrive $0xFFFF;
	s2 =	simm.s32 @!p0 $0x1C05  }
0x26f: {  	[timem:s3], [sflag:s2] =	dma.local @!p0 [hbm:s0], s1  }
0x270: {  	s0 =	simm.s32 @!p0 $0x5  }
0x271: {  	_ =	swait.ge @!p0 [sflag:s0], s1  }
0x272: {  	s1 =	ssub.s32 @!p0 $0x0, s1;
	[sflag:s0] =	ssyncset.done @!p0 $0x0  }
0x273: {  	[sflag:s0] =	ssyncadd.s32 @!p0 s1  }
0x274: {  	[bflag:$0x3] =	sbarrier.arrive $0xFFFF  }
0x275: {  	_ =	shalt  }

</sc_bundles>
